<compile_context>
chip_gen: v7x
topology: tpu7x:2x2x1
jax: 0.10.2.dev20260603
libtpu: 0.0.44.dev20260713+nightly
codegen_flags: <defaults>
</compile_context>

<pallas_src>
import jax
import jax.numpy as jnp
from jax import lax
from jax.experimental import pallas as pl
from jax.experimental.pallas import tpu as pltpu
from jax.experimental.pallas import tpu_sc as plsc

B = 16384
D = 128
T = 100000
NC, NS, L = 2, 16, 16
NW = NC * NS
N_BIG = 20
R_BIG, R_SMALL = 3128, 3120
WPOS_PAD = 3136
COMP_PAD = 3200
C = 128
W = 128
NWIN = 24
REM_BIG, REM_SMALL = R_BIG - NWIN * W, R_SMALL - NWIN * W
MOM = 0.1


def _body(feat_hbm, idx_hbm, lab_hbm, mem_hbm, cls_hbm,
          out_feat, out_cls,
          idx_v, lab_v, wpos, comp_pos, comp_loc, glob2d, cls_v,
          bufa, bufb, bufc, bufd,
          sem_ga, sem_gb, sem_gc, sem_gd, sem_sa, sem_sb, sem_sc, sem_sd,
          sem_s1, sem_s2, sem_s3):
    w = lax.axis_index("s") * NC + lax.axis_index("c")
    big = w < N_BIG
    base = jnp.where(big, w * R_BIG, N_BIG * R_BIG + (w - N_BIG) * R_SMALL)
    nrows = jnp.where(big, R_BIG, R_SMALL)
    iota = lax.iota(jnp.int32, L)

    with jax.named_scope("ph_stage"):
        d_idx = pltpu.async_copy(idx_hbm, idx_v, sem_s1)
        d_lab = pltpu.async_copy(lab_hbm, lab_v, sem_s2)

        @pl.when(big)
        def _():
            pltpu.async_copy(cls_hbm.at[pl.ds(base, R_BIG)],
                             cls_v.at[pl.ds(0, R_BIG)], sem_s3)

        @pl.when(jnp.logical_not(big))
        def _():
            pltpu.async_copy(cls_hbm.at[pl.ds(base, R_SMALL)],
                             cls_v.at[pl.ds(0, R_SMALL)], sem_s3)

    def init_body(i, _):
        wpos[pl.ds(i * L, L)] = jnp.full((L,), -1, jnp.int32)
        return 0
    with jax.named_scope("ph_init"):
        lax.fori_loop(0, WPOS_PAD // L, init_body, 0)

    def _scan_one(v):
        x = idx_v[pl.ds(v * L, L)]
        loc = x - base
        m_in = (loc >= 0) & (loc < nrows)
        _, is_last = plsc.scan_count(x, mask=m_in)
        m_fin = m_in & is_last
        posv = jnp.full((L,), v * L, jnp.int32) + iota
        return loc, posv, m_fin

    def scan_body(t, _):
        la, pa, ma = _scan_one(2 * t)
        lb, pb, mb = _scan_one(2 * t + 1)
        plsc.store_scatter(wpos, [la], pa, mask=ma)
        plsc.store_scatter(wpos, [lb], pb, mask=mb)
        return 0


    def comp_body(v, mt):
        wp = wpos[pl.ds(v * L, L)]
        m = wp >= jnp.zeros((L,), jnp.int32)
        cnt = jnp.sum(jnp.where(m, 1, 0).astype(jnp.int32))
        plsc.store_compressed(comp_pos.at[pl.ds(mt, L)], wp, mask=m)
        locs = jnp.full((L,), v * L, jnp.int32) + iota
        plsc.store_compressed(comp_loc.at[pl.ds(mt, L)], locs, mask=m)
        return mt + cnt

    def cls_body(t, _):
        pos16 = comp_pos[pl.ds(t * L, L)]
        labs = plsc.load_gather(lab_v, [pos16])
        rows16 = comp_loc[pl.ds(t * L, L)]
        plsc.store_scatter(cls_v, [rows16], labs)
        return 0

    def rp_body(r, _):
        g = comp_loc[pl.ds(r * L, L)] + base
        glob2d[r // 8, pl.ds((r % 8) * L, L)] = g
        return 0

    def win_src(g):
        return mem_hbm.at[pl.ds(base + g * W, W)]

    def win_dst(g):
        return out_feat.at[pl.ds(base + g * W, W)]

    with jax.named_scope("ph_copy_scan"):
        bufs = (bufa, bufb, bufc, bufd)
        gsems = (sem_ga, sem_gb, sem_gc, sem_gd)
        ssems = (sem_sa, sem_sb, sem_sc, sem_sd)
        gd = {0: pltpu.async_copy(win_src(0), bufa, sem_ga),
              1: pltpu.async_copy(win_src(1), bufb, sem_gb)}
        sd = {}
        d_idx.wait()
        npair = B // L // 2
        NSC, NCO = 12, 6
        M = jnp.int32(0)
        Mpad = jnp.int32(0)
        for g in range(NWIN):
            buf = bufs[g % 4]
            if g < NSC:
                lo, hi = (npair * g) // NSC, (npair * (g + 1)) // NSC
                lax.fori_loop(lo, hi, scan_body, 0)
            elif g < NSC + NCO:
                k = g - NSC
                nc = WPOS_PAD // L
                lo, hi = (nc * k) // NCO, (nc * (k + 1)) // NCO
                M = lax.fori_loop(lo, hi, comp_body, M)
                if g == NSC + NCO - 1:
                    Mpad = ((M + C - 1) // C) * C
            elif g == 18:
                @pl.when(M > 0)
                def _():
                    pv = jnp.full((L,), comp_pos[pl.ds(0, L)][0], jnp.int32)
                    lv = jnp.full((L,), comp_loc[pl.ds(0, L)][0], jnp.int32)
                    def pad_body(t, _):
                        lanes = jnp.full((L,), t * L, jnp.int32) + iota
                        mfill = lanes >= M
                        plsc.store_scatter(comp_pos, [lanes], pv, mask=mfill)
                        plsc.store_scatter(comp_loc, [lanes], lv, mask=mfill)
                        return 0
                    lax.fori_loop(M // L, Mpad // L, pad_body, 0)
            elif g in (19, 20, 21):
                if g == 19:
                    d_lab.wait()

                    @pl.when(big)
                    def _():
                        pltpu.make_async_copy(
                            cls_hbm.at[pl.ds(base, R_BIG)],
                            cls_v.at[pl.ds(0, R_BIG)], sem_s3).wait()

                    @pl.when(jnp.logical_not(big))
                    def _():
                        pltpu.make_async_copy(
                            cls_hbm.at[pl.ds(base, R_SMALL)],
                            cls_v.at[pl.ds(0, R_SMALL)], sem_s3).wait()
                k = g - 19
                ncv = Mpad // L
                lax.fori_loop((ncv * k) // 3, (ncv * (k + 1)) // 3,
                              cls_body, 0)
            elif g == 22:
                @pl.when(big)
                def _():
                    pltpu.sync_copy(cls_v.at[pl.ds(0, R_BIG)],
                                    out_cls.at[pl.ds(base, R_BIG)])

                @pl.when(jnp.logical_not(big))
                def _():
                    pltpu.sync_copy(cls_v.at[pl.ds(0, R_SMALL)],
                                    out_cls.at[pl.ds(base, R_SMALL)])
            else:
                lax.fori_loop(0, Mpad // L, rp_body, 0)
            gd[g].wait()
            sd[g] = pltpu.async_copy(buf, win_dst(g), ssems[g % 4])
            if g >= 2:
                sd[g - 2].wait()
            if g + 2 < NWIN:
                gd[g + 2] = pltpu.async_copy(win_src(g + 2),
                                             bufs[(g + 2) % 4],
                                             gsems[(g + 2) % 4])
        sd[NWIN - 2].wait()
        sd[NWIN - 1].wait()

        @pl.when(big)
        def _():
            pltpu.sync_copy(mem_hbm.at[pl.ds(base + NWIN * W, REM_BIG)],
                            bufa.at[pl.ds(0, REM_BIG)])
            pltpu.sync_copy(bufa.at[pl.ds(0, REM_BIG)],
                            out_feat.at[pl.ds(base + NWIN * W, REM_BIG)])

        @pl.when(jnp.logical_not(big))
        def _():
            pltpu.sync_copy(mem_hbm.at[pl.ds(base + NWIN * W, REM_SMALL)],
                            bufa.at[pl.ds(0, REM_SMALL)])
            pltpu.sync_copy(bufa.at[pl.ds(0, REM_SMALL)],
                            out_feat.at[pl.ds(base + NWIN * W, REM_SMALL)])

    nch = Mpad // C

    def _issue_gathers(c, f, o, sf, so):
        pltpu.async_copy(feat_hbm.at[comp_pos.at[pl.ds(c * C, C)]],
                         f.at[pl.ds(0, C)], sf)
        pltpu.async_copy(mem_hbm.at[glob2d.at[c]], o.at[pl.ds(0, C)], so)

    def _process(c, f, o, sf, so, fn, on, sfn, son, ss, on_prev, ss_prev):
        pltpu.make_async_copy(feat_hbm.at[comp_pos.at[pl.ds(c * C, C)]],
                              f.at[pl.ds(0, C)], sf).wait()
        pltpu.make_async_copy(mem_hbm.at[glob2d.at[c]],
                              o.at[pl.ds(0, C)], so).wait()

        @pl.when(c > 0)
        def _():
            pltpu.make_async_copy(on_prev.at[pl.ds(0, C)],
                                  out_feat.at[glob2d.at[c - 1]],
                                  ss_prev).wait()

        @pl.when(c + 1 < nch)
        def _():
            _issue_gathers(c + 1, fn, on, sfn, son)

        @plsc.parallel_loop(0, C * (D // L), unroll=8)
        def _(t):
            i = t // 8
            jo = (t % 8) * L
            o[i, pl.ds(jo, L)] = (o[i, pl.ds(jo, L)] * (1.0 - MOM)
                                  + f[i, pl.ds(jo, L)] * MOM)
        pltpu.async_copy(o.at[pl.ds(0, C)], out_feat.at[glob2d.at[c]], ss)

    def ch_body(c, _):
        @pl.when(c % 2 == 0)
        def _():
            _process(c, bufa, bufb, sem_ga, sem_gb,
                     bufc, bufd, sem_gc, sem_gd, sem_sa, bufd, sem_sb)

        @pl.when(c % 2 == 1)
        def _():
            _process(c, bufc, bufd, sem_gc, sem_gd,
                     bufa, bufb, sem_ga, sem_gb, sem_sb, bufb, sem_sa)
        return 0

    with jax.named_scope("ph_chunks"):
        @pl.when(nch > 0)
        def _():
            _issue_gathers(0, bufa, bufb, sem_ga, sem_gb)
        lax.fori_loop(0, nch, ch_body, 0)

        @pl.when((nch > 0) & (nch % 2 == 1))
        def _():
            pltpu.make_async_copy(bufb.at[pl.ds(0, C)],
                                  out_feat.at[glob2d.at[nch - 1]],
                                  sem_sa).wait()

        @pl.when((nch > 0) & (nch % 2 == 0))
        def _():
            pltpu.make_async_copy(bufd.at[pl.ds(0, C)],
                                  out_feat.at[glob2d.at[nch - 1]],
                                  sem_sb).wait()


def kernel(feature, index_target, label_target,
           target_featurememory, target_classmemory):
    k = pl.kernel(
        _body,
        out_type=(jax.ShapeDtypeStruct((T, D), jnp.float32),
                  jax.ShapeDtypeStruct((T,), jnp.int32)),
        mesh=plsc.VectorSubcoreMesh(core_axis_name="c", subcore_axis_name="s"),
        compiler_params=pltpu.CompilerParams(needs_layout_passes=False),
        scratch_types=[
            pltpu.VMEM((B,), jnp.int32),
            pltpu.VMEM((B,), jnp.int32),
            pltpu.VMEM((WPOS_PAD,), jnp.int32),
            pltpu.VMEM((COMP_PAD,), jnp.int32),
            pltpu.VMEM((COMP_PAD,), jnp.int32),
            pltpu.VMEM((COMP_PAD // C, C), jnp.int32),
            pltpu.VMEM((WPOS_PAD,), jnp.int32),
            pltpu.VMEM((W, D), jnp.float32),
            pltpu.VMEM((W, D), jnp.float32),
            pltpu.VMEM((W, D), jnp.float32),
            pltpu.VMEM((W, D), jnp.float32),
            pltpu.SemaphoreType.DMA,
            pltpu.SemaphoreType.DMA,
            pltpu.SemaphoreType.DMA,
            pltpu.SemaphoreType.DMA,
            pltpu.SemaphoreType.DMA,
            pltpu.SemaphoreType.DMA,
            pltpu.SemaphoreType.DMA,
            pltpu.SemaphoreType.DMA,
            pltpu.SemaphoreType.DMA,
            pltpu.SemaphoreType.DMA,
            pltpu.SemaphoreType.DMA,
        ],
    )
    return k(feature, index_target, label_target,
             target_featurememory, target_classmemory)

# --- scband reference (transcript-rebuilt; emitter-appended) ---
"""Pipeline reference for scband-memory-6554120093948 (READ-ONLY COPY).

The authoritative reference and input builder live on the scoring server;
editing this copy changes nothing except your own understanding.
"""

import jax, jax.numpy as jnp
import numpy as np

TARGET_NUMBER = 100000
FEATURE_DIM = 128
CLASS_NUMBER = 1000
BATCH = 16384
MOMENTUM = 0.1

def setup_inputs(seed: int = 0) -> dict:
    key = jax.random.key(seed)
    k1, k2, k3, k4 = jax.random.split(key, 4)
    feature = jax.random.normal(k1, (BATCH, FEATURE_DIM), dtype=jnp.float32)
    index_target = jax.random.randint(k2, (BATCH,), 0, TARGET_NUMBER, dtype=jnp.int32)
    label_target = jax.random.randint(k3, (BATCH,), 0, CLASS_NUMBER, dtype=jnp.int32)
    # module state buffers (initialized nonzero to exercise the momentum read-modify-write)
    target_featurememory = jax.random.normal(k4, (TARGET_NUMBER, FEATURE_DIM), dtype=jnp.float32) * 0.01
    target_classmemory = jnp.zeros((TARGET_NUMBER,), dtype=jnp.int32)
    return {
        "feature": feature,
        "index_target": index_target,
        "label_target": label_target,
        "target_featurememory": target_featurememory,
        "target_classmemory": target_classmemory,
    }

def reference(feature, index_target, label_target, target_featurememory, target_classmemory):
    # Faithful translation of Memory.update_target with momentum=True:
    #   target_classmemory[idx] = label
    #   target_featurememory[idx] = 0.9 * target_featurememory[idx] + 0.1 * feature
    new_class = target_classmemory.at[index_target].set(label_target)
    gathered = target_featurememory[index_target]
    updated = (1.0 - MOMENTUM) * gathered + MOMENTUM * feature
    new_feat = target_featurememory.at[index_target].set(updated)
    return (new_feat, new_class)

if __name__ == "__main__":
    import jax
    _d = setup_inputs()
    print(jax.jit(kernel)(*tuple(_d.values())))

</pallas_src>

<mosaic_0001>
#map = affine_map<(d0, d1) -> (0, 0)>
#map1 = affine_map<(d0, d1) -> (0)>
module attributes {stable_mosaic.version = 14 : i64} {
  func.func @_body(%arg0: i32, %arg1: i32, %arg2: memref<16384x128xf32, #tpu.memory_space<hbm>>, %arg3: memref<16384xi32, #tpu.memory_space<hbm>>, %arg4: memref<16384xi32, #tpu.memory_space<hbm>>, %arg5: memref<100000x128xf32, #tpu.memory_space<hbm>>, %arg6: memref<100000xi32, #tpu.memory_space<hbm>>, %arg7: memref<100000x128xf32, #tpu.memory_space<hbm>>, %arg8: memref<100000xi32, #tpu.memory_space<hbm>>, %arg9: memref<16384xi32, #tpu.memory_space<vmem>>, %arg10: memref<16384xi32, #tpu.memory_space<vmem>>, %arg11: memref<3136xi32, #tpu.memory_space<vmem>>, %arg12: memref<3200xi32, #tpu.memory_space<vmem>>, %arg13: memref<3200xi32, #tpu.memory_space<vmem>>, %arg14: memref<25x128xi32, #tpu.memory_space<vmem>>, %arg15: memref<3136xi32, #tpu.memory_space<vmem>>, %arg16: memref<128x128xf32, #tpu.memory_space<vmem>>, %arg17: memref<128x128xf32, #tpu.memory_space<vmem>>, %arg18: memref<128x128xf32, #tpu.memory_space<vmem>>, %arg19: memref<128x128xf32, #tpu.memory_space<vmem>>, %arg20: memref<!tpu.dma_semaphore, #tpu.memory_space<semaphore_mem>>, %arg21: memref<!tpu.dma_semaphore, #tpu.memory_space<semaphore_mem>>, %arg22: memref<!tpu.dma_semaphore, #tpu.memory_space<semaphore_mem>>, %arg23: memref<!tpu.dma_semaphore, #tpu.memory_space<semaphore_mem>>, %arg24: memref<!tpu.dma_semaphore, #tpu.memory_space<semaphore_mem>>, %arg25: memref<!tpu.dma_semaphore, #tpu.memory_space<semaphore_mem>>, %arg26: memref<!tpu.dma_semaphore, #tpu.memory_space<semaphore_mem>>, %arg27: memref<!tpu.dma_semaphore, #tpu.memory_space<semaphore_mem>>, %arg28: memref<!tpu.dma_semaphore, #tpu.memory_space<semaphore_mem>>, %arg29: memref<!tpu.dma_semaphore, #tpu.memory_space<semaphore_mem>>, %arg30: memref<!tpu.dma_semaphore, #tpu.memory_space<semaphore_mem>>) attributes {dimension_semantics = [#tpu.dimension_semantics<core_parallel>, #tpu.dimension_semantics<subcore_parallel>], iteration_bounds = array<i64: 2, 16>, scalar_prefetch = 0 : i64, scratch_operands = 22 : i64, tpu.core_type = #tpu.core_type<sc_vector_subcore>, window_params = [{transform_indices = #map}, {transform_indices = #map1}, {transform_indices = #map1}, {transform_indices = #map}, {transform_indices = #map1}, {transform_indices = #map}, {transform_indices = #map1}]} {
    %mul3A = arith.constant 2 : i32
    %mul3A_0 = arith.muli %arg1, %mul3A : i32
    %add3A = arith.addi %mul3A_0, %arg0 : i32
    %lt3A = arith.constant 20 : i32
    %lt3A_1 = arith.cmpi slt, %add3A, %lt3A : i32
    %mul3A_2 = arith.constant 3128 : i32
    %mul3A_3 = arith.muli %add3A, %mul3A_2 : i32
    %sub3A = arith.constant 20 : i32
    %sub3A_4 = arith.subi %add3A, %sub3A : i32
    %mul3A_5 = arith.constant 3120 : i32
    %mul3A_6 = arith.muli %sub3A_4, %mul3A_5 : i32
    %add3A_7 = arith.constant 62560 : i32
    %add3A_8 = arith.addi %add3A_7, %mul3A_6 : i32
    %select_n3A = arith.select %lt3A_1, %mul3A_3, %add3A_8 : i32
    %jit3A = arith.constant 3128 : i32
    %jit3A_9 = arith.constant 3120 : i32
    %select_n3A_10 = arith.select %lt3A_1, %jit3A, %jit3A_9 : i32
    %iota3A = tpu.iota {dimensions = array<i32: 0>} : vector<16xi32>
    "tpu.trace_start"() <{level = 10 : i32, message = "ph_stage"}> : () -> ()
    tpu.enqueue_dma source(%arg3 : memref<16384xi32, #tpu.memory_space<hbm>>) target(%arg9 : memref<16384xi32, #tpu.memory_space<vmem>>) target_semaphore(%arg28 : memref<!tpu.dma_semaphore, #tpu.memory_space<semaphore_mem>>)
    tpu.enqueue_dma source(%arg4 : memref<16384xi32, #tpu.memory_space<hbm>>) target(%arg10 : memref<16384xi32, #tpu.memory_space<vmem>>) target_semaphore(%arg29 : memref<!tpu.dma_semaphore, #tpu.memory_space<semaphore_mem>>)
    %convert_element_type3A = arith.extui %lt3A_1 : i1 to i32
    %cond3A = arith.constant 0 : i32
    %cond3A_11 = arith.cmpi ne, %convert_element_type3A, %cond3A : i32
    scf.if %cond3A_11 {
      %dma_start3A_1058 = arith.constant 0 : i32
      %dma_start3A_1059 = tpu.memref_slice %arg15[%dma_start3A_1058] : memref<3136xi32, #tpu.memory_space<vmem>> -> memref<3128xi32, #tpu.memory_space<vmem>>
      %dma_start3A_1060 = tpu.memref_slice %arg6[%select_n3A] : memref<100000xi32, #tpu.memory_space<hbm>> -> memref<3128xi32, #tpu.memory_space<hbm>>
      %dma_start3A_1061 = arith.constant 0 : i32
      %dma_start3A_1062 = tpu.memref_slice %arg15[%dma_start3A_1061] : memref<3136xi32, #tpu.memory_space<vmem>> -> memref<3128xi32, #tpu.memory_space<vmem>>
      %dma_start3A_1063 = tpu.memref_slice %arg6[%select_n3A] : memref<100000xi32, #tpu.memory_space<hbm>> -> memref<3128xi32, #tpu.memory_space<hbm>>
      tpu.enqueue_dma source(%dma_start3A_1063 : memref<3128xi32, #tpu.memory_space<hbm>>) target(%dma_start3A_1062 : memref<3128xi32, #tpu.memory_space<vmem>>) target_semaphore(%arg30 : memref<!tpu.dma_semaphore, #tpu.memory_space<semaphore_mem>>)
    } else {
    }
    %not3A = arith.constant true
    %not3A_12 = arith.xori %lt3A_1, %not3A : i1
    %convert_element_type3A_13 = arith.extui %not3A_12 : i1 to i32
    %cond3A_14 = arith.constant 0 : i32
    %cond3A_15 = arith.cmpi ne, %convert_element_type3A_13, %cond3A_14 : i32
    scf.if %cond3A_15 {
      %dma_start3A_1058 = arith.constant 0 : i32
      %dma_start3A_1059 = tpu.memref_slice %arg15[%dma_start3A_1058] : memref<3136xi32, #tpu.memory_space<vmem>> -> memref<3120xi32, #tpu.memory_space<vmem>>
      %dma_start3A_1060 = tpu.memref_slice %arg6[%select_n3A] : memref<100000xi32, #tpu.memory_space<hbm>> -> memref<3120xi32, #tpu.memory_space<hbm>>
      %dma_start3A_1061 = arith.constant 0 : i32
      %dma_start3A_1062 = tpu.memref_slice %arg15[%dma_start3A_1061] : memref<3136xi32, #tpu.memory_space<vmem>> -> memref<3120xi32, #tpu.memory_space<vmem>>
      %dma_start3A_1063 = tpu.memref_slice %arg6[%select_n3A] : memref<100000xi32, #tpu.memory_space<hbm>> -> memref<3120xi32, #tpu.memory_space<hbm>>
      tpu.enqueue_dma source(%dma_start3A_1063 : memref<3120xi32, #tpu.memory_space<hbm>>) target(%dma_start3A_1062 : memref<3120xi32, #tpu.memory_space<vmem>>) target_semaphore(%arg30 : memref<!tpu.dma_semaphore, #tpu.memory_space<semaphore_mem>>)
    } else {
    }
    "tpu.trace_stop"() : () -> ()
    "tpu.trace_start"() <{level = 10 : i32, message = "ph_init"}> : () -> ()
    %scan3A = arith.constant 0 : i32
    %scan3A_16 = arith.constant 0 : i32
    %scan3A_17 = arith.constant 196 : i32
    %scan3A_18 = arith.addi %scan3A_16, %scan3A_17 : i32
    %scan3A_19 = arith.constant 1 : i32
    %scan3A_20 = scf.for %scan3A_1058 = %scan3A_16 to %scan3A_18 step %scan3A_19 iter_args(%scan3A_1059 = %scan3A) -> (i32)  : i32 {
      %broadcast_in_dim3A = arith.constant -1 : i32
      %broadcast_in_dim3A_1060 = vector.broadcast %broadcast_in_dim3A : i32 to vector<16xi32>
      %mul3A_1061 = arith.constant 16 : i32
      %mul3A_1062 = arith.muli %scan3A_1058, %mul3A_1061 : i32
      %swap3A = arith.index_cast %mul3A_1062 : i32 to index
      %swap3A_1063 = tpu.vector_load %arg11[%swap3A] {strides = array<i32>} : memref<3136xi32, #tpu.memory_space<vmem>>, vector<16xi32>,
      tpu.vector_store %arg11[%swap3A], %broadcast_in_dim3A_1060 {strides = array<i32>} : memref<3136xi32, #tpu.memory_space<vmem>>, vector<16xi32>,
      %scan3A_1064 = arith.constant 0 : i32
      scf.yield %scan3A_1064 : i32
    }
    %scan3A_21 = arith.constant 196 : i32
    "tpu.trace_stop"() : () -> ()
    "tpu.trace_start"() <{level = 10 : i32, message = "ph_copy_scan"}> : () -> ()
    %add3A_22 = arith.constant 0 : i32
    %add3A_23 = arith.addi %select_n3A, %add3A_22 : i32
    %dma_start3A = arith.constant 0 : i32
    %dma_start3A_24 = tpu.memref_slice %arg5[%add3A_23, %dma_start3A] : memref<100000x128xf32, #tpu.memory_space<hbm>> -> memref<128x128xf32, #tpu.memory_space<hbm>>
    %dma_start3A_25 = arith.constant 0 : i32
    %dma_start3A_26 = tpu.memref_slice %arg5[%add3A_23, %dma_start3A_25] : memref<100000x128xf32, #tpu.memory_space<hbm>> -> memref<128x128xf32, #tpu.memory_space<hbm>>
    tpu.enqueue_dma source(%dma_start3A_26 : memref<128x128xf32, #tpu.memory_space<hbm>>) target(%arg16 : memref<128x128xf32, #tpu.memory_space<vmem>>) target_semaphore(%arg20 : memref<!tpu.dma_semaphore, #tpu.memory_space<semaphore_mem>>)
    %add3A_27 = arith.constant 128 : i32
    %add3A_28 = arith.addi %select_n3A, %add3A_27 : i32
    %dma_start3A_29 = arith.constant 0 : i32
    %dma_start3A_30 = tpu.memref_slice %arg5[%add3A_28, %dma_start3A_29] : memref<100000x128xf32, #tpu.memory_space<hbm>> -> memref<128x128xf32, #tpu.memory_space<hbm>>
    %dma_start3A_31 = arith.constant 0 : i32
    %dma_start3A_32 = tpu.memref_slice %arg5[%add3A_28, %dma_start3A_31] : memref<100000x128xf32, #tpu.memory_space<hbm>> -> memref<128x128xf32, #tpu.memory_space<hbm>>
    tpu.enqueue_dma source(%dma_start3A_32 : memref<128x128xf32, #tpu.memory_space<hbm>>) target(%arg17 : memref<128x128xf32, #tpu.memory_space<vmem>>) target_semaphore(%arg21 : memref<!tpu.dma_semaphore, #tpu.memory_space<semaphore_mem>>)
    tpu.wait_dma2 semaphore(%arg28 : memref<!tpu.dma_semaphore, #tpu.memory_space<semaphore_mem>>) src(%arg3 : memref<16384xi32, #tpu.memory_space<hbm>>) dst(%arg9 : memref<16384xi32, #tpu.memory_space<vmem>>)
    %scan3A_33 = arith.constant 0 : i32
    %scan3A_34 = arith.constant 0 : i32
    %scan3A_35 = arith.constant 42 : i32
    %scan3A_36 = arith.addi %scan3A_34, %scan3A_35 : i32
    %scan3A_37 = arith.constant 1 : i32
    %scan3A_38 = scf.for %scan3A_1058 = %scan3A_34 to %scan3A_36 step %scan3A_37 iter_args(%scan3A_1059 = %scan3A_33) -> (i32)  : i32 {
      %mul3A_1060 = arith.constant 2 : i32
      %mul3A_1061 = arith.muli %mul3A_1060, %scan3A_1058 : i32
      %mul3A_1062 = arith.constant 16 : i32
      %mul3A_1063 = arith.muli %mul3A_1061, %mul3A_1062 : i32
      %get3A = arith.index_cast %mul3A_1063 : i32 to index
      %get3A_1064 = tpu.vector_load %arg9[%get3A] {strides = array<i32>} : memref<16384xi32, #tpu.memory_space<vmem>>, vector<16xi32>,
      %sub3A_1065 = vector.broadcast %select_n3A : i32 to vector<16xi32>
      %sub3A_1066 = arith.subi %get3A_1064, %sub3A_1065 : vector<16xi32>
      %ge3A = arith.constant 0 : i32
      %ge3A_1067 = vector.broadcast %ge3A : i32 to vector<16xi32>
      %ge3A_1068 = arith.cmpi sge, %sub3A_1066, %ge3A_1067 : vector<16xi32>
      %lt3A_1069 = vector.broadcast %select_n3A_10 : i32 to vector<16xi32>
      %lt3A_1070 = arith.cmpi slt, %sub3A_1066, %lt3A_1069 : vector<16xi32>
      %and3A_1071 = arith.andi %ge3A_1068, %lt3A_1070 : vector<16xi1>
      %unique3A, %unique3A_1072 = tpu.scan_count mask(%and3A_1071 : vector<16xi1>) value(%get3A_1064 : vector<16xi32>) : vector<16xi1>, vector<16xi32>
      %and3A_1073 = arith.andi %and3A_1071, %unique3A : vector<16xi1>
      %mul3A_1074 = arith.constant 16 : i32
      %mul3A_1075 = arith.muli %mul3A_1061, %mul3A_1074 : i32
      %broadcast_in_dim3A = vector.broadcast %mul3A_1075 : i32 to vector<16xi32>
      %add3A_1076 = arith.addi %broadcast_in_dim3A, %iota3A : vector<16xi32>
      %mul3A_1077 = arith.constant 2 : i32
      %mul3A_1078 = arith.muli %mul3A_1077, %scan3A_1058 : i32
      %add3A_1079 = arith.constant 1 : i32
      %add3A_1080 = arith.addi %mul3A_1078, %add3A_1079 : i32
      %mul3A_1081 = arith.constant 16 : i32
      %mul3A_1082 = arith.muli %add3A_1080, %mul3A_1081 : i32
      %get3A_1083 = arith.index_cast %mul3A_1082 : i32 to index
      %get3A_1084 = tpu.vector_load %arg9[%get3A_1083] {strides = array<i32>} : memref<16384xi32, #tpu.memory_space<vmem>>, vector<16xi32>,
      %sub3A_1085 = vector.broadcast %select_n3A : i32 to vector<16xi32>
      %sub3A_1086 = arith.subi %get3A_1084, %sub3A_1085 : vector<16xi32>
      %ge3A_1087 = arith.constant 0 : i32
      %ge3A_1088 = vector.broadcast %ge3A_1087 : i32 to vector<16xi32>
      %ge3A_1089 = arith.cmpi sge, %sub3A_1086, %ge3A_1088 : vector<16xi32>
      %lt3A_1090 = vector.broadcast %select_n3A_10 : i32 to vector<16xi32>
      %lt3A_1091 = arith.cmpi slt, %sub3A_1086, %lt3A_1090 : vector<16xi32>
      %and3A_1092 = arith.andi %ge3A_1089, %lt3A_1091 : vector<16xi1>
      %unique3A_1093, %unique3A_1094 = tpu.scan_count mask(%and3A_1092 : vector<16xi1>) value(%get3A_1084 : vector<16xi32>) : vector<16xi1>, vector<16xi32>
      %and3A_1095 = arith.andi %and3A_1092, %unique3A_1093 : vector<16xi1>
      %mul3A_1096 = arith.constant 16 : i32
      %mul3A_1097 = arith.muli %add3A_1080, %mul3A_1096 : i32
      %broadcast_in_dim3A_1098 = vector.broadcast %mul3A_1097 : i32 to vector<16xi32>
      %add3A_1099 = arith.addi %broadcast_in_dim3A_1098, %iota3A : vector<16xi32>
      tpu.vector_store_idx %arg11[%sub3A_1066], %add3A_1076 masked %and3A_1073 : memref<3136xi32, #tpu.memory_space<vmem>>[vector<16xi32>], vector<16xi32>, vector<16xi1>
      tpu.vector_store_idx %arg11[%sub3A_1086], %add3A_1099 masked %and3A_1095 : memref<3136xi32, #tpu.memory_space<vmem>>[vector<16xi32>], vector<16xi32>, vector<16xi1>
      %scan3A_1100 = arith.constant 0 : i32
      scf.yield %scan3A_1100 : i32
    }
    %scan3A_39 = arith.constant 42 : i32
    %dma_wait3A = arith.constant 0 : i32
    %dma_wait3A_40 = tpu.memref_slice %arg5[%add3A_23, %dma_wait3A] : memref<100000x128xf32, #tpu.memory_space<hbm>> -> memref<128x128xf32, #tpu.memory_space<hbm>>
    %dma_wait3A_41 = arith.constant 0 : i32
    %dma_wait3A_42 = tpu.memref_slice %arg5[%add3A_23, %dma_wait3A_41] : memref<100000x128xf32, #tpu.memory_space<hbm>> -> memref<128x128xf32, #tpu.memory_space<hbm>>
    tpu.wait_dma2 semaphore(%arg20 : memref<!tpu.dma_semaphore, #tpu.memory_space<semaphore_mem>>) src(%dma_wait3A_42 : memref<128x128xf32, #tpu.memory_space<hbm>>) dst(%arg16 : memref<128x128xf32, #tpu.memory_space<vmem>>)
    %add3A_43 = arith.constant 0 : i32
    %add3A_44 = arith.addi %select_n3A, %add3A_43 : i32
    %dma_start3A_45 = arith.constant 0 : i32
    %dma_start3A_46 = tpu.memref_slice %arg7[%add3A_44, %dma_start3A_45] : memref<100000x128xf32, #tpu.memory_space<hbm>> -> memref<128x128xf32, #tpu.memory_space<hbm>>
    %dma_start3A_47 = arith.constant 0 : i32
    %dma_start3A_48 = tpu.memref_slice %arg7[%add3A_44, %dma_start3A_47] : memref<100000x128xf32, #tpu.memory_space<hbm>> -> memref<128x128xf32, #tpu.memory_space<hbm>>
    tpu.enqueue_dma source(%arg16 : memref<128x128xf32, #tpu.memory_space<vmem>>) target(%dma_start3A_48 : memref<128x128xf32, #tpu.memory_space<hbm>>) target_semaphore(%arg24 : memref<!tpu.dma_semaphore, #tpu.memory_space<semaphore_mem>>)
    %add3A_49 = arith.constant 256 : i32
    %add3A_50 = arith.addi %select_n3A, %add3A_49 : i32
    %dma_start3A_51 = arith.constant 0 : i32
    %dma_start3A_52 = tpu.memref_slice %arg5[%add3A_50, %dma_start3A_51] : memref<100000x128xf32, #tpu.memory_space<hbm>> -> memref<128x128xf32, #tpu.memory_space<hbm>>
    %dma_start3A_53 = arith.constant 0 : i32
    %dma_start3A_54 = tpu.memref_slice %arg5[%add3A_50, %dma_start3A_53] : memref<100000x128xf32, #tpu.memory_space<hbm>> -> memref<128x128xf32, #tpu.memory_space<hbm>>
    tpu.enqueue_dma source(%dma_start3A_54 : memref<128x128xf32, #tpu.memory_space<hbm>>) target(%arg18 : memref<128x128xf32, #tpu.memory_space<vmem>>) target_semaphore(%arg22 : memref<!tpu.dma_semaphore, #tpu.memory_space<semaphore_mem>>)
    %scan3A_55 = arith.constant 0 : i32
    %scan3A_56 = arith.constant 42 : i32
    %scan3A_57 = arith.constant 43 : i32
    %scan3A_58 = arith.addi %scan3A_56, %scan3A_57 : i32
    %scan3A_59 = arith.constant 1 : i32
    %scan3A_60 = scf.for %scan3A_1058 = %scan3A_56 to %scan3A_58 step %scan3A_59 iter_args(%scan3A_1059 = %scan3A_55) -> (i32)  : i32 {
      %mul3A_1060 = arith.constant 2 : i32
      %mul3A_1061 = arith.muli %mul3A_1060, %scan3A_1058 : i32
      %mul3A_1062 = arith.constant 16 : i32
      %mul3A_1063 = arith.muli %mul3A_1061, %mul3A_1062 : i32
      %get3A = arith.index_cast %mul3A_1063 : i32 to index
      %get3A_1064 = tpu.vector_load %arg9[%get3A] {strides = array<i32>} : memref<16384xi32, #tpu.memory_space<vmem>>, vector<16xi32>,
      %sub3A_1065 = vector.broadcast %select_n3A : i32 to vector<16xi32>
      %sub3A_1066 = arith.subi %get3A_1064, %sub3A_1065 : vector<16xi32>
      %ge3A = arith.constant 0 : i32
      %ge3A_1067 = vector.broadcast %ge3A : i32 to vector<16xi32>
      %ge3A_1068 = arith.cmpi sge, %sub3A_1066, %ge3A_1067 : vector<16xi32>
      %lt3A_1069 = vector.broadcast %select_n3A_10 : i32 to vector<16xi32>
      %lt3A_1070 = arith.cmpi slt, %sub3A_1066, %lt3A_1069 : vector<16xi32>
      %and3A_1071 = arith.andi %ge3A_1068, %lt3A_1070 : vector<16xi1>
      %unique3A, %unique3A_1072 = tpu.scan_count mask(%and3A_1071 : vector<16xi1>) value(%get3A_1064 : vector<16xi32>) : vector<16xi1>, vector<16xi32>
      %and3A_1073 = arith.andi %and3A_1071, %unique3A : vector<16xi1>
      %mul3A_1074 = arith.constant 16 : i32
      %mul3A_1075 = arith.muli %mul3A_1061, %mul3A_1074 : i32
      %broadcast_in_dim3A = vector.broadcast %mul3A_1075 : i32 to vector<16xi32>
      %add3A_1076 = arith.addi %broadcast_in_dim3A, %iota3A : vector<16xi32>
      %mul3A_1077 = arith.constant 2 : i32
      %mul3A_1078 = arith.muli %mul3A_1077, %scan3A_1058 : i32
      %add3A_1079 = arith.constant 1 : i32
      %add3A_1080 = arith.addi %mul3A_1078, %add3A_1079 : i32
      %mul3A_1081 = arith.constant 16 : i32
      %mul3A_1082 = arith.muli %add3A_1080, %mul3A_1081 : i32
      %get3A_1083 = arith.index_cast %mul3A_1082 : i32 to index
      %get3A_1084 = tpu.vector_load %arg9[%get3A_1083] {strides = array<i32>} : memref<16384xi32, #tpu.memory_space<vmem>>, vector<16xi32>,
      %sub3A_1085 = vector.broadcast %select_n3A : i32 to vector<16xi32>
      %sub3A_1086 = arith.subi %get3A_1084, %sub3A_1085 : vector<16xi32>
      %ge3A_1087 = arith.constant 0 : i32
      %ge3A_1088 = vector.broadcast %ge3A_1087 : i32 to vector<16xi32>
      %ge3A_1089 = arith.cmpi sge, %sub3A_1086, %ge3A_1088 : vector<16xi32>
      %lt3A_1090 = vector.broadcast %select_n3A_10 : i32 to vector<16xi32>
      %lt3A_1091 = arith.cmpi slt, %sub3A_1086, %lt3A_1090 : vector<16xi32>
      %and3A_1092 = arith.andi %ge3A_1089, %lt3A_1091 : vector<16xi1>
      %unique3A_1093, %unique3A_1094 = tpu.scan_count mask(%and3A_1092 : vector<16xi1>) value(%get3A_1084 : vector<16xi32>) : vector<16xi1>, vector<16xi32>
      %and3A_1095 = arith.andi %and3A_1092, %unique3A_1093 : vector<16xi1>
      %mul3A_1096 = arith.constant 16 : i32
      %mul3A_1097 = arith.muli %add3A_1080, %mul3A_1096 : i32
      %broadcast_in_dim3A_1098 = vector.broadcast %mul3A_1097 : i32 to vector<16xi32>
      %add3A_1099 = arith.addi %broadcast_in_dim3A_1098, %iota3A : vector<16xi32>
      tpu.vector_store_idx %arg11[%sub3A_1066], %add3A_1076 masked %and3A_1073 : memref<3136xi32, #tpu.memory_space<vmem>>[vector<16xi32>], vector<16xi32>, vector<16xi1>
      tpu.vector_store_idx %arg11[%sub3A_1086], %add3A_1099 masked %and3A_1095 : memref<3136xi32, #tpu.memory_space<vmem>>[vector<16xi32>], vector<16xi32>, vector<16xi1>
      %scan3A_1100 = arith.constant 0 : i32
      scf.yield %scan3A_1100 : i32
    }
    %scan3A_61 = arith.constant 43 : i32
    %dma_wait3A_62 = arith.constant 0 : i32
    %dma_wait3A_63 = tpu.memref_slice %arg5[%add3A_28, %dma_wait3A_62] : memref<100000x128xf32, #tpu.memory_space<hbm>> -> memref<128x128xf32, #tpu.memory_space<hbm>>
    %dma_wait3A_64 = arith.constant 0 : i32
    %dma_wait3A_65 = tpu.memref_slice %arg5[%add3A_28, %dma_wait3A_64] : memref<100000x128xf32, #tpu.memory_space<hbm>> -> memref<128x128xf32, #tpu.memory_space<hbm>>
    tpu.wait_dma2 semaphore(%arg21 : memref<!tpu.dma_semaphore, #tpu.memory_space<semaphore_mem>>) src(%dma_wait3A_65 : memref<128x128xf32, #tpu.memory_space<hbm>>) dst(%arg17 : memref<128x128xf32, #tpu.memory_space<vmem>>)
    %add3A_66 = arith.constant 128 : i32
    %add3A_67 = arith.addi %select_n3A, %add3A_66 : i32
    %dma_start3A_68 = arith.constant 0 : i32
    %dma_start3A_69 = tpu.memref_slice %arg7[%add3A_67, %dma_start3A_68] : memref<100000x128xf32, #tpu.memory_space<hbm>> -> memref<128x128xf32, #tpu.memory_space<hbm>>
    %dma_start3A_70 = arith.constant 0 : i32
    %dma_start3A_71 = tpu.memref_slice %arg7[%add3A_67, %dma_start3A_70] : memref<100000x128xf32, #tpu.memory_space<hbm>> -> memref<128x128xf32, #tpu.memory_space<hbm>>
    tpu.enqueue_dma source(%arg17 : memref<128x128xf32, #tpu.memory_space<vmem>>) target(%dma_start3A_71 : memref<128x128xf32, #tpu.memory_space<hbm>>) target_semaphore(%arg25 : memref<!tpu.dma_semaphore, #tpu.memory_space<semaphore_mem>>)
    %add3A_72 = arith.constant 384 : i32
    %add3A_73 = arith.addi %select_n3A, %add3A_72 : i32
    %dma_start3A_74 = arith.constant 0 : i32
    %dma_start3A_75 = tpu.memref_slice %arg5[%add3A_73, %dma_start3A_74] : memref<100000x128xf32, #tpu.memory_space<hbm>> -> memref<128x128xf32, #tpu.memory_space<hbm>>
    %dma_start3A_76 = arith.constant 0 : i32
    %dma_start3A_77 = tpu.memref_slice %arg5[%add3A_73, %dma_start3A_76] : memref<100000x128xf32, #tpu.memory_space<hbm>> -> memref<128x128xf32, #tpu.memory_space<hbm>>
    tpu.enqueue_dma source(%dma_start3A_77 : memref<128x128xf32, #tpu.memory_space<hbm>>) target(%arg19 : memref<128x128xf32, #tpu.memory_space<vmem>>) target_semaphore(%arg23 : memref<!tpu.dma_semaphore, #tpu.memory_space<semaphore_mem>>)
    %scan3A_78 = arith.constant 0 : i32
    %scan3A_79 = arith.constant 85 : i32
    %scan3A_80 = arith.constant 43 : i32
    %scan3A_81 = arith.addi %scan3A_79, %scan3A_80 : i32
    %scan3A_82 = arith.constant 1 : i32
    %scan3A_83 = scf.for %scan3A_1058 = %scan3A_79 to %scan3A_81 step %scan3A_82 iter_args(%scan3A_1059 = %scan3A_78) -> (i32)  : i32 {
      %mul3A_1060 = arith.constant 2 : i32
      %mul3A_1061 = arith.muli %mul3A_1060, %scan3A_1058 : i32
      %mul3A_1062 = arith.constant 16 : i32
      %mul3A_1063 = arith.muli %mul3A_1061, %mul3A_1062 : i32
      %get3A = arith.index_cast %mul3A_1063 : i32 to index
      %get3A_1064 = tpu.vector_load %arg9[%get3A] {strides = array<i32>} : memref<16384xi32, #tpu.memory_space<vmem>>, vector<16xi32>,
      %sub3A_1065 = vector.broadcast %select_n3A : i32 to vector<16xi32>
      %sub3A_1066 = arith.subi %get3A_1064, %sub3A_1065 : vector<16xi32>
      %ge3A = arith.constant 0 : i32
      %ge3A_1067 = vector.broadcast %ge3A : i32 to vector<16xi32>
      %ge3A_1068 = arith.cmpi sge, %sub3A_1066, %ge3A_1067 : vector<16xi32>
      %lt3A_1069 = vector.broadcast %select_n3A_10 : i32 to vector<16xi32>
      %lt3A_1070 = arith.cmpi slt, %sub3A_1066, %lt3A_1069 : vector<16xi32>
      %and3A_1071 = arith.andi %ge3A_1068, %lt3A_1070 : vector<16xi1>
      %unique3A, %unique3A_1072 = tpu.scan_count mask(%and3A_1071 : vector<16xi1>) value(%get3A_1064 : vector<16xi32>) : vector<16xi1>, vector<16xi32>
      %and3A_1073 = arith.andi %and3A_1071, %unique3A : vector<16xi1>
      %mul3A_1074 = arith.constant 16 : i32
      %mul3A_1075 = arith.muli %mul3A_1061, %mul3A_1074 : i32
      %broadcast_in_dim3A = vector.broadcast %mul3A_1075 : i32 to vector<16xi32>
      %add3A_1076 = arith.addi %broadcast_in_dim3A, %iota3A : vector<16xi32>
      %mul3A_1077 = arith.constant 2 : i32
      %mul3A_1078 = arith.muli %mul3A_1077, %scan3A_1058 : i32
      %add3A_1079 = arith.constant 1 : i32
      %add3A_1080 = arith.addi %mul3A_1078, %add3A_1079 : i32
      %mul3A_1081 = arith.constant 16 : i32
      %mul3A_1082 = arith.muli %add3A_1080, %mul3A_1081 : i32
      %get3A_1083 = arith.index_cast %mul3A_1082 : i32 to index
      %get3A_1084 = tpu.vector_load %arg9[%get3A_1083] {strides = array<i32>} : memref<16384xi32, #tpu.memory_space<vmem>>, vector<16xi32>,
      %sub3A_1085 = vector.broadcast %select_n3A : i32 to vector<16xi32>
      %sub3A_1086 = arith.subi %get3A_1084, %sub3A_1085 : vector<16xi32>
      %ge3A_1087 = arith.constant 0 : i32
      %ge3A_1088 = vector.broadcast %ge3A_1087 : i32 to vector<16xi32>
      %ge3A_1089 = arith.cmpi sge, %sub3A_1086, %ge3A_1088 : vector<16xi32>
      %lt3A_1090 = vector.broadcast %select_n3A_10 : i32 to vector<16xi32>
      %lt3A_1091 = arith.cmpi slt, %sub3A_1086, %lt3A_1090 : vector<16xi32>
      %and3A_1092 = arith.andi %ge3A_1089, %lt3A_1091 : vector<16xi1>
      %unique3A_1093, %unique3A_1094 = tpu.scan_count mask(%and3A_1092 : vector<16xi1>) value(%get3A_1084 : vector<16xi32>) : vector<16xi1>, vector<16xi32>
      %and3A_1095 = arith.andi %and3A_1092, %unique3A_1093 : vector<16xi1>
      %mul3A_1096 = arith.constant 16 : i32
      %mul3A_1097 = arith.muli %add3A_1080, %mul3A_1096 : i32
      %broadcast_in_dim3A_1098 = vector.broadcast %mul3A_1097 : i32 to vector<16xi32>
      %add3A_1099 = arith.addi %broadcast_in_dim3A_1098, %iota3A : vector<16xi32>
      tpu.vector_store_idx %arg11[%sub3A_1066], %add3A_1076 masked %and3A_1073 : memref<3136xi32, #tpu.memory_space<vmem>>[vector<16xi32>], vector<16xi32>, vector<16xi1>
      tpu.vector_store_idx %arg11[%sub3A_1086], %add3A_1099 masked %and3A_1095 : memref<3136xi32, #tpu.memory_space<vmem>>[vector<16xi32>], vector<16xi32>, vector<16xi1>
      %scan3A_1100 = arith.constant 0 : i32
      scf.yield %scan3A_1100 : i32
    }
    %scan3A_84 = arith.constant 43 : i32
    %dma_wait3A_85 = arith.constant 0 : i32
    %dma_wait3A_86 = tpu.memref_slice %arg5[%add3A_50, %dma_wait3A_85] : memref<100000x128xf32, #tpu.memory_space<hbm>> -> memref<128x128xf32, #tpu.memory_space<hbm>>
    %dma_wait3A_87 = arith.constant 0 : i32
    %dma_wait3A_88 = tpu.memref_slice %arg5[%add3A_50, %dma_wait3A_87] : memref<100000x128xf32, #tpu.memory_space<hbm>> -> memref<128x128xf32, #tpu.memory_space<hbm>>
    tpu.wait_dma2 semaphore(%arg22 : memref<!tpu.dma_semaphore, #tpu.memory_space<semaphore_mem>>) src(%dma_wait3A_88 : memref<128x128xf32, #tpu.memory_space<hbm>>) dst(%arg18 : memref<128x128xf32, #tpu.memory_space<vmem>>)
    %add3A_89 = arith.constant 256 : i32
    %add3A_90 = arith.addi %select_n3A, %add3A_89 : i32
    %dma_start3A_91 = arith.constant 0 : i32
    %dma_start3A_92 = tpu.memref_slice %arg7[%add3A_90, %dma_start3A_91] : memref<100000x128xf32, #tpu.memory_space<hbm>> -> memref<128x128xf32, #tpu.memory_space<hbm>>
    %dma_start3A_93 = arith.constant 0 : i32
    %dma_start3A_94 = tpu.memref_slice %arg7[%add3A_90, %dma_start3A_93] : memref<100000x128xf32, #tpu.memory_space<hbm>> -> memref<128x128xf32, #tpu.memory_space<hbm>>
    tpu.enqueue_dma source(%arg18 : memref<128x128xf32, #tpu.memory_space<vmem>>) target(%dma_start3A_94 : memref<128x128xf32, #tpu.memory_space<hbm>>) target_semaphore(%arg26 : memref<!tpu.dma_semaphore, #tpu.memory_space<semaphore_mem>>)
    %dma_wait3A_95 = arith.constant 0 : i32
    %dma_wait3A_96 = tpu.memref_slice %arg7[%add3A_44, %dma_wait3A_95] : memref<100000x128xf32, #tpu.memory_space<hbm>> -> memref<128x128xf32, #tpu.memory_space<hbm>>
    %dma_wait3A_97 = arith.constant 0 : i32
    %dma_wait3A_98 = tpu.memref_slice %arg7[%add3A_44, %dma_wait3A_97] : memref<100000x128xf32, #tpu.memory_space<hbm>> -> memref<128x128xf32, #tpu.memory_space<hbm>>
    tpu.wait_dma2 semaphore(%arg24 : memref<!tpu.dma_semaphore, #tpu.memory_space<semaphore_mem>>) src(%arg16 : memref<128x128xf32, #tpu.memory_space<vmem>>) dst(%dma_wait3A_98 : memref<128x128xf32, #tpu.memory_space<hbm>>)
    %add3A_99 = arith.constant 512 : i32
    %add3A_100 = arith.addi %select_n3A, %add3A_99 : i32
    %dma_start3A_101 = arith.constant 0 : i32
    %dma_start3A_102 = tpu.memref_slice %arg5[%add3A_100, %dma_start3A_101] : memref<100000x128xf32, #tpu.memory_space<hbm>> -> memref<128x128xf32, #tpu.memory_space<hbm>>
    %dma_start3A_103 = arith.constant 0 : i32
    %dma_start3A_104 = tpu.memref_slice %arg5[%add3A_100, %dma_start3A_103] : memref<100000x128xf32, #tpu.memory_space<hbm>> -> memref<128x128xf32, #tpu.memory_space<hbm>>
    tpu.enqueue_dma source(%dma_start3A_104 : memref<128x128xf32, #tpu.memory_space<hbm>>) target(%arg16 : memref<128x128xf32, #tpu.memory_space<vmem>>) target_semaphore(%arg20 : memref<!tpu.dma_semaphore, #tpu.memory_space<semaphore_mem>>)
    %scan3A_105 = arith.constant 0 : i32
    %scan3A_106 = arith.constant 128 : i32
    %scan3A_107 = arith.constant 42 : i32
    %scan3A_108 = arith.addi %scan3A_106, %scan3A_107 : i32
    %scan3A_109 = arith.constant 1 : i32
    %scan3A_110 = scf.for %scan3A_1058 = %scan3A_106 to %scan3A_108 step %scan3A_109 iter_args(%scan3A_1059 = %scan3A_105) -> (i32)  : i32 {
      %mul3A_1060 = arith.constant 2 : i32
      %mul3A_1061 = arith.muli %mul3A_1060, %scan3A_1058 : i32
      %mul3A_1062 = arith.constant 16 : i32
      %mul3A_1063 = arith.muli %mul3A_1061, %mul3A_1062 : i32
      %get3A = arith.index_cast %mul3A_1063 : i32 to index
      %get3A_1064 = tpu.vector_load %arg9[%get3A] {strides = array<i32>} : memref<16384xi32, #tpu.memory_space<vmem>>, vector<16xi32>,
      %sub3A_1065 = vector.broadcast %select_n3A : i32 to vector<16xi32>
      %sub3A_1066 = arith.subi %get3A_1064, %sub3A_1065 : vector<16xi32>
      %ge3A = arith.constant 0 : i32
      %ge3A_1067 = vector.broadcast %ge3A : i32 to vector<16xi32>
      %ge3A_1068 = arith.cmpi sge, %sub3A_1066, %ge3A_1067 : vector<16xi32>
      %lt3A_1069 = vector.broadcast %select_n3A_10 : i32 to vector<16xi32>
      %lt3A_1070 = arith.cmpi slt, %sub3A_1066, %lt3A_1069 : vector<16xi32>
      %and3A_1071 = arith.andi %ge3A_1068, %lt3A_1070 : vector<16xi1>
      %unique3A, %unique3A_1072 = tpu.scan_count mask(%and3A_1071 : vector<16xi1>) value(%get3A_1064 : vector<16xi32>) : vector<16xi1>, vector<16xi32>
      %and3A_1073 = arith.andi %and3A_1071, %unique3A : vector<16xi1>
      %mul3A_1074 = arith.constant 16 : i32
      %mul3A_1075 = arith.muli %mul3A_1061, %mul3A_1074 : i32
      %broadcast_in_dim3A = vector.broadcast %mul3A_1075 : i32 to vector<16xi32>
      %add3A_1076 = arith.addi %broadcast_in_dim3A, %iota3A : vector<16xi32>
      %mul3A_1077 = arith.constant 2 : i32
      %mul3A_1078 = arith.muli %mul3A_1077, %scan3A_1058 : i32
      %add3A_1079 = arith.constant 1 : i32
      %add3A_1080 = arith.addi %mul3A_1078, %add3A_1079 : i32
      %mul3A_1081 = arith.constant 16 : i32
      %mul3A_1082 = arith.muli %add3A_1080, %mul3A_1081 : i32
      %get3A_1083 = arith.index_cast %mul3A_1082 : i32 to index
      %get3A_1084 = tpu.vector_load %arg9[%get3A_1083] {strides = array<i32>} : memref<16384xi32, #tpu.memory_space<vmem>>, vector<16xi32>,
      %sub3A_1085 = vector.broadcast %select_n3A : i32 to vector<16xi32>
      %sub3A_1086 = arith.subi %get3A_1084, %sub3A_1085 : vector<16xi32>
      %ge3A_1087 = arith.constant 0 : i32
      %ge3A_1088 = vector.broadcast %ge3A_1087 : i32 to vector<16xi32>
      %ge3A_1089 = arith.cmpi sge, %sub3A_1086, %ge3A_1088 : vector<16xi32>
      %lt3A_1090 = vector.broadcast %select_n3A_10 : i32 to vector<16xi32>
      %lt3A_1091 = arith.cmpi slt, %sub3A_1086, %lt3A_1090 : vector<16xi32>
      %and3A_1092 = arith.andi %ge3A_1089, %lt3A_1091 : vector<16xi1>
      %unique3A_1093, %unique3A_1094 = tpu.scan_count mask(%and3A_1092 : vector<16xi1>) value(%get3A_1084 : vector<16xi32>) : vector<16xi1>, vector<16xi32>
      %and3A_1095 = arith.andi %and3A_1092, %unique3A_1093 : vector<16xi1>
      %mul3A_1096 = arith.constant 16 : i32
      %mul3A_1097 = arith.muli %add3A_1080, %mul3A_1096 : i32
      %broadcast_in_dim3A_1098 = vector.broadcast %mul3A_1097 : i32 to vector<16xi32>
      %add3A_1099 = arith.addi %broadcast_in_dim3A_1098, %iota3A : vector<16xi32>
      tpu.vector_store_idx %arg11[%sub3A_1066], %add3A_1076 masked %and3A_1073 : memref<3136xi32, #tpu.memory_space<vmem>>[vector<16xi32>], vector<16xi32>, vector<16xi1>
      tpu.vector_store_idx %arg11[%sub3A_1086], %add3A_1099 masked %and3A_1095 : memref<3136xi32, #tpu.memory_space<vmem>>[vector<16xi32>], vector<16xi32>, vector<16xi1>
      %scan3A_1100 = arith.constant 0 : i32
      scf.yield %scan3A_1100 : i32
    }
    %scan3A_111 = arith.constant 42 : i32
    %dma_wait3A_112 = arith.constant 0 : i32
    %dma_wait3A_113 = tpu.memref_slice %arg5[%add3A_73, %dma_wait3A_112] : memref<100000x128xf32, #tpu.memory_space<hbm>> -> memref<128x128xf32, #tpu.memory_space<hbm>>
    %dma_wait3A_114 = arith.constant 0 : i32
    %dma_wait3A_115 = tpu.memref_slice %arg5[%add3A_73, %dma_wait3A_114] : memref<100000x128xf32, #tpu.memory_space<hbm>> -> memref<128x128xf32, #tpu.memory_space<hbm>>
    tpu.wait_dma2 semaphore(%arg23 : memref<!tpu.dma_semaphore, #tpu.memory_space<semaphore_mem>>) src(%dma_wait3A_115 : memref<128x128xf32, #tpu.memory_space<hbm>>) dst(%arg19 : memref<128x128xf32, #tpu.memory_space<vmem>>)
    %add3A_116 = arith.constant 384 : i32
    %add3A_117 = arith.addi %select_n3A, %add3A_116 : i32
    %dma_start3A_118 = arith.constant 0 : i32
    %dma_start3A_119 = tpu.memref_slice %arg7[%add3A_117, %dma_start3A_118] : memref<100000x128xf32, #tpu.memory_space<hbm>> -> memref<128x128xf32, #tpu.memory_space<hbm>>
    %dma_start3A_120 = arith.constant 0 : i32
    %dma_start3A_121 = tpu.memref_slice %arg7[%add3A_117, %dma_start3A_120] : memref<100000x128xf32, #tpu.memory_space<hbm>> -> memref<128x128xf32, #tpu.memory_space<hbm>>
    tpu.enqueue_dma source(%arg19 : memref<128x128xf32, #tpu.memory_space<vmem>>) target(%dma_start3A_121 : memref<128x128xf32, #tpu.memory_space<hbm>>) target_semaphore(%arg27 : memref<!tpu.dma_semaphore, #tpu.memory_space<semaphore_mem>>)
    %dma_wait3A_122 = arith.constant 0 : i32
    %dma_wait3A_123 = tpu.memref_slice %arg7[%add3A_67, %dma_wait3A_122] : memref<100000x128xf32, #tpu.memory_space<hbm>> -> memref<128x128xf32, #tpu.memory_space<hbm>>
    %dma_wait3A_124 = arith.constant 0 : i32
    %dma_wait3A_125 = tpu.memref_slice %arg7[%add3A_67, %dma_wait3A_124] : memref<100000x128xf32, #tpu.memory_space<hbm>> -> memref<128x128xf32, #tpu.memory_space<hbm>>
    tpu.wait_dma2 semaphore(%arg25 : memref<!tpu.dma_semaphore, #tpu.memory_space<semaphore_mem>>) src(%arg17 : memref<128x128xf32, #tpu.memory_space<vmem>>) dst(%dma_wait3A_125 : memref<128x128xf32, #tpu.memory_space<hbm>>)
    %add3A_126 = arith.constant 640 : i32
    %add3A_127 = arith.addi %select_n3A, %add3A_126 : i32
    %dma_start3A_128 = arith.constant 0 : i32
    %dma_start3A_129 = tpu.memref_slice %arg5[%add3A_127, %dma_start3A_128] : memref<100000x128xf32, #tpu.memory_space<hbm>> -> memref<128x128xf32, #tpu.memory_space<hbm>>
    %dma_start3A_130 = arith.constant 0 : i32
    %dma_start3A_131 = tpu.memref_slice %arg5[%add3A_127, %dma_start3A_130] : memref<100000x128xf32, #tpu.memory_space<hbm>> -> memref<128x128xf32, #tpu.memory_space<hbm>>
    tpu.enqueue_dma source(%dma_start3A_131 : memref<128x128xf32, #tpu.memory_space<hbm>>) target(%arg17 : memref<128x128xf32, #tpu.memory_space<vmem>>) target_semaphore(%arg21 : memref<!tpu.dma_semaphore, #tpu.memory_space<semaphore_mem>>)
    %scan3A_132 = arith.constant 0 : i32
    %scan3A_133 = arith.constant 170 : i32
    %scan3A_134 = arith.constant 43 : i32
    %scan3A_135 = arith.addi %scan3A_133, %scan3A_134 : i32
    %scan3A_136 = arith.constant 1 : i32
    %scan3A_137 = scf.for %scan3A_1058 = %scan3A_133 to %scan3A_135 step %scan3A_136 iter_args(%scan3A_1059 = %scan3A_132) -> (i32)  : i32 {
      %mul3A_1060 = arith.constant 2 : i32
      %mul3A_1061 = arith.muli %mul3A_1060, %scan3A_1058 : i32
      %mul3A_1062 = arith.constant 16 : i32
      %mul3A_1063 = arith.muli %mul3A_1061, %mul3A_1062 : i32
      %get3A = arith.index_cast %mul3A_1063 : i32 to index
      %get3A_1064 = tpu.vector_load %arg9[%get3A] {strides = array<i32>} : memref<16384xi32, #tpu.memory_space<vmem>>, vector<16xi32>,
      %sub3A_1065 = vector.broadcast %select_n3A : i32 to vector<16xi32>
      %sub3A_1066 = arith.subi %get3A_1064, %sub3A_1065 : vector<16xi32>
      %ge3A = arith.constant 0 : i32
      %ge3A_1067 = vector.broadcast %ge3A : i32 to vector<16xi32>
      %ge3A_1068 = arith.cmpi sge, %sub3A_1066, %ge3A_1067 : vector<16xi32>
      %lt3A_1069 = vector.broadcast %select_n3A_10 : i32 to vector<16xi32>
      %lt3A_1070 = arith.cmpi slt, %sub3A_1066, %lt3A_1069 : vector<16xi32>
      %and3A_1071 = arith.andi %ge3A_1068, %lt3A_1070 : vector<16xi1>
      %unique3A, %unique3A_1072 = tpu.scan_count mask(%and3A_1071 : vector<16xi1>) value(%get3A_1064 : vector<16xi32>) : vector<16xi1>, vector<16xi32>
      %and3A_1073 = arith.andi %and3A_1071, %unique3A : vector<16xi1>
      %mul3A_1074 = arith.constant 16 : i32
      %mul3A_1075 = arith.muli %mul3A_1061, %mul3A_1074 : i32
      %broadcast_in_dim3A = vector.broadcast %mul3A_1075 : i32 to vector<16xi32>
      %add3A_1076 = arith.addi %broadcast_in_dim3A, %iota3A : vector<16xi32>
      %mul3A_1077 = arith.constant 2 : i32
      %mul3A_1078 = arith.muli %mul3A_1077, %scan3A_1058 : i32
      %add3A_1079 = arith.constant 1 : i32
      %add3A_1080 = arith.addi %mul3A_1078, %add3A_1079 : i32
      %mul3A_1081 = arith.constant 16 : i32
      %mul3A_1082 = arith.muli %add3A_1080, %mul3A_1081 : i32
      %get3A_1083 = arith.index_cast %mul3A_1082 : i32 to index
      %get3A_1084 = tpu.vector_load %arg9[%get3A_1083] {strides = array<i32>} : memref<16384xi32, #tpu.memory_space<vmem>>, vector<16xi32>,
      %sub3A_1085 = vector.broadcast %select_n3A : i32 to vector<16xi32>
      %sub3A_1086 = arith.subi %get3A_1084, %sub3A_1085 : vector<16xi32>
      %ge3A_1087 = arith.constant 0 : i32
      %ge3A_1088 = vector.broadcast %ge3A_1087 : i32 to vector<16xi32>
      %ge3A_1089 = arith.cmpi sge, %sub3A_1086, %ge3A_1088 : vector<16xi32>
      %lt3A_1090 = vector.broadcast %select_n3A_10 : i32 to vector<16xi32>
      %lt3A_1091 = arith.cmpi slt, %sub3A_1086, %lt3A_1090 : vector<16xi32>
      %and3A_1092 = arith.andi %ge3A_1089, %lt3A_1091 : vector<16xi1>
      %unique3A_1093, %unique3A_1094 = tpu.scan_count mask(%and3A_1092 : vector<16xi1>) value(%get3A_1084 : vector<16xi32>) : vector<16xi1>, vector<16xi32>
      %and3A_1095 = arith.andi %and3A_1092, %unique3A_1093 : vector<16xi1>
      %mul3A_1096 = arith.constant 16 : i32
      %mul3A_1097 = arith.muli %add3A_1080, %mul3A_1096 : i32
      %broadcast_in_dim3A_1098 = vector.broadcast %mul3A_1097 : i32 to vector<16xi32>
      %add3A_1099 = arith.addi %broadcast_in_dim3A_1098, %iota3A : vector<16xi32>
      tpu.vector_store_idx %arg11[%sub3A_1066], %add3A_1076 masked %and3A_1073 : memref<3136xi32, #tpu.memory_space<vmem>>[vector<16xi32>], vector<16xi32>, vector<16xi1>
      tpu.vector_store_idx %arg11[%sub3A_1086], %add3A_1099 masked %and3A_1095 : memref<3136xi32, #tpu.memory_space<vmem>>[vector<16xi32>], vector<16xi32>, vector<16xi1>
      %scan3A_1100 = arith.constant 0 : i32
      scf.yield %scan3A_1100 : i32
    }
    %scan3A_138 = arith.constant 43 : i32
    %dma_wait3A_139 = arith.constant 0 : i32
    %dma_wait3A_140 = tpu.memref_slice %arg5[%add3A_100, %dma_wait3A_139] : memref<100000x128xf32, #tpu.memory_space<hbm>> -> memref<128x128xf32, #tpu.memory_space<hbm>>
    %dma_wait3A_141 = arith.constant 0 : i32
    %dma_wait3A_142 = tpu.memref_slice %arg5[%add3A_100, %dma_wait3A_141] : memref<100000x128xf32, #tpu.memory_space<hbm>> -> memref<128x128xf32, #tpu.memory_space<hbm>>
    tpu.wait_dma2 semaphore(%arg20 : memref<!tpu.dma_semaphore, #tpu.memory_space<semaphore_mem>>) src(%dma_wait3A_142 : memref<128x128xf32, #tpu.memory_space<hbm>>) dst(%arg16 : memref<128x128xf32, #tpu.memory_space<vmem>>)
    %add3A_143 = arith.constant 512 : i32
    %add3A_144 = arith.addi %select_n3A, %add3A_143 : i32
    %dma_start3A_145 = arith.constant 0 : i32
    %dma_start3A_146 = tpu.memref_slice %arg7[%add3A_144, %dma_start3A_145] : memref<100000x128xf32, #tpu.memory_space<hbm>> -> memref<128x128xf32, #tpu.memory_space<hbm>>
    %dma_start3A_147 = arith.constant 0 : i32
    %dma_start3A_148 = tpu.memref_slice %arg7[%add3A_144, %dma_start3A_147] : memref<100000x128xf32, #tpu.memory_space<hbm>> -> memref<128x128xf32, #tpu.memory_space<hbm>>
    tpu.enqueue_dma source(%arg16 : memref<128x128xf32, #tpu.memory_space<vmem>>) target(%dma_start3A_148 : memref<128x128xf32, #tpu.memory_space<hbm>>) target_semaphore(%arg24 : memref<!tpu.dma_semaphore, #tpu.memory_space<semaphore_mem>>)
    %dma_wait3A_149 = arith.constant 0 : i32
    %dma_wait3A_150 = tpu.memref_slice %arg7[%add3A_90, %dma_wait3A_149] : memref<100000x128xf32, #tpu.memory_space<hbm>> -> memref<128x128xf32, #tpu.memory_space<hbm>>
    %dma_wait3A_151 = arith.constant 0 : i32
    %dma_wait3A_152 = tpu.memref_slice %arg7[%add3A_90, %dma_wait3A_151] : memref<100000x128xf32, #tpu.memory_space<hbm>> -> memref<128x128xf32, #tpu.memory_space<hbm>>
    tpu.wait_dma2 semaphore(%arg26 : memref<!tpu.dma_semaphore, #tpu.memory_space<semaphore_mem>>) src(%arg18 : memref<128x128xf32, #tpu.memory_space<vmem>>) dst(%dma_wait3A_152 : memref<128x128xf32, #tpu.memory_space<hbm>>)
    %add3A_153 = arith.constant 768 : i32
    %add3A_154 = arith.addi %select_n3A, %add3A_153 : i32
    %dma_start3A_155 = arith.constant 0 : i32
    %dma_start3A_156 = tpu.memref_slice %arg5[%add3A_154, %dma_start3A_155] : memref<100000x128xf32, #tpu.memory_space<hbm>> -> memref<128x128xf32, #tpu.memory_space<hbm>>
    %dma_start3A_157 = arith.constant 0 : i32
    %dma_start3A_158 = tpu.memref_slice %arg5[%add3A_154, %dma_start3A_157] : memref<100000x128xf32, #tpu.memory_space<hbm>> -> memref<128x128xf32, #tpu.memory_space<hbm>>
    tpu.enqueue_dma source(%dma_start3A_158 : memref<128x128xf32, #tpu.memory_space<hbm>>) target(%arg18 : memref<128x128xf32, #tpu.memory_space<vmem>>) target_semaphore(%arg22 : memref<!tpu.dma_semaphore, #tpu.memory_space<semaphore_mem>>)
    %scan3A_159 = arith.constant 0 : i32
    %scan3A_160 = arith.constant 213 : i32
    %scan3A_161 = arith.constant 43 : i32
    %scan3A_162 = arith.addi %scan3A_160, %scan3A_161 : i32
    %scan3A_163 = arith.constant 1 : i32
    %scan3A_164 = scf.for %scan3A_1058 = %scan3A_160 to %scan3A_162 step %scan3A_163 iter_args(%scan3A_1059 = %scan3A_159) -> (i32)  : i32 {
      %mul3A_1060 = arith.constant 2 : i32
      %mul3A_1061 = arith.muli %mul3A_1060, %scan3A_1058 : i32
      %mul3A_1062 = arith.constant 16 : i32
      %mul3A_1063 = arith.muli %mul3A_1061, %mul3A_1062 : i32
      %get3A = arith.index_cast %mul3A_1063 : i32 to index
      %get3A_1064 = tpu.vector_load %arg9[%get3A] {strides = array<i32>} : memref<16384xi32, #tpu.memory_space<vmem>>, vector<16xi32>,
      %sub3A_1065 = vector.broadcast %select_n3A : i32 to vector<16xi32>
      %sub3A_1066 = arith.subi %get3A_1064, %sub3A_1065 : vector<16xi32>
      %ge3A = arith.constant 0 : i32
      %ge3A_1067 = vector.broadcast %ge3A : i32 to vector<16xi32>
      %ge3A_1068 = arith.cmpi sge, %sub3A_1066, %ge3A_1067 : vector<16xi32>
      %lt3A_1069 = vector.broadcast %select_n3A_10 : i32 to vector<16xi32>
      %lt3A_1070 = arith.cmpi slt, %sub3A_1066, %lt3A_1069 : vector<16xi32>
      %and3A_1071 = arith.andi %ge3A_1068, %lt3A_1070 : vector<16xi1>
      %unique3A, %unique3A_1072 = tpu.scan_count mask(%and3A_1071 : vector<16xi1>) value(%get3A_1064 : vector<16xi32>) : vector<16xi1>, vector<16xi32>
      %and3A_1073 = arith.andi %and3A_1071, %unique3A : vector<16xi1>
      %mul3A_1074 = arith.constant 16 : i32
      %mul3A_1075 = arith.muli %mul3A_1061, %mul3A_1074 : i32
      %broadcast_in_dim3A = vector.broadcast %mul3A_1075 : i32 to vector<16xi32>
      %add3A_1076 = arith.addi %broadcast_in_dim3A, %iota3A : vector<16xi32>
      %mul3A_1077 = arith.constant 2 : i32
      %mul3A_1078 = arith.muli %mul3A_1077, %scan3A_1058 : i32
      %add3A_1079 = arith.constant 1 : i32
      %add3A_1080 = arith.addi %mul3A_1078, %add3A_1079 : i32
      %mul3A_1081 = arith.constant 16 : i32
      %mul3A_1082 = arith.muli %add3A_1080, %mul3A_1081 : i32
      %get3A_1083 = arith.index_cast %mul3A_1082 : i32 to index
      %get3A_1084 = tpu.vector_load %arg9[%get3A_1083] {strides = array<i32>} : memref<16384xi32, #tpu.memory_space<vmem>>, vector<16xi32>,
      %sub3A_1085 = vector.broadcast %select_n3A : i32 to vector<16xi32>
      %sub3A_1086 = arith.subi %get3A_1084, %sub3A_1085 : vector<16xi32>
      %ge3A_1087 = arith.constant 0 : i32
      %ge3A_1088 = vector.broadcast %ge3A_1087 : i32 to vector<16xi32>
      %ge3A_1089 = arith.cmpi sge, %sub3A_1086, %ge3A_1088 : vector<16xi32>
      %lt3A_1090 = vector.broadcast %select_n3A_10 : i32 to vector<16xi32>
      %lt3A_1091 = arith.cmpi slt, %sub3A_1086, %lt3A_1090 : vector<16xi32>
      %and3A_1092 = arith.andi %ge3A_1089, %lt3A_1091 : vector<16xi1>
      %unique3A_1093, %unique3A_1094 = tpu.scan_count mask(%and3A_1092 : vector<16xi1>) value(%get3A_1084 : vector<16xi32>) : vector<16xi1>, vector<16xi32>
      %and3A_1095 = arith.andi %and3A_1092, %unique3A_1093 : vector<16xi1>
      %mul3A_1096 = arith.constant 16 : i32
      %mul3A_1097 = arith.muli %add3A_1080, %mul3A_1096 : i32
      %broadcast_in_dim3A_1098 = vector.broadcast %mul3A_1097 : i32 to vector<16xi32>
      %add3A_1099 = arith.addi %broadcast_in_dim3A_1098, %iota3A : vector<16xi32>
      tpu.vector_store_idx %arg11[%sub3A_1066], %add3A_1076 masked %and3A_1073 : memref<3136xi32, #tpu.memory_space<vmem>>[vector<16xi32>], vector<16xi32>, vector<16xi1>
      tpu.vector_store_idx %arg11[%sub3A_1086], %add3A_1099 masked %and3A_1095 : memref<3136xi32, #tpu.memory_space<vmem>>[vector<16xi32>], vector<16xi32>, vector<16xi1>
      %scan3A_1100 = arith.constant 0 : i32
      scf.yield %scan3A_1100 : i32
    }
    %scan3A_165 = arith.constant 43 : i32
    %dma_wait3A_166 = arith.constant 0 : i32
    %dma_wait3A_167 = tpu.memref_slice %arg5[%add3A_127, %dma_wait3A_166] : memref<100000x128xf32, #tpu.memory_space<hbm>> -> memref<128x128xf32, #tpu.memory_space<hbm>>
    %dma_wait3A_168 = arith.constant 0 : i32
    %dma_wait3A_169 = tpu.memref_slice %arg5[%add3A_127, %dma_wait3A_168] : memref<100000x128xf32, #tpu.memory_space<hbm>> -> memref<128x128xf32, #tpu.memory_space<hbm>>
    tpu.wait_dma2 semaphore(%arg21 : memref<!tpu.dma_semaphore, #tpu.memory_space<semaphore_mem>>) src(%dma_wait3A_169 : memref<128x128xf32, #tpu.memory_space<hbm>>) dst(%arg17 : memref<128x128xf32, #tpu.memory_space<vmem>>)
    %add3A_170 = arith.constant 640 : i32
    %add3A_171 = arith.addi %select_n3A, %add3A_170 : i32
    %dma_start3A_172 = arith.constant 0 : i32
    %dma_start3A_173 = tpu.memref_slice %arg7[%add3A_171, %dma_start3A_172] : memref<100000x128xf32, #tpu.memory_space<hbm>> -> memref<128x128xf32, #tpu.memory_space<hbm>>
    %dma_start3A_174 = arith.constant 0 : i32
    %dma_start3A_175 = tpu.memref_slice %arg7[%add3A_171, %dma_start3A_174] : memref<100000x128xf32, #tpu.memory_space<hbm>> -> memref<128x128xf32, #tpu.memory_space<hbm>>
    tpu.enqueue_dma source(%arg17 : memref<128x128xf32, #tpu.memory_space<vmem>>) target(%dma_start3A_175 : memref<128x128xf32, #tpu.memory_space<hbm>>) target_semaphore(%arg25 : memref<!tpu.dma_semaphore, #tpu.memory_space<semaphore_mem>>)
    %dma_wait3A_176 = arith.constant 0 : i32
    %dma_wait3A_177 = tpu.memref_slice %arg7[%add3A_117, %dma_wait3A_176] : memref<100000x128xf32, #tpu.memory_space<hbm>> -> memref<128x128xf32, #tpu.memory_space<hbm>>
    %dma_wait3A_178 = arith.constant 0 : i32
    %dma_wait3A_179 = tpu.memref_slice %arg7[%add3A_117, %dma_wait3A_178] : memref<100000x128xf32, #tpu.memory_space<hbm>> -> memref<128x128xf32, #tpu.memory_space<hbm>>
    tpu.wait_dma2 semaphore(%arg27 : memref<!tpu.dma_semaphore, #tpu.memory_space<semaphore_mem>>) src(%arg19 : memref<128x128xf32, #tpu.memory_space<vmem>>) dst(%dma_wait3A_179 : memref<128x128xf32, #tpu.memory_space<hbm>>)
    %add3A_180 = arith.constant 896 : i32
    %add3A_181 = arith.addi %select_n3A, %add3A_180 : i32
    %dma_start3A_182 = arith.constant 0 : i32
    %dma_start3A_183 = tpu.memref_slice %arg5[%add3A_181, %dma_start3A_182] : memref<100000x128xf32, #tpu.memory_space<hbm>> -> memref<128x128xf32, #tpu.memory_space<hbm>>
    %dma_start3A_184 = arith.constant 0 : i32
    %dma_start3A_185 = tpu.memref_slice %arg5[%add3A_181, %dma_start3A_184] : memref<100000x128xf32, #tpu.memory_space<hbm>> -> memref<128x128xf32, #tpu.memory_space<hbm>>
    tpu.enqueue_dma source(%dma_start3A_185 : memref<128x128xf32, #tpu.memory_space<hbm>>) target(%arg19 : memref<128x128xf32, #tpu.memory_space<vmem>>) target_semaphore(%arg23 : memref<!tpu.dma_semaphore, #tpu.memory_space<semaphore_mem>>)
    %scan3A_186 = arith.constant 0 : i32
    %scan3A_187 = arith.constant 256 : i32
    %scan3A_188 = arith.constant 42 : i32
    %scan3A_189 = arith.addi %scan3A_187, %scan3A_188 : i32
    %scan3A_190 = arith.constant 1 : i32
    %scan3A_191 = scf.for %scan3A_1058 = %scan3A_187 to %scan3A_189 step %scan3A_190 iter_args(%scan3A_1059 = %scan3A_186) -> (i32)  : i32 {
      %mul3A_1060 = arith.constant 2 : i32
      %mul3A_1061 = arith.muli %mul3A_1060, %scan3A_1058 : i32
      %mul3A_1062 = arith.constant 16 : i32
      %mul3A_1063 = arith.muli %mul3A_1061, %mul3A_1062 : i32
      %get3A = arith.index_cast %mul3A_1063 : i32 to index
      %get3A_1064 = tpu.vector_load %arg9[%get3A] {strides = array<i32>} : memref<16384xi32, #tpu.memory_space<vmem>>, vector<16xi32>,
      %sub3A_1065 = vector.broadcast %select_n3A : i32 to vector<16xi32>
      %sub3A_1066 = arith.subi %get3A_1064, %sub3A_1065 : vector<16xi32>
      %ge3A = arith.constant 0 : i32
      %ge3A_1067 = vector.broadcast %ge3A : i32 to vector<16xi32>
      %ge3A_1068 = arith.cmpi sge, %sub3A_1066, %ge3A_1067 : vector<16xi32>
      %lt3A_1069 = vector.broadcast %select_n3A_10 : i32 to vector<16xi32>
      %lt3A_1070 = arith.cmpi slt, %sub3A_1066, %lt3A_1069 : vector<16xi32>
      %and3A_1071 = arith.andi %ge3A_1068, %lt3A_1070 : vector<16xi1>
      %unique3A, %unique3A_1072 = tpu.scan_count mask(%and3A_1071 : vector<16xi1>) value(%get3A_1064 : vector<16xi32>) : vector<16xi1>, vector<16xi32>
      %and3A_1073 = arith.andi %and3A_1071, %unique3A : vector<16xi1>
      %mul3A_1074 = arith.constant 16 : i32
      %mul3A_1075 = arith.muli %mul3A_1061, %mul3A_1074 : i32
      %broadcast_in_dim3A = vector.broadcast %mul3A_1075 : i32 to vector<16xi32>
      %add3A_1076 = arith.addi %broadcast_in_dim3A, %iota3A : vector<16xi32>
      %mul3A_1077 = arith.constant 2 : i32
      %mul3A_1078 = arith.muli %mul3A_1077, %scan3A_1058 : i32
      %add3A_1079 = arith.constant 1 : i32
      %add3A_1080 = arith.addi %mul3A_1078, %add3A_1079 : i32
      %mul3A_1081 = arith.constant 16 : i32
      %mul3A_1082 = arith.muli %add3A_1080, %mul3A_1081 : i32
      %get3A_1083 = arith.index_cast %mul3A_1082 : i32 to index
      %get3A_1084 = tpu.vector_load %arg9[%get3A_1083] {strides = array<i32>} : memref<16384xi32, #tpu.memory_space<vmem>>, vector<16xi32>,
      %sub3A_1085 = vector.broadcast %select_n3A : i32 to vector<16xi32>
      %sub3A_1086 = arith.subi %get3A_1084, %sub3A_1085 : vector<16xi32>
      %ge3A_1087 = arith.constant 0 : i32
      %ge3A_1088 = vector.broadcast %ge3A_1087 : i32 to vector<16xi32>
      %ge3A_1089 = arith.cmpi sge, %sub3A_1086, %ge3A_1088 : vector<16xi32>
      %lt3A_1090 = vector.broadcast %select_n3A_10 : i32 to vector<16xi32>
      %lt3A_1091 = arith.cmpi slt, %sub3A_1086, %lt3A_1090 : vector<16xi32>
      %and3A_1092 = arith.andi %ge3A_1089, %lt3A_1091 : vector<16xi1>
      %unique3A_1093, %unique3A_1094 = tpu.scan_count mask(%and3A_1092 : vector<16xi1>) value(%get3A_1084 : vector<16xi32>) : vector<16xi1>, vector<16xi32>
      %and3A_1095 = arith.andi %and3A_1092, %unique3A_1093 : vector<16xi1>
      %mul3A_1096 = arith.constant 16 : i32
      %mul3A_1097 = arith.muli %add3A_1080, %mul3A_1096 : i32
      %broadcast_in_dim3A_1098 = vector.broadcast %mul3A_1097 : i32 to vector<16xi32>
      %add3A_1099 = arith.addi %broadcast_in_dim3A_1098, %iota3A : vector<16xi32>
      tpu.vector_store_idx %arg11[%sub3A_1066], %add3A_1076 masked %and3A_1073 : memref<3136xi32, #tpu.memory_space<vmem>>[vector<16xi32>], vector<16xi32>, vector<16xi1>
      tpu.vector_store_idx %arg11[%sub3A_1086], %add3A_1099 masked %and3A_1095 : memref<3136xi32, #tpu.memory_space<vmem>>[vector<16xi32>], vector<16xi32>, vector<16xi1>
      %scan3A_1100 = arith.constant 0 : i32
      scf.yield %scan3A_1100 : i32
    }
    %scan3A_192 = arith.constant 42 : i32
    %dma_wait3A_193 = arith.constant 0 : i32
    %dma_wait3A_194 = tpu.memref_slice %arg5[%add3A_154, %dma_wait3A_193] : memref<100000x128xf32, #tpu.memory_space<hbm>> -> memref<128x128xf32, #tpu.memory_space<hbm>>
    %dma_wait3A_195 = arith.constant 0 : i32
    %dma_wait3A_196 = tpu.memref_slice %arg5[%add3A_154, %dma_wait3A_195] : memref<100000x128xf32, #tpu.memory_space<hbm>> -> memref<128x128xf32, #tpu.memory_space<hbm>>
    tpu.wait_dma2 semaphore(%arg22 : memref<!tpu.dma_semaphore, #tpu.memory_space<semaphore_mem>>) src(%dma_wait3A_196 : memref<128x128xf32, #tpu.memory_space<hbm>>) dst(%arg18 : memref<128x128xf32, #tpu.memory_space<vmem>>)
    %add3A_197 = arith.constant 768 : i32
    %add3A_198 = arith.addi %select_n3A, %add3A_197 : i32
    %dma_start3A_199 = arith.constant 0 : i32
    %dma_start3A_200 = tpu.memref_slice %arg7[%add3A_198, %dma_start3A_199] : memref<100000x128xf32, #tpu.memory_space<hbm>> -> memref<128x128xf32, #tpu.memory_space<hbm>>
    %dma_start3A_201 = arith.constant 0 : i32
    %dma_start3A_202 = tpu.memref_slice %arg7[%add3A_198, %dma_start3A_201] : memref<100000x128xf32, #tpu.memory_space<hbm>> -> memref<128x128xf32, #tpu.memory_space<hbm>>
    tpu.enqueue_dma source(%arg18 : memref<128x128xf32, #tpu.memory_space<vmem>>) target(%dma_start3A_202 : memref<128x128xf32, #tpu.memory_space<hbm>>) target_semaphore(%arg26 : memref<!tpu.dma_semaphore, #tpu.memory_space<semaphore_mem>>)
    %dma_wait3A_203 = arith.constant 0 : i32
    %dma_wait3A_204 = tpu.memref_slice %arg7[%add3A_144, %dma_wait3A_203] : memref<100000x128xf32, #tpu.memory_space<hbm>> -> memref<128x128xf32, #tpu.memory_space<hbm>>
    %dma_wait3A_205 = arith.constant 0 : i32
    %dma_wait3A_206 = tpu.memref_slice %arg7[%add3A_144, %dma_wait3A_205] : memref<100000x128xf32, #tpu.memory_space<hbm>> -> memref<128x128xf32, #tpu.memory_space<hbm>>
    tpu.wait_dma2 semaphore(%arg24 : memref<!tpu.dma_semaphore, #tpu.memory_space<semaphore_mem>>) src(%arg16 : memref<128x128xf32, #tpu.memory_space<vmem>>) dst(%dma_wait3A_206 : memref<128x128xf32, #tpu.memory_space<hbm>>)
    %add3A_207 = arith.constant 1024 : i32
    %add3A_208 = arith.addi %select_n3A, %add3A_207 : i32
    %dma_start3A_209 = arith.constant 0 : i32
    %dma_start3A_210 = tpu.memref_slice %arg5[%add3A_208, %dma_start3A_209] : memref<100000x128xf32, #tpu.memory_space<hbm>> -> memref<128x128xf32, #tpu.memory_space<hbm>>
    %dma_start3A_211 = arith.constant 0 : i32
    %dma_start3A_212 = tpu.memref_slice %arg5[%add3A_208, %dma_start3A_211] : memref<100000x128xf32, #tpu.memory_space<hbm>> -> memref<128x128xf32, #tpu.memory_space<hbm>>
    tpu.enqueue_dma source(%dma_start3A_212 : memref<128x128xf32, #tpu.memory_space<hbm>>) target(%arg16 : memref<128x128xf32, #tpu.memory_space<vmem>>) target_semaphore(%arg20 : memref<!tpu.dma_semaphore, #tpu.memory_space<semaphore_mem>>)
    %scan3A_213 = arith.constant 0 : i32
    %scan3A_214 = arith.constant 298 : i32
    %scan3A_215 = arith.constant 43 : i32
    %scan3A_216 = arith.addi %scan3A_214, %scan3A_215 : i32
    %scan3A_217 = arith.constant 1 : i32
    %scan3A_218 = scf.for %scan3A_1058 = %scan3A_214 to %scan3A_216 step %scan3A_217 iter_args(%scan3A_1059 = %scan3A_213) -> (i32)  : i32 {
      %mul3A_1060 = arith.constant 2 : i32
      %mul3A_1061 = arith.muli %mul3A_1060, %scan3A_1058 : i32
      %mul3A_1062 = arith.constant 16 : i32
      %mul3A_1063 = arith.muli %mul3A_1061, %mul3A_1062 : i32
      %get3A = arith.index_cast %mul3A_1063 : i32 to index
      %get3A_1064 = tpu.vector_load %arg9[%get3A] {strides = array<i32>} : memref<16384xi32, #tpu.memory_space<vmem>>, vector<16xi32>,
      %sub3A_1065 = vector.broadcast %select_n3A : i32 to vector<16xi32>
      %sub3A_1066 = arith.subi %get3A_1064, %sub3A_1065 : vector<16xi32>
      %ge3A = arith.constant 0 : i32
      %ge3A_1067 = vector.broadcast %ge3A : i32 to vector<16xi32>
      %ge3A_1068 = arith.cmpi sge, %sub3A_1066, %ge3A_1067 : vector<16xi32>
      %lt3A_1069 = vector.broadcast %select_n3A_10 : i32 to vector<16xi32>
      %lt3A_1070 = arith.cmpi slt, %sub3A_1066, %lt3A_1069 : vector<16xi32>
      %and3A_1071 = arith.andi %ge3A_1068, %lt3A_1070 : vector<16xi1>
      %unique3A, %unique3A_1072 = tpu.scan_count mask(%and3A_1071 : vector<16xi1>) value(%get3A_1064 : vector<16xi32>) : vector<16xi1>, vector<16xi32>
      %and3A_1073 = arith.andi %and3A_1071, %unique3A : vector<16xi1>
      %mul3A_1074 = arith.constant 16 : i32
      %mul3A_1075 = arith.muli %mul3A_1061, %mul3A_1074 : i32
      %broadcast_in_dim3A = vector.broadcast %mul3A_1075 : i32 to vector<16xi32>
      %add3A_1076 = arith.addi %broadcast_in_dim3A, %iota3A : vector<16xi32>
      %mul3A_1077 = arith.constant 2 : i32
      %mul3A_1078 = arith.muli %mul3A_1077, %scan3A_1058 : i32
      %add3A_1079 = arith.constant 1 : i32
      %add3A_1080 = arith.addi %mul3A_1078, %add3A_1079 : i32
      %mul3A_1081 = arith.constant 16 : i32
      %mul3A_1082 = arith.muli %add3A_1080, %mul3A_1081 : i32
      %get3A_1083 = arith.index_cast %mul3A_1082 : i32 to index
      %get3A_1084 = tpu.vector_load %arg9[%get3A_1083] {strides = array<i32>} : memref<16384xi32, #tpu.memory_space<vmem>>, vector<16xi32>,
      %sub3A_1085 = vector.broadcast %select_n3A : i32 to vector<16xi32>
      %sub3A_1086 = arith.subi %get3A_1084, %sub3A_1085 : vector<16xi32>
      %ge3A_1087 = arith.constant 0 : i32
      %ge3A_1088 = vector.broadcast %ge3A_1087 : i32 to vector<16xi32>
      %ge3A_1089 = arith.cmpi sge, %sub3A_1086, %ge3A_1088 : vector<16xi32>
      %lt3A_1090 = vector.broadcast %select_n3A_10 : i32 to vector<16xi32>
      %lt3A_1091 = arith.cmpi slt, %sub3A_1086, %lt3A_1090 : vector<16xi32>
      %and3A_1092 = arith.andi %ge3A_1089, %lt3A_1091 : vector<16xi1>
      %unique3A_1093, %unique3A_1094 = tpu.scan_count mask(%and3A_1092 : vector<16xi1>) value(%get3A_1084 : vector<16xi32>) : vector<16xi1>, vector<16xi32>
      %and3A_1095 = arith.andi %and3A_1092, %unique3A_1093 : vector<16xi1>
      %mul3A_1096 = arith.constant 16 : i32
      %mul3A_1097 = arith.muli %add3A_1080, %mul3A_1096 : i32
      %broadcast_in_dim3A_1098 = vector.broadcast %mul3A_1097 : i32 to vector<16xi32>
      %add3A_1099 = arith.addi %broadcast_in_dim3A_1098, %iota3A : vector<16xi32>
      tpu.vector_store_idx %arg11[%sub3A_1066], %add3A_1076 masked %and3A_1073 : memref<3136xi32, #tpu.memory_space<vmem>>[vector<16xi32>], vector<16xi32>, vector<16xi1>
      tpu.vector_store_idx %arg11[%sub3A_1086], %add3A_1099 masked %and3A_1095 : memref<3136xi32, #tpu.memory_space<vmem>>[vector<16xi32>], vector<16xi32>, vector<16xi1>
      %scan3A_1100 = arith.constant 0 : i32
      scf.yield %scan3A_1100 : i32
    }
    %scan3A_219 = arith.constant 43 : i32
    %dma_wait3A_220 = arith.constant 0 : i32
    %dma_wait3A_221 = tpu.memref_slice %arg5[%add3A_181, %dma_wait3A_220] : memref<100000x128xf32, #tpu.memory_space<hbm>> -> memref<128x128xf32, #tpu.memory_space<hbm>>
    %dma_wait3A_222 = arith.constant 0 : i32
    %dma_wait3A_223 = tpu.memref_slice %arg5[%add3A_181, %dma_wait3A_222] : memref<100000x128xf32, #tpu.memory_space<hbm>> -> memref<128x128xf32, #tpu.memory_space<hbm>>
    tpu.wait_dma2 semaphore(%arg23 : memref<!tpu.dma_semaphore, #tpu.memory_space<semaphore_mem>>) src(%dma_wait3A_223 : memref<128x128xf32, #tpu.memory_space<hbm>>) dst(%arg19 : memref<128x128xf32, #tpu.memory_space<vmem>>)
    %add3A_224 = arith.constant 896 : i32
    %add3A_225 = arith.addi %select_n3A, %add3A_224 : i32
    %dma_start3A_226 = arith.constant 0 : i32
    %dma_start3A_227 = tpu.memref_slice %arg7[%add3A_225, %dma_start3A_226] : memref<100000x128xf32, #tpu.memory_space<hbm>> -> memref<128x128xf32, #tpu.memory_space<hbm>>
    %dma_start3A_228 = arith.constant 0 : i32
    %dma_start3A_229 = tpu.memref_slice %arg7[%add3A_225, %dma_start3A_228] : memref<100000x128xf32, #tpu.memory_space<hbm>> -> memref<128x128xf32, #tpu.memory_space<hbm>>
    tpu.enqueue_dma source(%arg19 : memref<128x128xf32, #tpu.memory_space<vmem>>) target(%dma_start3A_229 : memref<128x128xf32, #tpu.memory_space<hbm>>) target_semaphore(%arg27 : memref<!tpu.dma_semaphore, #tpu.memory_space<semaphore_mem>>)
    %dma_wait3A_230 = arith.constant 0 : i32
    %dma_wait3A_231 = tpu.memref_slice %arg7[%add3A_171, %dma_wait3A_230] : memref<100000x128xf32, #tpu.memory_space<hbm>> -> memref<128x128xf32, #tpu.memory_space<hbm>>
    %dma_wait3A_232 = arith.constant 0 : i32
    %dma_wait3A_233 = tpu.memref_slice %arg7[%add3A_171, %dma_wait3A_232] : memref<100000x128xf32, #tpu.memory_space<hbm>> -> memref<128x128xf32, #tpu.memory_space<hbm>>
    tpu.wait_dma2 semaphore(%arg25 : memref<!tpu.dma_semaphore, #tpu.memory_space<semaphore_mem>>) src(%arg17 : memref<128x128xf32, #tpu.memory_space<vmem>>) dst(%dma_wait3A_233 : memref<128x128xf32, #tpu.memory_space<hbm>>)
    %add3A_234 = arith.constant 1152 : i32
    %add3A_235 = arith.addi %select_n3A, %add3A_234 : i32
    %dma_start3A_236 = arith.constant 0 : i32
    %dma_start3A_237 = tpu.memref_slice %arg5[%add3A_235, %dma_start3A_236] : memref<100000x128xf32, #tpu.memory_space<hbm>> -> memref<128x128xf32, #tpu.memory_space<hbm>>
    %dma_start3A_238 = arith.constant 0 : i32
    %dma_start3A_239 = tpu.memref_slice %arg5[%add3A_235, %dma_start3A_238] : memref<100000x128xf32, #tpu.memory_space<hbm>> -> memref<128x128xf32, #tpu.memory_space<hbm>>
    tpu.enqueue_dma source(%dma_start3A_239 : memref<128x128xf32, #tpu.memory_space<hbm>>) target(%arg17 : memref<128x128xf32, #tpu.memory_space<vmem>>) target_semaphore(%arg21 : memref<!tpu.dma_semaphore, #tpu.memory_space<semaphore_mem>>)
    %scan3A_240 = arith.constant 0 : i32
    %scan3A_241 = arith.constant 341 : i32
    %scan3A_242 = arith.constant 43 : i32
    %scan3A_243 = arith.addi %scan3A_241, %scan3A_242 : i32
    %scan3A_244 = arith.constant 1 : i32
    %scan3A_245 = scf.for %scan3A_1058 = %scan3A_241 to %scan3A_243 step %scan3A_244 iter_args(%scan3A_1059 = %scan3A_240) -> (i32)  : i32 {
      %mul3A_1060 = arith.constant 2 : i32
      %mul3A_1061 = arith.muli %mul3A_1060, %scan3A_1058 : i32
      %mul3A_1062 = arith.constant 16 : i32
      %mul3A_1063 = arith.muli %mul3A_1061, %mul3A_1062 : i32
      %get3A = arith.index_cast %mul3A_1063 : i32 to index
      %get3A_1064 = tpu.vector_load %arg9[%get3A] {strides = array<i32>} : memref<16384xi32, #tpu.memory_space<vmem>>, vector<16xi32>,
      %sub3A_1065 = vector.broadcast %select_n3A : i32 to vector<16xi32>
      %sub3A_1066 = arith.subi %get3A_1064, %sub3A_1065 : vector<16xi32>
      %ge3A = arith.constant 0 : i32
      %ge3A_1067 = vector.broadcast %ge3A : i32 to vector<16xi32>
      %ge3A_1068 = arith.cmpi sge, %sub3A_1066, %ge3A_1067 : vector<16xi32>
      %lt3A_1069 = vector.broadcast %select_n3A_10 : i32 to vector<16xi32>
      %lt3A_1070 = arith.cmpi slt, %sub3A_1066, %lt3A_1069 : vector<16xi32>
      %and3A_1071 = arith.andi %ge3A_1068, %lt3A_1070 : vector<16xi1>
      %unique3A, %unique3A_1072 = tpu.scan_count mask(%and3A_1071 : vector<16xi1>) value(%get3A_1064 : vector<16xi32>) : vector<16xi1>, vector<16xi32>
      %and3A_1073 = arith.andi %and3A_1071, %unique3A : vector<16xi1>
      %mul3A_1074 = arith.constant 16 : i32
      %mul3A_1075 = arith.muli %mul3A_1061, %mul3A_1074 : i32
      %broadcast_in_dim3A = vector.broadcast %mul3A_1075 : i32 to vector<16xi32>
      %add3A_1076 = arith.addi %broadcast_in_dim3A, %iota3A : vector<16xi32>
      %mul3A_1077 = arith.constant 2 : i32
      %mul3A_1078 = arith.muli %mul3A_1077, %scan3A_1058 : i32
      %add3A_1079 = arith.constant 1 : i32
      %add3A_1080 = arith.addi %mul3A_1078, %add3A_1079 : i32
      %mul3A_1081 = arith.constant 16 : i32
      %mul3A_1082 = arith.muli %add3A_1080, %mul3A_1081 : i32
      %get3A_1083 = arith.index_cast %mul3A_1082 : i32 to index
      %get3A_1084 = tpu.vector_load %arg9[%get3A_1083] {strides = array<i32>} : memref<16384xi32, #tpu.memory_space<vmem>>, vector<16xi32>,
      %sub3A_1085 = vector.broadcast %select_n3A : i32 to vector<16xi32>
      %sub3A_1086 = arith.subi %get3A_1084, %sub3A_1085 : vector<16xi32>
      %ge3A_1087 = arith.constant 0 : i32
      %ge3A_1088 = vector.broadcast %ge3A_1087 : i32 to vector<16xi32>
      %ge3A_1089 = arith.cmpi sge, %sub3A_1086, %ge3A_1088 : vector<16xi32>
      %lt3A_1090 = vector.broadcast %select_n3A_10 : i32 to vector<16xi32>
      %lt3A_1091 = arith.cmpi slt, %sub3A_1086, %lt3A_1090 : vector<16xi32>
      %and3A_1092 = arith.andi %ge3A_1089, %lt3A_1091 : vector<16xi1>
      %unique3A_1093, %unique3A_1094 = tpu.scan_count mask(%and3A_1092 : vector<16xi1>) value(%get3A_1084 : vector<16xi32>) : vector<16xi1>, vector<16xi32>
      %and3A_1095 = arith.andi %and3A_1092, %unique3A_1093 : vector<16xi1>
      %mul3A_1096 = arith.constant 16 : i32
      %mul3A_1097 = arith.muli %add3A_1080, %mul3A_1096 : i32
      %broadcast_in_dim3A_1098 = vector.broadcast %mul3A_1097 : i32 to vector<16xi32>
      %add3A_1099 = arith.addi %broadcast_in_dim3A_1098, %iota3A : vector<16xi32>
      tpu.vector_store_idx %arg11[%sub3A_1066], %add3A_1076 masked %and3A_1073 : memref<3136xi32, #tpu.memory_space<vmem>>[vector<16xi32>], vector<16xi32>, vector<16xi1>
      tpu.vector_store_idx %arg11[%sub3A_1086], %add3A_1099 masked %and3A_1095 : memref<3136xi32, #tpu.memory_space<vmem>>[vector<16xi32>], vector<16xi32>, vector<16xi1>
      %scan3A_1100 = arith.constant 0 : i32
      scf.yield %scan3A_1100 : i32
    }
    %scan3A_246 = arith.constant 43 : i32
    %dma_wait3A_247 = arith.constant 0 : i32
    %dma_wait3A_248 = tpu.memref_slice %arg5[%add3A_208, %dma_wait3A_247] : memref<100000x128xf32, #tpu.memory_space<hbm>> -> memref<128x128xf32, #tpu.memory_space<hbm>>
    %dma_wait3A_249 = arith.constant 0 : i32
    %dma_wait3A_250 = tpu.memref_slice %arg5[%add3A_208, %dma_wait3A_249] : memref<100000x128xf32, #tpu.memory_space<hbm>> -> memref<128x128xf32, #tpu.memory_space<hbm>>
    tpu.wait_dma2 semaphore(%arg20 : memref<!tpu.dma_semaphore, #tpu.memory_space<semaphore_mem>>) src(%dma_wait3A_250 : memref<128x128xf32, #tpu.memory_space<hbm>>) dst(%arg16 : memref<128x128xf32, #tpu.memory_space<vmem>>)
    %add3A_251 = arith.constant 1024 : i32
    %add3A_252 = arith.addi %select_n3A, %add3A_251 : i32
    %dma_start3A_253 = arith.constant 0 : i32
    %dma_start3A_254 = tpu.memref_slice %arg7[%add3A_252, %dma_start3A_253] : memref<100000x128xf32, #tpu.memory_space<hbm>> -> memref<128x128xf32, #tpu.memory_space<hbm>>
    %dma_start3A_255 = arith.constant 0 : i32
    %dma_start3A_256 = tpu.memref_slice %arg7[%add3A_252, %dma_start3A_255] : memref<100000x128xf32, #tpu.memory_space<hbm>> -> memref<128x128xf32, #tpu.memory_space<hbm>>
    tpu.enqueue_dma source(%arg16 : memref<128x128xf32, #tpu.memory_space<vmem>>) target(%dma_start3A_256 : memref<128x128xf32, #tpu.memory_space<hbm>>) target_semaphore(%arg24 : memref<!tpu.dma_semaphore, #tpu.memory_space<semaphore_mem>>)
    %dma_wait3A_257 = arith.constant 0 : i32
    %dma_wait3A_258 = tpu.memref_slice %arg7[%add3A_198, %dma_wait3A_257] : memref<100000x128xf32, #tpu.memory_space<hbm>> -> memref<128x128xf32, #tpu.memory_space<hbm>>
    %dma_wait3A_259 = arith.constant 0 : i32
    %dma_wait3A_260 = tpu.memref_slice %arg7[%add3A_198, %dma_wait3A_259] : memref<100000x128xf32, #tpu.memory_space<hbm>> -> memref<128x128xf32, #tpu.memory_space<hbm>>
    tpu.wait_dma2 semaphore(%arg26 : memref<!tpu.dma_semaphore, #tpu.memory_space<semaphore_mem>>) src(%arg18 : memref<128x128xf32, #tpu.memory_space<vmem>>) dst(%dma_wait3A_260 : memref<128x128xf32, #tpu.memory_space<hbm>>)
    %add3A_261 = arith.constant 1280 : i32
    %add3A_262 = arith.addi %select_n3A, %add3A_261 : i32
    %dma_start3A_263 = arith.constant 0 : i32
    %dma_start3A_264 = tpu.memref_slice %arg5[%add3A_262, %dma_start3A_263] : memref<100000x128xf32, #tpu.memory_space<hbm>> -> memref<128x128xf32, #tpu.memory_space<hbm>>
    %dma_start3A_265 = arith.constant 0 : i32
    %dma_start3A_266 = tpu.memref_slice %arg5[%add3A_262, %dma_start3A_265] : memref<100000x128xf32, #tpu.memory_space<hbm>> -> memref<128x128xf32, #tpu.memory_space<hbm>>
    tpu.enqueue_dma source(%dma_start3A_266 : memref<128x128xf32, #tpu.memory_space<hbm>>) target(%arg18 : memref<128x128xf32, #tpu.memory_space<vmem>>) target_semaphore(%arg22 : memref<!tpu.dma_semaphore, #tpu.memory_space<semaphore_mem>>)
    %scan3A_267 = arith.constant 0 : i32
    %scan3A_268 = arith.constant 384 : i32
    %scan3A_269 = arith.constant 42 : i32
    %scan3A_270 = arith.addi %scan3A_268, %scan3A_269 : i32
    %scan3A_271 = arith.constant 1 : i32
    %scan3A_272 = scf.for %scan3A_1058 = %scan3A_268 to %scan3A_270 step %scan3A_271 iter_args(%scan3A_1059 = %scan3A_267) -> (i32)  : i32 {
      %mul3A_1060 = arith.constant 2 : i32
      %mul3A_1061 = arith.muli %mul3A_1060, %scan3A_1058 : i32
      %mul3A_1062 = arith.constant 16 : i32
      %mul3A_1063 = arith.muli %mul3A_1061, %mul3A_1062 : i32
      %get3A = arith.index_cast %mul3A_1063 : i32 to index
      %get3A_1064 = tpu.vector_load %arg9[%get3A] {strides = array<i32>} : memref<16384xi32, #tpu.memory_space<vmem>>, vector<16xi32>,
      %sub3A_1065 = vector.broadcast %select_n3A : i32 to vector<16xi32>
      %sub3A_1066 = arith.subi %get3A_1064, %sub3A_1065 : vector<16xi32>
      %ge3A = arith.constant 0 : i32
      %ge3A_1067 = vector.broadcast %ge3A : i32 to vector<16xi32>
      %ge3A_1068 = arith.cmpi sge, %sub3A_1066, %ge3A_1067 : vector<16xi32>
      %lt3A_1069 = vector.broadcast %select_n3A_10 : i32 to vector<16xi32>
      %lt3A_1070 = arith.cmpi slt, %sub3A_1066, %lt3A_1069 : vector<16xi32>
      %and3A_1071 = arith.andi %ge3A_1068, %lt3A_1070 : vector<16xi1>
      %unique3A, %unique3A_1072 = tpu.scan_count mask(%and3A_1071 : vector<16xi1>) value(%get3A_1064 : vector<16xi32>) : vector<16xi1>, vector<16xi32>
      %and3A_1073 = arith.andi %and3A_1071, %unique3A : vector<16xi1>
      %mul3A_1074 = arith.constant 16 : i32
      %mul3A_1075 = arith.muli %mul3A_1061, %mul3A_1074 : i32
      %broadcast_in_dim3A = vector.broadcast %mul3A_1075 : i32 to vector<16xi32>
      %add3A_1076 = arith.addi %broadcast_in_dim3A, %iota3A : vector<16xi32>
      %mul3A_1077 = arith.constant 2 : i32
      %mul3A_1078 = arith.muli %mul3A_1077, %scan3A_1058 : i32
      %add3A_1079 = arith.constant 1 : i32
      %add3A_1080 = arith.addi %mul3A_1078, %add3A_1079 : i32
      %mul3A_1081 = arith.constant 16 : i32
      %mul3A_1082 = arith.muli %add3A_1080, %mul3A_1081 : i32
      %get3A_1083 = arith.index_cast %mul3A_1082 : i32 to index
      %get3A_1084 = tpu.vector_load %arg9[%get3A_1083] {strides = array<i32>} : memref<16384xi32, #tpu.memory_space<vmem>>, vector<16xi32>,
      %sub3A_1085 = vector.broadcast %select_n3A : i32 to vector<16xi32>
      %sub3A_1086 = arith.subi %get3A_1084, %sub3A_1085 : vector<16xi32>
      %ge3A_1087 = arith.constant 0 : i32
      %ge3A_1088 = vector.broadcast %ge3A_1087 : i32 to vector<16xi32>
      %ge3A_1089 = arith.cmpi sge, %sub3A_1086, %ge3A_1088 : vector<16xi32>
      %lt3A_1090 = vector.broadcast %select_n3A_10 : i32 to vector<16xi32>
      %lt3A_1091 = arith.cmpi slt, %sub3A_1086, %lt3A_1090 : vector<16xi32>
      %and3A_1092 = arith.andi %ge3A_1089, %lt3A_1091 : vector<16xi1>
      %unique3A_1093, %unique3A_1094 = tpu.scan_count mask(%and3A_1092 : vector<16xi1>) value(%get3A_1084 : vector<16xi32>) : vector<16xi1>, vector<16xi32>
      %and3A_1095 = arith.andi %and3A_1092, %unique3A_1093 : vector<16xi1>
      %mul3A_1096 = arith.constant 16 : i32
      %mul3A_1097 = arith.muli %add3A_1080, %mul3A_1096 : i32
      %broadcast_in_dim3A_1098 = vector.broadcast %mul3A_1097 : i32 to vector<16xi32>
      %add3A_1099 = arith.addi %broadcast_in_dim3A_1098, %iota3A : vector<16xi32>
      tpu.vector_store_idx %arg11[%sub3A_1066], %add3A_1076 masked %and3A_1073 : memref<3136xi32, #tpu.memory_space<vmem>>[vector<16xi32>], vector<16xi32>, vector<16xi1>
      tpu.vector_store_idx %arg11[%sub3A_1086], %add3A_1099 masked %and3A_1095 : memref<3136xi32, #tpu.memory_space<vmem>>[vector<16xi32>], vector<16xi32>, vector<16xi1>
      %scan3A_1100 = arith.constant 0 : i32
      scf.yield %scan3A_1100 : i32
    }
    %scan3A_273 = arith.constant 42 : i32
    %dma_wait3A_274 = arith.constant 0 : i32
    %dma_wait3A_275 = tpu.memref_slice %arg5[%add3A_235, %dma_wait3A_274] : memref<100000x128xf32, #tpu.memory_space<hbm>> -> memref<128x128xf32, #tpu.memory_space<hbm>>
    %dma_wait3A_276 = arith.constant 0 : i32
    %dma_wait3A_277 = tpu.memref_slice %arg5[%add3A_235, %dma_wait3A_276] : memref<100000x128xf32, #tpu.memory_space<hbm>> -> memref<128x128xf32, #tpu.memory_space<hbm>>
    tpu.wait_dma2 semaphore(%arg21 : memref<!tpu.dma_semaphore, #tpu.memory_space<semaphore_mem>>) src(%dma_wait3A_277 : memref<128x128xf32, #tpu.memory_space<hbm>>) dst(%arg17 : memref<128x128xf32, #tpu.memory_space<vmem>>)
    %add3A_278 = arith.constant 1152 : i32
    %add3A_279 = arith.addi %select_n3A, %add3A_278 : i32
    %dma_start3A_280 = arith.constant 0 : i32
    %dma_start3A_281 = tpu.memref_slice %arg7[%add3A_279, %dma_start3A_280] : memref<100000x128xf32, #tpu.memory_space<hbm>> -> memref<128x128xf32, #tpu.memory_space<hbm>>
    %dma_start3A_282 = arith.constant 0 : i32
    %dma_start3A_283 = tpu.memref_slice %arg7[%add3A_279, %dma_start3A_282] : memref<100000x128xf32, #tpu.memory_space<hbm>> -> memref<128x128xf32, #tpu.memory_space<hbm>>
    tpu.enqueue_dma source(%arg17 : memref<128x128xf32, #tpu.memory_space<vmem>>) target(%dma_start3A_283 : memref<128x128xf32, #tpu.memory_space<hbm>>) target_semaphore(%arg25 : memref<!tpu.dma_semaphore, #tpu.memory_space<semaphore_mem>>)
    %dma_wait3A_284 = arith.constant 0 : i32
    %dma_wait3A_285 = tpu.memref_slice %arg7[%add3A_225, %dma_wait3A_284] : memref<100000x128xf32, #tpu.memory_space<hbm>> -> memref<128x128xf32, #tpu.memory_space<hbm>>
    %dma_wait3A_286 = arith.constant 0 : i32
    %dma_wait3A_287 = tpu.memref_slice %arg7[%add3A_225, %dma_wait3A_286] : memref<100000x128xf32, #tpu.memory_space<hbm>> -> memref<128x128xf32, #tpu.memory_space<hbm>>
    tpu.wait_dma2 semaphore(%arg27 : memref<!tpu.dma_semaphore, #tpu.memory_space<semaphore_mem>>) src(%arg19 : memref<128x128xf32, #tpu.memory_space<vmem>>) dst(%dma_wait3A_287 : memref<128x128xf32, #tpu.memory_space<hbm>>)
    %add3A_288 = arith.constant 1408 : i32
    %add3A_289 = arith.addi %select_n3A, %add3A_288 : i32
    %dma_start3A_290 = arith.constant 0 : i32
    %dma_start3A_291 = tpu.memref_slice %arg5[%add3A_289, %dma_start3A_290] : memref<100000x128xf32, #tpu.memory_space<hbm>> -> memref<128x128xf32, #tpu.memory_space<hbm>>
    %dma_start3A_292 = arith.constant 0 : i32
    %dma_start3A_293 = tpu.memref_slice %arg5[%add3A_289, %dma_start3A_292] : memref<100000x128xf32, #tpu.memory_space<hbm>> -> memref<128x128xf32, #tpu.memory_space<hbm>>
    tpu.enqueue_dma source(%dma_start3A_293 : memref<128x128xf32, #tpu.memory_space<hbm>>) target(%arg19 : memref<128x128xf32, #tpu.memory_space<vmem>>) target_semaphore(%arg23 : memref<!tpu.dma_semaphore, #tpu.memory_space<semaphore_mem>>)
    %scan3A_294 = arith.constant 0 : i32
    %scan3A_295 = arith.constant 426 : i32
    %scan3A_296 = arith.constant 43 : i32
    %scan3A_297 = arith.addi %scan3A_295, %scan3A_296 : i32
    %scan3A_298 = arith.constant 1 : i32
    %scan3A_299 = scf.for %scan3A_1058 = %scan3A_295 to %scan3A_297 step %scan3A_298 iter_args(%scan3A_1059 = %scan3A_294) -> (i32)  : i32 {
      %mul3A_1060 = arith.constant 2 : i32
      %mul3A_1061 = arith.muli %mul3A_1060, %scan3A_1058 : i32
      %mul3A_1062 = arith.constant 16 : i32
      %mul3A_1063 = arith.muli %mul3A_1061, %mul3A_1062 : i32
      %get3A = arith.index_cast %mul3A_1063 : i32 to index
      %get3A_1064 = tpu.vector_load %arg9[%get3A] {strides = array<i32>} : memref<16384xi32, #tpu.memory_space<vmem>>, vector<16xi32>,
      %sub3A_1065 = vector.broadcast %select_n3A : i32 to vector<16xi32>
      %sub3A_1066 = arith.subi %get3A_1064, %sub3A_1065 : vector<16xi32>
      %ge3A = arith.constant 0 : i32
      %ge3A_1067 = vector.broadcast %ge3A : i32 to vector<16xi32>
      %ge3A_1068 = arith.cmpi sge, %sub3A_1066, %ge3A_1067 : vector<16xi32>
      %lt3A_1069 = vector.broadcast %select_n3A_10 : i32 to vector<16xi32>
      %lt3A_1070 = arith.cmpi slt, %sub3A_1066, %lt3A_1069 : vector<16xi32>
      %and3A_1071 = arith.andi %ge3A_1068, %lt3A_1070 : vector<16xi1>
      %unique3A, %unique3A_1072 = tpu.scan_count mask(%and3A_1071 : vector<16xi1>) value(%get3A_1064 : vector<16xi32>) : vector<16xi1>, vector<16xi32>
      %and3A_1073 = arith.andi %and3A_1071, %unique3A : vector<16xi1>
      %mul3A_1074 = arith.constant 16 : i32
      %mul3A_1075 = arith.muli %mul3A_1061, %mul3A_1074 : i32
      %broadcast_in_dim3A = vector.broadcast %mul3A_1075 : i32 to vector<16xi32>
      %add3A_1076 = arith.addi %broadcast_in_dim3A, %iota3A : vector<16xi32>
      %mul3A_1077 = arith.constant 2 : i32
      %mul3A_1078 = arith.muli %mul3A_1077, %scan3A_1058 : i32
      %add3A_1079 = arith.constant 1 : i32
      %add3A_1080 = arith.addi %mul3A_1078, %add3A_1079 : i32
      %mul3A_1081 = arith.constant 16 : i32
      %mul3A_1082 = arith.muli %add3A_1080, %mul3A_1081 : i32
      %get3A_1083 = arith.index_cast %mul3A_1082 : i32 to index
      %get3A_1084 = tpu.vector_load %arg9[%get3A_1083] {strides = array<i32>} : memref<16384xi32, #tpu.memory_space<vmem>>, vector<16xi32>,
      %sub3A_1085 = vector.broadcast %select_n3A : i32 to vector<16xi32>
      %sub3A_1086 = arith.subi %get3A_1084, %sub3A_1085 : vector<16xi32>
      %ge3A_1087 = arith.constant 0 : i32
      %ge3A_1088 = vector.broadcast %ge3A_1087 : i32 to vector<16xi32>
      %ge3A_1089 = arith.cmpi sge, %sub3A_1086, %ge3A_1088 : vector<16xi32>
      %lt3A_1090 = vector.broadcast %select_n3A_10 : i32 to vector<16xi32>
      %lt3A_1091 = arith.cmpi slt, %sub3A_1086, %lt3A_1090 : vector<16xi32>
      %and3A_1092 = arith.andi %ge3A_1089, %lt3A_1091 : vector<16xi1>
      %unique3A_1093, %unique3A_1094 = tpu.scan_count mask(%and3A_1092 : vector<16xi1>) value(%get3A_1084 : vector<16xi32>) : vector<16xi1>, vector<16xi32>
      %and3A_1095 = arith.andi %and3A_1092, %unique3A_1093 : vector<16xi1>
      %mul3A_1096 = arith.constant 16 : i32
      %mul3A_1097 = arith.muli %add3A_1080, %mul3A_1096 : i32
      %broadcast_in_dim3A_1098 = vector.broadcast %mul3A_1097 : i32 to vector<16xi32>
      %add3A_1099 = arith.addi %broadcast_in_dim3A_1098, %iota3A : vector<16xi32>
      tpu.vector_store_idx %arg11[%sub3A_1066], %add3A_1076 masked %and3A_1073 : memref<3136xi32, #tpu.memory_space<vmem>>[vector<16xi32>], vector<16xi32>, vector<16xi1>
      tpu.vector_store_idx %arg11[%sub3A_1086], %add3A_1099 masked %and3A_1095 : memref<3136xi32, #tpu.memory_space<vmem>>[vector<16xi32>], vector<16xi32>, vector<16xi1>
      %scan3A_1100 = arith.constant 0 : i32
      scf.yield %scan3A_1100 : i32
    }
    %scan3A_300 = arith.constant 43 : i32
    %dma_wait3A_301 = arith.constant 0 : i32
    %dma_wait3A_302 = tpu.memref_slice %arg5[%add3A_262, %dma_wait3A_301] : memref<100000x128xf32, #tpu.memory_space<hbm>> -> memref<128x128xf32, #tpu.memory_space<hbm>>
    %dma_wait3A_303 = arith.constant 0 : i32
    %dma_wait3A_304 = tpu.memref_slice %arg5[%add3A_262, %dma_wait3A_303] : memref<100000x128xf32, #tpu.memory_space<hbm>> -> memref<128x128xf32, #tpu.memory_space<hbm>>
    tpu.wait_dma2 semaphore(%arg22 : memref<!tpu.dma_semaphore, #tpu.memory_space<semaphore_mem>>) src(%dma_wait3A_304 : memref<128x128xf32, #tpu.memory_space<hbm>>) dst(%arg18 : memref<128x128xf32, #tpu.memory_space<vmem>>)
    %add3A_305 = arith.constant 1280 : i32
    %add3A_306 = arith.addi %select_n3A, %add3A_305 : i32
    %dma_start3A_307 = arith.constant 0 : i32
    %dma_start3A_308 = tpu.memref_slice %arg7[%add3A_306, %dma_start3A_307] : memref<100000x128xf32, #tpu.memory_space<hbm>> -> memref<128x128xf32, #tpu.memory_space<hbm>>
    %dma_start3A_309 = arith.constant 0 : i32
    %dma_start3A_310 = tpu.memref_slice %arg7[%add3A_306, %dma_start3A_309] : memref<100000x128xf32, #tpu.memory_space<hbm>> -> memref<128x128xf32, #tpu.memory_space<hbm>>
    tpu.enqueue_dma source(%arg18 : memref<128x128xf32, #tpu.memory_space<vmem>>) target(%dma_start3A_310 : memref<128x128xf32, #tpu.memory_space<hbm>>) target_semaphore(%arg26 : memref<!tpu.dma_semaphore, #tpu.memory_space<semaphore_mem>>)
    %dma_wait3A_311 = arith.constant 0 : i32
    %dma_wait3A_312 = tpu.memref_slice %arg7[%add3A_252, %dma_wait3A_311] : memref<100000x128xf32, #tpu.memory_space<hbm>> -> memref<128x128xf32, #tpu.memory_space<hbm>>
    %dma_wait3A_313 = arith.constant 0 : i32
    %dma_wait3A_314 = tpu.memref_slice %arg7[%add3A_252, %dma_wait3A_313] : memref<100000x128xf32, #tpu.memory_space<hbm>> -> memref<128x128xf32, #tpu.memory_space<hbm>>
    tpu.wait_dma2 semaphore(%arg24 : memref<!tpu.dma_semaphore, #tpu.memory_space<semaphore_mem>>) src(%arg16 : memref<128x128xf32, #tpu.memory_space<vmem>>) dst(%dma_wait3A_314 : memref<128x128xf32, #tpu.memory_space<hbm>>)
    %add3A_315 = arith.constant 1536 : i32
    %add3A_316 = arith.addi %select_n3A, %add3A_315 : i32
    %dma_start3A_317 = arith.constant 0 : i32
    %dma_start3A_318 = tpu.memref_slice %arg5[%add3A_316, %dma_start3A_317] : memref<100000x128xf32, #tpu.memory_space<hbm>> -> memref<128x128xf32, #tpu.memory_space<hbm>>
    %dma_start3A_319 = arith.constant 0 : i32
    %dma_start3A_320 = tpu.memref_slice %arg5[%add3A_316, %dma_start3A_319] : memref<100000x128xf32, #tpu.memory_space<hbm>> -> memref<128x128xf32, #tpu.memory_space<hbm>>
    tpu.enqueue_dma source(%dma_start3A_320 : memref<128x128xf32, #tpu.memory_space<hbm>>) target(%arg16 : memref<128x128xf32, #tpu.memory_space<vmem>>) target_semaphore(%arg20 : memref<!tpu.dma_semaphore, #tpu.memory_space<semaphore_mem>>)
    %scan3A_321 = arith.constant 0 : i32
    %scan3A_322 = arith.constant 469 : i32
    %scan3A_323 = arith.constant 43 : i32
    %scan3A_324 = arith.addi %scan3A_322, %scan3A_323 : i32
    %scan3A_325 = arith.constant 1 : i32
    %scan3A_326 = scf.for %scan3A_1058 = %scan3A_322 to %scan3A_324 step %scan3A_325 iter_args(%scan3A_1059 = %scan3A_321) -> (i32)  : i32 {
      %mul3A_1060 = arith.constant 2 : i32
      %mul3A_1061 = arith.muli %mul3A_1060, %scan3A_1058 : i32
      %mul3A_1062 = arith.constant 16 : i32
      %mul3A_1063 = arith.muli %mul3A_1061, %mul3A_1062 : i32
      %get3A = arith.index_cast %mul3A_1063 : i32 to index
      %get3A_1064 = tpu.vector_load %arg9[%get3A] {strides = array<i32>} : memref<16384xi32, #tpu.memory_space<vmem>>, vector<16xi32>,
      %sub3A_1065 = vector.broadcast %select_n3A : i32 to vector<16xi32>
      %sub3A_1066 = arith.subi %get3A_1064, %sub3A_1065 : vector<16xi32>
      %ge3A = arith.constant 0 : i32
      %ge3A_1067 = vector.broadcast %ge3A : i32 to vector<16xi32>
      %ge3A_1068 = arith.cmpi sge, %sub3A_1066, %ge3A_1067 : vector<16xi32>
      %lt3A_1069 = vector.broadcast %select_n3A_10 : i32 to vector<16xi32>
      %lt3A_1070 = arith.cmpi slt, %sub3A_1066, %lt3A_1069 : vector<16xi32>
      %and3A_1071 = arith.andi %ge3A_1068, %lt3A_1070 : vector<16xi1>
      %unique3A, %unique3A_1072 = tpu.scan_count mask(%and3A_1071 : vector<16xi1>) value(%get3A_1064 : vector<16xi32>) : vector<16xi1>, vector<16xi32>
      %and3A_1073 = arith.andi %and3A_1071, %unique3A : vector<16xi1>
      %mul3A_1074 = arith.constant 16 : i32
      %mul3A_1075 = arith.muli %mul3A_1061, %mul3A_1074 : i32
      %broadcast_in_dim3A = vector.broadcast %mul3A_1075 : i32 to vector<16xi32>
      %add3A_1076 = arith.addi %broadcast_in_dim3A, %iota3A : vector<16xi32>
      %mul3A_1077 = arith.constant 2 : i32
      %mul3A_1078 = arith.muli %mul3A_1077, %scan3A_1058 : i32
      %add3A_1079 = arith.constant 1 : i32
      %add3A_1080 = arith.addi %mul3A_1078, %add3A_1079 : i32
      %mul3A_1081 = arith.constant 16 : i32
      %mul3A_1082 = arith.muli %add3A_1080, %mul3A_1081 : i32
      %get3A_1083 = arith.index_cast %mul3A_1082 : i32 to index
      %get3A_1084 = tpu.vector_load %arg9[%get3A_1083] {strides = array<i32>} : memref<16384xi32, #tpu.memory_space<vmem>>, vector<16xi32>,
      %sub3A_1085 = vector.broadcast %select_n3A : i32 to vector<16xi32>
      %sub3A_1086 = arith.subi %get3A_1084, %sub3A_1085 : vector<16xi32>
      %ge3A_1087 = arith.constant 0 : i32
      %ge3A_1088 = vector.broadcast %ge3A_1087 : i32 to vector<16xi32>
      %ge3A_1089 = arith.cmpi sge, %sub3A_1086, %ge3A_1088 : vector<16xi32>
      %lt3A_1090 = vector.broadcast %select_n3A_10 : i32 to vector<16xi32>
      %lt3A_1091 = arith.cmpi slt, %sub3A_1086, %lt3A_1090 : vector<16xi32>
      %and3A_1092 = arith.andi %ge3A_1089, %lt3A_1091 : vector<16xi1>
      %unique3A_1093, %unique3A_1094 = tpu.scan_count mask(%and3A_1092 : vector<16xi1>) value(%get3A_1084 : vector<16xi32>) : vector<16xi1>, vector<16xi32>
      %and3A_1095 = arith.andi %and3A_1092, %unique3A_1093 : vector<16xi1>
      %mul3A_1096 = arith.constant 16 : i32
      %mul3A_1097 = arith.muli %add3A_1080, %mul3A_1096 : i32
      %broadcast_in_dim3A_1098 = vector.broadcast %mul3A_1097 : i32 to vector<16xi32>
      %add3A_1099 = arith.addi %broadcast_in_dim3A_1098, %iota3A : vector<16xi32>
      tpu.vector_store_idx %arg11[%sub3A_1066], %add3A_1076 masked %and3A_1073 : memref<3136xi32, #tpu.memory_space<vmem>>[vector<16xi32>], vector<16xi32>, vector<16xi1>
      tpu.vector_store_idx %arg11[%sub3A_1086], %add3A_1099 masked %and3A_1095 : memref<3136xi32, #tpu.memory_space<vmem>>[vector<16xi32>], vector<16xi32>, vector<16xi1>
      %scan3A_1100 = arith.constant 0 : i32
      scf.yield %scan3A_1100 : i32
    }
    %scan3A_327 = arith.constant 43 : i32
    %dma_wait3A_328 = arith.constant 0 : i32
    %dma_wait3A_329 = tpu.memref_slice %arg5[%add3A_289, %dma_wait3A_328] : memref<100000x128xf32, #tpu.memory_space<hbm>> -> memref<128x128xf32, #tpu.memory_space<hbm>>
    %dma_wait3A_330 = arith.constant 0 : i32
    %dma_wait3A_331 = tpu.memref_slice %arg5[%add3A_289, %dma_wait3A_330] : memref<100000x128xf32, #tpu.memory_space<hbm>> -> memref<128x128xf32, #tpu.memory_space<hbm>>
    tpu.wait_dma2 semaphore(%arg23 : memref<!tpu.dma_semaphore, #tpu.memory_space<semaphore_mem>>) src(%dma_wait3A_331 : memref<128x128xf32, #tpu.memory_space<hbm>>) dst(%arg19 : memref<128x128xf32, #tpu.memory_space<vmem>>)
    %add3A_332 = arith.constant 1408 : i32
    %add3A_333 = arith.addi %select_n3A, %add3A_332 : i32
    %dma_start3A_334 = arith.constant 0 : i32
    %dma_start3A_335 = tpu.memref_slice %arg7[%add3A_333, %dma_start3A_334] : memref<100000x128xf32, #tpu.memory_space<hbm>> -> memref<128x128xf32, #tpu.memory_space<hbm>>
    %dma_start3A_336 = arith.constant 0 : i32
    %dma_start3A_337 = tpu.memref_slice %arg7[%add3A_333, %dma_start3A_336] : memref<100000x128xf32, #tpu.memory_space<hbm>> -> memref<128x128xf32, #tpu.memory_space<hbm>>
    tpu.enqueue_dma source(%arg19 : memref<128x128xf32, #tpu.memory_space<vmem>>) target(%dma_start3A_337 : memref<128x128xf32, #tpu.memory_space<hbm>>) target_semaphore(%arg27 : memref<!tpu.dma_semaphore, #tpu.memory_space<semaphore_mem>>)
    %dma_wait3A_338 = arith.constant 0 : i32
    %dma_wait3A_339 = tpu.memref_slice %arg7[%add3A_279, %dma_wait3A_338] : memref<100000x128xf32, #tpu.memory_space<hbm>> -> memref<128x128xf32, #tpu.memory_space<hbm>>
    %dma_wait3A_340 = arith.constant 0 : i32
    %dma_wait3A_341 = tpu.memref_slice %arg7[%add3A_279, %dma_wait3A_340] : memref<100000x128xf32, #tpu.memory_space<hbm>> -> memref<128x128xf32, #tpu.memory_space<hbm>>
    tpu.wait_dma2 semaphore(%arg25 : memref<!tpu.dma_semaphore, #tpu.memory_space<semaphore_mem>>) src(%arg17 : memref<128x128xf32, #tpu.memory_space<vmem>>) dst(%dma_wait3A_341 : memref<128x128xf32, #tpu.memory_space<hbm>>)
    %add3A_342 = arith.constant 1664 : i32
    %add3A_343 = arith.addi %select_n3A, %add3A_342 : i32
    %dma_start3A_344 = arith.constant 0 : i32
    %dma_start3A_345 = tpu.memref_slice %arg5[%add3A_343, %dma_start3A_344] : memref<100000x128xf32, #tpu.memory_space<hbm>> -> memref<128x128xf32, #tpu.memory_space<hbm>>
    %dma_start3A_346 = arith.constant 0 : i32
    %dma_start3A_347 = tpu.memref_slice %arg5[%add3A_343, %dma_start3A_346] : memref<100000x128xf32, #tpu.memory_space<hbm>> -> memref<128x128xf32, #tpu.memory_space<hbm>>
    tpu.enqueue_dma source(%dma_start3A_347 : memref<128x128xf32, #tpu.memory_space<hbm>>) target(%arg17 : memref<128x128xf32, #tpu.memory_space<vmem>>) target_semaphore(%arg21 : memref<!tpu.dma_semaphore, #tpu.memory_space<semaphore_mem>>)
    %scan3A_348 = arith.constant 0 : i32
    %scan3A_349 = arith.constant 0 : i32
    %scan3A_350 = arith.constant 32 : i32
    %scan3A_351 = arith.addi %scan3A_349, %scan3A_350 : i32
    %scan3A_352 = arith.constant 1 : i32
    %scan3A_353 = scf.for %scan3A_1058 = %scan3A_349 to %scan3A_351 step %scan3A_352 iter_args(%scan3A_1059 = %scan3A_348) -> (i32)  : i32 {
      %mul3A_1060 = arith.constant 16 : i32
      %mul3A_1061 = arith.muli %scan3A_1058, %mul3A_1060 : i32
      %get3A = arith.index_cast %mul3A_1061 : i32 to index
      %get3A_1062 = tpu.vector_load %arg11[%get3A] {strides = array<i32>} : memref<3136xi32, #tpu.memory_space<vmem>>, vector<16xi32>,
      %broadcast_in_dim3A = arith.constant 0 : i32
      %broadcast_in_dim3A_1063 = vector.broadcast %broadcast_in_dim3A : i32 to vector<16xi32>
      %ge3A = arith.cmpi sge, %get3A_1062, %broadcast_in_dim3A_1063 : vector<16xi32>
      %jit3A_1064 = arith.constant 1 : i32
      %jit3A_1065 = arith.constant 0 : i32
      %broadcast_in_dim3A_1066 = vector.broadcast %jit3A_1064 : i32 to vector<16xi32>
      %broadcast_in_dim3A_1067 = vector.broadcast %jit3A_1065 : i32 to vector<16xi32>
      %select_n3A_1068 = arith.select %ge3A, %broadcast_in_dim3A_1066, %broadcast_in_dim3A_1067 : vector<16xi1>, vector<16xi32>
      %reduce_sum3A = arith.constant true
      %reduce_sum3A_1069 = vector.broadcast %reduce_sum3A : i1 to vector<16xi1>
      %reduce_sum3A_1070 = tpu.scan <sum>, %select_n3A_1068 masked %reduce_sum3A_1069 : vector<16xi32>, vector<16xi1> -> vector<16xi32>
      %reduce_sum3A_1071 = vector.extract %reduce_sum3A_1070[15] : i32 from vector<16xi32>
      %swap3A = arith.index_cast %scan3A_1059 : i32 to index
      %swap3A_1072 = tpu.vector_load %arg12[%swap3A] masked %ge3A {strides = array<i32>} : memref<3200xi32, #tpu.memory_space<vmem>>, vector<16xi32>, vector<16xi1>
      tpu.vector_store %arg12[%swap3A], %get3A_1062 masked %ge3A {strides = array<i32>} : memref<3200xi32, #tpu.memory_space<vmem>>, vector<16xi32>, vector<16xi1>
      %mul3A_1073 = arith.constant 16 : i32
      %mul3A_1074 = arith.muli %scan3A_1058, %mul3A_1073 : i32
      %broadcast_in_dim3A_1075 = vector.broadcast %mul3A_1074 : i32 to vector<16xi32>
      %add3A_1076 = arith.addi %broadcast_in_dim3A_1075, %iota3A : vector<16xi32>
      %swap3A_1077 = arith.index_cast %scan3A_1059 : i32 to index
      %swap3A_1078 = tpu.vector_load %arg13[%swap3A_1077] masked %ge3A {strides = array<i32>} : memref<3200xi32, #tpu.memory_space<vmem>>, vector<16xi32>, vector<16xi1>
      tpu.vector_store %arg13[%swap3A_1077], %add3A_1076 masked %ge3A {strides = array<i32>} : memref<3200xi32, #tpu.memory_space<vmem>>, vector<16xi32>, vector<16xi1>
      %add3A_1079 = arith.addi %scan3A_1059, %reduce_sum3A_1071 : i32
      scf.yield %add3A_1079 : i32
    }
    %scan3A_354 = arith.constant 32 : i32
    %dma_wait3A_355 = arith.constant 0 : i32
    %dma_wait3A_356 = tpu.memref_slice %arg5[%add3A_316, %dma_wait3A_355] : memref<100000x128xf32, #tpu.memory_space<hbm>> -> memref<128x128xf32, #tpu.memory_space<hbm>>
    %dma_wait3A_357 = arith.constant 0 : i32
    %dma_wait3A_358 = tpu.memref_slice %arg5[%add3A_316, %dma_wait3A_357] : memref<100000x128xf32, #tpu.memory_space<hbm>> -> memref<128x128xf32, #tpu.memory_space<hbm>>
    tpu.wait_dma2 semaphore(%arg20 : memref<!tpu.dma_semaphore, #tpu.memory_space<semaphore_mem>>) src(%dma_wait3A_358 : memref<128x128xf32, #tpu.memory_space<hbm>>) dst(%arg16 : memref<128x128xf32, #tpu.memory_space<vmem>>)
    %add3A_359 = arith.constant 1536 : i32
    %add3A_360 = arith.addi %select_n3A, %add3A_359 : i32
    %dma_start3A_361 = arith.constant 0 : i32
    %dma_start3A_362 = tpu.memref_slice %arg7[%add3A_360, %dma_start3A_361] : memref<100000x128xf32, #tpu.memory_space<hbm>> -> memref<128x128xf32, #tpu.memory_space<hbm>>
    %dma_start3A_363 = arith.constant 0 : i32
    %dma_start3A_364 = tpu.memref_slice %arg7[%add3A_360, %dma_start3A_363] : memref<100000x128xf32, #tpu.memory_space<hbm>> -> memref<128x128xf32, #tpu.memory_space<hbm>>
    tpu.enqueue_dma source(%arg16 : memref<128x128xf32, #tpu.memory_space<vmem>>) target(%dma_start3A_364 : memref<128x128xf32, #tpu.memory_space<hbm>>) target_semaphore(%arg24 : memref<!tpu.dma_semaphore, #tpu.memory_space<semaphore_mem>>)
    %dma_wait3A_365 = arith.constant 0 : i32
    %dma_wait3A_366 = tpu.memref_slice %arg7[%add3A_306, %dma_wait3A_365] : memref<100000x128xf32, #tpu.memory_space<hbm>> -> memref<128x128xf32, #tpu.memory_space<hbm>>
    %dma_wait3A_367 = arith.constant 0 : i32
    %dma_wait3A_368 = tpu.memref_slice %arg7[%add3A_306, %dma_wait3A_367] : memref<100000x128xf32, #tpu.memory_space<hbm>> -> memref<128x128xf32, #tpu.memory_space<hbm>>
    tpu.wait_dma2 semaphore(%arg26 : memref<!tpu.dma_semaphore, #tpu.memory_space<semaphore_mem>>) src(%arg18 : memref<128x128xf32, #tpu.memory_space<vmem>>) dst(%dma_wait3A_368 : memref<128x128xf32, #tpu.memory_space<hbm>>)
    %add3A_369 = arith.constant 1792 : i32
    %add3A_370 = arith.addi %select_n3A, %add3A_369 : i32
    %dma_start3A_371 = arith.constant 0 : i32
    %dma_start3A_372 = tpu.memref_slice %arg5[%add3A_370, %dma_start3A_371] : memref<100000x128xf32, #tpu.memory_space<hbm>> -> memref<128x128xf32, #tpu.memory_space<hbm>>
    %dma_start3A_373 = arith.constant 0 : i32
    %dma_start3A_374 = tpu.memref_slice %arg5[%add3A_370, %dma_start3A_373] : memref<100000x128xf32, #tpu.memory_space<hbm>> -> memref<128x128xf32, #tpu.memory_space<hbm>>
    tpu.enqueue_dma source(%dma_start3A_374 : memref<128x128xf32, #tpu.memory_space<hbm>>) target(%arg18 : memref<128x128xf32, #tpu.memory_space<vmem>>) target_semaphore(%arg22 : memref<!tpu.dma_semaphore, #tpu.memory_space<semaphore_mem>>)
    %scan3A_375 = arith.constant 32 : i32
    %scan3A_376 = arith.constant 33 : i32
    %scan3A_377 = arith.addi %scan3A_375, %scan3A_376 : i32
    %scan3A_378 = arith.constant 1 : i32
    %scan3A_379 = scf.for %scan3A_1058 = %scan3A_375 to %scan3A_377 step %scan3A_378 iter_args(%scan3A_1059 = %scan3A_353) -> (i32)  : i32 {
      %mul3A_1060 = arith.constant 16 : i32
      %mul3A_1061 = arith.muli %scan3A_1058, %mul3A_1060 : i32
      %get3A = arith.index_cast %mul3A_1061 : i32 to index
      %get3A_1062 = tpu.vector_load %arg11[%get3A] {strides = array<i32>} : memref<3136xi32, #tpu.memory_space<vmem>>, vector<16xi32>,
      %broadcast_in_dim3A = arith.constant 0 : i32
      %broadcast_in_dim3A_1063 = vector.broadcast %broadcast_in_dim3A : i32 to vector<16xi32>
      %ge3A = arith.cmpi sge, %get3A_1062, %broadcast_in_dim3A_1063 : vector<16xi32>
      %jit3A_1064 = arith.constant 1 : i32
      %jit3A_1065 = arith.constant 0 : i32
      %broadcast_in_dim3A_1066 = vector.broadcast %jit3A_1064 : i32 to vector<16xi32>
      %broadcast_in_dim3A_1067 = vector.broadcast %jit3A_1065 : i32 to vector<16xi32>
      %select_n3A_1068 = arith.select %ge3A, %broadcast_in_dim3A_1066, %broadcast_in_dim3A_1067 : vector<16xi1>, vector<16xi32>
      %reduce_sum3A = arith.constant true
      %reduce_sum3A_1069 = vector.broadcast %reduce_sum3A : i1 to vector<16xi1>
      %reduce_sum3A_1070 = tpu.scan <sum>, %select_n3A_1068 masked %reduce_sum3A_1069 : vector<16xi32>, vector<16xi1> -> vector<16xi32>
      %reduce_sum3A_1071 = vector.extract %reduce_sum3A_1070[15] : i32 from vector<16xi32>
      %swap3A = arith.index_cast %scan3A_1059 : i32 to index
      %swap3A_1072 = tpu.vector_load %arg12[%swap3A] masked %ge3A {strides = array<i32>} : memref<3200xi32, #tpu.memory_space<vmem>>, vector<16xi32>, vector<16xi1>
      tpu.vector_store %arg12[%swap3A], %get3A_1062 masked %ge3A {strides = array<i32>} : memref<3200xi32, #tpu.memory_space<vmem>>, vector<16xi32>, vector<16xi1>
      %mul3A_1073 = arith.constant 16 : i32
      %mul3A_1074 = arith.muli %scan3A_1058, %mul3A_1073 : i32
      %broadcast_in_dim3A_1075 = vector.broadcast %mul3A_1074 : i32 to vector<16xi32>
      %add3A_1076 = arith.addi %broadcast_in_dim3A_1075, %iota3A : vector<16xi32>
      %swap3A_1077 = arith.index_cast %scan3A_1059 : i32 to index
      %swap3A_1078 = tpu.vector_load %arg13[%swap3A_1077] masked %ge3A {strides = array<i32>} : memref<3200xi32, #tpu.memory_space<vmem>>, vector<16xi32>, vector<16xi1>
      tpu.vector_store %arg13[%swap3A_1077], %add3A_1076 masked %ge3A {strides = array<i32>} : memref<3200xi32, #tpu.memory_space<vmem>>, vector<16xi32>, vector<16xi1>
      %add3A_1079 = arith.addi %scan3A_1059, %reduce_sum3A_1071 : i32
      scf.yield %add3A_1079 : i32
    }
    %scan3A_380 = arith.constant 33 : i32
    %dma_wait3A_381 = arith.constant 0 : i32
    %dma_wait3A_382 = tpu.memref_slice %arg5[%add3A_343, %dma_wait3A_381] : memref<100000x128xf32, #tpu.memory_space<hbm>> -> memref<128x128xf32, #tpu.memory_space<hbm>>
    %dma_wait3A_383 = arith.constant 0 : i32
    %dma_wait3A_384 = tpu.memref_slice %arg5[%add3A_343, %dma_wait3A_383] : memref<100000x128xf32, #tpu.memory_space<hbm>> -> memref<128x128xf32, #tpu.memory_space<hbm>>
    tpu.wait_dma2 semaphore(%arg21 : memref<!tpu.dma_semaphore, #tpu.memory_space<semaphore_mem>>) src(%dma_wait3A_384 : memref<128x128xf32, #tpu.memory_space<hbm>>) dst(%arg17 : memref<128x128xf32, #tpu.memory_space<vmem>>)
    %add3A_385 = arith.constant 1664 : i32
    %add3A_386 = arith.addi %select_n3A, %add3A_385 : i32
    %dma_start3A_387 = arith.constant 0 : i32
    %dma_start3A_388 = tpu.memref_slice %arg7[%add3A_386, %dma_start3A_387] : memref<100000x128xf32, #tpu.memory_space<hbm>> -> memref<128x128xf32, #tpu.memory_space<hbm>>
    %dma_start3A_389 = arith.constant 0 : i32
    %dma_start3A_390 = tpu.memref_slice %arg7[%add3A_386, %dma_start3A_389] : memref<100000x128xf32, #tpu.memory_space<hbm>> -> memref<128x128xf32, #tpu.memory_space<hbm>>
    tpu.enqueue_dma source(%arg17 : memref<128x128xf32, #tpu.memory_space<vmem>>) target(%dma_start3A_390 : memref<128x128xf32, #tpu.memory_space<hbm>>) target_semaphore(%arg25 : memref<!tpu.dma_semaphore, #tpu.memory_space<semaphore_mem>>)
    %dma_wait3A_391 = arith.constant 0 : i32
    %dma_wait3A_392 = tpu.memref_slice %arg7[%add3A_333, %dma_wait3A_391] : memref<100000x128xf32, #tpu.memory_space<hbm>> -> memref<128x128xf32, #tpu.memory_space<hbm>>
    %dma_wait3A_393 = arith.constant 0 : i32
    %dma_wait3A_394 = tpu.memref_slice %arg7[%add3A_333, %dma_wait3A_393] : memref<100000x128xf32, #tpu.memory_space<hbm>> -> memref<128x128xf32, #tpu.memory_space<hbm>>
    tpu.wait_dma2 semaphore(%arg27 : memref<!tpu.dma_semaphore, #tpu.memory_space<semaphore_mem>>) src(%arg19 : memref<128x128xf32, #tpu.memory_space<vmem>>) dst(%dma_wait3A_394 : memref<128x128xf32, #tpu.memory_space<hbm>>)
    %add3A_395 = arith.constant 1920 : i32
    %add3A_396 = arith.addi %select_n3A, %add3A_395 : i32
    %dma_start3A_397 = arith.constant 0 : i32
    %dma_start3A_398 = tpu.memref_slice %arg5[%add3A_396, %dma_start3A_397] : memref<100000x128xf32, #tpu.memory_space<hbm>> -> memref<128x128xf32, #tpu.memory_space<hbm>>
    %dma_start3A_399 = arith.constant 0 : i32
    %dma_start3A_400 = tpu.memref_slice %arg5[%add3A_396, %dma_start3A_399] : memref<100000x128xf32, #tpu.memory_space<hbm>> -> memref<128x128xf32, #tpu.memory_space<hbm>>
    tpu.enqueue_dma source(%dma_start3A_400 : memref<128x128xf32, #tpu.memory_space<hbm>>) target(%arg19 : memref<128x128xf32, #tpu.memory_space<vmem>>) target_semaphore(%arg23 : memref<!tpu.dma_semaphore, #tpu.memory_space<semaphore_mem>>)
    %scan3A_401 = arith.constant 65 : i32
    %scan3A_402 = arith.constant 33 : i32
    %scan3A_403 = arith.addi %scan3A_401, %scan3A_402 : i32
    %scan3A_404 = arith.constant 1 : i32
    %scan3A_405 = scf.for %scan3A_1058 = %scan3A_401 to %scan3A_403 step %scan3A_404 iter_args(%scan3A_1059 = %scan3A_379) -> (i32)  : i32 {
      %mul3A_1060 = arith.constant 16 : i32
      %mul3A_1061 = arith.muli %scan3A_1058, %mul3A_1060 : i32
      %get3A = arith.index_cast %mul3A_1061 : i32 to index
      %get3A_1062 = tpu.vector_load %arg11[%get3A] {strides = array<i32>} : memref<3136xi32, #tpu.memory_space<vmem>>, vector<16xi32>,
      %broadcast_in_dim3A = arith.constant 0 : i32
      %broadcast_in_dim3A_1063 = vector.broadcast %broadcast_in_dim3A : i32 to vector<16xi32>
      %ge3A = arith.cmpi sge, %get3A_1062, %broadcast_in_dim3A_1063 : vector<16xi32>
      %jit3A_1064 = arith.constant 1 : i32
      %jit3A_1065 = arith.constant 0 : i32
      %broadcast_in_dim3A_1066 = vector.broadcast %jit3A_1064 : i32 to vector<16xi32>
      %broadcast_in_dim3A_1067 = vector.broadcast %jit3A_1065 : i32 to vector<16xi32>
      %select_n3A_1068 = arith.select %ge3A, %broadcast_in_dim3A_1066, %broadcast_in_dim3A_1067 : vector<16xi1>, vector<16xi32>
      %reduce_sum3A = arith.constant true
      %reduce_sum3A_1069 = vector.broadcast %reduce_sum3A : i1 to vector<16xi1>
      %reduce_sum3A_1070 = tpu.scan <sum>, %select_n3A_1068 masked %reduce_sum3A_1069 : vector<16xi32>, vector<16xi1> -> vector<16xi32>
      %reduce_sum3A_1071 = vector.extract %reduce_sum3A_1070[15] : i32 from vector<16xi32>
      %swap3A = arith.index_cast %scan3A_1059 : i32 to index
      %swap3A_1072 = tpu.vector_load %arg12[%swap3A] masked %ge3A {strides = array<i32>} : memref<3200xi32, #tpu.memory_space<vmem>>, vector<16xi32>, vector<16xi1>
      tpu.vector_store %arg12[%swap3A], %get3A_1062 masked %ge3A {strides = array<i32>} : memref<3200xi32, #tpu.memory_space<vmem>>, vector<16xi32>, vector<16xi1>
      %mul3A_1073 = arith.constant 16 : i32
      %mul3A_1074 = arith.muli %scan3A_1058, %mul3A_1073 : i32
      %broadcast_in_dim3A_1075 = vector.broadcast %mul3A_1074 : i32 to vector<16xi32>
      %add3A_1076 = arith.addi %broadcast_in_dim3A_1075, %iota3A : vector<16xi32>
      %swap3A_1077 = arith.index_cast %scan3A_1059 : i32 to index
      %swap3A_1078 = tpu.vector_load %arg13[%swap3A_1077] masked %ge3A {strides = array<i32>} : memref<3200xi32, #tpu.memory_space<vmem>>, vector<16xi32>, vector<16xi1>
      tpu.vector_store %arg13[%swap3A_1077], %add3A_1076 masked %ge3A {strides = array<i32>} : memref<3200xi32, #tpu.memory_space<vmem>>, vector<16xi32>, vector<16xi1>
      %add3A_1079 = arith.addi %scan3A_1059, %reduce_sum3A_1071 : i32
      scf.yield %add3A_1079 : i32
    }
    %scan3A_406 = arith.constant 33 : i32
    %dma_wait3A_407 = arith.constant 0 : i32
    %dma_wait3A_408 = tpu.memref_slice %arg5[%add3A_370, %dma_wait3A_407] : memref<100000x128xf32, #tpu.memory_space<hbm>> -> memref<128x128xf32, #tpu.memory_space<hbm>>
    %dma_wait3A_409 = arith.constant 0 : i32
    %dma_wait3A_410 = tpu.memref_slice %arg5[%add3A_370, %dma_wait3A_409] : memref<100000x128xf32, #tpu.memory_space<hbm>> -> memref<128x128xf32, #tpu.memory_space<hbm>>
    tpu.wait_dma2 semaphore(%arg22 : memref<!tpu.dma_semaphore, #tpu.memory_space<semaphore_mem>>) src(%dma_wait3A_410 : memref<128x128xf32, #tpu.memory_space<hbm>>) dst(%arg18 : memref<128x128xf32, #tpu.memory_space<vmem>>)
    %add3A_411 = arith.constant 1792 : i32
    %add3A_412 = arith.addi %select_n3A, %add3A_411 : i32
    %dma_start3A_413 = arith.constant 0 : i32
    %dma_start3A_414 = tpu.memref_slice %arg7[%add3A_412, %dma_start3A_413] : memref<100000x128xf32, #tpu.memory_space<hbm>> -> memref<128x128xf32, #tpu.memory_space<hbm>>
    %dma_start3A_415 = arith.constant 0 : i32
    %dma_start3A_416 = tpu.memref_slice %arg7[%add3A_412, %dma_start3A_415] : memref<100000x128xf32, #tpu.memory_space<hbm>> -> memref<128x128xf32, #tpu.memory_space<hbm>>
    tpu.enqueue_dma source(%arg18 : memref<128x128xf32, #tpu.memory_space<vmem>>) target(%dma_start3A_416 : memref<128x128xf32, #tpu.memory_space<hbm>>) target_semaphore(%arg26 : memref<!tpu.dma_semaphore, #tpu.memory_space<semaphore_mem>>)
    %dma_wait3A_417 = arith.constant 0 : i32
    %dma_wait3A_418 = tpu.memref_slice %arg7[%add3A_360, %dma_wait3A_417] : memref<100000x128xf32, #tpu.memory_space<hbm>> -> memref<128x128xf32, #tpu.memory_space<hbm>>
    %dma_wait3A_419 = arith.constant 0 : i32
    %dma_wait3A_420 = tpu.memref_slice %arg7[%add3A_360, %dma_wait3A_419] : memref<100000x128xf32, #tpu.memory_space<hbm>> -> memref<128x128xf32, #tpu.memory_space<hbm>>
    tpu.wait_dma2 semaphore(%arg24 : memref<!tpu.dma_semaphore, #tpu.memory_space<semaphore_mem>>) src(%arg16 : memref<128x128xf32, #tpu.memory_space<vmem>>) dst(%dma_wait3A_420 : memref<128x128xf32, #tpu.memory_space<hbm>>)
    %add3A_421 = arith.constant 2048 : i32
    %add3A_422 = arith.addi %select_n3A, %add3A_421 : i32
    %dma_start3A_423 = arith.constant 0 : i32
    %dma_start3A_424 = tpu.memref_slice %arg5[%add3A_422, %dma_start3A_423] : memref<100000x128xf32, #tpu.memory_space<hbm>> -> memref<128x128xf32, #tpu.memory_space<hbm>>
    %dma_start3A_425 = arith.constant 0 : i32
    %dma_start3A_426 = tpu.memref_slice %arg5[%add3A_422, %dma_start3A_425] : memref<100000x128xf32, #tpu.memory_space<hbm>> -> memref<128x128xf32, #tpu.memory_space<hbm>>
    tpu.enqueue_dma source(%dma_start3A_426 : memref<128x128xf32, #tpu.memory_space<hbm>>) target(%arg16 : memref<128x128xf32, #tpu.memory_space<vmem>>) target_semaphore(%arg20 : memref<!tpu.dma_semaphore, #tpu.memory_space<semaphore_mem>>)
    %scan3A_427 = arith.constant 98 : i32
    %scan3A_428 = arith.constant 32 : i32
    %scan3A_429 = arith.addi %scan3A_427, %scan3A_428 : i32
    %scan3A_430 = arith.constant 1 : i32
    %scan3A_431 = scf.for %scan3A_1058 = %scan3A_427 to %scan3A_429 step %scan3A_430 iter_args(%scan3A_1059 = %scan3A_405) -> (i32)  : i32 {
      %mul3A_1060 = arith.constant 16 : i32
      %mul3A_1061 = arith.muli %scan3A_1058, %mul3A_1060 : i32
      %get3A = arith.index_cast %mul3A_1061 : i32 to index
      %get3A_1062 = tpu.vector_load %arg11[%get3A] {strides = array<i32>} : memref<3136xi32, #tpu.memory_space<vmem>>, vector<16xi32>,
      %broadcast_in_dim3A = arith.constant 0 : i32
      %broadcast_in_dim3A_1063 = vector.broadcast %broadcast_in_dim3A : i32 to vector<16xi32>
      %ge3A = arith.cmpi sge, %get3A_1062, %broadcast_in_dim3A_1063 : vector<16xi32>
      %jit3A_1064 = arith.constant 1 : i32
      %jit3A_1065 = arith.constant 0 : i32
      %broadcast_in_dim3A_1066 = vector.broadcast %jit3A_1064 : i32 to vector<16xi32>
      %broadcast_in_dim3A_1067 = vector.broadcast %jit3A_1065 : i32 to vector<16xi32>
      %select_n3A_1068 = arith.select %ge3A, %broadcast_in_dim3A_1066, %broadcast_in_dim3A_1067 : vector<16xi1>, vector<16xi32>
      %reduce_sum3A = arith.constant true
      %reduce_sum3A_1069 = vector.broadcast %reduce_sum3A : i1 to vector<16xi1>
      %reduce_sum3A_1070 = tpu.scan <sum>, %select_n3A_1068 masked %reduce_sum3A_1069 : vector<16xi32>, vector<16xi1> -> vector<16xi32>
      %reduce_sum3A_1071 = vector.extract %reduce_sum3A_1070[15] : i32 from vector<16xi32>
      %swap3A = arith.index_cast %scan3A_1059 : i32 to index
      %swap3A_1072 = tpu.vector_load %arg12[%swap3A] masked %ge3A {strides = array<i32>} : memref<3200xi32, #tpu.memory_space<vmem>>, vector<16xi32>, vector<16xi1>
      tpu.vector_store %arg12[%swap3A], %get3A_1062 masked %ge3A {strides = array<i32>} : memref<3200xi32, #tpu.memory_space<vmem>>, vector<16xi32>, vector<16xi1>
      %mul3A_1073 = arith.constant 16 : i32
      %mul3A_1074 = arith.muli %scan3A_1058, %mul3A_1073 : i32
      %broadcast_in_dim3A_1075 = vector.broadcast %mul3A_1074 : i32 to vector<16xi32>
      %add3A_1076 = arith.addi %broadcast_in_dim3A_1075, %iota3A : vector<16xi32>
      %swap3A_1077 = arith.index_cast %scan3A_1059 : i32 to index
      %swap3A_1078 = tpu.vector_load %arg13[%swap3A_1077] masked %ge3A {strides = array<i32>} : memref<3200xi32, #tpu.memory_space<vmem>>, vector<16xi32>, vector<16xi1>
      tpu.vector_store %arg13[%swap3A_1077], %add3A_1076 masked %ge3A {strides = array<i32>} : memref<3200xi32, #tpu.memory_space<vmem>>, vector<16xi32>, vector<16xi1>
      %add3A_1079 = arith.addi %scan3A_1059, %reduce_sum3A_1071 : i32
      scf.yield %add3A_1079 : i32
    }
    %scan3A_432 = arith.constant 32 : i32
    %dma_wait3A_433 = arith.constant 0 : i32
    %dma_wait3A_434 = tpu.memref_slice %arg5[%add3A_396, %dma_wait3A_433] : memref<100000x128xf32, #tpu.memory_space<hbm>> -> memref<128x128xf32, #tpu.memory_space<hbm>>
    %dma_wait3A_435 = arith.constant 0 : i32
    %dma_wait3A_436 = tpu.memref_slice %arg5[%add3A_396, %dma_wait3A_435] : memref<100000x128xf32, #tpu.memory_space<hbm>> -> memref<128x128xf32, #tpu.memory_space<hbm>>
    tpu.wait_dma2 semaphore(%arg23 : memref<!tpu.dma_semaphore, #tpu.memory_space<semaphore_mem>>) src(%dma_wait3A_436 : memref<128x128xf32, #tpu.memory_space<hbm>>) dst(%arg19 : memref<128x128xf32, #tpu.memory_space<vmem>>)
    %add3A_437 = arith.constant 1920 : i32
    %add3A_438 = arith.addi %select_n3A, %add3A_437 : i32
    %dma_start3A_439 = arith.constant 0 : i32
    %dma_start3A_440 = tpu.memref_slice %arg7[%add3A_438, %dma_start3A_439] : memref<100000x128xf32, #tpu.memory_space<hbm>> -> memref<128x128xf32, #tpu.memory_space<hbm>>
    %dma_start3A_441 = arith.constant 0 : i32
    %dma_start3A_442 = tpu.memref_slice %arg7[%add3A_438, %dma_start3A_441] : memref<100000x128xf32, #tpu.memory_space<hbm>> -> memref<128x128xf32, #tpu.memory_space<hbm>>
    tpu.enqueue_dma source(%arg19 : memref<128x128xf32, #tpu.memory_space<vmem>>) target(%dma_start3A_442 : memref<128x128xf32, #tpu.memory_space<hbm>>) target_semaphore(%arg27 : memref<!tpu.dma_semaphore, #tpu.memory_space<semaphore_mem>>)
    %dma_wait3A_443 = arith.constant 0 : i32
    %dma_wait3A_444 = tpu.memref_slice %arg7[%add3A_386, %dma_wait3A_443] : memref<100000x128xf32, #tpu.memory_space<hbm>> -> memref<128x128xf32, #tpu.memory_space<hbm>>
    %dma_wait3A_445 = arith.constant 0 : i32
    %dma_wait3A_446 = tpu.memref_slice %arg7[%add3A_386, %dma_wait3A_445] : memref<100000x128xf32, #tpu.memory_space<hbm>> -> memref<128x128xf32, #tpu.memory_space<hbm>>
    tpu.wait_dma2 semaphore(%arg25 : memref<!tpu.dma_semaphore, #tpu.memory_space<semaphore_mem>>) src(%arg17 : memref<128x128xf32, #tpu.memory_space<vmem>>) dst(%dma_wait3A_446 : memref<128x128xf32, #tpu.memory_space<hbm>>)
    %add3A_447 = arith.constant 2176 : i32
    %add3A_448 = arith.addi %select_n3A, %add3A_447 : i32
    %dma_start3A_449 = arith.constant 0 : i32
    %dma_start3A_450 = tpu.memref_slice %arg5[%add3A_448, %dma_start3A_449] : memref<100000x128xf32, #tpu.memory_space<hbm>> -> memref<128x128xf32, #tpu.memory_space<hbm>>
    %dma_start3A_451 = arith.constant 0 : i32
    %dma_start3A_452 = tpu.memref_slice %arg5[%add3A_448, %dma_start3A_451] : memref<100000x128xf32, #tpu.memory_space<hbm>> -> memref<128x128xf32, #tpu.memory_space<hbm>>
    tpu.enqueue_dma source(%dma_start3A_452 : memref<128x128xf32, #tpu.memory_space<hbm>>) target(%arg17 : memref<128x128xf32, #tpu.memory_space<vmem>>) target_semaphore(%arg21 : memref<!tpu.dma_semaphore, #tpu.memory_space<semaphore_mem>>)
    %scan3A_453 = arith.constant 130 : i32
    %scan3A_454 = arith.constant 33 : i32
    %scan3A_455 = arith.addi %scan3A_453, %scan3A_454 : i32
    %scan3A_456 = arith.constant 1 : i32
    %scan3A_457 = scf.for %scan3A_1058 = %scan3A_453 to %scan3A_455 step %scan3A_456 iter_args(%scan3A_1059 = %scan3A_431) -> (i32)  : i32 {
      %mul3A_1060 = arith.constant 16 : i32
      %mul3A_1061 = arith.muli %scan3A_1058, %mul3A_1060 : i32
      %get3A = arith.index_cast %mul3A_1061 : i32 to index
      %get3A_1062 = tpu.vector_load %arg11[%get3A] {strides = array<i32>} : memref<3136xi32, #tpu.memory_space<vmem>>, vector<16xi32>,
      %broadcast_in_dim3A = arith.constant 0 : i32
      %broadcast_in_dim3A_1063 = vector.broadcast %broadcast_in_dim3A : i32 to vector<16xi32>
      %ge3A = arith.cmpi sge, %get3A_1062, %broadcast_in_dim3A_1063 : vector<16xi32>
      %jit3A_1064 = arith.constant 1 : i32
      %jit3A_1065 = arith.constant 0 : i32
      %broadcast_in_dim3A_1066 = vector.broadcast %jit3A_1064 : i32 to vector<16xi32>
      %broadcast_in_dim3A_1067 = vector.broadcast %jit3A_1065 : i32 to vector<16xi32>
      %select_n3A_1068 = arith.select %ge3A, %broadcast_in_dim3A_1066, %broadcast_in_dim3A_1067 : vector<16xi1>, vector<16xi32>
      %reduce_sum3A = arith.constant true
      %reduce_sum3A_1069 = vector.broadcast %reduce_sum3A : i1 to vector<16xi1>
      %reduce_sum3A_1070 = tpu.scan <sum>, %select_n3A_1068 masked %reduce_sum3A_1069 : vector<16xi32>, vector<16xi1> -> vector<16xi32>
      %reduce_sum3A_1071 = vector.extract %reduce_sum3A_1070[15] : i32 from vector<16xi32>
      %swap3A = arith.index_cast %scan3A_1059 : i32 to index
      %swap3A_1072 = tpu.vector_load %arg12[%swap3A] masked %ge3A {strides = array<i32>} : memref<3200xi32, #tpu.memory_space<vmem>>, vector<16xi32>, vector<16xi1>
      tpu.vector_store %arg12[%swap3A], %get3A_1062 masked %ge3A {strides = array<i32>} : memref<3200xi32, #tpu.memory_space<vmem>>, vector<16xi32>, vector<16xi1>
      %mul3A_1073 = arith.constant 16 : i32
      %mul3A_1074 = arith.muli %scan3A_1058, %mul3A_1073 : i32
      %broadcast_in_dim3A_1075 = vector.broadcast %mul3A_1074 : i32 to vector<16xi32>
      %add3A_1076 = arith.addi %broadcast_in_dim3A_1075, %iota3A : vector<16xi32>
      %swap3A_1077 = arith.index_cast %scan3A_1059 : i32 to index
      %swap3A_1078 = tpu.vector_load %arg13[%swap3A_1077] masked %ge3A {strides = array<i32>} : memref<3200xi32, #tpu.memory_space<vmem>>, vector<16xi32>, vector<16xi1>
      tpu.vector_store %arg13[%swap3A_1077], %add3A_1076 masked %ge3A {strides = array<i32>} : memref<3200xi32, #tpu.memory_space<vmem>>, vector<16xi32>, vector<16xi1>
      %add3A_1079 = arith.addi %scan3A_1059, %reduce_sum3A_1071 : i32
      scf.yield %add3A_1079 : i32
    }
    %scan3A_458 = arith.constant 33 : i32
    %dma_wait3A_459 = arith.constant 0 : i32
    %dma_wait3A_460 = tpu.memref_slice %arg5[%add3A_422, %dma_wait3A_459] : memref<100000x128xf32, #tpu.memory_space<hbm>> -> memref<128x128xf32, #tpu.memory_space<hbm>>
    %dma_wait3A_461 = arith.constant 0 : i32
    %dma_wait3A_462 = tpu.memref_slice %arg5[%add3A_422, %dma_wait3A_461] : memref<100000x128xf32, #tpu.memory_space<hbm>> -> memref<128x128xf32, #tpu.memory_space<hbm>>
    tpu.wait_dma2 semaphore(%arg20 : memref<!tpu.dma_semaphore, #tpu.memory_space<semaphore_mem>>) src(%dma_wait3A_462 : memref<128x128xf32, #tpu.memory_space<hbm>>) dst(%arg16 : memref<128x128xf32, #tpu.memory_space<vmem>>)
    %add3A_463 = arith.constant 2048 : i32
    %add3A_464 = arith.addi %select_n3A, %add3A_463 : i32
    %dma_start3A_465 = arith.constant 0 : i32
    %dma_start3A_466 = tpu.memref_slice %arg7[%add3A_464, %dma_start3A_465] : memref<100000x128xf32, #tpu.memory_space<hbm>> -> memref<128x128xf32, #tpu.memory_space<hbm>>
    %dma_start3A_467 = arith.constant 0 : i32
    %dma_start3A_468 = tpu.memref_slice %arg7[%add3A_464, %dma_start3A_467] : memref<100000x128xf32, #tpu.memory_space<hbm>> -> memref<128x128xf32, #tpu.memory_space<hbm>>
    tpu.enqueue_dma source(%arg16 : memref<128x128xf32, #tpu.memory_space<vmem>>) target(%dma_start3A_468 : memref<128x128xf32, #tpu.memory_space<hbm>>) target_semaphore(%arg24 : memref<!tpu.dma_semaphore, #tpu.memory_space<semaphore_mem>>)
    %dma_wait3A_469 = arith.constant 0 : i32
    %dma_wait3A_470 = tpu.memref_slice %arg7[%add3A_412, %dma_wait3A_469] : memref<100000x128xf32, #tpu.memory_space<hbm>> -> memref<128x128xf32, #tpu.memory_space<hbm>>
    %dma_wait3A_471 = arith.constant 0 : i32
    %dma_wait3A_472 = tpu.memref_slice %arg7[%add3A_412, %dma_wait3A_471] : memref<100000x128xf32, #tpu.memory_space<hbm>> -> memref<128x128xf32, #tpu.memory_space<hbm>>
    tpu.wait_dma2 semaphore(%arg26 : memref<!tpu.dma_semaphore, #tpu.memory_space<semaphore_mem>>) src(%arg18 : memref<128x128xf32, #tpu.memory_space<vmem>>) dst(%dma_wait3A_472 : memref<128x128xf32, #tpu.memory_space<hbm>>)
    %add3A_473 = arith.constant 2304 : i32
    %add3A_474 = arith.addi %select_n3A, %add3A_473 : i32
    %dma_start3A_475 = arith.constant 0 : i32
    %dma_start3A_476 = tpu.memref_slice %arg5[%add3A_474, %dma_start3A_475] : memref<100000x128xf32, #tpu.memory_space<hbm>> -> memref<128x128xf32, #tpu.memory_space<hbm>>
    %dma_start3A_477 = arith.constant 0 : i32
    %dma_start3A_478 = tpu.memref_slice %arg5[%add3A_474, %dma_start3A_477] : memref<100000x128xf32, #tpu.memory_space<hbm>> -> memref<128x128xf32, #tpu.memory_space<hbm>>
    tpu.enqueue_dma source(%dma_start3A_478 : memref<128x128xf32, #tpu.memory_space<hbm>>) target(%arg18 : memref<128x128xf32, #tpu.memory_space<vmem>>) target_semaphore(%arg22 : memref<!tpu.dma_semaphore, #tpu.memory_space<semaphore_mem>>)
    %scan3A_479 = arith.constant 163 : i32
    %scan3A_480 = arith.constant 33 : i32
    %scan3A_481 = arith.addi %scan3A_479, %scan3A_480 : i32
    %scan3A_482 = arith.constant 1 : i32
    %scan3A_483 = scf.for %scan3A_1058 = %scan3A_479 to %scan3A_481 step %scan3A_482 iter_args(%scan3A_1059 = %scan3A_457) -> (i32)  : i32 {
      %mul3A_1060 = arith.constant 16 : i32
      %mul3A_1061 = arith.muli %scan3A_1058, %mul3A_1060 : i32
      %get3A = arith.index_cast %mul3A_1061 : i32 to index
      %get3A_1062 = tpu.vector_load %arg11[%get3A] {strides = array<i32>} : memref<3136xi32, #tpu.memory_space<vmem>>, vector<16xi32>,
      %broadcast_in_dim3A = arith.constant 0 : i32
      %broadcast_in_dim3A_1063 = vector.broadcast %broadcast_in_dim3A : i32 to vector<16xi32>
      %ge3A = arith.cmpi sge, %get3A_1062, %broadcast_in_dim3A_1063 : vector<16xi32>
      %jit3A_1064 = arith.constant 1 : i32
      %jit3A_1065 = arith.constant 0 : i32
      %broadcast_in_dim3A_1066 = vector.broadcast %jit3A_1064 : i32 to vector<16xi32>
      %broadcast_in_dim3A_1067 = vector.broadcast %jit3A_1065 : i32 to vector<16xi32>
      %select_n3A_1068 = arith.select %ge3A, %broadcast_in_dim3A_1066, %broadcast_in_dim3A_1067 : vector<16xi1>, vector<16xi32>
      %reduce_sum3A = arith.constant true
      %reduce_sum3A_1069 = vector.broadcast %reduce_sum3A : i1 to vector<16xi1>
      %reduce_sum3A_1070 = tpu.scan <sum>, %select_n3A_1068 masked %reduce_sum3A_1069 : vector<16xi32>, vector<16xi1> -> vector<16xi32>
      %reduce_sum3A_1071 = vector.extract %reduce_sum3A_1070[15] : i32 from vector<16xi32>
      %swap3A = arith.index_cast %scan3A_1059 : i32 to index
      %swap3A_1072 = tpu.vector_load %arg12[%swap3A] masked %ge3A {strides = array<i32>} : memref<3200xi32, #tpu.memory_space<vmem>>, vector<16xi32>, vector<16xi1>
      tpu.vector_store %arg12[%swap3A], %get3A_1062 masked %ge3A {strides = array<i32>} : memref<3200xi32, #tpu.memory_space<vmem>>, vector<16xi32>, vector<16xi1>
      %mul3A_1073 = arith.constant 16 : i32
      %mul3A_1074 = arith.muli %scan3A_1058, %mul3A_1073 : i32
      %broadcast_in_dim3A_1075 = vector.broadcast %mul3A_1074 : i32 to vector<16xi32>
      %add3A_1076 = arith.addi %broadcast_in_dim3A_1075, %iota3A : vector<16xi32>
      %swap3A_1077 = arith.index_cast %scan3A_1059 : i32 to index
      %swap3A_1078 = tpu.vector_load %arg13[%swap3A_1077] masked %ge3A {strides = array<i32>} : memref<3200xi32, #tpu.memory_space<vmem>>, vector<16xi32>, vector<16xi1>
      tpu.vector_store %arg13[%swap3A_1077], %add3A_1076 masked %ge3A {strides = array<i32>} : memref<3200xi32, #tpu.memory_space<vmem>>, vector<16xi32>, vector<16xi1>
      %add3A_1079 = arith.addi %scan3A_1059, %reduce_sum3A_1071 : i32
      scf.yield %add3A_1079 : i32
    }
    %scan3A_484 = arith.constant 33 : i32
    %add3A_485 = arith.constant 128 : i32
    %add3A_486 = arith.addi %scan3A_483, %add3A_485 : i32
    %sub3A_487 = arith.constant 1 : i32
    %sub3A_488 = arith.subi %add3A_486, %sub3A_487 : i32
    %jit3A_489 = arith.constant 128 : i32
    %div3A = arith.divsi %sub3A_488, %jit3A_489 : i32
    %sign3A = arith.constant 0 : i32
    %sign3A_490 = arith.cmpi sgt, %sub3A_488, %sign3A : i32
    %sign3A_491 = arith.extui %sign3A_490 : i1 to i32
    %sign3A_492 = arith.constant 0 : i32
    %sign3A_493 = arith.cmpi slt, %sub3A_488, %sign3A_492 : i32
    %sign3A_494 = arith.extui %sign3A_493 : i1 to i32
    %sign3A_495 = arith.subi %sign3A_491, %sign3A_494 : i32
    %sign3A_496 = arith.constant 0 : i32
    %sign3A_497 = arith.cmpi sgt, %jit3A_489, %sign3A_496 : i32
    %sign3A_498 = arith.extui %sign3A_497 : i1 to i32
    %sign3A_499 = arith.constant 0 : i32
    %sign3A_500 = arith.cmpi slt, %jit3A_489, %sign3A_499 : i32
    %sign3A_501 = arith.extui %sign3A_500 : i1 to i32
    %sign3A_502 = arith.subi %sign3A_498, %sign3A_501 : i32
    %ne3A = arith.cmpi ne, %sign3A_495, %sign3A_502 : i32
    %rem3A = arith.remsi %sub3A_488, %jit3A_489 : i32
    %ne3A_503 = arith.constant 0 : i32
    %ne3A_504 = arith.cmpi ne, %rem3A, %ne3A_503 : i32
    %and3A = arith.andi %ne3A, %ne3A_504 : i1
    %sub3A_505 = arith.constant 1 : i32
    %sub3A_506 = arith.subi %div3A, %sub3A_505 : i32
    %select_n3A_507 = arith.select %and3A, %sub3A_506, %div3A : i32
    %mul3A_508 = arith.constant 128 : i32
    %mul3A_509 = arith.muli %select_n3A_507, %mul3A_508 : i32
    %dma_wait3A_510 = arith.constant 0 : i32
    %dma_wait3A_511 = tpu.memref_slice %arg5[%add3A_448, %dma_wait3A_510] : memref<100000x128xf32, #tpu.memory_space<hbm>> -> memref<128x128xf32, #tpu.memory_space<hbm>>
    %dma_wait3A_512 = arith.constant 0 : i32
    %dma_wait3A_513 = tpu.memref_slice %arg5[%add3A_448, %dma_wait3A_512] : memref<100000x128xf32, #tpu.memory_space<hbm>> -> memref<128x128xf32, #tpu.memory_space<hbm>>
    tpu.wait_dma2 semaphore(%arg21 : memref<!tpu.dma_semaphore, #tpu.memory_space<semaphore_mem>>) src(%dma_wait3A_513 : memref<128x128xf32, #tpu.memory_space<hbm>>) dst(%arg17 : memref<128x128xf32, #tpu.memory_space<vmem>>)
    %add3A_514 = arith.constant 2176 : i32
    %add3A_515 = arith.addi %select_n3A, %add3A_514 : i32
    %dma_start3A_516 = arith.constant 0 : i32
    %dma_start3A_517 = tpu.memref_slice %arg7[%add3A_515, %dma_start3A_516] : memref<100000x128xf32, #tpu.memory_space<hbm>> -> memref<128x128xf32, #tpu.memory_space<hbm>>
    %dma_start3A_518 = arith.constant 0 : i32
    %dma_start3A_519 = tpu.memref_slice %arg7[%add3A_515, %dma_start3A_518] : memref<100000x128xf32, #tpu.memory_space<hbm>> -> memref<128x128xf32, #tpu.memory_space<hbm>>
    tpu.enqueue_dma source(%arg17 : memref<128x128xf32, #tpu.memory_space<vmem>>) target(%dma_start3A_519 : memref<128x128xf32, #tpu.memory_space<hbm>>) target_semaphore(%arg25 : memref<!tpu.dma_semaphore, #tpu.memory_space<semaphore_mem>>)
    %dma_wait3A_520 = arith.constant 0 : i32
    %dma_wait3A_521 = tpu.memref_slice %arg7[%add3A_438, %dma_wait3A_520] : memref<100000x128xf32, #tpu.memory_space<hbm>> -> memref<128x128xf32, #tpu.memory_space<hbm>>
    %dma_wait3A_522 = arith.constant 0 : i32
    %dma_wait3A_523 = tpu.memref_slice %arg7[%add3A_438, %dma_wait3A_522] : memref<100000x128xf32, #tpu.memory_space<hbm>> -> memref<128x128xf32, #tpu.memory_space<hbm>>
    tpu.wait_dma2 semaphore(%arg27 : memref<!tpu.dma_semaphore, #tpu.memory_space<semaphore_mem>>) src(%arg19 : memref<128x128xf32, #tpu.memory_space<vmem>>) dst(%dma_wait3A_523 : memref<128x128xf32, #tpu.memory_space<hbm>>)
    %add3A_524 = arith.constant 2432 : i32
    %add3A_525 = arith.addi %select_n3A, %add3A_524 : i32
    %dma_start3A_526 = arith.constant 0 : i32
    %dma_start3A_527 = tpu.memref_slice %arg5[%add3A_525, %dma_start3A_526] : memref<100000x128xf32, #tpu.memory_space<hbm>> -> memref<128x128xf32, #tpu.memory_space<hbm>>
    %dma_start3A_528 = arith.constant 0 : i32
    %dma_start3A_529 = tpu.memref_slice %arg5[%add3A_525, %dma_start3A_528] : memref<100000x128xf32, #tpu.memory_space<hbm>> -> memref<128x128xf32, #tpu.memory_space<hbm>>
    tpu.enqueue_dma source(%dma_start3A_529 : memref<128x128xf32, #tpu.memory_space<hbm>>) target(%arg19 : memref<128x128xf32, #tpu.memory_space<vmem>>) target_semaphore(%arg23 : memref<!tpu.dma_semaphore, #tpu.memory_space<semaphore_mem>>)
    %gt3A = arith.constant 0 : i32
    %gt3A_530 = arith.cmpi sgt, %scan3A_483, %gt3A : i32
    %convert_element_type3A_531 = arith.extui %gt3A_530 : i1 to i32
    %cond3A_532 = arith.constant 0 : i32
    %cond3A_533 = arith.cmpi ne, %convert_element_type3A_531, %cond3A_532 : i32
    scf.if %cond3A_533 {
      %get3A = arith.constant 0 : index
      %get3A_1058 = tpu.vector_load %arg12[%get3A] {strides = array<i32>} : memref<3200xi32, #tpu.memory_space<vmem>>, vector<16xi32>,
      %slice3A = vector.extract_strided_slice %get3A_1058 {offsets = [0], sizes = [1], strides = [1]} : vector<16xi32> to vector<1xi32>
      %squeeze3A = vector.extract %slice3A[0] : i32 from vector<1xi32>
      %broadcast_in_dim3A = vector.broadcast %squeeze3A : i32 to vector<16xi32>
      %get3A_1059 = arith.constant 0 : index
      %get3A_1060 = tpu.vector_load %arg13[%get3A_1059] {strides = array<i32>} : memref<3200xi32, #tpu.memory_space<vmem>>, vector<16xi32>,
      %slice3A_1061 = vector.extract_strided_slice %get3A_1060 {offsets = [0], sizes = [1], strides = [1]} : vector<16xi32> to vector<1xi32>
      %squeeze3A_1062 = vector.extract %slice3A_1061[0] : i32 from vector<1xi32>
      %broadcast_in_dim3A_1063 = vector.broadcast %squeeze3A_1062 : i32 to vector<16xi32>
      %jit3A_1064 = arith.constant 16 : i32
      %div3A_1065 = arith.divsi %scan3A_483, %jit3A_1064 : i32
      %sign3A_1066 = arith.constant 0 : i32
      %sign3A_1067 = arith.cmpi sgt, %scan3A_483, %sign3A_1066 : i32
      %sign3A_1068 = arith.extui %sign3A_1067 : i1 to i32
      %sign3A_1069 = arith.constant 0 : i32
      %sign3A_1070 = arith.cmpi slt, %scan3A_483, %sign3A_1069 : i32
      %sign3A_1071 = arith.extui %sign3A_1070 : i1 to i32
      %sign3A_1072 = arith.subi %sign3A_1068, %sign3A_1071 : i32
      %sign3A_1073 = arith.constant 0 : i32
      %sign3A_1074 = arith.cmpi sgt, %jit3A_1064, %sign3A_1073 : i32
      %sign3A_1075 = arith.extui %sign3A_1074 : i1 to i32
      %sign3A_1076 = arith.constant 0 : i32
      %sign3A_1077 = arith.cmpi slt, %jit3A_1064, %sign3A_1076 : i32
      %sign3A_1078 = arith.extui %sign3A_1077 : i1 to i32
      %sign3A_1079 = arith.subi %sign3A_1075, %sign3A_1078 : i32
      %ne3A_1080 = arith.cmpi ne, %sign3A_1072, %sign3A_1079 : i32
      %rem3A_1081 = arith.remsi %scan3A_483, %jit3A_1064 : i32
      %ne3A_1082 = arith.constant 0 : i32
      %ne3A_1083 = arith.cmpi ne, %rem3A_1081, %ne3A_1082 : i32
      %and3A_1084 = arith.andi %ne3A_1080, %ne3A_1083 : i1
      %sub3A_1085 = arith.constant 1 : i32
      %sub3A_1086 = arith.subi %div3A_1065, %sub3A_1085 : i32
      %select_n3A_1087 = arith.select %and3A_1084, %sub3A_1086, %div3A_1065 : i32
      %jit3A_1088 = arith.constant 16 : i32
      %div3A_1089 = arith.divsi %mul3A_509, %jit3A_1088 : i32
      %sign3A_1090 = arith.constant 0 : i32
      %sign3A_1091 = arith.cmpi sgt, %mul3A_509, %sign3A_1090 : i32
      %sign3A_1092 = arith.extui %sign3A_1091 : i1 to i32
      %sign3A_1093 = arith.constant 0 : i32
      %sign3A_1094 = arith.cmpi slt, %mul3A_509, %sign3A_1093 : i32
      %sign3A_1095 = arith.extui %sign3A_1094 : i1 to i32
      %sign3A_1096 = arith.subi %sign3A_1092, %sign3A_1095 : i32
      %sign3A_1097 = arith.constant 0 : i32
      %sign3A_1098 = arith.cmpi sgt, %jit3A_1088, %sign3A_1097 : i32
      %sign3A_1099 = arith.extui %sign3A_1098 : i1 to i32
      %sign3A_1100 = arith.constant 0 : i32
      %sign3A_1101 = arith.cmpi slt, %jit3A_1088, %sign3A_1100 : i32
      %sign3A_1102 = arith.extui %sign3A_1101 : i1 to i32
      %sign3A_1103 = arith.subi %sign3A_1099, %sign3A_1102 : i32
      %ne3A_1104 = arith.cmpi ne, %sign3A_1096, %sign3A_1103 : i32
      %rem3A_1105 = arith.remsi %mul3A_509, %jit3A_1088 : i32
      %ne3A_1106 = arith.constant 0 : i32
      %ne3A_1107 = arith.cmpi ne, %rem3A_1105, %ne3A_1106 : i32
      %and3A_1108 = arith.andi %ne3A_1104, %ne3A_1107 : i1
      %sub3A_1109 = arith.constant 1 : i32
      %sub3A_1110 = arith.subi %div3A_1089, %sub3A_1109 : i32
      %select_n3A_1111 = arith.select %and3A_1108, %sub3A_1110, %div3A_1089 : i32
      %while3A_1112 = arith.constant 0 : i32
      %while3A_1113 = arith.subi %select_n3A_1111, %select_n3A_1087 : i32
      %while3A_1114 = arith.addi %select_n3A_1087, %while3A_1113 : i32
      %while3A_1115 = arith.constant 1 : i32
      %while3A_1116 = arith.divsi %while3A_1113, %while3A_1115 : i32
      %while3A_1117 = arith.muli %while3A_1116, %while3A_1115 : i32
      %while3A_1118 = arith.addi %select_n3A_1087, %while3A_1117 : i32
      %while3A_1119 = arith.constant 1 : i32
      %while3A_1120 = scf.for %while3A_1123 = %select_n3A_1087 to %while3A_1118 step %while3A_1119 iter_args(%while3A_1124 = %while3A_1112) -> (i32)  : i32 {
        %mul3A_1125 = arith.constant 16 : i32
        %mul3A_1126 = arith.muli %while3A_1123, %mul3A_1125 : i32
        %broadcast_in_dim3A_1127 = vector.broadcast %mul3A_1126 : i32 to vector<16xi32>
        %add3A_1128 = arith.addi %broadcast_in_dim3A_1127, %iota3A : vector<16xi32>
        %ge3A = vector.broadcast %scan3A_483 : i32 to vector<16xi32>
        %ge3A_1129 = arith.cmpi sge, %add3A_1128, %ge3A : vector<16xi32>
        tpu.vector_store_idx %arg12[%add3A_1128], %broadcast_in_dim3A masked %ge3A_1129 : memref<3200xi32, #tpu.memory_space<vmem>>[vector<16xi32>], vector<16xi32>, vector<16xi1>
        tpu.vector_store_idx %arg13[%add3A_1128], %broadcast_in_dim3A_1063 masked %ge3A_1129 : memref<3200xi32, #tpu.memory_space<vmem>>[vector<16xi32>], vector<16xi32>, vector<16xi1>
        %while3A_1130 = arith.constant 0 : i32
        scf.yield %while3A_1130 : i32
      }
      %while3A_1121 = arith.constant 1 : i32
      %while3A_1122 = scf.for %while3A_1123 = %while3A_1118 to %while3A_1114 step %while3A_1121 iter_args(%while3A_1124 = %while3A_1120) -> (i32)  : i32 {
        %mul3A_1125 = arith.constant 16 : i32
        %mul3A_1126 = arith.muli %while3A_1123, %mul3A_1125 : i32
        %broadcast_in_dim3A_1127 = vector.broadcast %mul3A_1126 : i32 to vector<16xi32>
        %add3A_1128 = arith.addi %broadcast_in_dim3A_1127, %iota3A : vector<16xi32>
        %ge3A = vector.broadcast %scan3A_483 : i32 to vector<16xi32>
        %ge3A_1129 = arith.cmpi sge, %add3A_1128, %ge3A : vector<16xi32>
        tpu.vector_store_idx %arg12[%add3A_1128], %broadcast_in_dim3A masked %ge3A_1129 : memref<3200xi32, #tpu.memory_space<vmem>>[vector<16xi32>], vector<16xi32>, vector<16xi1>
        tpu.vector_store_idx %arg13[%add3A_1128], %broadcast_in_dim3A_1063 masked %ge3A_1129 : memref<3200xi32, #tpu.memory_space<vmem>>[vector<16xi32>], vector<16xi32>, vector<16xi1>
        %while3A_1130 = arith.constant 0 : i32
        scf.yield %while3A_1130 : i32
      }
    } else {
    }
    %dma_wait3A_534 = arith.constant 0 : i32
    %dma_wait3A_535 = tpu.memref_slice %arg5[%add3A_474, %dma_wait3A_534] : memref<100000x128xf32, #tpu.memory_space<hbm>> -> memref<128x128xf32, #tpu.memory_space<hbm>>
    %dma_wait3A_536 = arith.constant 0 : i32
    %dma_wait3A_537 = tpu.memref_slice %arg5[%add3A_474, %dma_wait3A_536] : memref<100000x128xf32, #tpu.memory_space<hbm>> -> memref<128x128xf32, #tpu.memory_space<hbm>>
    tpu.wait_dma2 semaphore(%arg22 : memref<!tpu.dma_semaphore, #tpu.memory_space<semaphore_mem>>) src(%dma_wait3A_537 : memref<128x128xf32, #tpu.memory_space<hbm>>) dst(%arg18 : memref<128x128xf32, #tpu.memory_space<vmem>>)
    %add3A_538 = arith.constant 2304 : i32
    %add3A_539 = arith.addi %select_n3A, %add3A_538 : i32
    %dma_start3A_540 = arith.constant 0 : i32
    %dma_start3A_541 = tpu.memref_slice %arg7[%add3A_539, %dma_start3A_540] : memref<100000x128xf32, #tpu.memory_space<hbm>> -> memref<128x128xf32, #tpu.memory_space<hbm>>
    %dma_start3A_542 = arith.constant 0 : i32
    %dma_start3A_543 = tpu.memref_slice %arg7[%add3A_539, %dma_start3A_542] : memref<100000x128xf32, #tpu.memory_space<hbm>> -> memref<128x128xf32, #tpu.memory_space<hbm>>
    tpu.enqueue_dma source(%arg18 : memref<128x128xf32, #tpu.memory_space<vmem>>) target(%dma_start3A_543 : memref<128x128xf32, #tpu.memory_space<hbm>>) target_semaphore(%arg26 : memref<!tpu.dma_semaphore, #tpu.memory_space<semaphore_mem>>)
    %dma_wait3A_544 = arith.constant 0 : i32
    %dma_wait3A_545 = tpu.memref_slice %arg7[%add3A_464, %dma_wait3A_544] : memref<100000x128xf32, #tpu.memory_space<hbm>> -> memref<128x128xf32, #tpu.memory_space<hbm>>
    %dma_wait3A_546 = arith.constant 0 : i32
    %dma_wait3A_547 = tpu.memref_slice %arg7[%add3A_464, %dma_wait3A_546] : memref<100000x128xf32, #tpu.memory_space<hbm>> -> memref<128x128xf32, #tpu.memory_space<hbm>>
    tpu.wait_dma2 semaphore(%arg24 : memref<!tpu.dma_semaphore, #tpu.memory_space<semaphore_mem>>) src(%arg16 : memref<128x128xf32, #tpu.memory_space<vmem>>) dst(%dma_wait3A_547 : memref<128x128xf32, #tpu.memory_space<hbm>>)
    %add3A_548 = arith.constant 2560 : i32
    %add3A_549 = arith.addi %select_n3A, %add3A_548 : i32
    %dma_start3A_550 = arith.constant 0 : i32
    %dma_start3A_551 = tpu.memref_slice %arg5[%add3A_549, %dma_start3A_550] : memref<100000x128xf32, #tpu.memory_space<hbm>> -> memref<128x128xf32, #tpu.memory_space<hbm>>
    %dma_start3A_552 = arith.constant 0 : i32
    %dma_start3A_553 = tpu.memref_slice %arg5[%add3A_549, %dma_start3A_552] : memref<100000x128xf32, #tpu.memory_space<hbm>> -> memref<128x128xf32, #tpu.memory_space<hbm>>
    tpu.enqueue_dma source(%dma_start3A_553 : memref<128x128xf32, #tpu.memory_space<hbm>>) target(%arg16 : memref<128x128xf32, #tpu.memory_space<vmem>>) target_semaphore(%arg20 : memref<!tpu.dma_semaphore, #tpu.memory_space<semaphore_mem>>)
    tpu.wait_dma2 semaphore(%arg29 : memref<!tpu.dma_semaphore, #tpu.memory_space<semaphore_mem>>) src(%arg4 : memref<16384xi32, #tpu.memory_space<hbm>>) dst(%arg10 : memref<16384xi32, #tpu.memory_space<vmem>>)
    %convert_element_type3A_554 = arith.extui %lt3A_1 : i1 to i32
    %cond3A_555 = arith.constant 0 : i32
    %cond3A_556 = arith.cmpi ne, %convert_element_type3A_554, %cond3A_555 : i32
    scf.if %cond3A_556 {
      %dma_wait3A_1058 = arith.constant 0 : i32
      %dma_wait3A_1059 = tpu.memref_slice %arg15[%dma_wait3A_1058] : memref<3136xi32, #tpu.memory_space<vmem>> -> memref<3128xi32, #tpu.memory_space<vmem>>
      %dma_wait3A_1060 = tpu.memref_slice %arg6[%select_n3A] : memref<100000xi32, #tpu.memory_space<hbm>> -> memref<3128xi32, #tpu.memory_space<hbm>>
      %dma_wait3A_1061 = arith.constant 0 : i32
      %dma_wait3A_1062 = tpu.memref_slice %arg15[%dma_wait3A_1061] : memref<3136xi32, #tpu.memory_space<vmem>> -> memref<3128xi32, #tpu.memory_space<vmem>>
      %dma_wait3A_1063 = tpu.memref_slice %arg6[%select_n3A] : memref<100000xi32, #tpu.memory_space<hbm>> -> memref<3128xi32, #tpu.memory_space<hbm>>
      tpu.wait_dma2 semaphore(%arg30 : memref<!tpu.dma_semaphore, #tpu.memory_space<semaphore_mem>>) src(%dma_wait3A_1063 : memref<3128xi32, #tpu.memory_space<hbm>>) dst(%dma_wait3A_1062 : memref<3128xi32, #tpu.memory_space<vmem>>)
    } else {
    }
    %not3A_557 = arith.constant true
    %not3A_558 = arith.xori %lt3A_1, %not3A_557 : i1
    %convert_element_type3A_559 = arith.extui %not3A_558 : i1 to i32
    %cond3A_560 = arith.constant 0 : i32
    %cond3A_561 = arith.cmpi ne, %convert_element_type3A_559, %cond3A_560 : i32
    scf.if %cond3A_561 {
      %dma_wait3A_1058 = arith.constant 0 : i32
      %dma_wait3A_1059 = tpu.memref_slice %arg15[%dma_wait3A_1058] : memref<3136xi32, #tpu.memory_space<vmem>> -> memref<3120xi32, #tpu.memory_space<vmem>>
      %dma_wait3A_1060 = tpu.memref_slice %arg6[%select_n3A] : memref<100000xi32, #tpu.memory_space<hbm>> -> memref<3120xi32, #tpu.memory_space<hbm>>
      %dma_wait3A_1061 = arith.constant 0 : i32
      %dma_wait3A_1062 = tpu.memref_slice %arg15[%dma_wait3A_1061] : memref<3136xi32, #tpu.memory_space<vmem>> -> memref<3120xi32, #tpu.memory_space<vmem>>
      %dma_wait3A_1063 = tpu.memref_slice %arg6[%select_n3A] : memref<100000xi32, #tpu.memory_space<hbm>> -> memref<3120xi32, #tpu.memory_space<hbm>>
      tpu.wait_dma2 semaphore(%arg30 : memref<!tpu.dma_semaphore, #tpu.memory_space<semaphore_mem>>) src(%dma_wait3A_1063 : memref<3120xi32, #tpu.memory_space<hbm>>) dst(%dma_wait3A_1062 : memref<3120xi32, #tpu.memory_space<vmem>>)
    } else {
    }
    %jit3A_562 = arith.constant 16 : i32
    %div3A_563 = arith.divsi %mul3A_509, %jit3A_562 : i32
    %sign3A_564 = arith.constant 0 : i32
    %sign3A_565 = arith.cmpi sgt, %mul3A_509, %sign3A_564 : i32
    %sign3A_566 = arith.extui %sign3A_565 : i1 to i32
    %sign3A_567 = arith.constant 0 : i32
    %sign3A_568 = arith.cmpi slt, %mul3A_509, %sign3A_567 : i32
    %sign3A_569 = arith.extui %sign3A_568 : i1 to i32
    %sign3A_570 = arith.subi %sign3A_566, %sign3A_569 : i32
    %sign3A_571 = arith.constant 0 : i32
    %sign3A_572 = arith.cmpi sgt, %jit3A_562, %sign3A_571 : i32
    %sign3A_573 = arith.extui %sign3A_572 : i1 to i32
    %sign3A_574 = arith.constant 0 : i32
    %sign3A_575 = arith.cmpi slt, %jit3A_562, %sign3A_574 : i32
    %sign3A_576 = arith.extui %sign3A_575 : i1 to i32
    %sign3A_577 = arith.subi %sign3A_573, %sign3A_576 : i32
    %ne3A_578 = arith.cmpi ne, %sign3A_570, %sign3A_577 : i32
    %rem3A_579 = arith.remsi %mul3A_509, %jit3A_562 : i32
    %ne3A_580 = arith.constant 0 : i32
    %ne3A_581 = arith.cmpi ne, %rem3A_579, %ne3A_580 : i32
    %and3A_582 = arith.andi %ne3A_578, %ne3A_581 : i1
    %sub3A_583 = arith.constant 1 : i32
    %sub3A_584 = arith.subi %div3A_563, %sub3A_583 : i32
    %select_n3A_585 = arith.select %and3A_582, %sub3A_584, %div3A_563 : i32
    %mul3A_586 = arith.constant 0 : i32
    %mul3A_587 = arith.muli %select_n3A_585, %mul3A_586 : i32
    %jit3A_588 = arith.constant 3 : i32
    %div3A_589 = arith.divsi %mul3A_587, %jit3A_588 : i32
    %sign3A_590 = arith.constant 0 : i32
    %sign3A_591 = arith.cmpi sgt, %mul3A_587, %sign3A_590 : i32
    %sign3A_592 = arith.extui %sign3A_591 : i1 to i32
    %sign3A_593 = arith.constant 0 : i32
    %sign3A_594 = arith.cmpi slt, %mul3A_587, %sign3A_593 : i32
    %sign3A_595 = arith.extui %sign3A_594 : i1 to i32
    %sign3A_596 = arith.subi %sign3A_592, %sign3A_595 : i32
    %sign3A_597 = arith.constant 0 : i32
    %sign3A_598 = arith.cmpi sgt, %jit3A_588, %sign3A_597 : i32
    %sign3A_599 = arith.extui %sign3A_598 : i1 to i32
    %sign3A_600 = arith.constant 0 : i32
    %sign3A_601 = arith.cmpi slt, %jit3A_588, %sign3A_600 : i32
    %sign3A_602 = arith.extui %sign3A_601 : i1 to i32
    %sign3A_603 = arith.subi %sign3A_599, %sign3A_602 : i32
    %ne3A_604 = arith.cmpi ne, %sign3A_596, %sign3A_603 : i32
    %rem3A_605 = arith.remsi %mul3A_587, %jit3A_588 : i32
    %ne3A_606 = arith.constant 0 : i32
    %ne3A_607 = arith.cmpi ne, %rem3A_605, %ne3A_606 : i32
    %and3A_608 = arith.andi %ne3A_604, %ne3A_607 : i1
    %sub3A_609 = arith.constant 1 : i32
    %sub3A_610 = arith.subi %div3A_589, %sub3A_609 : i32
    %select_n3A_611 = arith.select %and3A_608, %sub3A_610, %div3A_589 : i32
    %mul3A_612 = arith.constant 1 : i32
    %mul3A_613 = arith.muli %select_n3A_585, %mul3A_612 : i32
    %jit3A_614 = arith.constant 3 : i32
    %div3A_615 = arith.divsi %mul3A_613, %jit3A_614 : i32
    %sign3A_616 = arith.constant 0 : i32
    %sign3A_617 = arith.cmpi sgt, %mul3A_613, %sign3A_616 : i32
    %sign3A_618 = arith.extui %sign3A_617 : i1 to i32
    %sign3A_619 = arith.constant 0 : i32
    %sign3A_620 = arith.cmpi slt, %mul3A_613, %sign3A_619 : i32
    %sign3A_621 = arith.extui %sign3A_620 : i1 to i32
    %sign3A_622 = arith.subi %sign3A_618, %sign3A_621 : i32
    %sign3A_623 = arith.constant 0 : i32
    %sign3A_624 = arith.cmpi sgt, %jit3A_614, %sign3A_623 : i32
    %sign3A_625 = arith.extui %sign3A_624 : i1 to i32
    %sign3A_626 = arith.constant 0 : i32
    %sign3A_627 = arith.cmpi slt, %jit3A_614, %sign3A_626 : i32
    %sign3A_628 = arith.extui %sign3A_627 : i1 to i32
    %sign3A_629 = arith.subi %sign3A_625, %sign3A_628 : i32
    %ne3A_630 = arith.cmpi ne, %sign3A_622, %sign3A_629 : i32
    %rem3A_631 = arith.remsi %mul3A_613, %jit3A_614 : i32
    %ne3A_632 = arith.constant 0 : i32
    %ne3A_633 = arith.cmpi ne, %rem3A_631, %ne3A_632 : i32
    %and3A_634 = arith.andi %ne3A_630, %ne3A_633 : i1
    %sub3A_635 = arith.constant 1 : i32
    %sub3A_636 = arith.subi %div3A_615, %sub3A_635 : i32
    %select_n3A_637 = arith.select %and3A_634, %sub3A_636, %div3A_615 : i32
    %while3A = arith.constant 0 : i32
    %while3A_638 = arith.subi %select_n3A_637, %select_n3A_611 : i32
    %while3A_639 = arith.addi %select_n3A_611, %while3A_638 : i32
    %while3A_640 = arith.constant 1 : i32
    %while3A_641 = arith.divsi %while3A_638, %while3A_640 : i32
    %while3A_642 = arith.muli %while3A_641, %while3A_640 : i32
    %while3A_643 = arith.addi %select_n3A_611, %while3A_642 : i32
    %while3A_644 = arith.constant 1 : i32
    %while3A_645 = scf.for %while3A_1058 = %select_n3A_611 to %while3A_643 step %while3A_644 iter_args(%while3A_1059 = %while3A) -> (i32)  : i32 {
      %mul3A_1060 = arith.constant 16 : i32
      %mul3A_1061 = arith.muli %while3A_1058, %mul3A_1060 : i32
      %get3A = arith.index_cast %mul3A_1061 : i32 to index
      %get3A_1062 = tpu.vector_load %arg12[%get3A] {strides = array<i32>} : memref<3200xi32, #tpu.memory_space<vmem>>, vector<16xi32>,
      %gather3A = tpu.vector_load_idx %arg10[%get3A_1062] : memref<16384xi32, #tpu.memory_space<vmem>>[vector<16xi32>], vector<16xi32>,
      %mul3A_1063 = arith.constant 16 : i32
      %mul3A_1064 = arith.muli %while3A_1058, %mul3A_1063 : i32
      %get3A_1065 = arith.index_cast %mul3A_1064 : i32 to index
      %get3A_1066 = tpu.vector_load %arg13[%get3A_1065] {strides = array<i32>} : memref<3200xi32, #tpu.memory_space<vmem>>, vector<16xi32>,
      tpu.vector_store_idx %arg15[%get3A_1066], %gather3A : memref<3136xi32, #tpu.memory_space<vmem>>[vector<16xi32>], vector<16xi32>,
      %while3A_1067 = arith.constant 0 : i32
      scf.yield %while3A_1067 : i32
    }
    %while3A_646 = arith.constant 1 : i32
    %while3A_647 = scf.for %while3A_1058 = %while3A_643 to %while3A_639 step %while3A_646 iter_args(%while3A_1059 = %while3A_645) -> (i32)  : i32 {
      %mul3A_1060 = arith.constant 16 : i32
      %mul3A_1061 = arith.muli %while3A_1058, %mul3A_1060 : i32
      %get3A = arith.index_cast %mul3A_1061 : i32 to index
      %get3A_1062 = tpu.vector_load %arg12[%get3A] {strides = array<i32>} : memref<3200xi32, #tpu.memory_space<vmem>>, vector<16xi32>,
      %gather3A = tpu.vector_load_idx %arg10[%get3A_1062] : memref<16384xi32, #tpu.memory_space<vmem>>[vector<16xi32>], vector<16xi32>,
      %mul3A_1063 = arith.constant 16 : i32
      %mul3A_1064 = arith.muli %while3A_1058, %mul3A_1063 : i32
      %get3A_1065 = arith.index_cast %mul3A_1064 : i32 to index
      %get3A_1066 = tpu.vector_load %arg13[%get3A_1065] {strides = array<i32>} : memref<3200xi32, #tpu.memory_space<vmem>>, vector<16xi32>,
      tpu.vector_store_idx %arg15[%get3A_1066], %gather3A : memref<3136xi32, #tpu.memory_space<vmem>>[vector<16xi32>], vector<16xi32>,
      %while3A_1067 = arith.constant 0 : i32
      scf.yield %while3A_1067 : i32
    }
    %dma_wait3A_648 = arith.constant 0 : i32
    %dma_wait3A_649 = tpu.memref_slice %arg5[%add3A_525, %dma_wait3A_648] : memref<100000x128xf32, #tpu.memory_space<hbm>> -> memref<128x128xf32, #tpu.memory_space<hbm>>
    %dma_wait3A_650 = arith.constant 0 : i32
    %dma_wait3A_651 = tpu.memref_slice %arg5[%add3A_525, %dma_wait3A_650] : memref<100000x128xf32, #tpu.memory_space<hbm>> -> memref<128x128xf32, #tpu.memory_space<hbm>>
    tpu.wait_dma2 semaphore(%arg23 : memref<!tpu.dma_semaphore, #tpu.memory_space<semaphore_mem>>) src(%dma_wait3A_651 : memref<128x128xf32, #tpu.memory_space<hbm>>) dst(%arg19 : memref<128x128xf32, #tpu.memory_space<vmem>>)
    %add3A_652 = arith.constant 2432 : i32
    %add3A_653 = arith.addi %select_n3A, %add3A_652 : i32
    %dma_start3A_654 = arith.constant 0 : i32
    %dma_start3A_655 = tpu.memref_slice %arg7[%add3A_653, %dma_start3A_654] : memref<100000x128xf32, #tpu.memory_space<hbm>> -> memref<128x128xf32, #tpu.memory_space<hbm>>
    %dma_start3A_656 = arith.constant 0 : i32
    %dma_start3A_657 = tpu.memref_slice %arg7[%add3A_653, %dma_start3A_656] : memref<100000x128xf32, #tpu.memory_space<hbm>> -> memref<128x128xf32, #tpu.memory_space<hbm>>
    tpu.enqueue_dma source(%arg19 : memref<128x128xf32, #tpu.memory_space<vmem>>) target(%dma_start3A_657 : memref<128x128xf32, #tpu.memory_space<hbm>>) target_semaphore(%arg27 : memref<!tpu.dma_semaphore, #tpu.memory_space<semaphore_mem>>)
    %dma_wait3A_658 = arith.constant 0 : i32
    %dma_wait3A_659 = tpu.memref_slice %arg7[%add3A_515, %dma_wait3A_658] : memref<100000x128xf32, #tpu.memory_space<hbm>> -> memref<128x128xf32, #tpu.memory_space<hbm>>
    %dma_wait3A_660 = arith.constant 0 : i32
    %dma_wait3A_661 = tpu.memref_slice %arg7[%add3A_515, %dma_wait3A_660] : memref<100000x128xf32, #tpu.memory_space<hbm>> -> memref<128x128xf32, #tpu.memory_space<hbm>>
    tpu.wait_dma2 semaphore(%arg25 : memref<!tpu.dma_semaphore, #tpu.memory_space<semaphore_mem>>) src(%arg17 : memref<128x128xf32, #tpu.memory_space<vmem>>) dst(%dma_wait3A_661 : memref<128x128xf32, #tpu.memory_space<hbm>>)
    %add3A_662 = arith.constant 2688 : i32
    %add3A_663 = arith.addi %select_n3A, %add3A_662 : i32
    %dma_start3A_664 = arith.constant 0 : i32
    %dma_start3A_665 = tpu.memref_slice %arg5[%add3A_663, %dma_start3A_664] : memref<100000x128xf32, #tpu.memory_space<hbm>> -> memref<128x128xf32, #tpu.memory_space<hbm>>
    %dma_start3A_666 = arith.constant 0 : i32
    %dma_start3A_667 = tpu.memref_slice %arg5[%add3A_663, %dma_start3A_666] : memref<100000x128xf32, #tpu.memory_space<hbm>> -> memref<128x128xf32, #tpu.memory_space<hbm>>
    tpu.enqueue_dma source(%dma_start3A_667 : memref<128x128xf32, #tpu.memory_space<hbm>>) target(%arg17 : memref<128x128xf32, #tpu.memory_space<vmem>>) target_semaphore(%arg21 : memref<!tpu.dma_semaphore, #tpu.memory_space<semaphore_mem>>)
    %jit3A_668 = arith.constant 16 : i32
    %div3A_669 = arith.divsi %mul3A_509, %jit3A_668 : i32
    %sign3A_670 = arith.constant 0 : i32
    %sign3A_671 = arith.cmpi sgt, %mul3A_509, %sign3A_670 : i32
    %sign3A_672 = arith.extui %sign3A_671 : i1 to i32
    %sign3A_673 = arith.constant 0 : i32
    %sign3A_674 = arith.cmpi slt, %mul3A_509, %sign3A_673 : i32
    %sign3A_675 = arith.extui %sign3A_674 : i1 to i32
    %sign3A_676 = arith.subi %sign3A_672, %sign3A_675 : i32
    %sign3A_677 = arith.constant 0 : i32
    %sign3A_678 = arith.cmpi sgt, %jit3A_668, %sign3A_677 : i32
    %sign3A_679 = arith.extui %sign3A_678 : i1 to i32
    %sign3A_680 = arith.constant 0 : i32
    %sign3A_681 = arith.cmpi slt, %jit3A_668, %sign3A_680 : i32
    %sign3A_682 = arith.extui %sign3A_681 : i1 to i32
    %sign3A_683 = arith.subi %sign3A_679, %sign3A_682 : i32
    %ne3A_684 = arith.cmpi ne, %sign3A_676, %sign3A_683 : i32
    %rem3A_685 = arith.remsi %mul3A_509, %jit3A_668 : i32
    %ne3A_686 = arith.constant 0 : i32
    %ne3A_687 = arith.cmpi ne, %rem3A_685, %ne3A_686 : i32
    %and3A_688 = arith.andi %ne3A_684, %ne3A_687 : i1
    %sub3A_689 = arith.constant 1 : i32
    %sub3A_690 = arith.subi %div3A_669, %sub3A_689 : i32
    %select_n3A_691 = arith.select %and3A_688, %sub3A_690, %div3A_669 : i32
    %mul3A_692 = arith.constant 1 : i32
    %mul3A_693 = arith.muli %select_n3A_691, %mul3A_692 : i32
    %jit3A_694 = arith.constant 3 : i32
    %div3A_695 = arith.divsi %mul3A_693, %jit3A_694 : i32
    %sign3A_696 = arith.constant 0 : i32
    %sign3A_697 = arith.cmpi sgt, %mul3A_693, %sign3A_696 : i32
    %sign3A_698 = arith.extui %sign3A_697 : i1 to i32
    %sign3A_699 = arith.constant 0 : i32
    %sign3A_700 = arith.cmpi slt, %mul3A_693, %sign3A_699 : i32
    %sign3A_701 = arith.extui %sign3A_700 : i1 to i32
    %sign3A_702 = arith.subi %sign3A_698, %sign3A_701 : i32
    %sign3A_703 = arith.constant 0 : i32
    %sign3A_704 = arith.cmpi sgt, %jit3A_694, %sign3A_703 : i32
    %sign3A_705 = arith.extui %sign3A_704 : i1 to i32
    %sign3A_706 = arith.constant 0 : i32
    %sign3A_707 = arith.cmpi slt, %jit3A_694, %sign3A_706 : i32
    %sign3A_708 = arith.extui %sign3A_707 : i1 to i32
    %sign3A_709 = arith.subi %sign3A_705, %sign3A_708 : i32
    %ne3A_710 = arith.cmpi ne, %sign3A_702, %sign3A_709 : i32
    %rem3A_711 = arith.remsi %mul3A_693, %jit3A_694 : i32
    %ne3A_712 = arith.constant 0 : i32
    %ne3A_713 = arith.cmpi ne, %rem3A_711, %ne3A_712 : i32
    %and3A_714 = arith.andi %ne3A_710, %ne3A_713 : i1
    %sub3A_715 = arith.constant 1 : i32
    %sub3A_716 = arith.subi %div3A_695, %sub3A_715 : i32
    %select_n3A_717 = arith.select %and3A_714, %sub3A_716, %div3A_695 : i32
    %mul3A_718 = arith.constant 2 : i32
    %mul3A_719 = arith.muli %select_n3A_691, %mul3A_718 : i32
    %jit3A_720 = arith.constant 3 : i32
    %div3A_721 = arith.divsi %mul3A_719, %jit3A_720 : i32
    %sign3A_722 = arith.constant 0 : i32
    %sign3A_723 = arith.cmpi sgt, %mul3A_719, %sign3A_722 : i32
    %sign3A_724 = arith.extui %sign3A_723 : i1 to i32
    %sign3A_725 = arith.constant 0 : i32
    %sign3A_726 = arith.cmpi slt, %mul3A_719, %sign3A_725 : i32
    %sign3A_727 = arith.extui %sign3A_726 : i1 to i32
    %sign3A_728 = arith.subi %sign3A_724, %sign3A_727 : i32
    %sign3A_729 = arith.constant 0 : i32
    %sign3A_730 = arith.cmpi sgt, %jit3A_720, %sign3A_729 : i32
    %sign3A_731 = arith.extui %sign3A_730 : i1 to i32
    %sign3A_732 = arith.constant 0 : i32
    %sign3A_733 = arith.cmpi slt, %jit3A_720, %sign3A_732 : i32
    %sign3A_734 = arith.extui %sign3A_733 : i1 to i32
    %sign3A_735 = arith.subi %sign3A_731, %sign3A_734 : i32
    %ne3A_736 = arith.cmpi ne, %sign3A_728, %sign3A_735 : i32
    %rem3A_737 = arith.remsi %mul3A_719, %jit3A_720 : i32
    %ne3A_738 = arith.constant 0 : i32
    %ne3A_739 = arith.cmpi ne, %rem3A_737, %ne3A_738 : i32
    %and3A_740 = arith.andi %ne3A_736, %ne3A_739 : i1
    %sub3A_741 = arith.constant 1 : i32
    %sub3A_742 = arith.subi %div3A_721, %sub3A_741 : i32
    %select_n3A_743 = arith.select %and3A_740, %sub3A_742, %div3A_721 : i32
    %while3A_744 = arith.constant 0 : i32
    %while3A_745 = arith.subi %select_n3A_743, %select_n3A_717 : i32
    %while3A_746 = arith.addi %select_n3A_717, %while3A_745 : i32
    %while3A_747 = arith.constant 1 : i32
    %while3A_748 = arith.divsi %while3A_745, %while3A_747 : i32
    %while3A_749 = arith.muli %while3A_748, %while3A_747 : i32
    %while3A_750 = arith.addi %select_n3A_717, %while3A_749 : i32
    %while3A_751 = arith.constant 1 : i32
    %while3A_752 = scf.for %while3A_1058 = %select_n3A_717 to %while3A_750 step %while3A_751 iter_args(%while3A_1059 = %while3A_744) -> (i32)  : i32 {
      %mul3A_1060 = arith.constant 16 : i32
      %mul3A_1061 = arith.muli %while3A_1058, %mul3A_1060 : i32
      %get3A = arith.index_cast %mul3A_1061 : i32 to index
      %get3A_1062 = tpu.vector_load %arg12[%get3A] {strides = array<i32>} : memref<3200xi32, #tpu.memory_space<vmem>>, vector<16xi32>,
      %gather3A = tpu.vector_load_idx %arg10[%get3A_1062] : memref<16384xi32, #tpu.memory_space<vmem>>[vector<16xi32>], vector<16xi32>,
      %mul3A_1063 = arith.constant 16 : i32
      %mul3A_1064 = arith.muli %while3A_1058, %mul3A_1063 : i32
      %get3A_1065 = arith.index_cast %mul3A_1064 : i32 to index
      %get3A_1066 = tpu.vector_load %arg13[%get3A_1065] {strides = array<i32>} : memref<3200xi32, #tpu.memory_space<vmem>>, vector<16xi32>,
      tpu.vector_store_idx %arg15[%get3A_1066], %gather3A : memref<3136xi32, #tpu.memory_space<vmem>>[vector<16xi32>], vector<16xi32>,
      %while3A_1067 = arith.constant 0 : i32
      scf.yield %while3A_1067 : i32
    }
    %while3A_753 = arith.constant 1 : i32
    %while3A_754 = scf.for %while3A_1058 = %while3A_750 to %while3A_746 step %while3A_753 iter_args(%while3A_1059 = %while3A_752) -> (i32)  : i32 {
      %mul3A_1060 = arith.constant 16 : i32
      %mul3A_1061 = arith.muli %while3A_1058, %mul3A_1060 : i32
      %get3A = arith.index_cast %mul3A_1061 : i32 to index
      %get3A_1062 = tpu.vector_load %arg12[%get3A] {strides = array<i32>} : memref<3200xi32, #tpu.memory_space<vmem>>, vector<16xi32>,
      %gather3A = tpu.vector_load_idx %arg10[%get3A_1062] : memref<16384xi32, #tpu.memory_space<vmem>>[vector<16xi32>], vector<16xi32>,
      %mul3A_1063 = arith.constant 16 : i32
      %mul3A_1064 = arith.muli %while3A_1058, %mul3A_1063 : i32
      %get3A_1065 = arith.index_cast %mul3A_1064 : i32 to index
      %get3A_1066 = tpu.vector_load %arg13[%get3A_1065] {strides = array<i32>} : memref<3200xi32, #tpu.memory_space<vmem>>, vector<16xi32>,
      tpu.vector_store_idx %arg15[%get3A_1066], %gather3A : memref<3136xi32, #tpu.memory_space<vmem>>[vector<16xi32>], vector<16xi32>,
      %while3A_1067 = arith.constant 0 : i32
      scf.yield %while3A_1067 : i32
    }
    %dma_wait3A_755 = arith.constant 0 : i32
    %dma_wait3A_756 = tpu.memref_slice %arg5[%add3A_549, %dma_wait3A_755] : memref<100000x128xf32, #tpu.memory_space<hbm>> -> memref<128x128xf32, #tpu.memory_space<hbm>>
    %dma_wait3A_757 = arith.constant 0 : i32
    %dma_wait3A_758 = tpu.memref_slice %arg5[%add3A_549, %dma_wait3A_757] : memref<100000x128xf32, #tpu.memory_space<hbm>> -> memref<128x128xf32, #tpu.memory_space<hbm>>
    tpu.wait_dma2 semaphore(%arg20 : memref<!tpu.dma_semaphore, #tpu.memory_space<semaphore_mem>>) src(%dma_wait3A_758 : memref<128x128xf32, #tpu.memory_space<hbm>>) dst(%arg16 : memref<128x128xf32, #tpu.memory_space<vmem>>)
    %add3A_759 = arith.constant 2560 : i32
    %add3A_760 = arith.addi %select_n3A, %add3A_759 : i32
    %dma_start3A_761 = arith.constant 0 : i32
    %dma_start3A_762 = tpu.memref_slice %arg7[%add3A_760, %dma_start3A_761] : memref<100000x128xf32, #tpu.memory_space<hbm>> -> memref<128x128xf32, #tpu.memory_space<hbm>>
    %dma_start3A_763 = arith.constant 0 : i32
    %dma_start3A_764 = tpu.memref_slice %arg7[%add3A_760, %dma_start3A_763] : memref<100000x128xf32, #tpu.memory_space<hbm>> -> memref<128x128xf32, #tpu.memory_space<hbm>>
    tpu.enqueue_dma source(%arg16 : memref<128x128xf32, #tpu.memory_space<vmem>>) target(%dma_start3A_764 : memref<128x128xf32, #tpu.memory_space<hbm>>) target_semaphore(%arg24 : memref<!tpu.dma_semaphore, #tpu.memory_space<semaphore_mem>>)
    %dma_wait3A_765 = arith.constant 0 : i32
    %dma_wait3A_766 = tpu.memref_slice %arg7[%add3A_539, %dma_wait3A_765] : memref<100000x128xf32, #tpu.memory_space<hbm>> -> memref<128x128xf32, #tpu.memory_space<hbm>>
    %dma_wait3A_767 = arith.constant 0 : i32
    %dma_wait3A_768 = tpu.memref_slice %arg7[%add3A_539, %dma_wait3A_767] : memref<100000x128xf32, #tpu.memory_space<hbm>> -> memref<128x128xf32, #tpu.memory_space<hbm>>
    tpu.wait_dma2 semaphore(%arg26 : memref<!tpu.dma_semaphore, #tpu.memory_space<semaphore_mem>>) src(%arg18 : memref<128x128xf32, #tpu.memory_space<vmem>>) dst(%dma_wait3A_768 : memref<128x128xf32, #tpu.memory_space<hbm>>)
    %add3A_769 = arith.constant 2816 : i32
    %add3A_770 = arith.addi %select_n3A, %add3A_769 : i32
    %dma_start3A_771 = arith.constant 0 : i32
    %dma_start3A_772 = tpu.memref_slice %arg5[%add3A_770, %dma_start3A_771] : memref<100000x128xf32, #tpu.memory_space<hbm>> -> memref<128x128xf32, #tpu.memory_space<hbm>>
    %dma_start3A_773 = arith.constant 0 : i32
    %dma_start3A_774 = tpu.memref_slice %arg5[%add3A_770, %dma_start3A_773] : memref<100000x128xf32, #tpu.memory_space<hbm>> -> memref<128x128xf32, #tpu.memory_space<hbm>>
    tpu.enqueue_dma source(%dma_start3A_774 : memref<128x128xf32, #tpu.memory_space<hbm>>) target(%arg18 : memref<128x128xf32, #tpu.memory_space<vmem>>) target_semaphore(%arg22 : memref<!tpu.dma_semaphore, #tpu.memory_space<semaphore_mem>>)
    %jit3A_775 = arith.constant 16 : i32
    %div3A_776 = arith.divsi %mul3A_509, %jit3A_775 : i32
    %sign3A_777 = arith.constant 0 : i32
    %sign3A_778 = arith.cmpi sgt, %mul3A_509, %sign3A_777 : i32
    %sign3A_779 = arith.extui %sign3A_778 : i1 to i32
    %sign3A_780 = arith.constant 0 : i32
    %sign3A_781 = arith.cmpi slt, %mul3A_509, %sign3A_780 : i32
    %sign3A_782 = arith.extui %sign3A_781 : i1 to i32
    %sign3A_783 = arith.subi %sign3A_779, %sign3A_782 : i32
    %sign3A_784 = arith.constant 0 : i32
    %sign3A_785 = arith.cmpi sgt, %jit3A_775, %sign3A_784 : i32
    %sign3A_786 = arith.extui %sign3A_785 : i1 to i32
    %sign3A_787 = arith.constant 0 : i32
    %sign3A_788 = arith.cmpi slt, %jit3A_775, %sign3A_787 : i32
    %sign3A_789 = arith.extui %sign3A_788 : i1 to i32
    %sign3A_790 = arith.subi %sign3A_786, %sign3A_789 : i32
    %ne3A_791 = arith.cmpi ne, %sign3A_783, %sign3A_790 : i32
    %rem3A_792 = arith.remsi %mul3A_509, %jit3A_775 : i32
    %ne3A_793 = arith.constant 0 : i32
    %ne3A_794 = arith.cmpi ne, %rem3A_792, %ne3A_793 : i32
    %and3A_795 = arith.andi %ne3A_791, %ne3A_794 : i1
    %sub3A_796 = arith.constant 1 : i32
    %sub3A_797 = arith.subi %div3A_776, %sub3A_796 : i32
    %select_n3A_798 = arith.select %and3A_795, %sub3A_797, %div3A_776 : i32
    %mul3A_799 = arith.constant 2 : i32
    %mul3A_800 = arith.muli %select_n3A_798, %mul3A_799 : i32
    %jit3A_801 = arith.constant 3 : i32
    %div3A_802 = arith.divsi %mul3A_800, %jit3A_801 : i32
    %sign3A_803 = arith.constant 0 : i32
    %sign3A_804 = arith.cmpi sgt, %mul3A_800, %sign3A_803 : i32
    %sign3A_805 = arith.extui %sign3A_804 : i1 to i32
    %sign3A_806 = arith.constant 0 : i32
    %sign3A_807 = arith.cmpi slt, %mul3A_800, %sign3A_806 : i32
    %sign3A_808 = arith.extui %sign3A_807 : i1 to i32
    %sign3A_809 = arith.subi %sign3A_805, %sign3A_808 : i32
    %sign3A_810 = arith.constant 0 : i32
    %sign3A_811 = arith.cmpi sgt, %jit3A_801, %sign3A_810 : i32
    %sign3A_812 = arith.extui %sign3A_811 : i1 to i32
    %sign3A_813 = arith.constant 0 : i32
    %sign3A_814 = arith.cmpi slt, %jit3A_801, %sign3A_813 : i32
    %sign3A_815 = arith.extui %sign3A_814 : i1 to i32
    %sign3A_816 = arith.subi %sign3A_812, %sign3A_815 : i32
    %ne3A_817 = arith.cmpi ne, %sign3A_809, %sign3A_816 : i32
    %rem3A_818 = arith.remsi %mul3A_800, %jit3A_801 : i32
    %ne3A_819 = arith.constant 0 : i32
    %ne3A_820 = arith.cmpi ne, %rem3A_818, %ne3A_819 : i32
    %and3A_821 = arith.andi %ne3A_817, %ne3A_820 : i1
    %sub3A_822 = arith.constant 1 : i32
    %sub3A_823 = arith.subi %div3A_802, %sub3A_822 : i32
    %select_n3A_824 = arith.select %and3A_821, %sub3A_823, %div3A_802 : i32
    %mul3A_825 = arith.constant 3 : i32
    %mul3A_826 = arith.muli %select_n3A_798, %mul3A_825 : i32
    %jit3A_827 = arith.constant 3 : i32
    %div3A_828 = arith.divsi %mul3A_826, %jit3A_827 : i32
    %sign3A_829 = arith.constant 0 : i32
    %sign3A_830 = arith.cmpi sgt, %mul3A_826, %sign3A_829 : i32
    %sign3A_831 = arith.extui %sign3A_830 : i1 to i32
    %sign3A_832 = arith.constant 0 : i32
    %sign3A_833 = arith.cmpi slt, %mul3A_826, %sign3A_832 : i32
    %sign3A_834 = arith.extui %sign3A_833 : i1 to i32
    %sign3A_835 = arith.subi %sign3A_831, %sign3A_834 : i32
    %sign3A_836 = arith.constant 0 : i32
    %sign3A_837 = arith.cmpi sgt, %jit3A_827, %sign3A_836 : i32
    %sign3A_838 = arith.extui %sign3A_837 : i1 to i32
    %sign3A_839 = arith.constant 0 : i32
    %sign3A_840 = arith.cmpi slt, %jit3A_827, %sign3A_839 : i32
    %sign3A_841 = arith.extui %sign3A_840 : i1 to i32
    %sign3A_842 = arith.subi %sign3A_838, %sign3A_841 : i32
    %ne3A_843 = arith.cmpi ne, %sign3A_835, %sign3A_842 : i32
    %rem3A_844 = arith.remsi %mul3A_826, %jit3A_827 : i32
    %ne3A_845 = arith.constant 0 : i32
    %ne3A_846 = arith.cmpi ne, %rem3A_844, %ne3A_845 : i32
    %and3A_847 = arith.andi %ne3A_843, %ne3A_846 : i1
    %sub3A_848 = arith.constant 1 : i32
    %sub3A_849 = arith.subi %div3A_828, %sub3A_848 : i32
    %select_n3A_850 = arith.select %and3A_847, %sub3A_849, %div3A_828 : i32
    %while3A_851 = arith.constant 0 : i32
    %while3A_852 = arith.subi %select_n3A_850, %select_n3A_824 : i32
    %while3A_853 = arith.addi %select_n3A_824, %while3A_852 : i32
    %while3A_854 = arith.constant 1 : i32
    %while3A_855 = arith.divsi %while3A_852, %while3A_854 : i32
    %while3A_856 = arith.muli %while3A_855, %while3A_854 : i32
    %while3A_857 = arith.addi %select_n3A_824, %while3A_856 : i32
    %while3A_858 = arith.constant 1 : i32
    %while3A_859 = scf.for %while3A_1058 = %select_n3A_824 to %while3A_857 step %while3A_858 iter_args(%while3A_1059 = %while3A_851) -> (i32)  : i32 {
      %mul3A_1060 = arith.constant 16 : i32
      %mul3A_1061 = arith.muli %while3A_1058, %mul3A_1060 : i32
      %get3A = arith.index_cast %mul3A_1061 : i32 to index
      %get3A_1062 = tpu.vector_load %arg12[%get3A] {strides = array<i32>} : memref<3200xi32, #tpu.memory_space<vmem>>, vector<16xi32>,
      %gather3A = tpu.vector_load_idx %arg10[%get3A_1062] : memref<16384xi32, #tpu.memory_space<vmem>>[vector<16xi32>], vector<16xi32>,
      %mul3A_1063 = arith.constant 16 : i32
      %mul3A_1064 = arith.muli %while3A_1058, %mul3A_1063 : i32
      %get3A_1065 = arith.index_cast %mul3A_1064 : i32 to index
      %get3A_1066 = tpu.vector_load %arg13[%get3A_1065] {strides = array<i32>} : memref<3200xi32, #tpu.memory_space<vmem>>, vector<16xi32>,
      tpu.vector_store_idx %arg15[%get3A_1066], %gather3A : memref<3136xi32, #tpu.memory_space<vmem>>[vector<16xi32>], vector<16xi32>,
      %while3A_1067 = arith.constant 0 : i32
      scf.yield %while3A_1067 : i32
    }
    %while3A_860 = arith.constant 1 : i32
    %while3A_861 = scf.for %while3A_1058 = %while3A_857 to %while3A_853 step %while3A_860 iter_args(%while3A_1059 = %while3A_859) -> (i32)  : i32 {
      %mul3A_1060 = arith.constant 16 : i32
      %mul3A_1061 = arith.muli %while3A_1058, %mul3A_1060 : i32
      %get3A = arith.index_cast %mul3A_1061 : i32 to index
      %get3A_1062 = tpu.vector_load %arg12[%get3A] {strides = array<i32>} : memref<3200xi32, #tpu.memory_space<vmem>>, vector<16xi32>,
      %gather3A = tpu.vector_load_idx %arg10[%get3A_1062] : memref<16384xi32, #tpu.memory_space<vmem>>[vector<16xi32>], vector<16xi32>,
      %mul3A_1063 = arith.constant 16 : i32
      %mul3A_1064 = arith.muli %while3A_1058, %mul3A_1063 : i32
      %get3A_1065 = arith.index_cast %mul3A_1064 : i32 to index
      %get3A_1066 = tpu.vector_load %arg13[%get3A_1065] {strides = array<i32>} : memref<3200xi32, #tpu.memory_space<vmem>>, vector<16xi32>,
      tpu.vector_store_idx %arg15[%get3A_1066], %gather3A : memref<3136xi32, #tpu.memory_space<vmem>>[vector<16xi32>], vector<16xi32>,
      %while3A_1067 = arith.constant 0 : i32
      scf.yield %while3A_1067 : i32
    }
    %dma_wait3A_862 = arith.constant 0 : i32
    %dma_wait3A_863 = tpu.memref_slice %arg5[%add3A_663, %dma_wait3A_862] : memref<100000x128xf32, #tpu.memory_space<hbm>> -> memref<128x128xf32, #tpu.memory_space<hbm>>
    %dma_wait3A_864 = arith.constant 0 : i32
    %dma_wait3A_865 = tpu.memref_slice %arg5[%add3A_663, %dma_wait3A_864] : memref<100000x128xf32, #tpu.memory_space<hbm>> -> memref<128x128xf32, #tpu.memory_space<hbm>>
    tpu.wait_dma2 semaphore(%arg21 : memref<!tpu.dma_semaphore, #tpu.memory_space<semaphore_mem>>) src(%dma_wait3A_865 : memref<128x128xf32, #tpu.memory_space<hbm>>) dst(%arg17 : memref<128x128xf32, #tpu.memory_space<vmem>>)
    %add3A_866 = arith.constant 2688 : i32
    %add3A_867 = arith.addi %select_n3A, %add3A_866 : i32
    %dma_start3A_868 = arith.constant 0 : i32
    %dma_start3A_869 = tpu.memref_slice %arg7[%add3A_867, %dma_start3A_868] : memref<100000x128xf32, #tpu.memory_space<hbm>> -> memref<128x128xf32, #tpu.memory_space<hbm>>
    %dma_start3A_870 = arith.constant 0 : i32
    %dma_start3A_871 = tpu.memref_slice %arg7[%add3A_867, %dma_start3A_870] : memref<100000x128xf32, #tpu.memory_space<hbm>> -> memref<128x128xf32, #tpu.memory_space<hbm>>
    tpu.enqueue_dma source(%arg17 : memref<128x128xf32, #tpu.memory_space<vmem>>) target(%dma_start3A_871 : memref<128x128xf32, #tpu.memory_space<hbm>>) target_semaphore(%arg25 : memref<!tpu.dma_semaphore, #tpu.memory_space<semaphore_mem>>)
    %dma_wait3A_872 = arith.constant 0 : i32
    %dma_wait3A_873 = tpu.memref_slice %arg7[%add3A_653, %dma_wait3A_872] : memref<100000x128xf32, #tpu.memory_space<hbm>> -> memref<128x128xf32, #tpu.memory_space<hbm>>
    %dma_wait3A_874 = arith.constant 0 : i32
    %dma_wait3A_875 = tpu.memref_slice %arg7[%add3A_653, %dma_wait3A_874] : memref<100000x128xf32, #tpu.memory_space<hbm>> -> memref<128x128xf32, #tpu.memory_space<hbm>>
    tpu.wait_dma2 semaphore(%arg27 : memref<!tpu.dma_semaphore, #tpu.memory_space<semaphore_mem>>) src(%arg19 : memref<128x128xf32, #tpu.memory_space<vmem>>) dst(%dma_wait3A_875 : memref<128x128xf32, #tpu.memory_space<hbm>>)
    %add3A_876 = arith.constant 2944 : i32
    %add3A_877 = arith.addi %select_n3A, %add3A_876 : i32
    %dma_start3A_878 = arith.constant 0 : i32
    %dma_start3A_879 = tpu.memref_slice %arg5[%add3A_877, %dma_start3A_878] : memref<100000x128xf32, #tpu.memory_space<hbm>> -> memref<128x128xf32, #tpu.memory_space<hbm>>
    %dma_start3A_880 = arith.constant 0 : i32
    %dma_start3A_881 = tpu.memref_slice %arg5[%add3A_877, %dma_start3A_880] : memref<100000x128xf32, #tpu.memory_space<hbm>> -> memref<128x128xf32, #tpu.memory_space<hbm>>
    tpu.enqueue_dma source(%dma_start3A_881 : memref<128x128xf32, #tpu.memory_space<hbm>>) target(%arg19 : memref<128x128xf32, #tpu.memory_space<vmem>>) target_semaphore(%arg23 : memref<!tpu.dma_semaphore, #tpu.memory_space<semaphore_mem>>)
    %convert_element_type3A_882 = arith.extui %lt3A_1 : i1 to i32
    %cond3A_883 = arith.constant 0 : i32
    %cond3A_884 = arith.cmpi ne, %convert_element_type3A_882, %cond3A_883 : i32
    scf.if %cond3A_884 {
      "tpu.region"() ({
        %run_scoped3A = tpu.sem_alloc : memref<!tpu.dma_semaphore, #tpu.memory_space<semaphore_mem>>
        %dma_start3A_1058 = arith.constant 0 : i32
        %dma_start3A_1059 = tpu.memref_slice %arg15[%dma_start3A_1058] : memref<3136xi32, #tpu.memory_space<vmem>> -> memref<3128xi32, #tpu.memory_space<vmem>>
        %dma_start3A_1060 = tpu.memref_slice %arg8[%select_n3A] : memref<100000xi32, #tpu.memory_space<hbm>> -> memref<3128xi32, #tpu.memory_space<hbm>>
        %dma_start3A_1061 = tpu.memref_slice %arg8[%select_n3A] : memref<100000xi32, #tpu.memory_space<hbm>> -> memref<3128xi32, #tpu.memory_space<hbm>>
        %dma_start3A_1062 = arith.constant 0 : i32
        %dma_start3A_1063 = tpu.memref_slice %arg15[%dma_start3A_1062] : memref<3136xi32, #tpu.memory_space<vmem>> -> memref<3128xi32, #tpu.memory_space<vmem>>
        tpu.enqueue_dma source(%dma_start3A_1063 : memref<3128xi32, #tpu.memory_space<vmem>>) target(%dma_start3A_1061 : memref<3128xi32, #tpu.memory_space<hbm>>) target_semaphore(%run_scoped3A : memref<!tpu.dma_semaphore, #tpu.memory_space<semaphore_mem>>)
        %dma_wait3A_1064 = arith.constant 0 : i32
        %dma_wait3A_1065 = tpu.memref_slice %arg15[%dma_wait3A_1064] : memref<3136xi32, #tpu.memory_space<vmem>> -> memref<3128xi32, #tpu.memory_space<vmem>>
        %dma_wait3A_1066 = tpu.memref_slice %arg8[%select_n3A] : memref<100000xi32, #tpu.memory_space<hbm>> -> memref<3128xi32, #tpu.memory_space<hbm>>
        %dma_wait3A_1067 = tpu.memref_slice %arg8[%select_n3A] : memref<100000xi32, #tpu.memory_space<hbm>> -> memref<3128xi32, #tpu.memory_space<hbm>>
        %dma_wait3A_1068 = arith.constant 0 : i32
        %dma_wait3A_1069 = tpu.memref_slice %arg15[%dma_wait3A_1068] : memref<3136xi32, #tpu.memory_space<vmem>> -> memref<3128xi32, #tpu.memory_space<vmem>>
        tpu.wait_dma2 semaphore(%run_scoped3A : memref<!tpu.dma_semaphore, #tpu.memory_space<semaphore_mem>>) src(%dma_wait3A_1069 : memref<3128xi32, #tpu.memory_space<vmem>>) dst(%dma_wait3A_1067 : memref<3128xi32, #tpu.memory_space<hbm>>)
        tpu.yield
      }) : () -> ()
    } else {
    }
    %not3A_885 = arith.constant true
    %not3A_886 = arith.xori %lt3A_1, %not3A_885 : i1
    %convert_element_type3A_887 = arith.extui %not3A_886 : i1 to i32
    %cond3A_888 = arith.constant 0 : i32
    %cond3A_889 = arith.cmpi ne, %convert_element_type3A_887, %cond3A_888 : i32
    scf.if %cond3A_889 {
      "tpu.region"() ({
        %run_scoped3A = tpu.sem_alloc : memref<!tpu.dma_semaphore, #tpu.memory_space<semaphore_mem>>
        %dma_start3A_1058 = arith.constant 0 : i32
        %dma_start3A_1059 = tpu.memref_slice %arg15[%dma_start3A_1058] : memref<3136xi32, #tpu.memory_space<vmem>> -> memref<3120xi32, #tpu.memory_space<vmem>>
        %dma_start3A_1060 = tpu.memref_slice %arg8[%select_n3A] : memref<100000xi32, #tpu.memory_space<hbm>> -> memref<3120xi32, #tpu.memory_space<hbm>>
        %dma_start3A_1061 = tpu.memref_slice %arg8[%select_n3A] : memref<100000xi32, #tpu.memory_space<hbm>> -> memref<3120xi32, #tpu.memory_space<hbm>>
        %dma_start3A_1062 = arith.constant 0 : i32
        %dma_start3A_1063 = tpu.memref_slice %arg15[%dma_start3A_1062] : memref<3136xi32, #tpu.memory_space<vmem>> -> memref<3120xi32, #tpu.memory_space<vmem>>
        tpu.enqueue_dma source(%dma_start3A_1063 : memref<3120xi32, #tpu.memory_space<vmem>>) target(%dma_start3A_1061 : memref<3120xi32, #tpu.memory_space<hbm>>) target_semaphore(%run_scoped3A : memref<!tpu.dma_semaphore, #tpu.memory_space<semaphore_mem>>)
        %dma_wait3A_1064 = arith.constant 0 : i32
        %dma_wait3A_1065 = tpu.memref_slice %arg15[%dma_wait3A_1064] : memref<3136xi32, #tpu.memory_space<vmem>> -> memref<3120xi32, #tpu.memory_space<vmem>>
        %dma_wait3A_1066 = tpu.memref_slice %arg8[%select_n3A] : memref<100000xi32, #tpu.memory_space<hbm>> -> memref<3120xi32, #tpu.memory_space<hbm>>
        %dma_wait3A_1067 = tpu.memref_slice %arg8[%select_n3A] : memref<100000xi32, #tpu.memory_space<hbm>> -> memref<3120xi32, #tpu.memory_space<hbm>>
        %dma_wait3A_1068 = arith.constant 0 : i32
        %dma_wait3A_1069 = tpu.memref_slice %arg15[%dma_wait3A_1068] : memref<3136xi32, #tpu.memory_space<vmem>> -> memref<3120xi32, #tpu.memory_space<vmem>>
        tpu.wait_dma2 semaphore(%run_scoped3A : memref<!tpu.dma_semaphore, #tpu.memory_space<semaphore_mem>>) src(%dma_wait3A_1069 : memref<3120xi32, #tpu.memory_space<vmem>>) dst(%dma_wait3A_1067 : memref<3120xi32, #tpu.memory_space<hbm>>)
        tpu.yield
      }) : () -> ()
    } else {
    }
    %dma_wait3A_890 = arith.constant 0 : i32
    %dma_wait3A_891 = tpu.memref_slice %arg5[%add3A_770, %dma_wait3A_890] : memref<100000x128xf32, #tpu.memory_space<hbm>> -> memref<128x128xf32, #tpu.memory_space<hbm>>
    %dma_wait3A_892 = arith.constant 0 : i32
    %dma_wait3A_893 = tpu.memref_slice %arg5[%add3A_770, %dma_wait3A_892] : memref<100000x128xf32, #tpu.memory_space<hbm>> -> memref<128x128xf32, #tpu.memory_space<hbm>>
    tpu.wait_dma2 semaphore(%arg22 : memref<!tpu.dma_semaphore, #tpu.memory_space<semaphore_mem>>) src(%dma_wait3A_893 : memref<128x128xf32, #tpu.memory_space<hbm>>) dst(%arg18 : memref<128x128xf32, #tpu.memory_space<vmem>>)
    %add3A_894 = arith.constant 2816 : i32
    %add3A_895 = arith.addi %select_n3A, %add3A_894 : i32
    %dma_start3A_896 = arith.constant 0 : i32
    %dma_start3A_897 = tpu.memref_slice %arg7[%add3A_895, %dma_start3A_896] : memref<100000x128xf32, #tpu.memory_space<hbm>> -> memref<128x128xf32, #tpu.memory_space<hbm>>
    %dma_start3A_898 = arith.constant 0 : i32
    %dma_start3A_899 = tpu.memref_slice %arg7[%add3A_895, %dma_start3A_898] : memref<100000x128xf32, #tpu.memory_space<hbm>> -> memref<128x128xf32, #tpu.memory_space<hbm>>
    tpu.enqueue_dma source(%arg18 : memref<128x128xf32, #tpu.memory_space<vmem>>) target(%dma_start3A_899 : memref<128x128xf32, #tpu.memory_space<hbm>>) target_semaphore(%arg26 : memref<!tpu.dma_semaphore, #tpu.memory_space<semaphore_mem>>)
    %dma_wait3A_900 = arith.constant 0 : i32
    %dma_wait3A_901 = tpu.memref_slice %arg7[%add3A_760, %dma_wait3A_900] : memref<100000x128xf32, #tpu.memory_space<hbm>> -> memref<128x128xf32, #tpu.memory_space<hbm>>
    %dma_wait3A_902 = arith.constant 0 : i32
    %dma_wait3A_903 = tpu.memref_slice %arg7[%add3A_760, %dma_wait3A_902] : memref<100000x128xf32, #tpu.memory_space<hbm>> -> memref<128x128xf32, #tpu.memory_space<hbm>>
    tpu.wait_dma2 semaphore(%arg24 : memref<!tpu.dma_semaphore, #tpu.memory_space<semaphore_mem>>) src(%arg16 : memref<128x128xf32, #tpu.memory_space<vmem>>) dst(%dma_wait3A_903 : memref<128x128xf32, #tpu.memory_space<hbm>>)
    %jit3A_904 = arith.constant 16 : i32
    %div3A_905 = arith.divsi %mul3A_509, %jit3A_904 : i32
    %sign3A_906 = arith.constant 0 : i32
    %sign3A_907 = arith.cmpi sgt, %mul3A_509, %sign3A_906 : i32
    %sign3A_908 = arith.extui %sign3A_907 : i1 to i32
    %sign3A_909 = arith.constant 0 : i32
    %sign3A_910 = arith.cmpi slt, %mul3A_509, %sign3A_909 : i32
    %sign3A_911 = arith.extui %sign3A_910 : i1 to i32
    %sign3A_912 = arith.subi %sign3A_908, %sign3A_911 : i32
    %sign3A_913 = arith.constant 0 : i32
    %sign3A_914 = arith.cmpi sgt, %jit3A_904, %sign3A_913 : i32
    %sign3A_915 = arith.extui %sign3A_914 : i1 to i32
    %sign3A_916 = arith.constant 0 : i32
    %sign3A_917 = arith.cmpi slt, %jit3A_904, %sign3A_916 : i32
    %sign3A_918 = arith.extui %sign3A_917 : i1 to i32
    %sign3A_919 = arith.subi %sign3A_915, %sign3A_918 : i32
    %ne3A_920 = arith.cmpi ne, %sign3A_912, %sign3A_919 : i32
    %rem3A_921 = arith.remsi %mul3A_509, %jit3A_904 : i32
    %ne3A_922 = arith.constant 0 : i32
    %ne3A_923 = arith.cmpi ne, %rem3A_921, %ne3A_922 : i32
    %and3A_924 = arith.andi %ne3A_920, %ne3A_923 : i1
    %sub3A_925 = arith.constant 1 : i32
    %sub3A_926 = arith.subi %div3A_905, %sub3A_925 : i32
    %select_n3A_927 = arith.select %and3A_924, %sub3A_926, %div3A_905 : i32
    %while3A_928 = arith.constant 0 : i32
    %while3A_929 = arith.constant 0 : i32
    %while3A_930 = arith.subi %select_n3A_927, %while3A_928 : i32
    %while3A_931 = arith.addi %while3A_928, %while3A_930 : i32
    %while3A_932 = arith.constant 1 : i32
    %while3A_933 = arith.divsi %while3A_930, %while3A_932 : i32
    %while3A_934 = arith.muli %while3A_933, %while3A_932 : i32
    %while3A_935 = arith.addi %while3A_928, %while3A_934 : i32
    %while3A_936 = arith.constant 1 : i32
    %while3A_937 = scf.for %while3A_1058 = %while3A_928 to %while3A_935 step %while3A_936 iter_args(%while3A_1059 = %while3A_929) -> (i32)  : i32 {
      %mul3A_1060 = arith.constant 16 : i32
      %mul3A_1061 = arith.muli %while3A_1058, %mul3A_1060 : i32
      %get3A = arith.index_cast %mul3A_1061 : i32 to index
      %get3A_1062 = tpu.vector_load %arg13[%get3A] {strides = array<i32>} : memref<3200xi32, #tpu.memory_space<vmem>>, vector<16xi32>,
      %add3A_1063 = vector.broadcast %select_n3A : i32 to vector<16xi32>
      %add3A_1064 = arith.addi %get3A_1062, %add3A_1063 : vector<16xi32>
      %jit3A_1065 = arith.constant 8 : i32
      %div3A_1066 = arith.divsi %while3A_1058, %jit3A_1065 : i32
      %sign3A_1067 = arith.constant 0 : i32
      %sign3A_1068 = arith.cmpi sgt, %while3A_1058, %sign3A_1067 : i32
      %sign3A_1069 = arith.extui %sign3A_1068 : i1 to i32
      %sign3A_1070 = arith.constant 0 : i32
      %sign3A_1071 = arith.cmpi slt, %while3A_1058, %sign3A_1070 : i32
      %sign3A_1072 = arith.extui %sign3A_1071 : i1 to i32
      %sign3A_1073 = arith.subi %sign3A_1069, %sign3A_1072 : i32
      %sign3A_1074 = arith.constant 0 : i32
      %sign3A_1075 = arith.cmpi sgt, %jit3A_1065, %sign3A_1074 : i32
      %sign3A_1076 = arith.extui %sign3A_1075 : i1 to i32
      %sign3A_1077 = arith.constant 0 : i32
      %sign3A_1078 = arith.cmpi slt, %jit3A_1065, %sign3A_1077 : i32
      %sign3A_1079 = arith.extui %sign3A_1078 : i1 to i32
      %sign3A_1080 = arith.subi %sign3A_1076, %sign3A_1079 : i32
      %ne3A_1081 = arith.cmpi ne, %sign3A_1073, %sign3A_1080 : i32
      %rem3A_1082 = arith.remsi %while3A_1058, %jit3A_1065 : i32
      %ne3A_1083 = arith.constant 0 : i32
      %ne3A_1084 = arith.cmpi ne, %rem3A_1082, %ne3A_1083 : i32
      %and3A_1085 = arith.andi %ne3A_1081, %ne3A_1084 : i1
      %sub3A_1086 = arith.constant 1 : i32
      %sub3A_1087 = arith.subi %div3A_1066, %sub3A_1086 : i32
      %select_n3A_1088 = arith.select %and3A_1085, %sub3A_1087, %div3A_1066 : i32
      %jit3A_1089 = arith.constant 8 : i32
      %eq3A_1090 = arith.constant 0 : i32
      %eq3A_1091 = arith.cmpi eq, %jit3A_1089, %eq3A_1090 : i32
      %jit3A_1092 = arith.constant 1 : i32
      %select_n3A_1093 = arith.select %eq3A_1091, %jit3A_1092, %jit3A_1089 : i32
      %rem3A_1094 = arith.remsi %while3A_1058, %select_n3A_1093 : i32
      %ne3A_1095 = arith.constant 0 : i32
      %ne3A_1096 = arith.cmpi ne, %rem3A_1094, %ne3A_1095 : i32
      %lt3A_1097 = arith.constant 0 : i32
      %lt3A_1098 = arith.cmpi slt, %rem3A_1094, %lt3A_1097 : i32
      %lt3A_1099 = arith.constant 0 : i32
      %lt3A_1100 = arith.cmpi slt, %select_n3A_1093, %lt3A_1099 : i32
      %ne3A_1101 = arith.xori %lt3A_1098, %lt3A_1100 : i1
      %and3A_1102 = arith.andi %ne3A_1101, %ne3A_1096 : i1
      %add3A_1103 = arith.addi %rem3A_1094, %select_n3A_1093 : i32
      %select_n3A_1104 = arith.select %and3A_1102, %add3A_1103, %rem3A_1094 : i32
      %mul3A_1105 = arith.constant 16 : i32
      %mul3A_1106 = arith.muli %select_n3A_1104, %mul3A_1105 : i32
      %swap3A = arith.index_cast %select_n3A_1088 : i32 to index
      %swap3A_1107 = arith.index_cast %mul3A_1106 : i32 to index
      %swap3A_1108 = tpu.vector_load %arg14[%swap3A, %swap3A_1107] {strides = array<i32>} : memref<25x128xi32, #tpu.memory_space<vmem>>, vector<16xi32>,
      tpu.vector_store %arg14[%swap3A, %swap3A_1107], %add3A_1064 {strides = array<i32>} : memref<25x128xi32, #tpu.memory_space<vmem>>, vector<16xi32>,
      %while3A_1109 = arith.constant 0 : i32
      scf.yield %while3A_1109 : i32
    }
    %while3A_938 = arith.constant 1 : i32
    %while3A_939 = scf.for %while3A_1058 = %while3A_935 to %while3A_931 step %while3A_938 iter_args(%while3A_1059 = %while3A_937) -> (i32)  : i32 {
      %mul3A_1060 = arith.constant 16 : i32
      %mul3A_1061 = arith.muli %while3A_1058, %mul3A_1060 : i32
      %get3A = arith.index_cast %mul3A_1061 : i32 to index
      %get3A_1062 = tpu.vector_load %arg13[%get3A] {strides = array<i32>} : memref<3200xi32, #tpu.memory_space<vmem>>, vector<16xi32>,
      %add3A_1063 = vector.broadcast %select_n3A : i32 to vector<16xi32>
      %add3A_1064 = arith.addi %get3A_1062, %add3A_1063 : vector<16xi32>
      %jit3A_1065 = arith.constant 8 : i32
      %div3A_1066 = arith.divsi %while3A_1058, %jit3A_1065 : i32
      %sign3A_1067 = arith.constant 0 : i32
      %sign3A_1068 = arith.cmpi sgt, %while3A_1058, %sign3A_1067 : i32
      %sign3A_1069 = arith.extui %sign3A_1068 : i1 to i32
      %sign3A_1070 = arith.constant 0 : i32
      %sign3A_1071 = arith.cmpi slt, %while3A_1058, %sign3A_1070 : i32
      %sign3A_1072 = arith.extui %sign3A_1071 : i1 to i32
      %sign3A_1073 = arith.subi %sign3A_1069, %sign3A_1072 : i32
      %sign3A_1074 = arith.constant 0 : i32
      %sign3A_1075 = arith.cmpi sgt, %jit3A_1065, %sign3A_1074 : i32
      %sign3A_1076 = arith.extui %sign3A_1075 : i1 to i32
      %sign3A_1077 = arith.constant 0 : i32
      %sign3A_1078 = arith.cmpi slt, %jit3A_1065, %sign3A_1077 : i32
      %sign3A_1079 = arith.extui %sign3A_1078 : i1 to i32
      %sign3A_1080 = arith.subi %sign3A_1076, %sign3A_1079 : i32
      %ne3A_1081 = arith.cmpi ne, %sign3A_1073, %sign3A_1080 : i32
      %rem3A_1082 = arith.remsi %while3A_1058, %jit3A_1065 : i32
      %ne3A_1083 = arith.constant 0 : i32
      %ne3A_1084 = arith.cmpi ne, %rem3A_1082, %ne3A_1083 : i32
      %and3A_1085 = arith.andi %ne3A_1081, %ne3A_1084 : i1
      %sub3A_1086 = arith.constant 1 : i32
      %sub3A_1087 = arith.subi %div3A_1066, %sub3A_1086 : i32
      %select_n3A_1088 = arith.select %and3A_1085, %sub3A_1087, %div3A_1066 : i32
      %jit3A_1089 = arith.constant 8 : i32
      %eq3A_1090 = arith.constant 0 : i32
      %eq3A_1091 = arith.cmpi eq, %jit3A_1089, %eq3A_1090 : i32
      %jit3A_1092 = arith.constant 1 : i32
      %select_n3A_1093 = arith.select %eq3A_1091, %jit3A_1092, %jit3A_1089 : i32
      %rem3A_1094 = arith.remsi %while3A_1058, %select_n3A_1093 : i32
      %ne3A_1095 = arith.constant 0 : i32
      %ne3A_1096 = arith.cmpi ne, %rem3A_1094, %ne3A_1095 : i32
      %lt3A_1097 = arith.constant 0 : i32
      %lt3A_1098 = arith.cmpi slt, %rem3A_1094, %lt3A_1097 : i32
      %lt3A_1099 = arith.constant 0 : i32
      %lt3A_1100 = arith.cmpi slt, %select_n3A_1093, %lt3A_1099 : i32
      %ne3A_1101 = arith.xori %lt3A_1098, %lt3A_1100 : i1
      %and3A_1102 = arith.andi %ne3A_1101, %ne3A_1096 : i1
      %add3A_1103 = arith.addi %rem3A_1094, %select_n3A_1093 : i32
      %select_n3A_1104 = arith.select %and3A_1102, %add3A_1103, %rem3A_1094 : i32
      %mul3A_1105 = arith.constant 16 : i32
      %mul3A_1106 = arith.muli %select_n3A_1104, %mul3A_1105 : i32
      %swap3A = arith.index_cast %select_n3A_1088 : i32 to index
      %swap3A_1107 = arith.index_cast %mul3A_1106 : i32 to index
      %swap3A_1108 = tpu.vector_load %arg14[%swap3A, %swap3A_1107] {strides = array<i32>} : memref<25x128xi32, #tpu.memory_space<vmem>>, vector<16xi32>,
      tpu.vector_store %arg14[%swap3A, %swap3A_1107], %add3A_1064 {strides = array<i32>} : memref<25x128xi32, #tpu.memory_space<vmem>>, vector<16xi32>,
      %while3A_1109 = arith.constant 0 : i32
      scf.yield %while3A_1109 : i32
    }
    %dma_wait3A_940 = arith.constant 0 : i32
    %dma_wait3A_941 = tpu.memref_slice %arg5[%add3A_877, %dma_wait3A_940] : memref<100000x128xf32, #tpu.memory_space<hbm>> -> memref<128x128xf32, #tpu.memory_space<hbm>>
    %dma_wait3A_942 = arith.constant 0 : i32
    %dma_wait3A_943 = tpu.memref_slice %arg5[%add3A_877, %dma_wait3A_942] : memref<100000x128xf32, #tpu.memory_space<hbm>> -> memref<128x128xf32, #tpu.memory_space<hbm>>
    tpu.wait_dma2 semaphore(%arg23 : memref<!tpu.dma_semaphore, #tpu.memory_space<semaphore_mem>>) src(%dma_wait3A_943 : memref<128x128xf32, #tpu.memory_space<hbm>>) dst(%arg19 : memref<128x128xf32, #tpu.memory_space<vmem>>)
    %add3A_944 = arith.constant 2944 : i32
    %add3A_945 = arith.addi %select_n3A, %add3A_944 : i32
    %dma_start3A_946 = arith.constant 0 : i32
    %dma_start3A_947 = tpu.memref_slice %arg7[%add3A_945, %dma_start3A_946] : memref<100000x128xf32, #tpu.memory_space<hbm>> -> memref<128x128xf32, #tpu.memory_space<hbm>>
    %dma_start3A_948 = arith.constant 0 : i32
    %dma_start3A_949 = tpu.memref_slice %arg7[%add3A_945, %dma_start3A_948] : memref<100000x128xf32, #tpu.memory_space<hbm>> -> memref<128x128xf32, #tpu.memory_space<hbm>>
    tpu.enqueue_dma source(%arg19 : memref<128x128xf32, #tpu.memory_space<vmem>>) target(%dma_start3A_949 : memref<128x128xf32, #tpu.memory_space<hbm>>) target_semaphore(%arg27 : memref<!tpu.dma_semaphore, #tpu.memory_space<semaphore_mem>>)
    %dma_wait3A_950 = arith.constant 0 : i32
    %dma_wait3A_951 = tpu.memref_slice %arg7[%add3A_867, %dma_wait3A_950] : memref<100000x128xf32, #tpu.memory_space<hbm>> -> memref<128x128xf32, #tpu.memory_space<hbm>>
    %dma_wait3A_952 = arith.constant 0 : i32
    %dma_wait3A_953 = tpu.memref_slice %arg7[%add3A_867, %dma_wait3A_952] : memref<100000x128xf32, #tpu.memory_space<hbm>> -> memref<128x128xf32, #tpu.memory_space<hbm>>
    tpu.wait_dma2 semaphore(%arg25 : memref<!tpu.dma_semaphore, #tpu.memory_space<semaphore_mem>>) src(%arg17 : memref<128x128xf32, #tpu.memory_space<vmem>>) dst(%dma_wait3A_953 : memref<128x128xf32, #tpu.memory_space<hbm>>)
    %dma_wait3A_954 = arith.constant 0 : i32
    %dma_wait3A_955 = tpu.memref_slice %arg7[%add3A_895, %dma_wait3A_954] : memref<100000x128xf32, #tpu.memory_space<hbm>> -> memref<128x128xf32, #tpu.memory_space<hbm>>
    %dma_wait3A_956 = arith.constant 0 : i32
    %dma_wait3A_957 = tpu.memref_slice %arg7[%add3A_895, %dma_wait3A_956] : memref<100000x128xf32, #tpu.memory_space<hbm>> -> memref<128x128xf32, #tpu.memory_space<hbm>>
    tpu.wait_dma2 semaphore(%arg26 : memref<!tpu.dma_semaphore, #tpu.memory_space<semaphore_mem>>) src(%arg18 : memref<128x128xf32, #tpu.memory_space<vmem>>) dst(%dma_wait3A_957 : memref<128x128xf32, #tpu.memory_space<hbm>>)
    %dma_wait3A_958 = arith.constant 0 : i32
    %dma_wait3A_959 = tpu.memref_slice %arg7[%add3A_945, %dma_wait3A_958] : memref<100000x128xf32, #tpu.memory_space<hbm>> -> memref<128x128xf32, #tpu.memory_space<hbm>>
    %dma_wait3A_960 = arith.constant 0 : i32
    %dma_wait3A_961 = tpu.memref_slice %arg7[%add3A_945, %dma_wait3A_960] : memref<100000x128xf32, #tpu.memory_space<hbm>> -> memref<128x128xf32, #tpu.memory_space<hbm>>
    tpu.wait_dma2 semaphore(%arg27 : memref<!tpu.dma_semaphore, #tpu.memory_space<semaphore_mem>>) src(%arg19 : memref<128x128xf32, #tpu.memory_space<vmem>>) dst(%dma_wait3A_961 : memref<128x128xf32, #tpu.memory_space<hbm>>)
    %convert_element_type3A_962 = arith.extui %lt3A_1 : i1 to i32
    %cond3A_963 = arith.constant 0 : i32
    %cond3A_964 = arith.cmpi ne, %convert_element_type3A_962, %cond3A_963 : i32
    scf.if %cond3A_964 {
      %add3A_1058 = arith.constant 3072 : i32
      %add3A_1059 = arith.addi %select_n3A, %add3A_1058 : i32
      "tpu.region"() ({
        %run_scoped3A = tpu.sem_alloc : memref<!tpu.dma_semaphore, #tpu.memory_space<semaphore_mem>>
        %dma_start3A_1062 = arith.constant 0 : i32
        %dma_start3A_1063 = arith.constant 0 : i32
        %dma_start3A_1064 = tpu.memref_slice %arg16[%dma_start3A_1062, %dma_start3A_1063] : memref<128x128xf32, #tpu.memory_space<vmem>> -> memref<56x128xf32, #tpu.memory_space<vmem>>
        %dma_start3A_1065 = arith.constant 0 : i32
        %dma_start3A_1066 = tpu.memref_slice %arg5[%add3A_1059, %dma_start3A_1065] : memref<100000x128xf32, #tpu.memory_space<hbm>> -> memref<56x128xf32, #tpu.memory_space<hbm>>
        %dma_start3A_1067 = arith.constant 0 : i32
        %dma_start3A_1068 = arith.constant 0 : i32
        %dma_start3A_1069 = tpu.memref_slice %arg16[%dma_start3A_1067, %dma_start3A_1068] : memref<128x128xf32, #tpu.memory_space<vmem>> -> memref<56x128xf32, #tpu.memory_space<vmem>>
        %dma_start3A_1070 = arith.constant 0 : i32
        %dma_start3A_1071 = tpu.memref_slice %arg5[%add3A_1059, %dma_start3A_1070] : memref<100000x128xf32, #tpu.memory_space<hbm>> -> memref<56x128xf32, #tpu.memory_space<hbm>>
        tpu.enqueue_dma source(%dma_start3A_1071 : memref<56x128xf32, #tpu.memory_space<hbm>>) target(%dma_start3A_1069 : memref<56x128xf32, #tpu.memory_space<vmem>>) target_semaphore(%run_scoped3A : memref<!tpu.dma_semaphore, #tpu.memory_space<semaphore_mem>>)
        %dma_wait3A_1072 = arith.constant 0 : i32
        %dma_wait3A_1073 = arith.constant 0 : i32
        %dma_wait3A_1074 = tpu.memref_slice %arg16[%dma_wait3A_1072, %dma_wait3A_1073] : memref<128x128xf32, #tpu.memory_space<vmem>> -> memref<56x128xf32, #tpu.memory_space<vmem>>
        %dma_wait3A_1075 = arith.constant 0 : i32
        %dma_wait3A_1076 = tpu.memref_slice %arg5[%add3A_1059, %dma_wait3A_1075] : memref<100000x128xf32, #tpu.memory_space<hbm>> -> memref<56x128xf32, #tpu.memory_space<hbm>>
        %dma_wait3A_1077 = arith.constant 0 : i32
        %dma_wait3A_1078 = arith.constant 0 : i32
        %dma_wait3A_1079 = tpu.memref_slice %arg16[%dma_wait3A_1077, %dma_wait3A_1078] : memref<128x128xf32, #tpu.memory_space<vmem>> -> memref<56x128xf32, #tpu.memory_space<vmem>>
        %dma_wait3A_1080 = arith.constant 0 : i32
        %dma_wait3A_1081 = tpu.memref_slice %arg5[%add3A_1059, %dma_wait3A_1080] : memref<100000x128xf32, #tpu.memory_space<hbm>> -> memref<56x128xf32, #tpu.memory_space<hbm>>
        tpu.wait_dma2 semaphore(%run_scoped3A : memref<!tpu.dma_semaphore, #tpu.memory_space<semaphore_mem>>) src(%dma_wait3A_1081 : memref<56x128xf32, #tpu.memory_space<hbm>>) dst(%dma_wait3A_1079 : memref<56x128xf32, #tpu.memory_space<vmem>>)
        tpu.yield
      }) : () -> ()
      %add3A_1060 = arith.constant 3072 : i32
      %add3A_1061 = arith.addi %select_n3A, %add3A_1060 : i32
      "tpu.region"() ({
        %run_scoped3A = tpu.sem_alloc : memref<!tpu.dma_semaphore, #tpu.memory_space<semaphore_mem>>
        %dma_start3A_1062 = arith.constant 0 : i32
        %dma_start3A_1063 = arith.constant 0 : i32
        %dma_start3A_1064 = tpu.memref_slice %arg16[%dma_start3A_1062, %dma_start3A_1063] : memref<128x128xf32, #tpu.memory_space<vmem>> -> memref<56x128xf32, #tpu.memory_space<vmem>>
        %dma_start3A_1065 = arith.constant 0 : i32
        %dma_start3A_1066 = tpu.memref_slice %arg7[%add3A_1061, %dma_start3A_1065] : memref<100000x128xf32, #tpu.memory_space<hbm>> -> memref<56x128xf32, #tpu.memory_space<hbm>>
        %dma_start3A_1067 = arith.constant 0 : i32
        %dma_start3A_1068 = tpu.memref_slice %arg7[%add3A_1061, %dma_start3A_1067] : memref<100000x128xf32, #tpu.memory_space<hbm>> -> memref<56x128xf32, #tpu.memory_space<hbm>>
        %dma_start3A_1069 = arith.constant 0 : i32
        %dma_start3A_1070 = arith.constant 0 : i32
        %dma_start3A_1071 = tpu.memref_slice %arg16[%dma_start3A_1069, %dma_start3A_1070] : memref<128x128xf32, #tpu.memory_space<vmem>> -> memref<56x128xf32, #tpu.memory_space<vmem>>
        tpu.enqueue_dma source(%dma_start3A_1071 : memref<56x128xf32, #tpu.memory_space<vmem>>) target(%dma_start3A_1068 : memref<56x128xf32, #tpu.memory_space<hbm>>) target_semaphore(%run_scoped3A : memref<!tpu.dma_semaphore, #tpu.memory_space<semaphore_mem>>)
        %dma_wait3A_1072 = arith.constant 0 : i32
        %dma_wait3A_1073 = arith.constant 0 : i32
        %dma_wait3A_1074 = tpu.memref_slice %arg16[%dma_wait3A_1072, %dma_wait3A_1073] : memref<128x128xf32, #tpu.memory_space<vmem>> -> memref<56x128xf32, #tpu.memory_space<vmem>>
        %dma_wait3A_1075 = arith.constant 0 : i32
        %dma_wait3A_1076 = tpu.memref_slice %arg7[%add3A_1061, %dma_wait3A_1075] : memref<100000x128xf32, #tpu.memory_space<hbm>> -> memref<56x128xf32, #tpu.memory_space<hbm>>
        %dma_wait3A_1077 = arith.constant 0 : i32
        %dma_wait3A_1078 = tpu.memref_slice %arg7[%add3A_1061, %dma_wait3A_1077] : memref<100000x128xf32, #tpu.memory_space<hbm>> -> memref<56x128xf32, #tpu.memory_space<hbm>>
        %dma_wait3A_1079 = arith.constant 0 : i32
        %dma_wait3A_1080 = arith.constant 0 : i32
        %dma_wait3A_1081 = tpu.memref_slice %arg16[%dma_wait3A_1079, %dma_wait3A_1080] : memref<128x128xf32, #tpu.memory_space<vmem>> -> memref<56x128xf32, #tpu.memory_space<vmem>>
        tpu.wait_dma2 semaphore(%run_scoped3A : memref<!tpu.dma_semaphore, #tpu.memory_space<semaphore_mem>>) src(%dma_wait3A_1081 : memref<56x128xf32, #tpu.memory_space<vmem>>) dst(%dma_wait3A_1078 : memref<56x128xf32, #tpu.memory_space<hbm>>)
        tpu.yield
      }) : () -> ()
    } else {
    }
    %not3A_965 = arith.constant true
    %not3A_966 = arith.xori %lt3A_1, %not3A_965 : i1
    %convert_element_type3A_967 = arith.extui %not3A_966 : i1 to i32
    %cond3A_968 = arith.constant 0 : i32
    %cond3A_969 = arith.cmpi ne, %convert_element_type3A_967, %cond3A_968 : i32
    scf.if %cond3A_969 {
      %add3A_1058 = arith.constant 3072 : i32
      %add3A_1059 = arith.addi %select_n3A, %add3A_1058 : i32
      "tpu.region"() ({
        %run_scoped3A = tpu.sem_alloc : memref<!tpu.dma_semaphore, #tpu.memory_space<semaphore_mem>>
        %dma_start3A_1062 = arith.constant 0 : i32
        %dma_start3A_1063 = arith.constant 0 : i32
        %dma_start3A_1064 = tpu.memref_slice %arg16[%dma_start3A_1062, %dma_start3A_1063] : memref<128x128xf32, #tpu.memory_space<vmem>> -> memref<48x128xf32, #tpu.memory_space<vmem>>
        %dma_start3A_1065 = arith.constant 0 : i32
        %dma_start3A_1066 = tpu.memref_slice %arg5[%add3A_1059, %dma_start3A_1065] : memref<100000x128xf32, #tpu.memory_space<hbm>> -> memref<48x128xf32, #tpu.memory_space<hbm>>
        %dma_start3A_1067 = arith.constant 0 : i32
        %dma_start3A_1068 = arith.constant 0 : i32
        %dma_start3A_1069 = tpu.memref_slice %arg16[%dma_start3A_1067, %dma_start3A_1068] : memref<128x128xf32, #tpu.memory_space<vmem>> -> memref<48x128xf32, #tpu.memory_space<vmem>>
        %dma_start3A_1070 = arith.constant 0 : i32
        %dma_start3A_1071 = tpu.memref_slice %arg5[%add3A_1059, %dma_start3A_1070] : memref<100000x128xf32, #tpu.memory_space<hbm>> -> memref<48x128xf32, #tpu.memory_space<hbm>>
        tpu.enqueue_dma source(%dma_start3A_1071 : memref<48x128xf32, #tpu.memory_space<hbm>>) target(%dma_start3A_1069 : memref<48x128xf32, #tpu.memory_space<vmem>>) target_semaphore(%run_scoped3A : memref<!tpu.dma_semaphore, #tpu.memory_space<semaphore_mem>>)
        %dma_wait3A_1072 = arith.constant 0 : i32
        %dma_wait3A_1073 = arith.constant 0 : i32
        %dma_wait3A_1074 = tpu.memref_slice %arg16[%dma_wait3A_1072, %dma_wait3A_1073] : memref<128x128xf32, #tpu.memory_space<vmem>> -> memref<48x128xf32, #tpu.memory_space<vmem>>
        %dma_wait3A_1075 = arith.constant 0 : i32
        %dma_wait3A_1076 = tpu.memref_slice %arg5[%add3A_1059, %dma_wait3A_1075] : memref<100000x128xf32, #tpu.memory_space<hbm>> -> memref<48x128xf32, #tpu.memory_space<hbm>>
        %dma_wait3A_1077 = arith.constant 0 : i32
        %dma_wait3A_1078 = arith.constant 0 : i32
        %dma_wait3A_1079 = tpu.memref_slice %arg16[%dma_wait3A_1077, %dma_wait3A_1078] : memref<128x128xf32, #tpu.memory_space<vmem>> -> memref<48x128xf32, #tpu.memory_space<vmem>>
        %dma_wait3A_1080 = arith.constant 0 : i32
        %dma_wait3A_1081 = tpu.memref_slice %arg5[%add3A_1059, %dma_wait3A_1080] : memref<100000x128xf32, #tpu.memory_space<hbm>> -> memref<48x128xf32, #tpu.memory_space<hbm>>
        tpu.wait_dma2 semaphore(%run_scoped3A : memref<!tpu.dma_semaphore, #tpu.memory_space<semaphore_mem>>) src(%dma_wait3A_1081 : memref<48x128xf32, #tpu.memory_space<hbm>>) dst(%dma_wait3A_1079 : memref<48x128xf32, #tpu.memory_space<vmem>>)
        tpu.yield
      }) : () -> ()
      %add3A_1060 = arith.constant 3072 : i32
      %add3A_1061 = arith.addi %select_n3A, %add3A_1060 : i32
      "tpu.region"() ({
        %run_scoped3A = tpu.sem_alloc : memref<!tpu.dma_semaphore, #tpu.memory_space<semaphore_mem>>
        %dma_start3A_1062 = arith.constant 0 : i32
        %dma_start3A_1063 = arith.constant 0 : i32
        %dma_start3A_1064 = tpu.memref_slice %arg16[%dma_start3A_1062, %dma_start3A_1063] : memref<128x128xf32, #tpu.memory_space<vmem>> -> memref<48x128xf32, #tpu.memory_space<vmem>>
        %dma_start3A_1065 = arith.constant 0 : i32
        %dma_start3A_1066 = tpu.memref_slice %arg7[%add3A_1061, %dma_start3A_1065] : memref<100000x128xf32, #tpu.memory_space<hbm>> -> memref<48x128xf32, #tpu.memory_space<hbm>>
        %dma_start3A_1067 = arith.constant 0 : i32
        %dma_start3A_1068 = tpu.memref_slice %arg7[%add3A_1061, %dma_start3A_1067] : memref<100000x128xf32, #tpu.memory_space<hbm>> -> memref<48x128xf32, #tpu.memory_space<hbm>>
        %dma_start3A_1069 = arith.constant 0 : i32
        %dma_start3A_1070 = arith.constant 0 : i32
        %dma_start3A_1071 = tpu.memref_slice %arg16[%dma_start3A_1069, %dma_start3A_1070] : memref<128x128xf32, #tpu.memory_space<vmem>> -> memref<48x128xf32, #tpu.memory_space<vmem>>
        tpu.enqueue_dma source(%dma_start3A_1071 : memref<48x128xf32, #tpu.memory_space<vmem>>) target(%dma_start3A_1068 : memref<48x128xf32, #tpu.memory_space<hbm>>) target_semaphore(%run_scoped3A : memref<!tpu.dma_semaphore, #tpu.memory_space<semaphore_mem>>)
        %dma_wait3A_1072 = arith.constant 0 : i32
        %dma_wait3A_1073 = arith.constant 0 : i32
        %dma_wait3A_1074 = tpu.memref_slice %arg16[%dma_wait3A_1072, %dma_wait3A_1073] : memref<128x128xf32, #tpu.memory_space<vmem>> -> memref<48x128xf32, #tpu.memory_space<vmem>>
        %dma_wait3A_1075 = arith.constant 0 : i32
        %dma_wait3A_1076 = tpu.memref_slice %arg7[%add3A_1061, %dma_wait3A_1075] : memref<100000x128xf32, #tpu.memory_space<hbm>> -> memref<48x128xf32, #tpu.memory_space<hbm>>
        %dma_wait3A_1077 = arith.constant 0 : i32
        %dma_wait3A_1078 = tpu.memref_slice %arg7[%add3A_1061, %dma_wait3A_1077] : memref<100000x128xf32, #tpu.memory_space<hbm>> -> memref<48x128xf32, #tpu.memory_space<hbm>>
        %dma_wait3A_1079 = arith.constant 0 : i32
        %dma_wait3A_1080 = arith.constant 0 : i32
        %dma_wait3A_1081 = tpu.memref_slice %arg16[%dma_wait3A_1079, %dma_wait3A_1080] : memref<128x128xf32, #tpu.memory_space<vmem>> -> memref<48x128xf32, #tpu.memory_space<vmem>>
        tpu.wait_dma2 semaphore(%run_scoped3A : memref<!tpu.dma_semaphore, #tpu.memory_space<semaphore_mem>>) src(%dma_wait3A_1081 : memref<48x128xf32, #tpu.memory_space<vmem>>) dst(%dma_wait3A_1078 : memref<48x128xf32, #tpu.memory_space<hbm>>)
        tpu.yield
      }) : () -> ()
    } else {
    }
    %jit3A_970 = arith.constant 128 : i32
    "tpu.trace_stop"() : () -> ()
    %div3A_971 = arith.divsi %mul3A_509, %jit3A_970 : i32
    %sign3A_972 = arith.constant 0 : i32
    %sign3A_973 = arith.cmpi sgt, %mul3A_509, %sign3A_972 : i32
    %sign3A_974 = arith.extui %sign3A_973 : i1 to i32
    %sign3A_975 = arith.constant 0 : i32
    %sign3A_976 = arith.cmpi slt, %mul3A_509, %sign3A_975 : i32
    %sign3A_977 = arith.extui %sign3A_976 : i1 to i32
    %sign3A_978 = arith.subi %sign3A_974, %sign3A_977 : i32
    %sign3A_979 = arith.constant 0 : i32
    %sign3A_980 = arith.cmpi sgt, %jit3A_970, %sign3A_979 : i32
    %sign3A_981 = arith.extui %sign3A_980 : i1 to i32
    %sign3A_982 = arith.constant 0 : i32
    %sign3A_983 = arith.cmpi slt, %jit3A_970, %sign3A_982 : i32
    %sign3A_984 = arith.extui %sign3A_983 : i1 to i32
    %sign3A_985 = arith.subi %sign3A_981, %sign3A_984 : i32
    %ne3A_986 = arith.cmpi ne, %sign3A_978, %sign3A_985 : i32
    %rem3A_987 = arith.remsi %mul3A_509, %jit3A_970 : i32
    %ne3A_988 = arith.constant 0 : i32
    %ne3A_989 = arith.cmpi ne, %rem3A_987, %ne3A_988 : i32
    %and3A_990 = arith.andi %ne3A_986, %ne3A_989 : i1
    %sub3A_991 = arith.constant 1 : i32
    %sub3A_992 = arith.subi %div3A_971, %sub3A_991 : i32
    %select_n3A_993 = arith.select %and3A_990, %sub3A_992, %div3A_971 : i32
    %gt3A_994 = arith.constant 0 : i32
    "tpu.trace_start"() <{level = 10 : i32, message = "ph_chunks"}> : () -> ()
    %gt3A_995 = arith.cmpi sgt, %select_n3A_993, %gt3A_994 : i32
    %convert_element_type3A_996 = arith.extui %gt3A_995 : i1 to i32
    %cond3A_997 = arith.constant 0 : i32
    %cond3A_998 = arith.cmpi ne, %convert_element_type3A_996, %cond3A_997 : i32
    scf.if %cond3A_998 {
      %dma_start3A_1058 = arith.constant 0 : i32
      %dma_start3A_1059 = arith.constant 0 : i32
      %dma_start3A_1060 = tpu.memref_slice %arg16[%dma_start3A_1058, %dma_start3A_1059] : memref<128x128xf32, #tpu.memory_space<vmem>> -> memref<128x128xf32, #tpu.memory_space<vmem>>
      %dma_start3A_1061 = arith.constant 0 : i32
      %dma_start3A_1062 = tpu.memref_slice %arg12[%dma_start3A_1061] : memref<3200xi32, #tpu.memory_space<vmem>> -> memref<128xi32, #tpu.memory_space<vmem>>
      %dma_start3A_1063 = arith.constant 0 : i32
      %dma_start3A_1064 = arith.constant 0 : i32
      %dma_start3A_1065 = tpu.memref_slice %arg2[%dma_start3A_1063, %dma_start3A_1064] : memref<16384x128xf32, #tpu.memory_space<hbm>> -> memref<16384x128xf32, #tpu.memory_space<hbm>>
      tpu.enqueue_indirect_dma source(%dma_start3A_1065 : memref<16384x128xf32, #tpu.memory_space<hbm>>) target(%dma_start3A_1060 : memref<128x128xf32, #tpu.memory_space<vmem>>) offsets(%dma_start3A_1062 : memref<128xi32, #tpu.memory_space<vmem>>) semaphore(%arg20 : memref<!tpu.dma_semaphore, #tpu.memory_space<semaphore_mem>>)
      %dma_start3A_1066 = arith.constant 0 : i32
      %dma_start3A_1067 = arith.constant 0 : i32
      %dma_start3A_1068 = arith.constant 0 : i32
      %dma_start3A_1069 = tpu.memref_slice %arg17[%dma_start3A_1067, %dma_start3A_1068] : memref<128x128xf32, #tpu.memory_space<vmem>> -> memref<128x128xf32, #tpu.memory_space<vmem>>
      %dma_start3A_1070 = arith.constant 0 : i32
      %dma_start3A_1071 = tpu.memref_slice %arg14[%dma_start3A_1066, %dma_start3A_1070] : memref<25x128xi32, #tpu.memory_space<vmem>> -> memref<1x128xi32, #tpu.memory_space<vmem>>
      %dma_start3A_1072 = tpu.memref_squeeze %dma_start3A_1071 : memref<1x128xi32, #tpu.memory_space<vmem>> -> memref<128xi32, #tpu.memory_space<vmem>>
      %dma_start3A_1073 = arith.constant 0 : i32
      %dma_start3A_1074 = arith.constant 0 : i32
      %dma_start3A_1075 = tpu.memref_slice %arg5[%dma_start3A_1073, %dma_start3A_1074] : memref<100000x128xf32, #tpu.memory_space<hbm>> -> memref<100000x128xf32, #tpu.memory_space<hbm>>
      tpu.enqueue_indirect_dma source(%dma_start3A_1075 : memref<100000x128xf32, #tpu.memory_space<hbm>>) target(%dma_start3A_1069 : memref<128x128xf32, #tpu.memory_space<vmem>>) offsets(%dma_start3A_1072 : memref<128xi32, #tpu.memory_space<vmem>>) semaphore(%arg21 : memref<!tpu.dma_semaphore, #tpu.memory_space<semaphore_mem>>)
    } else {
    }
    %while3A_999 = arith.constant 0 : i32
    %while3A_1000 = arith.constant 0 : i32
    %while3A_1001 = arith.subi %select_n3A_993, %while3A_999 : i32
    %while3A_1002 = arith.addi %while3A_999, %while3A_1001 : i32
    %while3A_1003 = arith.constant 1 : i32
    %while3A_1004 = arith.divsi %while3A_1001, %while3A_1003 : i32
    %while3A_1005 = arith.muli %while3A_1004, %while3A_1003 : i32
    %while3A_1006 = arith.addi %while3A_999, %while3A_1005 : i32
    %while3A_1007 = arith.constant 1 : i32
    %while3A_1008 = scf.for %while3A_1058 = %while3A_999 to %while3A_1006 step %while3A_1007 iter_args(%while3A_1059 = %while3A_1000) -> (i32)  : i32 {
      %jit3A_1060 = arith.constant 2 : i32
      %eq3A_1061 = arith.constant 0 : i32
      %eq3A_1062 = arith.cmpi eq, %jit3A_1060, %eq3A_1061 : i32
      %jit3A_1063 = arith.constant 1 : i32
      %select_n3A_1064 = arith.select %eq3A_1062, %jit3A_1063, %jit3A_1060 : i32
      %rem3A_1065 = arith.remsi %while3A_1058, %select_n3A_1064 : i32
      %ne3A_1066 = arith.constant 0 : i32
      %ne3A_1067 = arith.cmpi ne, %rem3A_1065, %ne3A_1066 : i32
      %lt3A_1068 = arith.constant 0 : i32
      %lt3A_1069 = arith.cmpi slt, %rem3A_1065, %lt3A_1068 : i32
      %lt3A_1070 = arith.constant 0 : i32
      %lt3A_1071 = arith.cmpi slt, %select_n3A_1064, %lt3A_1070 : i32
      %ne3A_1072 = arith.xori %lt3A_1069, %lt3A_1071 : i1
      %and3A_1073 = arith.andi %ne3A_1072, %ne3A_1067 : i1
      %add3A_1074 = arith.addi %rem3A_1065, %select_n3A_1064 : i32
      %select_n3A_1075 = arith.select %and3A_1073, %add3A_1074, %rem3A_1065 : i32
      %eq3A_1076 = arith.constant 0 : i32
      %eq3A_1077 = arith.cmpi eq, %select_n3A_1075, %eq3A_1076 : i32
      %convert_element_type3A_1078 = arith.extui %eq3A_1077 : i1 to i32
      %cond3A_1079 = arith.constant 0 : i32
      %cond3A_1080 = arith.cmpi ne, %convert_element_type3A_1078, %cond3A_1079 : i32
      scf.if %cond3A_1080 {
        %mul3A_1103 = arith.constant 128 : i32
        %mul3A_1104 = arith.muli %while3A_1058, %mul3A_1103 : i32
        %dma_wait3A_1105 = arith.constant 0 : i32
        %dma_wait3A_1106 = arith.constant 0 : i32
        %dma_wait3A_1107 = tpu.memref_slice %arg16[%dma_wait3A_1105, %dma_wait3A_1106] : memref<128x128xf32, #tpu.memory_space<vmem>> -> memref<128x128xf32, #tpu.memory_space<vmem>>
        %dma_wait3A_1108 = tpu.memref_slice %arg12[%mul3A_1104] : memref<3200xi32, #tpu.memory_space<vmem>> -> memref<128xi32, #tpu.memory_space<vmem>>
        %dma_wait3A_1109 = arith.constant 0 : i32
        %dma_wait3A_1110 = arith.constant 0 : i32
        %dma_wait3A_1111 = tpu.memref_slice %arg2[%dma_wait3A_1109, %dma_wait3A_1110] : memref<16384x128xf32, #tpu.memory_space<hbm>> -> memref<16384x128xf32, #tpu.memory_space<hbm>>
        tpu.wait_indirect_dma semaphore(%arg20 : memref<!tpu.dma_semaphore, #tpu.memory_space<semaphore_mem>>) src(%dma_wait3A_1111 : memref<16384x128xf32, #tpu.memory_space<hbm>>) dst(%dma_wait3A_1107 : memref<128x128xf32, #tpu.memory_space<vmem>>)
        %dma_wait3A_1112 = arith.constant 0 : i32
        %dma_wait3A_1113 = arith.constant 0 : i32
        %dma_wait3A_1114 = tpu.memref_slice %arg17[%dma_wait3A_1112, %dma_wait3A_1113] : memref<128x128xf32, #tpu.memory_space<vmem>> -> memref<128x128xf32, #tpu.memory_space<vmem>>
        %dma_wait3A_1115 = arith.constant 0 : i32
        %dma_wait3A_1116 = tpu.memref_slice %arg14[%while3A_1058, %dma_wait3A_1115] : memref<25x128xi32, #tpu.memory_space<vmem>> -> memref<1x128xi32, #tpu.memory_space<vmem>>
        %dma_wait3A_1117 = tpu.memref_squeeze %dma_wait3A_1116 : memref<1x128xi32, #tpu.memory_space<vmem>> -> memref<128xi32, #tpu.memory_space<vmem>>
        %dma_wait3A_1118 = arith.constant 0 : i32
        %dma_wait3A_1119 = arith.constant 0 : i32
        %dma_wait3A_1120 = tpu.memref_slice %arg5[%dma_wait3A_1118, %dma_wait3A_1119] : memref<100000x128xf32, #tpu.memory_space<hbm>> -> memref<100000x128xf32, #tpu.memory_space<hbm>>
        tpu.wait_indirect_dma semaphore(%arg21 : memref<!tpu.dma_semaphore, #tpu.memory_space<semaphore_mem>>) src(%dma_wait3A_1120 : memref<100000x128xf32, #tpu.memory_space<hbm>>) dst(%dma_wait3A_1114 : memref<128x128xf32, #tpu.memory_space<vmem>>)
        %gt3A_1121 = arith.constant 0 : i32
        %gt3A_1122 = arith.cmpi sgt, %while3A_1058, %gt3A_1121 : i32
        %convert_element_type3A_1123 = arith.extui %gt3A_1122 : i1 to i32
        %cond3A_1124 = arith.constant 0 : i32
        %cond3A_1125 = arith.cmpi ne, %convert_element_type3A_1123, %cond3A_1124 : i32
        scf.if %cond3A_1125 {
          %sub3A_1143 = arith.constant 1 : i32
          %sub3A_1144 = arith.subi %while3A_1058, %sub3A_1143 : i32
          %dma_wait3A_1145 = arith.constant 0 : i32
          %dma_wait3A_1146 = arith.constant 0 : i32
          %dma_wait3A_1147 = tpu.memref_slice %arg19[%dma_wait3A_1145, %dma_wait3A_1146] : memref<128x128xf32, #tpu.memory_space<vmem>> -> memref<128x128xf32, #tpu.memory_space<vmem>>
          %dma_wait3A_1148 = arith.constant 0 : i32
          %dma_wait3A_1149 = tpu.memref_slice %arg14[%sub3A_1144, %dma_wait3A_1148] : memref<25x128xi32, #tpu.memory_space<vmem>> -> memref<1x128xi32, #tpu.memory_space<vmem>>
          %dma_wait3A_1150 = tpu.memref_squeeze %dma_wait3A_1149 : memref<1x128xi32, #tpu.memory_space<vmem>> -> memref<128xi32, #tpu.memory_space<vmem>>
          %dma_wait3A_1151 = arith.constant 0 : i32
          %dma_wait3A_1152 = arith.constant 0 : i32
          %dma_wait3A_1153 = tpu.memref_slice %arg7[%dma_wait3A_1151, %dma_wait3A_1152] : memref<100000x128xf32, #tpu.memory_space<hbm>> -> memref<100000x128xf32, #tpu.memory_space<hbm>>
          tpu.wait_indirect_dma semaphore(%arg25 : memref<!tpu.dma_semaphore, #tpu.memory_space<semaphore_mem>>) src(%dma_wait3A_1147 : memref<128x128xf32, #tpu.memory_space<vmem>>) dst(%dma_wait3A_1153 : memref<100000x128xf32, #tpu.memory_space<hbm>>)
        } else {
        }
        %add3A_1126 = arith.constant 1 : i32
        %add3A_1127 = arith.addi %while3A_1058, %add3A_1126 : i32
        %lt3A_1128 = arith.cmpi slt, %add3A_1127, %select_n3A_993 : i32
        %convert_element_type3A_1129 = arith.extui %lt3A_1128 : i1 to i32
        %cond3A_1130 = arith.constant 0 : i32
        %cond3A_1131 = arith.cmpi ne, %convert_element_type3A_1129, %cond3A_1130 : i32
        scf.if %cond3A_1131 {
          %add3A_1143 = arith.constant 1 : i32
          %add3A_1144 = arith.addi %while3A_1058, %add3A_1143 : i32
          %mul3A_1145 = arith.constant 128 : i32
          %mul3A_1146 = arith.muli %add3A_1144, %mul3A_1145 : i32
          %dma_start3A_1147 = arith.constant 0 : i32
          %dma_start3A_1148 = arith.constant 0 : i32
          %dma_start3A_1149 = tpu.memref_slice %arg18[%dma_start3A_1147, %dma_start3A_1148] : memref<128x128xf32, #tpu.memory_space<vmem>> -> memref<128x128xf32, #tpu.memory_space<vmem>>
          %dma_start3A_1150 = tpu.memref_slice %arg12[%mul3A_1146] : memref<3200xi32, #tpu.memory_space<vmem>> -> memref<128xi32, #tpu.memory_space<vmem>>
          %dma_start3A_1151 = arith.constant 0 : i32
          %dma_start3A_1152 = arith.constant 0 : i32
          %dma_start3A_1153 = tpu.memref_slice %arg2[%dma_start3A_1151, %dma_start3A_1152] : memref<16384x128xf32, #tpu.memory_space<hbm>> -> memref<16384x128xf32, #tpu.memory_space<hbm>>
          tpu.enqueue_indirect_dma source(%dma_start3A_1153 : memref<16384x128xf32, #tpu.memory_space<hbm>>) target(%dma_start3A_1149 : memref<128x128xf32, #tpu.memory_space<vmem>>) offsets(%dma_start3A_1150 : memref<128xi32, #tpu.memory_space<vmem>>) semaphore(%arg22 : memref<!tpu.dma_semaphore, #tpu.memory_space<semaphore_mem>>)
          %dma_start3A_1154 = arith.constant 0 : i32
          %dma_start3A_1155 = arith.constant 0 : i32
          %dma_start3A_1156 = tpu.memref_slice %arg19[%dma_start3A_1154, %dma_start3A_1155] : memref<128x128xf32, #tpu.memory_space<vmem>> -> memref<128x128xf32, #tpu.memory_space<vmem>>
          %dma_start3A_1157 = arith.constant 0 : i32
          %dma_start3A_1158 = tpu.memref_slice %arg14[%add3A_1144, %dma_start3A_1157] : memref<25x128xi32, #tpu.memory_space<vmem>> -> memref<1x128xi32, #tpu.memory_space<vmem>>
          %dma_start3A_1159 = tpu.memref_squeeze %dma_start3A_1158 : memref<1x128xi32, #tpu.memory_space<vmem>> -> memref<128xi32, #tpu.memory_space<vmem>>
          %dma_start3A_1160 = arith.constant 0 : i32
          %dma_start3A_1161 = arith.constant 0 : i32
          %dma_start3A_1162 = tpu.memref_slice %arg5[%dma_start3A_1160, %dma_start3A_1161] : memref<100000x128xf32, #tpu.memory_space<hbm>> -> memref<100000x128xf32, #tpu.memory_space<hbm>>
          tpu.enqueue_indirect_dma source(%dma_start3A_1162 : memref<100000x128xf32, #tpu.memory_space<hbm>>) target(%dma_start3A_1156 : memref<128x128xf32, #tpu.memory_space<vmem>>) offsets(%dma_start3A_1159 : memref<128xi32, #tpu.memory_space<vmem>>) semaphore(%arg23 : memref<!tpu.dma_semaphore, #tpu.memory_space<semaphore_mem>>)
        } else {
        }
        %parallel_loop3A = arith.constant 0 : i32
        %parallel_loop3A_1132 = arith.constant 1024 : i32
        %parallel_loop3A_1133 = arith.constant 1 : i32
        scf.for %parallel_loop3A_1143 = %parallel_loop3A to %parallel_loop3A_1132 step %parallel_loop3A_1133  : i32 {
          %parallel_loop3A_1144 = arith.constant 8 : i32
          %parallel_loop3A_1145 = arith.divsi %parallel_loop3A_1143, %parallel_loop3A_1144 : i32
          %parallel_loop3A_1146 = arith.constant 0 : i32
          %parallel_loop3A_1147 = arith.cmpi sgt, %parallel_loop3A_1143, %parallel_loop3A_1146 : i32
          %parallel_loop3A_1148 = arith.extui %parallel_loop3A_1147 : i1 to i32
          %parallel_loop3A_1149 = arith.constant 0 : i32
          %parallel_loop3A_1150 = arith.cmpi slt, %parallel_loop3A_1143, %parallel_loop3A_1149 : i32
          %parallel_loop3A_1151 = arith.extui %parallel_loop3A_1150 : i1 to i32
          %parallel_loop3A_1152 = arith.subi %parallel_loop3A_1148, %parallel_loop3A_1151 : i32
          %parallel_loop3A_1153 = arith.constant 0 : i32
          %parallel_loop3A_1154 = arith.cmpi sgt, %parallel_loop3A_1144, %parallel_loop3A_1153 : i32
          %parallel_loop3A_1155 = arith.extui %parallel_loop3A_1154 : i1 to i32
          %parallel_loop3A_1156 = arith.constant 0 : i32
          %parallel_loop3A_1157 = arith.cmpi slt, %parallel_loop3A_1144, %parallel_loop3A_1156 : i32
          %parallel_loop3A_1158 = arith.extui %parallel_loop3A_1157 : i1 to i32
          %parallel_loop3A_1159 = arith.subi %parallel_loop3A_1155, %parallel_loop3A_1158 : i32
          %parallel_loop3A_1160 = arith.cmpi ne, %parallel_loop3A_1152, %parallel_loop3A_1159 : i32
          %parallel_loop3A_1161 = arith.remsi %parallel_loop3A_1143, %parallel_loop3A_1144 : i32
          %parallel_loop3A_1162 = arith.constant 0 : i32
          %parallel_loop3A_1163 = arith.cmpi ne, %parallel_loop3A_1161, %parallel_loop3A_1162 : i32
          %parallel_loop3A_1164 = arith.andi %parallel_loop3A_1160, %parallel_loop3A_1163 : i1
          %parallel_loop3A_1165 = arith.constant 1 : i32
          %parallel_loop3A_1166 = arith.subi %parallel_loop3A_1145, %parallel_loop3A_1165 : i32
          %parallel_loop3A_1167 = arith.select %parallel_loop3A_1164, %parallel_loop3A_1166, %parallel_loop3A_1145 : i32
          %parallel_loop3A_1168 = arith.constant 8 : i32
          %parallel_loop3A_1169 = arith.constant 0 : i32
          %parallel_loop3A_1170 = arith.cmpi eq, %parallel_loop3A_1168, %parallel_loop3A_1169 : i32
          %parallel_loop3A_1171 = arith.constant 1 : i32
          %parallel_loop3A_1172 = arith.select %parallel_loop3A_1170, %parallel_loop3A_1171, %parallel_loop3A_1168 : i32
          %parallel_loop3A_1173 = arith.remsi %parallel_loop3A_1143, %parallel_loop3A_1172 : i32
          %parallel_loop3A_1174 = arith.constant 0 : i32
          %parallel_loop3A_1175 = arith.cmpi ne, %parallel_loop3A_1173, %parallel_loop3A_1174 : i32
          %parallel_loop3A_1176 = arith.constant 0 : i32
          %parallel_loop3A_1177 = arith.cmpi slt, %parallel_loop3A_1173, %parallel_loop3A_1176 : i32
          %parallel_loop3A_1178 = arith.constant 0 : i32
          %parallel_loop3A_1179 = arith.cmpi slt, %parallel_loop3A_1172, %parallel_loop3A_1178 : i32
          %parallel_loop3A_1180 = arith.xori %parallel_loop3A_1177, %parallel_loop3A_1179 : i1
          %parallel_loop3A_1181 = arith.andi %parallel_loop3A_1180, %parallel_loop3A_1175 : i1
          %parallel_loop3A_1182 = arith.addi %parallel_loop3A_1173, %parallel_loop3A_1172 : i32
          %parallel_loop3A_1183 = arith.select %parallel_loop3A_1181, %parallel_loop3A_1182, %parallel_loop3A_1173 : i32
          %parallel_loop3A_1184 = arith.constant 16 : i32
          %parallel_loop3A_1185 = arith.muli %parallel_loop3A_1183, %parallel_loop3A_1184 : i32
          %parallel_loop3A_1186 = arith.index_cast %parallel_loop3A_1167 : i32 to index
          %parallel_loop3A_1187 = arith.index_cast %parallel_loop3A_1185 : i32 to index
          %parallel_loop3A_1188 = tpu.vector_load %arg17[%parallel_loop3A_1186, %parallel_loop3A_1187] {strides = array<i32>} : memref<128x128xf32, #tpu.memory_space<vmem>>, vector<16xf32>,
          %parallel_loop3A_1189 = arith.constant 0.899999976 : f32
          %parallel_loop3A_1190 = vector.broadcast %parallel_loop3A_1189 : f32 to vector<16xf32>
          %parallel_loop3A_1191 = arith.mulf %parallel_loop3A_1188, %parallel_loop3A_1190 : vector<16xf32>
          %parallel_loop3A_1192 = arith.index_cast %parallel_loop3A_1167 : i32 to index
          %parallel_loop3A_1193 = arith.index_cast %parallel_loop3A_1185 : i32 to index
          %parallel_loop3A_1194 = tpu.vector_load %arg16[%parallel_loop3A_1192, %parallel_loop3A_1193] {strides = array<i32>} : memref<128x128xf32, #tpu.memory_space<vmem>>, vector<16xf32>,
          %parallel_loop3A_1195 = arith.constant 1.000000e-01 : f32
          %parallel_loop3A_1196 = vector.broadcast %parallel_loop3A_1195 : f32 to vector<16xf32>
          %parallel_loop3A_1197 = arith.mulf %parallel_loop3A_1194, %parallel_loop3A_1196 : vector<16xf32>
          %parallel_loop3A_1198 = arith.addf %parallel_loop3A_1191, %parallel_loop3A_1197 : vector<16xf32>
          %parallel_loop3A_1199 = arith.index_cast %parallel_loop3A_1167 : i32 to index
          %parallel_loop3A_1200 = arith.index_cast %parallel_loop3A_1185 : i32 to index
          %parallel_loop3A_1201 = tpu.vector_load %arg17[%parallel_loop3A_1199, %parallel_loop3A_1200] {strides = array<i32>} : memref<128x128xf32, #tpu.memory_space<vmem>>, vector<16xf32>,
          tpu.vector_store %arg17[%parallel_loop3A_1199, %parallel_loop3A_1200], %parallel_loop3A_1198 {strides = array<i32>} : memref<128x128xf32, #tpu.memory_space<vmem>>, vector<16xf32>,
        } {sc.loop_unroll_factor = 8 : i64, sc.parallel_access}
        %dma_start3A_1134 = arith.constant 0 : i32
        %dma_start3A_1135 = arith.constant 0 : i32
        %dma_start3A_1136 = tpu.memref_slice %arg17[%dma_start3A_1134, %dma_start3A_1135] : memref<128x128xf32, #tpu.memory_space<vmem>> -> memref<128x128xf32, #tpu.memory_space<vmem>>
        %dma_start3A_1137 = arith.constant 0 : i32
        %dma_start3A_1138 = tpu.memref_slice %arg14[%while3A_1058, %dma_start3A_1137] : memref<25x128xi32, #tpu.memory_space<vmem>> -> memref<1x128xi32, #tpu.memory_space<vmem>>
        %dma_start3A_1139 = tpu.memref_squeeze %dma_start3A_1138 : memref<1x128xi32, #tpu.memory_space<vmem>> -> memref<128xi32, #tpu.memory_space<vmem>>
        %dma_start3A_1140 = arith.constant 0 : i32
        %dma_start3A_1141 = arith.constant 0 : i32
        %dma_start3A_1142 = tpu.memref_slice %arg7[%dma_start3A_1140, %dma_start3A_1141] : memref<100000x128xf32, #tpu.memory_space<hbm>> -> memref<100000x128xf32, #tpu.memory_space<hbm>>
        tpu.enqueue_indirect_dma source(%dma_start3A_1136 : memref<128x128xf32, #tpu.memory_space<vmem>>) target(%dma_start3A_1142 : memref<100000x128xf32, #tpu.memory_space<hbm>>) offsets(%dma_start3A_1139 : memref<128xi32, #tpu.memory_space<vmem>>) semaphore(%arg24 : memref<!tpu.dma_semaphore, #tpu.memory_space<semaphore_mem>>)
      } else {
      }
      %jit3A_1081 = arith.constant 2 : i32
      %eq3A_1082 = arith.constant 0 : i32
      %eq3A_1083 = arith.cmpi eq, %jit3A_1081, %eq3A_1082 : i32
      %jit3A_1084 = arith.constant 1 : i32
      %select_n3A_1085 = arith.select %eq3A_1083, %jit3A_1084, %jit3A_1081 : i32
      %rem3A_1086 = arith.remsi %while3A_1058, %select_n3A_1085 : i32
      %ne3A_1087 = arith.constant 0 : i32
      %ne3A_1088 = arith.cmpi ne, %rem3A_1086, %ne3A_1087 : i32
      %lt3A_1089 = arith.constant 0 : i32
      %lt3A_1090 = arith.cmpi slt, %rem3A_1086, %lt3A_1089 : i32
      %lt3A_1091 = arith.constant 0 : i32
      %lt3A_1092 = arith.cmpi slt, %select_n3A_1085, %lt3A_1091 : i32
      %ne3A_1093 = arith.xori %lt3A_1090, %lt3A_1092 : i1
      %and3A_1094 = arith.andi %ne3A_1093, %ne3A_1088 : i1
      %add3A_1095 = arith.addi %rem3A_1086, %select_n3A_1085 : i32
      %select_n3A_1096 = arith.select %and3A_1094, %add3A_1095, %rem3A_1086 : i32
      %eq3A_1097 = arith.constant 1 : i32
      %eq3A_1098 = arith.cmpi eq, %select_n3A_1096, %eq3A_1097 : i32
      %convert_element_type3A_1099 = arith.extui %eq3A_1098 : i1 to i32
      %cond3A_1100 = arith.constant 0 : i32
      %cond3A_1101 = arith.cmpi ne, %convert_element_type3A_1099, %cond3A_1100 : i32
      scf.if %cond3A_1101 {
        %mul3A_1103 = arith.constant 128 : i32
        %mul3A_1104 = arith.muli %while3A_1058, %mul3A_1103 : i32
        %dma_wait3A_1105 = arith.constant 0 : i32
        %dma_wait3A_1106 = arith.constant 0 : i32
        %dma_wait3A_1107 = tpu.memref_slice %arg18[%dma_wait3A_1105, %dma_wait3A_1106] : memref<128x128xf32, #tpu.memory_space<vmem>> -> memref<128x128xf32, #tpu.memory_space<vmem>>
        %dma_wait3A_1108 = tpu.memref_slice %arg12[%mul3A_1104] : memref<3200xi32, #tpu.memory_space<vmem>> -> memref<128xi32, #tpu.memory_space<vmem>>
        %dma_wait3A_1109 = arith.constant 0 : i32
        %dma_wait3A_1110 = arith.constant 0 : i32
        %dma_wait3A_1111 = tpu.memref_slice %arg2[%dma_wait3A_1109, %dma_wait3A_1110] : memref<16384x128xf32, #tpu.memory_space<hbm>> -> memref<16384x128xf32, #tpu.memory_space<hbm>>
        tpu.wait_indirect_dma semaphore(%arg22 : memref<!tpu.dma_semaphore, #tpu.memory_space<semaphore_mem>>) src(%dma_wait3A_1111 : memref<16384x128xf32, #tpu.memory_space<hbm>>) dst(%dma_wait3A_1107 : memref<128x128xf32, #tpu.memory_space<vmem>>)
        %dma_wait3A_1112 = arith.constant 0 : i32
        %dma_wait3A_1113 = arith.constant 0 : i32
        %dma_wait3A_1114 = tpu.memref_slice %arg19[%dma_wait3A_1112, %dma_wait3A_1113] : memref<128x128xf32, #tpu.memory_space<vmem>> -> memref<128x128xf32, #tpu.memory_space<vmem>>
        %dma_wait3A_1115 = arith.constant 0 : i32
        %dma_wait3A_1116 = tpu.memref_slice %arg14[%while3A_1058, %dma_wait3A_1115] : memref<25x128xi32, #tpu.memory_space<vmem>> -> memref<1x128xi32, #tpu.memory_space<vmem>>
        %dma_wait3A_1117 = tpu.memref_squeeze %dma_wait3A_1116 : memref<1x128xi32, #tpu.memory_space<vmem>> -> memref<128xi32, #tpu.memory_space<vmem>>
        %dma_wait3A_1118 = arith.constant 0 : i32
        %dma_wait3A_1119 = arith.constant 0 : i32
        %dma_wait3A_1120 = tpu.memref_slice %arg5[%dma_wait3A_1118, %dma_wait3A_1119] : memref<100000x128xf32, #tpu.memory_space<hbm>> -> memref<100000x128xf32, #tpu.memory_space<hbm>>
        tpu.wait_indirect_dma semaphore(%arg23 : memref<!tpu.dma_semaphore, #tpu.memory_space<semaphore_mem>>) src(%dma_wait3A_1120 : memref<100000x128xf32, #tpu.memory_space<hbm>>) dst(%dma_wait3A_1114 : memref<128x128xf32, #tpu.memory_space<vmem>>)
        %gt3A_1121 = arith.constant 0 : i32
        %gt3A_1122 = arith.cmpi sgt, %while3A_1058, %gt3A_1121 : i32
        %convert_element_type3A_1123 = arith.extui %gt3A_1122 : i1 to i32
        %cond3A_1124 = arith.constant 0 : i32
        %cond3A_1125 = arith.cmpi ne, %convert_element_type3A_1123, %cond3A_1124 : i32
        scf.if %cond3A_1125 {
          %sub3A_1143 = arith.constant 1 : i32
          %sub3A_1144 = arith.subi %while3A_1058, %sub3A_1143 : i32
          %dma_wait3A_1145 = arith.constant 0 : i32
          %dma_wait3A_1146 = arith.constant 0 : i32
          %dma_wait3A_1147 = tpu.memref_slice %arg17[%dma_wait3A_1145, %dma_wait3A_1146] : memref<128x128xf32, #tpu.memory_space<vmem>> -> memref<128x128xf32, #tpu.memory_space<vmem>>
          %dma_wait3A_1148 = arith.constant 0 : i32
          %dma_wait3A_1149 = tpu.memref_slice %arg14[%sub3A_1144, %dma_wait3A_1148] : memref<25x128xi32, #tpu.memory_space<vmem>> -> memref<1x128xi32, #tpu.memory_space<vmem>>
          %dma_wait3A_1150 = tpu.memref_squeeze %dma_wait3A_1149 : memref<1x128xi32, #tpu.memory_space<vmem>> -> memref<128xi32, #tpu.memory_space<vmem>>
          %dma_wait3A_1151 = arith.constant 0 : i32
          %dma_wait3A_1152 = arith.constant 0 : i32
          %dma_wait3A_1153 = tpu.memref_slice %arg7[%dma_wait3A_1151, %dma_wait3A_1152] : memref<100000x128xf32, #tpu.memory_space<hbm>> -> memref<100000x128xf32, #tpu.memory_space<hbm>>
          tpu.wait_indirect_dma semaphore(%arg24 : memref<!tpu.dma_semaphore, #tpu.memory_space<semaphore_mem>>) src(%dma_wait3A_1147 : memref<128x128xf32, #tpu.memory_space<vmem>>) dst(%dma_wait3A_1153 : memref<100000x128xf32, #tpu.memory_space<hbm>>)
        } else {
        }
        %add3A_1126 = arith.constant 1 : i32
        %add3A_1127 = arith.addi %while3A_1058, %add3A_1126 : i32
        %lt3A_1128 = arith.cmpi slt, %add3A_1127, %select_n3A_993 : i32
        %convert_element_type3A_1129 = arith.extui %lt3A_1128 : i1 to i32
        %cond3A_1130 = arith.constant 0 : i32
        %cond3A_1131 = arith.cmpi ne, %convert_element_type3A_1129, %cond3A_1130 : i32
        scf.if %cond3A_1131 {
          %add3A_1143 = arith.constant 1 : i32
          %add3A_1144 = arith.addi %while3A_1058, %add3A_1143 : i32
          %mul3A_1145 = arith.constant 128 : i32
          %mul3A_1146 = arith.muli %add3A_1144, %mul3A_1145 : i32
          %dma_start3A_1147 = arith.constant 0 : i32
          %dma_start3A_1148 = arith.constant 0 : i32
          %dma_start3A_1149 = tpu.memref_slice %arg16[%dma_start3A_1147, %dma_start3A_1148] : memref<128x128xf32, #tpu.memory_space<vmem>> -> memref<128x128xf32, #tpu.memory_space<vmem>>
          %dma_start3A_1150 = tpu.memref_slice %arg12[%mul3A_1146] : memref<3200xi32, #tpu.memory_space<vmem>> -> memref<128xi32, #tpu.memory_space<vmem>>
          %dma_start3A_1151 = arith.constant 0 : i32
          %dma_start3A_1152 = arith.constant 0 : i32
          %dma_start3A_1153 = tpu.memref_slice %arg2[%dma_start3A_1151, %dma_start3A_1152] : memref<16384x128xf32, #tpu.memory_space<hbm>> -> memref<16384x128xf32, #tpu.memory_space<hbm>>
          tpu.enqueue_indirect_dma source(%dma_start3A_1153 : memref<16384x128xf32, #tpu.memory_space<hbm>>) target(%dma_start3A_1149 : memref<128x128xf32, #tpu.memory_space<vmem>>) offsets(%dma_start3A_1150 : memref<128xi32, #tpu.memory_space<vmem>>) semaphore(%arg20 : memref<!tpu.dma_semaphore, #tpu.memory_space<semaphore_mem>>)
          %dma_start3A_1154 = arith.constant 0 : i32
          %dma_start3A_1155 = arith.constant 0 : i32
          %dma_start3A_1156 = tpu.memref_slice %arg17[%dma_start3A_1154, %dma_start3A_1155] : memref<128x128xf32, #tpu.memory_space<vmem>> -> memref<128x128xf32, #tpu.memory_space<vmem>>
          %dma_start3A_1157 = arith.constant 0 : i32
          %dma_start3A_1158 = tpu.memref_slice %arg14[%add3A_1144, %dma_start3A_1157] : memref<25x128xi32, #tpu.memory_space<vmem>> -> memref<1x128xi32, #tpu.memory_space<vmem>>
          %dma_start3A_1159 = tpu.memref_squeeze %dma_start3A_1158 : memref<1x128xi32, #tpu.memory_space<vmem>> -> memref<128xi32, #tpu.memory_space<vmem>>
          %dma_start3A_1160 = arith.constant 0 : i32
          %dma_start3A_1161 = arith.constant 0 : i32
          %dma_start3A_1162 = tpu.memref_slice %arg5[%dma_start3A_1160, %dma_start3A_1161] : memref<100000x128xf32, #tpu.memory_space<hbm>> -> memref<100000x128xf32, #tpu.memory_space<hbm>>
          tpu.enqueue_indirect_dma source(%dma_start3A_1162 : memref<100000x128xf32, #tpu.memory_space<hbm>>) target(%dma_start3A_1156 : memref<128x128xf32, #tpu.memory_space<vmem>>) offsets(%dma_start3A_1159 : memref<128xi32, #tpu.memory_space<vmem>>) semaphore(%arg21 : memref<!tpu.dma_semaphore, #tpu.memory_space<semaphore_mem>>)
        } else {
        }
        %parallel_loop3A = arith.constant 0 : i32
        %parallel_loop3A_1132 = arith.constant 1024 : i32
        %parallel_loop3A_1133 = arith.constant 1 : i32
        scf.for %parallel_loop3A_1143 = %parallel_loop3A to %parallel_loop3A_1132 step %parallel_loop3A_1133  : i32 {
          %parallel_loop3A_1144 = arith.constant 8 : i32
          %parallel_loop3A_1145 = arith.divsi %parallel_loop3A_1143, %parallel_loop3A_1144 : i32
          %parallel_loop3A_1146 = arith.constant 0 : i32
          %parallel_loop3A_1147 = arith.cmpi sgt, %parallel_loop3A_1143, %parallel_loop3A_1146 : i32
          %parallel_loop3A_1148 = arith.extui %parallel_loop3A_1147 : i1 to i32
          %parallel_loop3A_1149 = arith.constant 0 : i32
          %parallel_loop3A_1150 = arith.cmpi slt, %parallel_loop3A_1143, %parallel_loop3A_1149 : i32
          %parallel_loop3A_1151 = arith.extui %parallel_loop3A_1150 : i1 to i32
          %parallel_loop3A_1152 = arith.subi %parallel_loop3A_1148, %parallel_loop3A_1151 : i32
          %parallel_loop3A_1153 = arith.constant 0 : i32
          %parallel_loop3A_1154 = arith.cmpi sgt, %parallel_loop3A_1144, %parallel_loop3A_1153 : i32
          %parallel_loop3A_1155 = arith.extui %parallel_loop3A_1154 : i1 to i32
          %parallel_loop3A_1156 = arith.constant 0 : i32
          %parallel_loop3A_1157 = arith.cmpi slt, %parallel_loop3A_1144, %parallel_loop3A_1156 : i32
          %parallel_loop3A_1158 = arith.extui %parallel_loop3A_1157 : i1 to i32
          %parallel_loop3A_1159 = arith.subi %parallel_loop3A_1155, %parallel_loop3A_1158 : i32
          %parallel_loop3A_1160 = arith.cmpi ne, %parallel_loop3A_1152, %parallel_loop3A_1159 : i32
          %parallel_loop3A_1161 = arith.remsi %parallel_loop3A_1143, %parallel_loop3A_1144 : i32
          %parallel_loop3A_1162 = arith.constant 0 : i32
          %parallel_loop3A_1163 = arith.cmpi ne, %parallel_loop3A_1161, %parallel_loop3A_1162 : i32
          %parallel_loop3A_1164 = arith.andi %parallel_loop3A_1160, %parallel_loop3A_1163 : i1
          %parallel_loop3A_1165 = arith.constant 1 : i32
          %parallel_loop3A_1166 = arith.subi %parallel_loop3A_1145, %parallel_loop3A_1165 : i32
          %parallel_loop3A_1167 = arith.select %parallel_loop3A_1164, %parallel_loop3A_1166, %parallel_loop3A_1145 : i32
          %parallel_loop3A_1168 = arith.constant 8 : i32
          %parallel_loop3A_1169 = arith.constant 0 : i32
          %parallel_loop3A_1170 = arith.cmpi eq, %parallel_loop3A_1168, %parallel_loop3A_1169 : i32
          %parallel_loop3A_1171 = arith.constant 1 : i32
          %parallel_loop3A_1172 = arith.select %parallel_loop3A_1170, %parallel_loop3A_1171, %parallel_loop3A_1168 : i32
          %parallel_loop3A_1173 = arith.remsi %parallel_loop3A_1143, %parallel_loop3A_1172 : i32
          %parallel_loop3A_1174 = arith.constant 0 : i32
          %parallel_loop3A_1175 = arith.cmpi ne, %parallel_loop3A_1173, %parallel_loop3A_1174 : i32
          %parallel_loop3A_1176 = arith.constant 0 : i32
          %parallel_loop3A_1177 = arith.cmpi slt, %parallel_loop3A_1173, %parallel_loop3A_1176 : i32
          %parallel_loop3A_1178 = arith.constant 0 : i32
          %parallel_loop3A_1179 = arith.cmpi slt, %parallel_loop3A_1172, %parallel_loop3A_1178 : i32
          %parallel_loop3A_1180 = arith.xori %parallel_loop3A_1177, %parallel_loop3A_1179 : i1
          %parallel_loop3A_1181 = arith.andi %parallel_loop3A_1180, %parallel_loop3A_1175 : i1
          %parallel_loop3A_1182 = arith.addi %parallel_loop3A_1173, %parallel_loop3A_1172 : i32
          %parallel_loop3A_1183 = arith.select %parallel_loop3A_1181, %parallel_loop3A_1182, %parallel_loop3A_1173 : i32
          %parallel_loop3A_1184 = arith.constant 16 : i32
          %parallel_loop3A_1185 = arith.muli %parallel_loop3A_1183, %parallel_loop3A_1184 : i32
          %parallel_loop3A_1186 = arith.index_cast %parallel_loop3A_1167 : i32 to index
          %parallel_loop3A_1187 = arith.index_cast %parallel_loop3A_1185 : i32 to index
          %parallel_loop3A_1188 = tpu.vector_load %arg19[%parallel_loop3A_1186, %parallel_loop3A_1187] {strides = array<i32>} : memref<128x128xf32, #tpu.memory_space<vmem>>, vector<16xf32>,
          %parallel_loop3A_1189 = arith.constant 0.899999976 : f32
          %parallel_loop3A_1190 = vector.broadcast %parallel_loop3A_1189 : f32 to vector<16xf32>
          %parallel_loop3A_1191 = arith.mulf %parallel_loop3A_1188, %parallel_loop3A_1190 : vector<16xf32>
          %parallel_loop3A_1192 = arith.index_cast %parallel_loop3A_1167 : i32 to index
          %parallel_loop3A_1193 = arith.index_cast %parallel_loop3A_1185 : i32 to index
          %parallel_loop3A_1194 = tpu.vector_load %arg18[%parallel_loop3A_1192, %parallel_loop3A_1193] {strides = array<i32>} : memref<128x128xf32, #tpu.memory_space<vmem>>, vector<16xf32>,
          %parallel_loop3A_1195 = arith.constant 1.000000e-01 : f32
          %parallel_loop3A_1196 = vector.broadcast %parallel_loop3A_1195 : f32 to vector<16xf32>
          %parallel_loop3A_1197 = arith.mulf %parallel_loop3A_1194, %parallel_loop3A_1196 : vector<16xf32>
          %parallel_loop3A_1198 = arith.addf %parallel_loop3A_1191, %parallel_loop3A_1197 : vector<16xf32>
          %parallel_loop3A_1199 = arith.index_cast %parallel_loop3A_1167 : i32 to index
          %parallel_loop3A_1200 = arith.index_cast %parallel_loop3A_1185 : i32 to index
          %parallel_loop3A_1201 = tpu.vector_load %arg19[%parallel_loop3A_1199, %parallel_loop3A_1200] {strides = array<i32>} : memref<128x128xf32, #tpu.memory_space<vmem>>, vector<16xf32>,
          tpu.vector_store %arg19[%parallel_loop3A_1199, %parallel_loop3A_1200], %parallel_loop3A_1198 {strides = array<i32>} : memref<128x128xf32, #tpu.memory_space<vmem>>, vector<16xf32>,
        } {sc.loop_unroll_factor = 8 : i64, sc.parallel_access}
        %dma_start3A_1134 = arith.constant 0 : i32
        %dma_start3A_1135 = arith.constant 0 : i32
        %dma_start3A_1136 = tpu.memref_slice %arg19[%dma_start3A_1134, %dma_start3A_1135] : memref<128x128xf32, #tpu.memory_space<vmem>> -> memref<128x128xf32, #tpu.memory_space<vmem>>
        %dma_start3A_1137 = arith.constant 0 : i32
        %dma_start3A_1138 = tpu.memref_slice %arg14[%while3A_1058, %dma_start3A_1137] : memref<25x128xi32, #tpu.memory_space<vmem>> -> memref<1x128xi32, #tpu.memory_space<vmem>>
        %dma_start3A_1139 = tpu.memref_squeeze %dma_start3A_1138 : memref<1x128xi32, #tpu.memory_space<vmem>> -> memref<128xi32, #tpu.memory_space<vmem>>
        %dma_start3A_1140 = arith.constant 0 : i32
        %dma_start3A_1141 = arith.constant 0 : i32
        %dma_start3A_1142 = tpu.memref_slice %arg7[%dma_start3A_1140, %dma_start3A_1141] : memref<100000x128xf32, #tpu.memory_space<hbm>> -> memref<100000x128xf32, #tpu.memory_space<hbm>>
        tpu.enqueue_indirect_dma source(%dma_start3A_1136 : memref<128x128xf32, #tpu.memory_space<vmem>>) target(%dma_start3A_1142 : memref<100000x128xf32, #tpu.memory_space<hbm>>) offsets(%dma_start3A_1139 : memref<128xi32, #tpu.memory_space<vmem>>) semaphore(%arg25 : memref<!tpu.dma_semaphore, #tpu.memory_space<semaphore_mem>>)
      } else {
      }
      %while3A_1102 = arith.constant 0 : i32
      scf.yield %while3A_1102 : i32
    }
    %while3A_1009 = arith.constant 1 : i32
    %while3A_1010 = scf.for %while3A_1058 = %while3A_1006 to %while3A_1002 step %while3A_1009 iter_args(%while3A_1059 = %while3A_1008) -> (i32)  : i32 {
      %jit3A_1060 = arith.constant 2 : i32
      %eq3A_1061 = arith.constant 0 : i32
      %eq3A_1062 = arith.cmpi eq, %jit3A_1060, %eq3A_1061 : i32
      %jit3A_1063 = arith.constant 1 : i32
      %select_n3A_1064 = arith.select %eq3A_1062, %jit3A_1063, %jit3A_1060 : i32
      %rem3A_1065 = arith.remsi %while3A_1058, %select_n3A_1064 : i32
      %ne3A_1066 = arith.constant 0 : i32
      %ne3A_1067 = arith.cmpi ne, %rem3A_1065, %ne3A_1066 : i32
      %lt3A_1068 = arith.constant 0 : i32
      %lt3A_1069 = arith.cmpi slt, %rem3A_1065, %lt3A_1068 : i32
      %lt3A_1070 = arith.constant 0 : i32
      %lt3A_1071 = arith.cmpi slt, %select_n3A_1064, %lt3A_1070 : i32
      %ne3A_1072 = arith.xori %lt3A_1069, %lt3A_1071 : i1
      %and3A_1073 = arith.andi %ne3A_1072, %ne3A_1067 : i1
      %add3A_1074 = arith.addi %rem3A_1065, %select_n3A_1064 : i32
      %select_n3A_1075 = arith.select %and3A_1073, %add3A_1074, %rem3A_1065 : i32
      %eq3A_1076 = arith.constant 0 : i32
      %eq3A_1077 = arith.cmpi eq, %select_n3A_1075, %eq3A_1076 : i32
      %convert_element_type3A_1078 = arith.extui %eq3A_1077 : i1 to i32
      %cond3A_1079 = arith.constant 0 : i32
      %cond3A_1080 = arith.cmpi ne, %convert_element_type3A_1078, %cond3A_1079 : i32
      scf.if %cond3A_1080 {
        %mul3A_1103 = arith.constant 128 : i32
        %mul3A_1104 = arith.muli %while3A_1058, %mul3A_1103 : i32
        %dma_wait3A_1105 = arith.constant 0 : i32
        %dma_wait3A_1106 = arith.constant 0 : i32
        %dma_wait3A_1107 = tpu.memref_slice %arg16[%dma_wait3A_1105, %dma_wait3A_1106] : memref<128x128xf32, #tpu.memory_space<vmem>> -> memref<128x128xf32, #tpu.memory_space<vmem>>
        %dma_wait3A_1108 = tpu.memref_slice %arg12[%mul3A_1104] : memref<3200xi32, #tpu.memory_space<vmem>> -> memref<128xi32, #tpu.memory_space<vmem>>
        %dma_wait3A_1109 = arith.constant 0 : i32
        %dma_wait3A_1110 = arith.constant 0 : i32
        %dma_wait3A_1111 = tpu.memref_slice %arg2[%dma_wait3A_1109, %dma_wait3A_1110] : memref<16384x128xf32, #tpu.memory_space<hbm>> -> memref<16384x128xf32, #tpu.memory_space<hbm>>
        tpu.wait_indirect_dma semaphore(%arg20 : memref<!tpu.dma_semaphore, #tpu.memory_space<semaphore_mem>>) src(%dma_wait3A_1111 : memref<16384x128xf32, #tpu.memory_space<hbm>>) dst(%dma_wait3A_1107 : memref<128x128xf32, #tpu.memory_space<vmem>>)
        %dma_wait3A_1112 = arith.constant 0 : i32
        %dma_wait3A_1113 = arith.constant 0 : i32
        %dma_wait3A_1114 = tpu.memref_slice %arg17[%dma_wait3A_1112, %dma_wait3A_1113] : memref<128x128xf32, #tpu.memory_space<vmem>> -> memref<128x128xf32, #tpu.memory_space<vmem>>
        %dma_wait3A_1115 = arith.constant 0 : i32
        %dma_wait3A_1116 = tpu.memref_slice %arg14[%while3A_1058, %dma_wait3A_1115] : memref<25x128xi32, #tpu.memory_space<vmem>> -> memref<1x128xi32, #tpu.memory_space<vmem>>
        %dma_wait3A_1117 = tpu.memref_squeeze %dma_wait3A_1116 : memref<1x128xi32, #tpu.memory_space<vmem>> -> memref<128xi32, #tpu.memory_space<vmem>>
        %dma_wait3A_1118 = arith.constant 0 : i32
        %dma_wait3A_1119 = arith.constant 0 : i32
        %dma_wait3A_1120 = tpu.memref_slice %arg5[%dma_wait3A_1118, %dma_wait3A_1119] : memref<100000x128xf32, #tpu.memory_space<hbm>> -> memref<100000x128xf32, #tpu.memory_space<hbm>>
        tpu.wait_indirect_dma semaphore(%arg21 : memref<!tpu.dma_semaphore, #tpu.memory_space<semaphore_mem>>) src(%dma_wait3A_1120 : memref<100000x128xf32, #tpu.memory_space<hbm>>) dst(%dma_wait3A_1114 : memref<128x128xf32, #tpu.memory_space<vmem>>)
        %gt3A_1121 = arith.constant 0 : i32
        %gt3A_1122 = arith.cmpi sgt, %while3A_1058, %gt3A_1121 : i32
        %convert_element_type3A_1123 = arith.extui %gt3A_1122 : i1 to i32
        %cond3A_1124 = arith.constant 0 : i32
        %cond3A_1125 = arith.cmpi ne, %convert_element_type3A_1123, %cond3A_1124 : i32
        scf.if %cond3A_1125 {
          %sub3A_1143 = arith.constant 1 : i32
          %sub3A_1144 = arith.subi %while3A_1058, %sub3A_1143 : i32
          %dma_wait3A_1145 = arith.constant 0 : i32
          %dma_wait3A_1146 = arith.constant 0 : i32
          %dma_wait3A_1147 = tpu.memref_slice %arg19[%dma_wait3A_1145, %dma_wait3A_1146] : memref<128x128xf32, #tpu.memory_space<vmem>> -> memref<128x128xf32, #tpu.memory_space<vmem>>
          %dma_wait3A_1148 = arith.constant 0 : i32
          %dma_wait3A_1149 = tpu.memref_slice %arg14[%sub3A_1144, %dma_wait3A_1148] : memref<25x128xi32, #tpu.memory_space<vmem>> -> memref<1x128xi32, #tpu.memory_space<vmem>>
          %dma_wait3A_1150 = tpu.memref_squeeze %dma_wait3A_1149 : memref<1x128xi32, #tpu.memory_space<vmem>> -> memref<128xi32, #tpu.memory_space<vmem>>
          %dma_wait3A_1151 = arith.constant 0 : i32
          %dma_wait3A_1152 = arith.constant 0 : i32
          %dma_wait3A_1153 = tpu.memref_slice %arg7[%dma_wait3A_1151, %dma_wait3A_1152] : memref<100000x128xf32, #tpu.memory_space<hbm>> -> memref<100000x128xf32, #tpu.memory_space<hbm>>
          tpu.wait_indirect_dma semaphore(%arg25 : memref<!tpu.dma_semaphore, #tpu.memory_space<semaphore_mem>>) src(%dma_wait3A_1147 : memref<128x128xf32, #tpu.memory_space<vmem>>) dst(%dma_wait3A_1153 : memref<100000x128xf32, #tpu.memory_space<hbm>>)
        } else {
        }
        %add3A_1126 = arith.constant 1 : i32
        %add3A_1127 = arith.addi %while3A_1058, %add3A_1126 : i32
        %lt3A_1128 = arith.cmpi slt, %add3A_1127, %select_n3A_993 : i32
        %convert_element_type3A_1129 = arith.extui %lt3A_1128 : i1 to i32
        %cond3A_1130 = arith.constant 0 : i32
        %cond3A_1131 = arith.cmpi ne, %convert_element_type3A_1129, %cond3A_1130 : i32
        scf.if %cond3A_1131 {
          %add3A_1143 = arith.constant 1 : i32
          %add3A_1144 = arith.addi %while3A_1058, %add3A_1143 : i32
          %mul3A_1145 = arith.constant 128 : i32
          %mul3A_1146 = arith.muli %add3A_1144, %mul3A_1145 : i32
          %dma_start3A_1147 = arith.constant 0 : i32
          %dma_start3A_1148 = arith.constant 0 : i32
          %dma_start3A_1149 = tpu.memref_slice %arg18[%dma_start3A_1147, %dma_start3A_1148] : memref<128x128xf32, #tpu.memory_space<vmem>> -> memref<128x128xf32, #tpu.memory_space<vmem>>
          %dma_start3A_1150 = tpu.memref_slice %arg12[%mul3A_1146] : memref<3200xi32, #tpu.memory_space<vmem>> -> memref<128xi32, #tpu.memory_space<vmem>>
          %dma_start3A_1151 = arith.constant 0 : i32
          %dma_start3A_1152 = arith.constant 0 : i32
          %dma_start3A_1153 = tpu.memref_slice %arg2[%dma_start3A_1151, %dma_start3A_1152] : memref<16384x128xf32, #tpu.memory_space<hbm>> -> memref<16384x128xf32, #tpu.memory_space<hbm>>
          tpu.enqueue_indirect_dma source(%dma_start3A_1153 : memref<16384x128xf32, #tpu.memory_space<hbm>>) target(%dma_start3A_1149 : memref<128x128xf32, #tpu.memory_space<vmem>>) offsets(%dma_start3A_1150 : memref<128xi32, #tpu.memory_space<vmem>>) semaphore(%arg22 : memref<!tpu.dma_semaphore, #tpu.memory_space<semaphore_mem>>)
          %dma_start3A_1154 = arith.constant 0 : i32
          %dma_start3A_1155 = arith.constant 0 : i32
          %dma_start3A_1156 = tpu.memref_slice %arg19[%dma_start3A_1154, %dma_start3A_1155] : memref<128x128xf32, #tpu.memory_space<vmem>> -> memref<128x128xf32, #tpu.memory_space<vmem>>
          %dma_start3A_1157 = arith.constant 0 : i32
          %dma_start3A_1158 = tpu.memref_slice %arg14[%add3A_1144, %dma_start3A_1157] : memref<25x128xi32, #tpu.memory_space<vmem>> -> memref<1x128xi32, #tpu.memory_space<vmem>>
          %dma_start3A_1159 = tpu.memref_squeeze %dma_start3A_1158 : memref<1x128xi32, #tpu.memory_space<vmem>> -> memref<128xi32, #tpu.memory_space<vmem>>
          %dma_start3A_1160 = arith.constant 0 : i32
          %dma_start3A_1161 = arith.constant 0 : i32
          %dma_start3A_1162 = tpu.memref_slice %arg5[%dma_start3A_1160, %dma_start3A_1161] : memref<100000x128xf32, #tpu.memory_space<hbm>> -> memref<100000x128xf32, #tpu.memory_space<hbm>>
          tpu.enqueue_indirect_dma source(%dma_start3A_1162 : memref<100000x128xf32, #tpu.memory_space<hbm>>) target(%dma_start3A_1156 : memref<128x128xf32, #tpu.memory_space<vmem>>) offsets(%dma_start3A_1159 : memref<128xi32, #tpu.memory_space<vmem>>) semaphore(%arg23 : memref<!tpu.dma_semaphore, #tpu.memory_space<semaphore_mem>>)
        } else {
        }
        %parallel_loop3A = arith.constant 0 : i32
        %parallel_loop3A_1132 = arith.constant 1024 : i32
        %parallel_loop3A_1133 = arith.constant 1 : i32
        scf.for %parallel_loop3A_1143 = %parallel_loop3A to %parallel_loop3A_1132 step %parallel_loop3A_1133  : i32 {
          %parallel_loop3A_1144 = arith.constant 8 : i32
          %parallel_loop3A_1145 = arith.divsi %parallel_loop3A_1143, %parallel_loop3A_1144 : i32
          %parallel_loop3A_1146 = arith.constant 0 : i32
          %parallel_loop3A_1147 = arith.cmpi sgt, %parallel_loop3A_1143, %parallel_loop3A_1146 : i32
          %parallel_loop3A_1148 = arith.extui %parallel_loop3A_1147 : i1 to i32
          %parallel_loop3A_1149 = arith.constant 0 : i32
          %parallel_loop3A_1150 = arith.cmpi slt, %parallel_loop3A_1143, %parallel_loop3A_1149 : i32
          %parallel_loop3A_1151 = arith.extui %parallel_loop3A_1150 : i1 to i32
          %parallel_loop3A_1152 = arith.subi %parallel_loop3A_1148, %parallel_loop3A_1151 : i32
          %parallel_loop3A_1153 = arith.constant 0 : i32
          %parallel_loop3A_1154 = arith.cmpi sgt, %parallel_loop3A_1144, %parallel_loop3A_1153 : i32
          %parallel_loop3A_1155 = arith.extui %parallel_loop3A_1154 : i1 to i32
          %parallel_loop3A_1156 = arith.constant 0 : i32
          %parallel_loop3A_1157 = arith.cmpi slt, %parallel_loop3A_1144, %parallel_loop3A_1156 : i32
          %parallel_loop3A_1158 = arith.extui %parallel_loop3A_1157 : i1 to i32
          %parallel_loop3A_1159 = arith.subi %parallel_loop3A_1155, %parallel_loop3A_1158 : i32
          %parallel_loop3A_1160 = arith.cmpi ne, %parallel_loop3A_1152, %parallel_loop3A_1159 : i32
          %parallel_loop3A_1161 = arith.remsi %parallel_loop3A_1143, %parallel_loop3A_1144 : i32
          %parallel_loop3A_1162 = arith.constant 0 : i32
          %parallel_loop3A_1163 = arith.cmpi ne, %parallel_loop3A_1161, %parallel_loop3A_1162 : i32
          %parallel_loop3A_1164 = arith.andi %parallel_loop3A_1160, %parallel_loop3A_1163 : i1
          %parallel_loop3A_1165 = arith.constant 1 : i32
          %parallel_loop3A_1166 = arith.subi %parallel_loop3A_1145, %parallel_loop3A_1165 : i32
          %parallel_loop3A_1167 = arith.select %parallel_loop3A_1164, %parallel_loop3A_1166, %parallel_loop3A_1145 : i32
          %parallel_loop3A_1168 = arith.constant 8 : i32
          %parallel_loop3A_1169 = arith.constant 0 : i32
          %parallel_loop3A_1170 = arith.cmpi eq, %parallel_loop3A_1168, %parallel_loop3A_1169 : i32
          %parallel_loop3A_1171 = arith.constant 1 : i32
          %parallel_loop3A_1172 = arith.select %parallel_loop3A_1170, %parallel_loop3A_1171, %parallel_loop3A_1168 : i32
          %parallel_loop3A_1173 = arith.remsi %parallel_loop3A_1143, %parallel_loop3A_1172 : i32
          %parallel_loop3A_1174 = arith.constant 0 : i32
          %parallel_loop3A_1175 = arith.cmpi ne, %parallel_loop3A_1173, %parallel_loop3A_1174 : i32
          %parallel_loop3A_1176 = arith.constant 0 : i32
          %parallel_loop3A_1177 = arith.cmpi slt, %parallel_loop3A_1173, %parallel_loop3A_1176 : i32
          %parallel_loop3A_1178 = arith.constant 0 : i32
          %parallel_loop3A_1179 = arith.cmpi slt, %parallel_loop3A_1172, %parallel_loop3A_1178 : i32
          %parallel_loop3A_1180 = arith.xori %parallel_loop3A_1177, %parallel_loop3A_1179 : i1
          %parallel_loop3A_1181 = arith.andi %parallel_loop3A_1180, %parallel_loop3A_1175 : i1
          %parallel_loop3A_1182 = arith.addi %parallel_loop3A_1173, %parallel_loop3A_1172 : i32
          %parallel_loop3A_1183 = arith.select %parallel_loop3A_1181, %parallel_loop3A_1182, %parallel_loop3A_1173 : i32
          %parallel_loop3A_1184 = arith.constant 16 : i32
          %parallel_loop3A_1185 = arith.muli %parallel_loop3A_1183, %parallel_loop3A_1184 : i32
          %parallel_loop3A_1186 = arith.index_cast %parallel_loop3A_1167 : i32 to index
          %parallel_loop3A_1187 = arith.index_cast %parallel_loop3A_1185 : i32 to index
          %parallel_loop3A_1188 = tpu.vector_load %arg17[%parallel_loop3A_1186, %parallel_loop3A_1187] {strides = array<i32>} : memref<128x128xf32, #tpu.memory_space<vmem>>, vector<16xf32>,
          %parallel_loop3A_1189 = arith.constant 0.899999976 : f32
          %parallel_loop3A_1190 = vector.broadcast %parallel_loop3A_1189 : f32 to vector<16xf32>
          %parallel_loop3A_1191 = arith.mulf %parallel_loop3A_1188, %parallel_loop3A_1190 : vector<16xf32>
          %parallel_loop3A_1192 = arith.index_cast %parallel_loop3A_1167 : i32 to index
          %parallel_loop3A_1193 = arith.index_cast %parallel_loop3A_1185 : i32 to index
          %parallel_loop3A_1194 = tpu.vector_load %arg16[%parallel_loop3A_1192, %parallel_loop3A_1193] {strides = array<i32>} : memref<128x128xf32, #tpu.memory_space<vmem>>, vector<16xf32>,
          %parallel_loop3A_1195 = arith.constant 1.000000e-01 : f32
          %parallel_loop3A_1196 = vector.broadcast %parallel_loop3A_1195 : f32 to vector<16xf32>
          %parallel_loop3A_1197 = arith.mulf %parallel_loop3A_1194, %parallel_loop3A_1196 : vector<16xf32>
          %parallel_loop3A_1198 = arith.addf %parallel_loop3A_1191, %parallel_loop3A_1197 : vector<16xf32>
          %parallel_loop3A_1199 = arith.index_cast %parallel_loop3A_1167 : i32 to index
          %parallel_loop3A_1200 = arith.index_cast %parallel_loop3A_1185 : i32 to index
          %parallel_loop3A_1201 = tpu.vector_load %arg17[%parallel_loop3A_1199, %parallel_loop3A_1200] {strides = array<i32>} : memref<128x128xf32, #tpu.memory_space<vmem>>, vector<16xf32>,
          tpu.vector_store %arg17[%parallel_loop3A_1199, %parallel_loop3A_1200], %parallel_loop3A_1198 {strides = array<i32>} : memref<128x128xf32, #tpu.memory_space<vmem>>, vector<16xf32>,
        } {sc.loop_unroll_factor = 8 : i64, sc.parallel_access}
        %dma_start3A_1134 = arith.constant 0 : i32
        %dma_start3A_1135 = arith.constant 0 : i32
        %dma_start3A_1136 = tpu.memref_slice %arg17[%dma_start3A_1134, %dma_start3A_1135] : memref<128x128xf32, #tpu.memory_space<vmem>> -> memref<128x128xf32, #tpu.memory_space<vmem>>
        %dma_start3A_1137 = arith.constant 0 : i32
        %dma_start3A_1138 = tpu.memref_slice %arg14[%while3A_1058, %dma_start3A_1137] : memref<25x128xi32, #tpu.memory_space<vmem>> -> memref<1x128xi32, #tpu.memory_space<vmem>>
        %dma_start3A_1139 = tpu.memref_squeeze %dma_start3A_1138 : memref<1x128xi32, #tpu.memory_space<vmem>> -> memref<128xi32, #tpu.memory_space<vmem>>
        %dma_start3A_1140 = arith.constant 0 : i32
        %dma_start3A_1141 = arith.constant 0 : i32
        %dma_start3A_1142 = tpu.memref_slice %arg7[%dma_start3A_1140, %dma_start3A_1141] : memref<100000x128xf32, #tpu.memory_space<hbm>> -> memref<100000x128xf32, #tpu.memory_space<hbm>>
        tpu.enqueue_indirect_dma source(%dma_start3A_1136 : memref<128x128xf32, #tpu.memory_space<vmem>>) target(%dma_start3A_1142 : memref<100000x128xf32, #tpu.memory_space<hbm>>) offsets(%dma_start3A_1139 : memref<128xi32, #tpu.memory_space<vmem>>) semaphore(%arg24 : memref<!tpu.dma_semaphore, #tpu.memory_space<semaphore_mem>>)
      } else {
      }
      %jit3A_1081 = arith.constant 2 : i32
      %eq3A_1082 = arith.constant 0 : i32
      %eq3A_1083 = arith.cmpi eq, %jit3A_1081, %eq3A_1082 : i32
      %jit3A_1084 = arith.constant 1 : i32
      %select_n3A_1085 = arith.select %eq3A_1083, %jit3A_1084, %jit3A_1081 : i32
      %rem3A_1086 = arith.remsi %while3A_1058, %select_n3A_1085 : i32
      %ne3A_1087 = arith.constant 0 : i32
      %ne3A_1088 = arith.cmpi ne, %rem3A_1086, %ne3A_1087 : i32
      %lt3A_1089 = arith.constant 0 : i32
      %lt3A_1090 = arith.cmpi slt, %rem3A_1086, %lt3A_1089 : i32
      %lt3A_1091 = arith.constant 0 : i32
      %lt3A_1092 = arith.cmpi slt, %select_n3A_1085, %lt3A_1091 : i32
      %ne3A_1093 = arith.xori %lt3A_1090, %lt3A_1092 : i1
      %and3A_1094 = arith.andi %ne3A_1093, %ne3A_1088 : i1
      %add3A_1095 = arith.addi %rem3A_1086, %select_n3A_1085 : i32
      %select_n3A_1096 = arith.select %and3A_1094, %add3A_1095, %rem3A_1086 : i32
      %eq3A_1097 = arith.constant 1 : i32
      %eq3A_1098 = arith.cmpi eq, %select_n3A_1096, %eq3A_1097 : i32
      %convert_element_type3A_1099 = arith.extui %eq3A_1098 : i1 to i32
      %cond3A_1100 = arith.constant 0 : i32
      %cond3A_1101 = arith.cmpi ne, %convert_element_type3A_1099, %cond3A_1100 : i32
      scf.if %cond3A_1101 {
        %mul3A_1103 = arith.constant 128 : i32
        %mul3A_1104 = arith.muli %while3A_1058, %mul3A_1103 : i32
        %dma_wait3A_1105 = arith.constant 0 : i32
        %dma_wait3A_1106 = arith.constant 0 : i32
        %dma_wait3A_1107 = tpu.memref_slice %arg18[%dma_wait3A_1105, %dma_wait3A_1106] : memref<128x128xf32, #tpu.memory_space<vmem>> -> memref<128x128xf32, #tpu.memory_space<vmem>>
        %dma_wait3A_1108 = tpu.memref_slice %arg12[%mul3A_1104] : memref<3200xi32, #tpu.memory_space<vmem>> -> memref<128xi32, #tpu.memory_space<vmem>>
        %dma_wait3A_1109 = arith.constant 0 : i32
        %dma_wait3A_1110 = arith.constant 0 : i32
        %dma_wait3A_1111 = tpu.memref_slice %arg2[%dma_wait3A_1109, %dma_wait3A_1110] : memref<16384x128xf32, #tpu.memory_space<hbm>> -> memref<16384x128xf32, #tpu.memory_space<hbm>>
        tpu.wait_indirect_dma semaphore(%arg22 : memref<!tpu.dma_semaphore, #tpu.memory_space<semaphore_mem>>) src(%dma_wait3A_1111 : memref<16384x128xf32, #tpu.memory_space<hbm>>) dst(%dma_wait3A_1107 : memref<128x128xf32, #tpu.memory_space<vmem>>)
        %dma_wait3A_1112 = arith.constant 0 : i32
        %dma_wait3A_1113 = arith.constant 0 : i32
        %dma_wait3A_1114 = tpu.memref_slice %arg19[%dma_wait3A_1112, %dma_wait3A_1113] : memref<128x128xf32, #tpu.memory_space<vmem>> -> memref<128x128xf32, #tpu.memory_space<vmem>>
        %dma_wait3A_1115 = arith.constant 0 : i32
        %dma_wait3A_1116 = tpu.memref_slice %arg14[%while3A_1058, %dma_wait3A_1115] : memref<25x128xi32, #tpu.memory_space<vmem>> -> memref<1x128xi32, #tpu.memory_space<vmem>>
        %dma_wait3A_1117 = tpu.memref_squeeze %dma_wait3A_1116 : memref<1x128xi32, #tpu.memory_space<vmem>> -> memref<128xi32, #tpu.memory_space<vmem>>
        %dma_wait3A_1118 = arith.constant 0 : i32
        %dma_wait3A_1119 = arith.constant 0 : i32
        %dma_wait3A_1120 = tpu.memref_slice %arg5[%dma_wait3A_1118, %dma_wait3A_1119] : memref<100000x128xf32, #tpu.memory_space<hbm>> -> memref<100000x128xf32, #tpu.memory_space<hbm>>
        tpu.wait_indirect_dma semaphore(%arg23 : memref<!tpu.dma_semaphore, #tpu.memory_space<semaphore_mem>>) src(%dma_wait3A_1120 : memref<100000x128xf32, #tpu.memory_space<hbm>>) dst(%dma_wait3A_1114 : memref<128x128xf32, #tpu.memory_space<vmem>>)
        %gt3A_1121 = arith.constant 0 : i32
        %gt3A_1122 = arith.cmpi sgt, %while3A_1058, %gt3A_1121 : i32
        %convert_element_type3A_1123 = arith.extui %gt3A_1122 : i1 to i32
        %cond3A_1124 = arith.constant 0 : i32
        %cond3A_1125 = arith.cmpi ne, %convert_element_type3A_1123, %cond3A_1124 : i32
        scf.if %cond3A_1125 {
          %sub3A_1143 = arith.constant 1 : i32
          %sub3A_1144 = arith.subi %while3A_1058, %sub3A_1143 : i32
          %dma_wait3A_1145 = arith.constant 0 : i32
          %dma_wait3A_1146 = arith.constant 0 : i32
          %dma_wait3A_1147 = tpu.memref_slice %arg17[%dma_wait3A_1145, %dma_wait3A_1146] : memref<128x128xf32, #tpu.memory_space<vmem>> -> memref<128x128xf32, #tpu.memory_space<vmem>>
          %dma_wait3A_1148 = arith.constant 0 : i32
          %dma_wait3A_1149 = tpu.memref_slice %arg14[%sub3A_1144, %dma_wait3A_1148] : memref<25x128xi32, #tpu.memory_space<vmem>> -> memref<1x128xi32, #tpu.memory_space<vmem>>
          %dma_wait3A_1150 = tpu.memref_squeeze %dma_wait3A_1149 : memref<1x128xi32, #tpu.memory_space<vmem>> -> memref<128xi32, #tpu.memory_space<vmem>>
          %dma_wait3A_1151 = arith.constant 0 : i32
          %dma_wait3A_1152 = arith.constant 0 : i32
          %dma_wait3A_1153 = tpu.memref_slice %arg7[%dma_wait3A_1151, %dma_wait3A_1152] : memref<100000x128xf32, #tpu.memory_space<hbm>> -> memref<100000x128xf32, #tpu.memory_space<hbm>>
          tpu.wait_indirect_dma semaphore(%arg24 : memref<!tpu.dma_semaphore, #tpu.memory_space<semaphore_mem>>) src(%dma_wait3A_1147 : memref<128x128xf32, #tpu.memory_space<vmem>>) dst(%dma_wait3A_1153 : memref<100000x128xf32, #tpu.memory_space<hbm>>)
        } else {
        }
        %add3A_1126 = arith.constant 1 : i32
        %add3A_1127 = arith.addi %while3A_1058, %add3A_1126 : i32
        %lt3A_1128 = arith.cmpi slt, %add3A_1127, %select_n3A_993 : i32
        %convert_element_type3A_1129 = arith.extui %lt3A_1128 : i1 to i32
        %cond3A_1130 = arith.constant 0 : i32
        %cond3A_1131 = arith.cmpi ne, %convert_element_type3A_1129, %cond3A_1130 : i32
        scf.if %cond3A_1131 {
          %add3A_1143 = arith.constant 1 : i32
          %add3A_1144 = arith.addi %while3A_1058, %add3A_1143 : i32
          %mul3A_1145 = arith.constant 128 : i32
          %mul3A_1146 = arith.muli %add3A_1144, %mul3A_1145 : i32
          %dma_start3A_1147 = arith.constant 0 : i32
          %dma_start3A_1148 = arith.constant 0 : i32
          %dma_start3A_1149 = tpu.memref_slice %arg16[%dma_start3A_1147, %dma_start3A_1148] : memref<128x128xf32, #tpu.memory_space<vmem>> -> memref<128x128xf32, #tpu.memory_space<vmem>>
          %dma_start3A_1150 = tpu.memref_slice %arg12[%mul3A_1146] : memref<3200xi32, #tpu.memory_space<vmem>> -> memref<128xi32, #tpu.memory_space<vmem>>
          %dma_start3A_1151 = arith.constant 0 : i32
          %dma_start3A_1152 = arith.constant 0 : i32
          %dma_start3A_1153 = tpu.memref_slice %arg2[%dma_start3A_1151, %dma_start3A_1152] : memref<16384x128xf32, #tpu.memory_space<hbm>> -> memref<16384x128xf32, #tpu.memory_space<hbm>>
          tpu.enqueue_indirect_dma source(%dma_start3A_1153 : memref<16384x128xf32, #tpu.memory_space<hbm>>) target(%dma_start3A_1149 : memref<128x128xf32, #tpu.memory_space<vmem>>) offsets(%dma_start3A_1150 : memref<128xi32, #tpu.memory_space<vmem>>) semaphore(%arg20 : memref<!tpu.dma_semaphore, #tpu.memory_space<semaphore_mem>>)
          %dma_start3A_1154 = arith.constant 0 : i32
          %dma_start3A_1155 = arith.constant 0 : i32
          %dma_start3A_1156 = tpu.memref_slice %arg17[%dma_start3A_1154, %dma_start3A_1155] : memref<128x128xf32, #tpu.memory_space<vmem>> -> memref<128x128xf32, #tpu.memory_space<vmem>>
          %dma_start3A_1157 = arith.constant 0 : i32
          %dma_start3A_1158 = tpu.memref_slice %arg14[%add3A_1144, %dma_start3A_1157] : memref<25x128xi32, #tpu.memory_space<vmem>> -> memref<1x128xi32, #tpu.memory_space<vmem>>
          %dma_start3A_1159 = tpu.memref_squeeze %dma_start3A_1158 : memref<1x128xi32, #tpu.memory_space<vmem>> -> memref<128xi32, #tpu.memory_space<vmem>>
          %dma_start3A_1160 = arith.constant 0 : i32
          %dma_start3A_1161 = arith.constant 0 : i32
          %dma_start3A_1162 = tpu.memref_slice %arg5[%dma_start3A_1160, %dma_start3A_1161] : memref<100000x128xf32, #tpu.memory_space<hbm>> -> memref<100000x128xf32, #tpu.memory_space<hbm>>
          tpu.enqueue_indirect_dma source(%dma_start3A_1162 : memref<100000x128xf32, #tpu.memory_space<hbm>>) target(%dma_start3A_1156 : memref<128x128xf32, #tpu.memory_space<vmem>>) offsets(%dma_start3A_1159 : memref<128xi32, #tpu.memory_space<vmem>>) semaphore(%arg21 : memref<!tpu.dma_semaphore, #tpu.memory_space<semaphore_mem>>)
        } else {
        }
        %parallel_loop3A = arith.constant 0 : i32
        %parallel_loop3A_1132 = arith.constant 1024 : i32
        %parallel_loop3A_1133 = arith.constant 1 : i32
        scf.for %parallel_loop3A_1143 = %parallel_loop3A to %parallel_loop3A_1132 step %parallel_loop3A_1133  : i32 {
          %parallel_loop3A_1144 = arith.constant 8 : i32
          %parallel_loop3A_1145 = arith.divsi %parallel_loop3A_1143, %parallel_loop3A_1144 : i32
          %parallel_loop3A_1146 = arith.constant 0 : i32
          %parallel_loop3A_1147 = arith.cmpi sgt, %parallel_loop3A_1143, %parallel_loop3A_1146 : i32
          %parallel_loop3A_1148 = arith.extui %parallel_loop3A_1147 : i1 to i32
          %parallel_loop3A_1149 = arith.constant 0 : i32
          %parallel_loop3A_1150 = arith.cmpi slt, %parallel_loop3A_1143, %parallel_loop3A_1149 : i32
          %parallel_loop3A_1151 = arith.extui %parallel_loop3A_1150 : i1 to i32
          %parallel_loop3A_1152 = arith.subi %parallel_loop3A_1148, %parallel_loop3A_1151 : i32
          %parallel_loop3A_1153 = arith.constant 0 : i32
          %parallel_loop3A_1154 = arith.cmpi sgt, %parallel_loop3A_1144, %parallel_loop3A_1153 : i32
          %parallel_loop3A_1155 = arith.extui %parallel_loop3A_1154 : i1 to i32
          %parallel_loop3A_1156 = arith.constant 0 : i32
          %parallel_loop3A_1157 = arith.cmpi slt, %parallel_loop3A_1144, %parallel_loop3A_1156 : i32
          %parallel_loop3A_1158 = arith.extui %parallel_loop3A_1157 : i1 to i32
          %parallel_loop3A_1159 = arith.subi %parallel_loop3A_1155, %parallel_loop3A_1158 : i32
          %parallel_loop3A_1160 = arith.cmpi ne, %parallel_loop3A_1152, %parallel_loop3A_1159 : i32
          %parallel_loop3A_1161 = arith.remsi %parallel_loop3A_1143, %parallel_loop3A_1144 : i32
          %parallel_loop3A_1162 = arith.constant 0 : i32
          %parallel_loop3A_1163 = arith.cmpi ne, %parallel_loop3A_1161, %parallel_loop3A_1162 : i32
          %parallel_loop3A_1164 = arith.andi %parallel_loop3A_1160, %parallel_loop3A_1163 : i1
          %parallel_loop3A_1165 = arith.constant 1 : i32
          %parallel_loop3A_1166 = arith.subi %parallel_loop3A_1145, %parallel_loop3A_1165 : i32
          %parallel_loop3A_1167 = arith.select %parallel_loop3A_1164, %parallel_loop3A_1166, %parallel_loop3A_1145 : i32
          %parallel_loop3A_1168 = arith.constant 8 : i32
          %parallel_loop3A_1169 = arith.constant 0 : i32
          %parallel_loop3A_1170 = arith.cmpi eq, %parallel_loop3A_1168, %parallel_loop3A_1169 : i32
          %parallel_loop3A_1171 = arith.constant 1 : i32
          %parallel_loop3A_1172 = arith.select %parallel_loop3A_1170, %parallel_loop3A_1171, %parallel_loop3A_1168 : i32
          %parallel_loop3A_1173 = arith.remsi %parallel_loop3A_1143, %parallel_loop3A_1172 : i32
          %parallel_loop3A_1174 = arith.constant 0 : i32
          %parallel_loop3A_1175 = arith.cmpi ne, %parallel_loop3A_1173, %parallel_loop3A_1174 : i32
          %parallel_loop3A_1176 = arith.constant 0 : i32
          %parallel_loop3A_1177 = arith.cmpi slt, %parallel_loop3A_1173, %parallel_loop3A_1176 : i32
          %parallel_loop3A_1178 = arith.constant 0 : i32
          %parallel_loop3A_1179 = arith.cmpi slt, %parallel_loop3A_1172, %parallel_loop3A_1178 : i32
          %parallel_loop3A_1180 = arith.xori %parallel_loop3A_1177, %parallel_loop3A_1179 : i1
          %parallel_loop3A_1181 = arith.andi %parallel_loop3A_1180, %parallel_loop3A_1175 : i1
          %parallel_loop3A_1182 = arith.addi %parallel_loop3A_1173, %parallel_loop3A_1172 : i32
          %parallel_loop3A_1183 = arith.select %parallel_loop3A_1181, %parallel_loop3A_1182, %parallel_loop3A_1173 : i32
          %parallel_loop3A_1184 = arith.constant 16 : i32
          %parallel_loop3A_1185 = arith.muli %parallel_loop3A_1183, %parallel_loop3A_1184 : i32
          %parallel_loop3A_1186 = arith.index_cast %parallel_loop3A_1167 : i32 to index
          %parallel_loop3A_1187 = arith.index_cast %parallel_loop3A_1185 : i32 to index
          %parallel_loop3A_1188 = tpu.vector_load %arg19[%parallel_loop3A_1186, %parallel_loop3A_1187] {strides = array<i32>} : memref<128x128xf32, #tpu.memory_space<vmem>>, vector<16xf32>,
          %parallel_loop3A_1189 = arith.constant 0.899999976 : f32
          %parallel_loop3A_1190 = vector.broadcast %parallel_loop3A_1189 : f32 to vector<16xf32>
          %parallel_loop3A_1191 = arith.mulf %parallel_loop3A_1188, %parallel_loop3A_1190 : vector<16xf32>
          %parallel_loop3A_1192 = arith.index_cast %parallel_loop3A_1167 : i32 to index
          %parallel_loop3A_1193 = arith.index_cast %parallel_loop3A_1185 : i32 to index
          %parallel_loop3A_1194 = tpu.vector_load %arg18[%parallel_loop3A_1192, %parallel_loop3A_1193] {strides = array<i32>} : memref<128x128xf32, #tpu.memory_space<vmem>>, vector<16xf32>,
          %parallel_loop3A_1195 = arith.constant 1.000000e-01 : f32
          %parallel_loop3A_1196 = vector.broadcast %parallel_loop3A_1195 : f32 to vector<16xf32>
          %parallel_loop3A_1197 = arith.mulf %parallel_loop3A_1194, %parallel_loop3A_1196 : vector<16xf32>
          %parallel_loop3A_1198 = arith.addf %parallel_loop3A_1191, %parallel_loop3A_1197 : vector<16xf32>
          %parallel_loop3A_1199 = arith.index_cast %parallel_loop3A_1167 : i32 to index
          %parallel_loop3A_1200 = arith.index_cast %parallel_loop3A_1185 : i32 to index
          %parallel_loop3A_1201 = tpu.vector_load %arg19[%parallel_loop3A_1199, %parallel_loop3A_1200] {strides = array<i32>} : memref<128x128xf32, #tpu.memory_space<vmem>>, vector<16xf32>,
          tpu.vector_store %arg19[%parallel_loop3A_1199, %parallel_loop3A_1200], %parallel_loop3A_1198 {strides = array<i32>} : memref<128x128xf32, #tpu.memory_space<vmem>>, vector<16xf32>,
        } {sc.loop_unroll_factor = 8 : i64, sc.parallel_access}
        %dma_start3A_1134 = arith.constant 0 : i32
        %dma_start3A_1135 = arith.constant 0 : i32
        %dma_start3A_1136 = tpu.memref_slice %arg19[%dma_start3A_1134, %dma_start3A_1135] : memref<128x128xf32, #tpu.memory_space<vmem>> -> memref<128x128xf32, #tpu.memory_space<vmem>>
        %dma_start3A_1137 = arith.constant 0 : i32
        %dma_start3A_1138 = tpu.memref_slice %arg14[%while3A_1058, %dma_start3A_1137] : memref<25x128xi32, #tpu.memory_space<vmem>> -> memref<1x128xi32, #tpu.memory_space<vmem>>
        %dma_start3A_1139 = tpu.memref_squeeze %dma_start3A_1138 : memref<1x128xi32, #tpu.memory_space<vmem>> -> memref<128xi32, #tpu.memory_space<vmem>>
        %dma_start3A_1140 = arith.constant 0 : i32
        %dma_start3A_1141 = arith.constant 0 : i32
        %dma_start3A_1142 = tpu.memref_slice %arg7[%dma_start3A_1140, %dma_start3A_1141] : memref<100000x128xf32, #tpu.memory_space<hbm>> -> memref<100000x128xf32, #tpu.memory_space<hbm>>
        tpu.enqueue_indirect_dma source(%dma_start3A_1136 : memref<128x128xf32, #tpu.memory_space<vmem>>) target(%dma_start3A_1142 : memref<100000x128xf32, #tpu.memory_space<hbm>>) offsets(%dma_start3A_1139 : memref<128xi32, #tpu.memory_space<vmem>>) semaphore(%arg25 : memref<!tpu.dma_semaphore, #tpu.memory_space<semaphore_mem>>)
      } else {
      }
      %while3A_1102 = arith.constant 0 : i32
      scf.yield %while3A_1102 : i32
    }
    %gt3A_1011 = arith.constant 0 : i32
    %gt3A_1012 = arith.cmpi sgt, %select_n3A_993, %gt3A_1011 : i32
    %jit3A_1013 = arith.constant 2 : i32
    %eq3A = arith.constant 0 : i32
    %eq3A_1014 = arith.cmpi eq, %jit3A_1013, %eq3A : i32
    %jit3A_1015 = arith.constant 1 : i32
    %select_n3A_1016 = arith.select %eq3A_1014, %jit3A_1015, %jit3A_1013 : i32
    %rem3A_1017 = arith.remsi %select_n3A_993, %select_n3A_1016 : i32
    %ne3A_1018 = arith.constant 0 : i32
    %ne3A_1019 = arith.cmpi ne, %rem3A_1017, %ne3A_1018 : i32
    %lt3A_1020 = arith.constant 0 : i32
    %lt3A_1021 = arith.cmpi slt, %rem3A_1017, %lt3A_1020 : i32
    %lt3A_1022 = arith.constant 0 : i32
    %lt3A_1023 = arith.cmpi slt, %select_n3A_1016, %lt3A_1022 : i32
    %ne3A_1024 = arith.xori %lt3A_1021, %lt3A_1023 : i1
    %and3A_1025 = arith.andi %ne3A_1024, %ne3A_1019 : i1
    %add3A_1026 = arith.addi %rem3A_1017, %select_n3A_1016 : i32
    %select_n3A_1027 = arith.select %and3A_1025, %add3A_1026, %rem3A_1017 : i32
    %eq3A_1028 = arith.constant 1 : i32
    %eq3A_1029 = arith.cmpi eq, %select_n3A_1027, %eq3A_1028 : i32
    %and3A_1030 = arith.andi %gt3A_1012, %eq3A_1029 : i1
    %convert_element_type3A_1031 = arith.extui %and3A_1030 : i1 to i32
    %cond3A_1032 = arith.constant 0 : i32
    %cond3A_1033 = arith.cmpi ne, %convert_element_type3A_1031, %cond3A_1032 : i32
    scf.if %cond3A_1033 {
      %sub3A_1058 = arith.constant 1 : i32
      %sub3A_1059 = arith.subi %select_n3A_993, %sub3A_1058 : i32
      %dma_wait3A_1060 = arith.constant 0 : i32
      %dma_wait3A_1061 = arith.constant 0 : i32
      %dma_wait3A_1062 = tpu.memref_slice %arg17[%dma_wait3A_1060, %dma_wait3A_1061] : memref<128x128xf32, #tpu.memory_space<vmem>> -> memref<128x128xf32, #tpu.memory_space<vmem>>
      %dma_wait3A_1063 = arith.constant 0 : i32
      %dma_wait3A_1064 = tpu.memref_slice %arg14[%sub3A_1059, %dma_wait3A_1063] : memref<25x128xi32, #tpu.memory_space<vmem>> -> memref<1x128xi32, #tpu.memory_space<vmem>>
      %dma_wait3A_1065 = tpu.memref_squeeze %dma_wait3A_1064 : memref<1x128xi32, #tpu.memory_space<vmem>> -> memref<128xi32, #tpu.memory_space<vmem>>
      %dma_wait3A_1066 = arith.constant 0 : i32
      %dma_wait3A_1067 = arith.constant 0 : i32
      %dma_wait3A_1068 = tpu.memref_slice %arg7[%dma_wait3A_1066, %dma_wait3A_1067] : memref<100000x128xf32, #tpu.memory_space<hbm>> -> memref<100000x128xf32, #tpu.memory_space<hbm>>
      tpu.wait_indirect_dma semaphore(%arg24 : memref<!tpu.dma_semaphore, #tpu.memory_space<semaphore_mem>>) src(%dma_wait3A_1062 : memref<128x128xf32, #tpu.memory_space<vmem>>) dst(%dma_wait3A_1068 : memref<100000x128xf32, #tpu.memory_space<hbm>>)
    } else {
    }
    %gt3A_1034 = arith.constant 0 : i32
    %gt3A_1035 = arith.cmpi sgt, %select_n3A_993, %gt3A_1034 : i32
    %jit3A_1036 = arith.constant 2 : i32
    %eq3A_1037 = arith.constant 0 : i32
    %eq3A_1038 = arith.cmpi eq, %jit3A_1036, %eq3A_1037 : i32
    %jit3A_1039 = arith.constant 1 : i32
    %select_n3A_1040 = arith.select %eq3A_1038, %jit3A_1039, %jit3A_1036 : i32
    %rem3A_1041 = arith.remsi %select_n3A_993, %select_n3A_1040 : i32
    %ne3A_1042 = arith.constant 0 : i32
    %ne3A_1043 = arith.cmpi ne, %rem3A_1041, %ne3A_1042 : i32
    %lt3A_1044 = arith.constant 0 : i32
    %lt3A_1045 = arith.cmpi slt, %rem3A_1041, %lt3A_1044 : i32
    %lt3A_1046 = arith.constant 0 : i32
    %lt3A_1047 = arith.cmpi slt, %select_n3A_1040, %lt3A_1046 : i32
    %ne3A_1048 = arith.xori %lt3A_1045, %lt3A_1047 : i1
    %and3A_1049 = arith.andi %ne3A_1048, %ne3A_1043 : i1
    %add3A_1050 = arith.addi %rem3A_1041, %select_n3A_1040 : i32
    %select_n3A_1051 = arith.select %and3A_1049, %add3A_1050, %rem3A_1041 : i32
    %eq3A_1052 = arith.constant 0 : i32
    %eq3A_1053 = arith.cmpi eq, %select_n3A_1051, %eq3A_1052 : i32
    %and3A_1054 = arith.andi %gt3A_1035, %eq3A_1053 : i1
    %convert_element_type3A_1055 = arith.extui %and3A_1054 : i1 to i32
    %cond3A_1056 = arith.constant 0 : i32
    %cond3A_1057 = arith.cmpi ne, %convert_element_type3A_1055, %cond3A_1056 : i32
    scf.if %cond3A_1057 {
      %sub3A_1058 = arith.constant 1 : i32
      %sub3A_1059 = arith.subi %select_n3A_993, %sub3A_1058 : i32
      %dma_wait3A_1060 = arith.constant 0 : i32
      %dma_wait3A_1061 = arith.constant 0 : i32
      %dma_wait3A_1062 = tpu.memref_slice %arg19[%dma_wait3A_1060, %dma_wait3A_1061] : memref<128x128xf32, #tpu.memory_space<vmem>> -> memref<128x128xf32, #tpu.memory_space<vmem>>
      %dma_wait3A_1063 = arith.constant 0 : i32
      %dma_wait3A_1064 = tpu.memref_slice %arg14[%sub3A_1059, %dma_wait3A_1063] : memref<25x128xi32, #tpu.memory_space<vmem>> -> memref<1x128xi32, #tpu.memory_space<vmem>>
      %dma_wait3A_1065 = tpu.memref_squeeze %dma_wait3A_1064 : memref<1x128xi32, #tpu.memory_space<vmem>> -> memref<128xi32, #tpu.memory_space<vmem>>
      %dma_wait3A_1066 = arith.constant 0 : i32
      %dma_wait3A_1067 = arith.constant 0 : i32
      %dma_wait3A_1068 = tpu.memref_slice %arg7[%dma_wait3A_1066, %dma_wait3A_1067] : memref<100000x128xf32, #tpu.memory_space<hbm>> -> memref<100000x128xf32, #tpu.memory_space<hbm>>
      tpu.wait_indirect_dma semaphore(%arg25 : memref<!tpu.dma_semaphore, #tpu.memory_space<semaphore_mem>>) src(%dma_wait3A_1062 : memref<128x128xf32, #tpu.memory_space<vmem>>) dst(%dma_wait3A_1068 : memref<100000x128xf32, #tpu.memory_space<hbm>>)
    } else {
    }
    "tpu.trace_stop"() : () -> ()
    return
  }
}

</mosaic_0001>

<sc_bundles>
// kernel: kernel.3.cloned.1.call-start
scs
__scs_entry_jumppad:
0x0: {  	(pc) =	sbr.rel $0x88, $3  }
0x1: {  	(tag) =	ssettag $0x0;
	lr =	simm.s32 $0x1  }
0x2: {  	[smem:$0x3F9C] =	sst lr;
	_ =	strace $0xD0000000  }
0x3: {  	_ = 	snop  }
0x4: {  	_ = 	snop  }
0x5: {  	_ = 	snop  }
0x6: {  	_ = 	snop  }
0x7: {  	_ = 	snop  }
__scs_overlays_trampoline_lowered:
0x8: {  	[smem:$0x3FAB] =	sst s0  }
0x9: {  	[smem:$0x3FAC] =	sst s1  }
0xa: {  	[smem:$0x3FAD] =	sst s2  }
0xb: {  	[smem:$0x3FAE] =	sst s3  }
0xc: {  	[smem:$0x3FAF] =	sst s4  }
0xd: {  	[smem:$0x3FB0] =	sst s5  }
0xe: {  	[smem:$0x3FB1] =	sst s6  }
0xf: {  	[smem:$0x3FB2] =	sst s7  }
0x10: {  	[smem:$0x3FB3] =	sst s8  }
0x11: {  	[smem:$0x3FB4] =	sst s9;
	s0 =	simm.s32 @!p0 $0x0  }
0x12: {  	s1 =	sld [smem:$0x3F9A];
	s0 =	simm.s32 @p0 $0x1  }
0x13: {  	[smem:$0x3FB5] =	sst s0;
	s0 =	simm.s32 @!p1 $0x0  }
0x14: {  	s2 =	sld [smem:$0x3F99];
	s0 =	simm.s32 @p1 $0x1  }
0x15: {  	[smem:$0x3FB6] =	sst s0;
	s0 =	simm.s32 @!p2 $0x0  }
0x16: {  	s3 =	sld [smem:$0x3FDB];
	s0 =	simm.s32 @p2 $0x1  }
0x17: {  	s4 =	simm.s32 $0x1BF5;
	[smem:$0x3FB8] =	sst s0  }
0x18: {  	s0 =	sld [smem:$0x3F9B];
	_ =	swait.ge [sflag:s4], $0x0  }
0x19: {  	s7 =	sld [smem:$0x3F9C]  }
0x1a: {  	s8 =	sadd.s32 $0xFFFFE003, lr  }
0x1b: {  	s9 =	sadd.s32 $0xFFFFFEF7, lr;
	s5 =	simm.s32 $0xFFFFFFFF;
	p2 =	slt.u32 s8, $0xFFFFF086  }
0x1c: {  	p1 =	slt.u32 s9, $0xF7A;
	s5 =	simm.s32 @!p2 $0x0  }
0x1d: {  	s5 =	simm.s32 @p1 $0x1;
	p0 =	seq.s32 s7, s2  }
0x1e: {  	s7 =	smul.u32 @!p0 $0xF7A, s2;
	p2 =	seq.s32 @!p0 s5, $0x0  }
0x1f: {  	s9 =	smul.u32 $0xF7A, s1;
	s8 =	simm.s32 @!p0 $0x1BF5;
	p2 =	por !p2, p0  }
0x20: {  	[sflag:s8] =	ssyncset.s32 @!p0 $0xFFFFF086;
	s6 =	sadd.s32 @!p0 s3, s7;
	s7 =	simm.s32 @!p0 $0x108  }
0x21: {  	s3 =	sadd.s32 s3, s9;
	s6 =	sadd.s32 @!p0 $0x88, s6;
	s7 =	simm.s32 @p2 $0x1082  }
0x22: {  	[simem:s7], [sflag:s8] =	dma.local @!p0 [hbm:s6], $0xF7A  }
0x23: {  	s9 =	sor.u32 $0xD0000000, s2;
	s6 =	simm.s32 $0x108;
	_ =	swait.ge @!p0 [sflag:s8], $0x0  }
0x24: {  	s3 =	sadd.s32 $0x88, s3;
	s6 =	simm.s32 @!p1 $0x1082;
	[sflag:s4] =	ssyncset.s32 $0xFFFFF086  }
0x25: {  	[simem:s6], [sflag:s4] =	dma.local [hbm:s3], $0xF7A  }
0x26: {  	[smem:$0x3F9C] =	sst s1;
	(tag) =	ssettag s2;
	_ =	strace s9  }
0x27: {  	s1 =	sld [smem:$0x3FAC]  }
0x28: {  	s2 =	sld [smem:$0x3FAD]  }
0x29: {  	s4 =	sld [smem:$0x3FAF]  }
0x2a: {  	p0 =	seq.s32 s5, $0x0;
	s5 =	sld [smem:$0x3FB0]  }
0x2b: {  	s6 =	sld [smem:$0x3FB1]  }
0x2c: {  	s7 =	sld [smem:$0x3FB2]  }
0x2d: {  	s3 =	simm.s32 $0x108;
	s8 =	sld [smem:$0x3FB3]  }
0x2e: {  	s3 =	simm.s32 @!p0 $0x1082;
	s9 =	sld [smem:$0x3FB4]  }
0x2f: {  	lr =	sadd.s32 s0, s3;
	s0 =	sld [smem:$0x3FAB]  }
0x30: {  	s3 =	sld [smem:$0x3FAE]  }
0x31: {  	[smem:$0x3FB7] =	sst s10  }
0x32: {  	s10 =	sld [smem:$0x3FB5];
	_ =	sdelay $0x3  }
0x33: {  	p0 =	seq.s32 s10, $0x1;
	s10 =	sld [smem:$0x3FB7];
	_ =	sdelay $0x3  }
0x34: {  	[smem:$0x3FB7] =	sst s10  }
0x35: {  	s10 =	sld [smem:$0x3FB6];
	_ =	sdelay $0x3  }
0x36: {  	p1 =	seq.s32 s10, $0x1;
	s10 =	sld [smem:$0x3FB7];
	_ =	sdelay $0x3  }
0x37: {  	[smem:$0x3FB7] =	sst s10  }
0x38: {  	s10 =	sld [smem:$0x3FB8]  }
0x39: {  	_ = 	snop;
	(pc) =	sbr.ind lr, $3  }
0x3a: {  	_ = 	snop  }
0x3b: {  	_ = 	snop  }
0x3c: {  	p2 =	seq.s32 s10, $0x1;
	s10 =	sld [smem:$0x3FB7]  }
0x3d: {  	_ =	shalt  }
0x3e: {  	_ =	shalt  }
0x3f: {  	_ =	shalt  }
0x40: {  	_ =	shalt  }
0x41: {  	_ =	shalt  }
0x42: {  	_ =	shalt  }
0x43: {  	_ =	shalt  }
0x44: {  	_ =	shalt  }
0x45: {  	_ =	shalt  }
0x46: {  	_ =	shalt  }
0x47: {  	_ =	shalt  }
0x48: {  	_ =	shalt  }
0x49: {  	_ =	shalt  }
0x4a: {  	_ =	shalt  }
0x4b: {  	_ =	shalt  }
0x4c: {  	_ =	shalt  }
0x4d: {  	_ =	shalt  }
0x4e: {  	_ =	shalt  }
0x4f: {  	_ =	shalt  }
0x50: {  	_ =	shalt  }
0x51: {  	_ =	shalt  }
0x52: {  	_ =	shalt  }
0x53: {  	_ =	shalt  }
0x54: {  	_ =	shalt  }
0x55: {  	_ =	shalt  }
0x56: {  	_ =	shalt  }
0x57: {  	_ =	shalt  }
0x58: {  	_ =	shalt  }
0x59: {  	_ =	shalt  }
0x5a: {  	_ =	shalt  }
0x5b: {  	_ =	shalt  }
0x5c: {  	_ =	shalt  }
0x5d: {  	_ =	shalt  }
0x5e: {  	_ =	shalt  }
0x5f: {  	_ =	shalt  }
0x60: {  	_ =	shalt  }
0x61: {  	_ =	shalt  }
0x62: {  	_ =	shalt  }
0x63: {  	_ =	shalt  }
0x64: {  	_ =	shalt  }
0x65: {  	_ =	shalt  }
0x66: {  	_ =	shalt  }
0x67: {  	_ =	shalt  }
0x68: {  	_ =	shalt  }
0x69: {  	_ =	shalt  }
0x6a: {  	_ =	shalt  }
0x6b: {  	_ =	shalt  }
0x6c: {  	_ =	shalt  }
0x6d: {  	_ =	shalt  }
0x6e: {  	_ =	shalt  }
0x6f: {  	_ =	shalt  }
0x70: {  	_ =	shalt  }
0x71: {  	_ =	shalt  }
0x72: {  	_ =	shalt  }
0x73: {  	_ =	shalt  }
0x74: {  	_ =	shalt  }
0x75: {  	_ =	shalt  }
0x76: {  	_ =	shalt  }
0x77: {  	_ =	shalt  }
0x78: {  	_ =	shalt  }
0x79: {  	_ =	shalt  }
0x7a: {  	_ =	shalt  }
0x7b: {  	_ =	shalt  }
0x7c: {  	_ =	shalt  }
0x7d: {  	_ =	shalt  }
0x7e: {  	_ =	shalt  }
0x7f: {  	_ =	shalt  }
0x80: {  	_ =	shalt  }
0x81: {  	_ =	shalt  }
0x82: {  	_ =	shalt  }
0x83: {  	_ =	shalt  }
0x84: {  	_ =	shalt  }
0x85: {  	_ =	shalt  }
0x86: {  	_ =	shalt  }
0x87: {  	_ =	shalt  }
.Lfunc_end0:
.L_simem_size_0:
called_computation_lowered:
.L_overlay_start_0:
0x88: {  	s2 =	sld [smem:$0x3FD9]  }
0x89: {  	s3 =	sld [smem:$0x3FFE];
	_ =	sdelay $0x1  }
0x8a: {  	s1 =	srdreg.scid  }
0x8b: {  	s0 =	sand.u32 $0x1, s1  }
0x8c: {  	s15 =	sshll.u32 s0, $0xA;
	s2 =	sadd.s32 s3, s2  }
0x8d: {  	s2 =	sadd.s32 s2, s15  }
0x8e: {  	[smem:$0x3FC3] =	sst s2  }
0x8f: {  	_ = 	snop  }
0x90: {  	s2 =	sld [smem:$0x3FC9]  }
0x91: {  	s16 =	sld [smem:$0x3FC8]  }
0x92: {  	s4 =	sld [smem:$0x3FD0]  }
0x93: {  	s5 =	sld [smem:$0x3FC7]  }
0x94: {  	s6 =	sld [smem:$0x3FC6]  }
0x95: {  	s8 =	simm.s32 $0xA;
	s9 =	simm.s32 $0x10;
	s7 =	sld [smem:$0x3FC5]  }
0x96: {  	[smem:s9], [sflag:s8] =	dma.local [hbm:s4], $0x1  }
0x97: {  	_ =	swait.eq [sflag:s8], $0x1  }
0x98: {  	[sflag:s8] =	ssyncset.done $0x0  }
0x99: {  	s17 =	sld [smem:$0x10];
	[sflag:s8] =	ssyncadd.s32 $0xFFFFFFFF  }
0x9a: {  	s18 =	sld [smem:$0x11];
	(tm) =	ssettm $0x1  }
0x9b: {  	s19 =	sld [smem:$0x3FFB];
	_ =	sdelay $0x3  }
0x9c: {  	_ =	strace s19  }
0x9d: {  	s9 =	sld [smem:$0x3FFC];
	_ =	sdelay $0x3  }
0x9e: {  	_ =	strace s9  }
0x9f: {  	s9 =	sld [smem:$0x3FFD];
	_ =	sdelay $0x3  }
0xa0: {  	_ =	strace s9  }
0xa1: {  	_ =	strace $0x8FFFFFFF  }
0xa2: {  	s20 =	sld [smem:$0x3FDB];
	_ =	sdelay $0x1  }
0xa3: {  	s10 =	simm.s32 $_scs_section_size  }
0xa4: {  	s11 =	simm.s32 $_size__tile_overlayer_lowered;
	s12 =	simm.s32 $_tile_overlayer_lowered  }
0xa5: {  	s23 =	simm.s32 $0x1BFF;
	s22 =	sshll.u32 s12, $0x1;
	s9 =	sadd.s32 s10, s20  }
0xa6: {  	s13 =	simm.s32 $0x0;
	s21 =	sshll.u32 s11, $0x1;
	s11 =	sadd.s32 s22, s9  }
0xa7: {  	[timem:s13], [sflag:s23] =	dma.local [hbm:s11], s21  }
0xa8: {  	_ =	swait.ge [sflag:s23], s21  }
0xa9: {  	s10 =	ssub.s32 $0x0, s21;
	[sflag:s23] =	ssyncset.done $0x0  }
0xaa: {  	[sflag:s23] =	ssyncadd.s32 s10;
	_ =	sdelay $0x1  }
0xab: {  	s24 =	simm.s32 $0x1B8B  }
0xac: {  	_ =	swait.ge [sflag:s24], $0x1  }
0xad: {  	[sflag:s24] =	ssyncset.done $0x0  }
0xae: {  	s25 =	simm.s32 $0x1B8E;
	[sflag:s24] =	ssyncadd.s32 $0xFFFFFFFF  }
0xaf: {  	s26 =	simm.s32 $execute0_lowered;
	[smem:$0x3FD2] =	sst s25  }
0xb0: {  	s10 =	sshll.u32 s26, $0x1;
	_ =	strace $0x80000046;
	[dreg:$0x1] =	wrdreg $0xFFFFFFFF  }
0xb1: {  	s28 =	simm.s32 $_size_execute0_lowered;
	s9 =	sadd.s32 s9, s10;
	[dreg:$0x0] =	wrdreg $0x0  }
0xb2: {  	s10 =	sshll.u32 s28, $0x1;
	[dreg:$0x2] =	wrdreg s9  }
0xb3: {  	[dreg:$0x3] =	wrdreg s10  }
0xb4: {  	[dreg:$0x4] =	wrdreg $0xC0  }
0xb5: {  	_ =	task [dreg:s13], $0x5FFFF  }
0xb6: {  	[dreg:$0x1] =	wrdreg $0xFFFFFFFF  }
0xb7: {  	[dreg:$0x0] =	wrdreg $0x60  }
0xb8: {  	[dreg:$0x2] =	wrdreg s2  }
0xb9: {  	[dreg:$0x3] =	wrdreg s16  }
0xba: {  	[dreg:$0x4] =	wrdreg s5  }
0xbb: {  	[dreg:$0x5] =	wrdreg s6  }
0xbc: {  	[dreg:$0x6] =	wrdreg s7  }
0xbd: {  	[dreg:$0x7] =	wrdreg s17  }
0xbe: {  	[dreg:$0x8] =	wrdreg s18  }
0xbf: {  	[dreg:$0x9] =	wrdreg $0x9  }
0xc0: {  	_ =	task.clear_ibuf [dreg:s13], $0xAFFFF;
	_ =	strace $0x90000046  }
0xc1: {  	s29 =	simm.s32 $0x9;
	_ =	strace $0x8000004C  }
0xc2: {  	_ =	swait.ge [sflag:s29], $0x1  }
0xc3: {  	[sflag:s29] =	ssyncadd.s32 $0xFFFFFFFF  }
0xc4: {  	_ =	strace $0x9000004C  }
0xc5: {  	_ =	sfence  }
0xc6: {  	s30 =	sld [smem:$0x0];
	_ =	sdelay $0x2  }
0xc7: {  	s31 =	sshll.u32 s1, $0xD;
	s1 =	sshrl.u32 s1, $0x2  }
0xc8: {  	s3 =	sand.u32 $0x4000, s31;
	s1 =	sadd.s32 s1, s30  }
0xc9: {  	s0 =	sor.u32 s3, s0;
	s1 =	sshll.u32 s1, $0x11  }
0xca: {  	s0 =	sor.u32 s1, s0  }
0xcb: {  	s0 =	sadd.s32 $0x8F2B, s0  }
0xcc: {  	[sflag:s0] =	ssyncadd.remote.s32 $0x1  }
0xcd: {  	_ =	sfence.sel $0xFFFF  }
0xce: {  	[dreg:$0x0] =	wrdreg $0xFFFFFFFF;
	(pc) =	sbr.abs _section_cstart, $3  }
0xcf: {  	[dreg:$0x1] =	wrdreg $0xFFFFFFFF  }
0xd0: {  	_ =	task.clear_ibuf [dreg:s13], $0x2FFFF;
	_ =	strace $0x9FFFFFFF  }
0xd1: {  	(tm) =	ssettm $0x7FFFFFFF  }
tec
execute0_lowered:
.L_overlay_start_1:
0x0: {  	(tag) =	ssettag $0x1  }
0x1: {  	s0 =	rddreg [dreg:$0x0]  }
0x2: {  	s1 =	srdreg.scid;
	s5 =	stileid.u32  }
0x3: {  	s4 =	rddreg [dreg:$0x3];
	s2 =	sand.u32 $0x1, s1;
	s13 =	sshll.u32 s5, $0x1  }
0x4: {  	s8 =	rddreg [dreg:$0x4];
	s3 =	sor.u32 s2, s13  }
0x5: {  	s6 =	rddreg [dreg:$0x5];
	s1 =	smul.u32 $0xC38, s3  }
0x6: {  	s9 =	rddreg [dreg:$0x6];
	s7 =	simm.s32 $0x0;
	s3 =	smul.u32 $0xC30, s3  }
0x7: {  	[smem:$0x7FF] =	sst s7  }
0x8: {  	p0 =	sgt.u32 s5, $0x9;
	s3 =	sadd.s32 $0xA0, s3;
	s10 =	sshrl.u32 s1, $0x3  }
0x9: {  	_ =	strace $0x80000047;
	s1 =	smov.u32 @p0 s3;
	s13 =	sadd.s32 s8, s10  }
0xa: {  	s12 =	sshrl.u32 s3, $0x3;
	s10 =	sadd.s32 s9, s10;
	[dreg:$0x8] =	wrdreg s13  }
0xb: {  	s11 =	sshll.u32 s1, $0x4;
	s8 =	sadd.s32 s8, s12;
	[dreg:$0x11] =	wrdreg s10  }
0xc: {  	s24 =	sshrl.u32 s1, $0x3;
	[dreg:$0x9] =	wrdreg s8;
	s16 =	sadd.s32 s4, s11  }
0xd: {  	s3 =	sand.u32 $0x1FFFFF80, s11;
	s11 =	sadd.s32 s6, s11;
	[dreg:$0xa] =	wrdreg s16  }
0xe: {  	s9 =	sadd.s32 s9, s24;
	s15 =	sadd.s32 $0x800, s3;
	[dreg:$0xc] =	wrdreg s11  }
0xf: {  	s18 =	sadd.s32 $0x1000, s3;
	[dreg:$0x12] =	wrdreg s9;
	s17 =	sadd.s32 s4, s15  }
0x10: {  	s19 =	sadd.s32 s4, s18;
	[dreg:$0xb] =	wrdreg s17  }
0x11: {  	s20 =	sadd.s32 $0x1800, s3;
	s8 =	sadd.s32 s6, s15;
	[dreg:$0xd] =	wrdreg s19  }
0x12: {  	s2 =	ssub.s32 $0x2, s2;
	s21 =	sadd.s32 s4, s20;
	[dreg:$0xe] =	wrdreg s8  }
0x13: {  	s23 =	sadd.s32 $0x2000, s3;
	s22 =	sadd.s32 s6, s18;
	[dreg:$0xf] =	wrdreg s21  }
0x14: {  	s14 =	sshrl.u32 s2, $0x1;
	s25 =	sadd.s32 s4, s23;
	[dreg:$0x10] =	wrdreg s22  }
0x15: {  	s9 =	sadd.s32 $0x2800, s3;
	s26 =	sadd.s32 s6, s20;
	[dreg:$0x13] =	wrdreg s25  }
0x16: {  	s11 =	sadd.s32 $0x3000, s3;
	s12 =	sadd.s32 s4, s9;
	[dreg:$0x14] =	wrdreg s26  }
0x17: {  	s5 =	ssub.s32 s2, s14;
	s13 =	sadd.s32 s4, s11;
	[dreg:$0x16] =	wrdreg s12  }
0x18: {  	s16 =	sadd.s32 $0x4000, s3;
	s14 =	sadd.s32 s6, s11;
	[dreg:$0x18] =	wrdreg s13  }
0x19: {  	s18 =	sadd.s32 s4, s16;
	[dreg:$0x19] =	wrdreg s14  }
0x1a: {  	s15 =	sadd.s32 $0x3800, s3;
	s8 =	sadd.s32 s6, s23;
	[dreg:$0x1c] =	wrdreg s18  }
0x1b: {  	s17 =	sadd.s32 s4, s15;
	[dreg:$0x15] =	wrdreg s8  }
0x1c: {  	s20 =	sadd.s32 $0x4800, s3;
	s19 =	sadd.s32 s6, s16;
	[dreg:$0x1a] =	wrdreg s17  }
0x1d: {  	s22 =	sadd.s32 s4, s20;
	[dreg:$0x1d] =	wrdreg s19  }
0x1e: {  	s21 =	sadd.s32 $0x5000, s3;
	s8 =	sadd.s32 s6, s9;
	[dreg:$0x1e] =	wrdreg s22  }
0x1f: {  	s23 =	sadd.s32 s4, s21;
	[dreg:$0x17] =	wrdreg s8  }
0x20: {  	s25 =	sadd.s32 $0x5800, s3;
	s24 =	sadd.s32 s6, s21;
	[smem:$0x7DF] =	sst s23  }
0x21: {  	s26 =	sadd.s32 $0x6000, s3;
	s11 =	sadd.s32 s4, s25;
	[smem:$0x7E0] =	sst s24  }
0x22: {  	s12 =	sadd.s32 s4, s26;
	[smem:$0x7E1] =	sst s11  }
0x23: {  	s14 =	sadd.s32 $0x6800, s3;
	s13 =	sadd.s32 s6, s26;
	[smem:$0x7E3] =	sst s12  }
0x24: {  	s30 =	simm.s32 $0xC200;
	s16 =	sadd.s32 s4, s14;
	[smem:$0x7E4] =	sst s13  }
0x25: {  	s19 =	sadd.s32 $0x7800, s3;
	s8 =	sadd.s32 s6, s15;
	[smem:$0x7E5] =	sst s16  }
0x26: {  	s31 =	simm.s32 $0x14200;
	s21 =	sadd.s32 s4, s19;
	[dreg:$0x1b] =	wrdreg s8  }
0x27: {  	s15 =	sadd.s32 $0x7000, s3;
	s8 =	sadd.s32 s6, s20;
	[smem:$0x7E9] =	sst s21  }
0x28: {  	s28 =	simm.s32 $0xB580;
	s17 =	sadd.s32 s4, s15;
	[dreg:$0x1f] =	wrdreg s8  }
0x29: {  	s24 =	sadd.s32 $0x8800, s3;
	s18 =	sadd.s32 s6, s15;
	[smem:$0x7E7] =	sst s17  }
0x2a: {  	s13 =	sadd.s32 $0x9800, s3;
	s26 =	sadd.s32 s4, s24;
	[smem:$0x7E8] =	sst s18  }
0x2b: {  	s29 =	simm.s32 $0x80;
	s15 =	sadd.s32 s4, s13;
	[smem:$0x7ED] =	sst s26  }
0x2c: {  	s20 =	sadd.s32 $0x8000, s3;
	s8 =	sadd.s32 s6, s25;
	[smem:$0x7F1] =	sst s15  }
0x2d: {  	s2 =	simm.s32 $0xC30;
	s22 =	sadd.s32 s4, s20;
	[smem:$0x7E2] =	sst s8  }
0x2e: {  	s2 =	simm.s32 @!p0 $0xC38;
	s23 =	sadd.s32 s6, s20;
	[smem:$0x7EB] =	sst s22  }
0x2f: {  	v1 =	vmov s2;
	s2 =	simm.s32 $0x0;
	s26 =	smax.u32 s5, $0x1;
	[smem:$0x7EC] =	sst s23  }
0x30: {  	s25 =	sadd.s32 $0x9000, s3;
	s8 =	sadd.s32 s6, s14;
	[smem:$0x7FD] =	sst s26  }
0x31: {  	s9 =	simm.s32 $0x4000;
	s11 =	sadd.s32 s4, s25;
	[smem:$0x7E6] =	sst s8  }
0x32: {  	s18 =	sadd.s32 $0xA800, s3;
	s12 =	sadd.s32 s6, s25;
	[smem:$0x7EF] =	sst s11  }
0x33: {  	s14 =	sadd.s32 $0xA000, s3;
	s20 =	sadd.s32 s4, s18;
	[smem:$0x7F0] =	sst s12  }
0x34: {  	s23 =	sadd.s32 $0xB800, s3;
	s8 =	sadd.s32 s6, s19;
	[smem:$0x7F5] =	sst s20  }
0x35: {  	s16 =	sadd.s32 s4, s14;
	s17 =	sadd.s32 s6, s14;
	[smem:$0x7EA] =	sst s8  }
0x36: {  	s19 =	sadd.s32 $0xB000, s3;
	s3 =	sadd.s32 $0xC000, s3;
	[smem:$0x7F3] =	sst s16  }
0x37: {  	s11 =	simm.s32 $0x10200;
	s8 =	sadd.s32 s6, s24;
	[smem:$0x7F4] =	sst s17  }
0x38: {  	s14 =	simm.s32 $0x1;
	s21 =	sadd.s32 s4, s19;
	[smem:$0x7EE] =	sst s8  }
0x39: {  	s20 =	simm.s32 $0x4;
	s22 =	sadd.s32 s6, s19;
	[smem:$0x7F7] =	sst s21  }
0x3a: {  	s24 =	sadd.s32 s4, s23;
	s25 =	sadd.s32 s4, s3;
	[smem:$0x7F8] =	sst s22  }
0x3b: {  	s3 =	sadd.s32 s6, s3;
	s16 =	simm.s32 $0x2;
	[smem:$0x7F9] =	sst s24  }
0x3c: {  	s17 =	simm.s32 $0x18200;
	s19 =	simm.s32 $0x5;
	[smem:$0x7FB] =	sst s25  }
.Ltmp0:
0x3d: {  	s8 =	sadd.s32 s6, s13;
	[smem:$0x7FC] =	sst s3;
	(pc) =	sbr.rel .LBB2_1-.Ltmp0, $4  }
0x3e: {  	s13 =	simm.s32 $0x8000;
	s21 =	simm.s32 $0x6;
	s22 =	simm.s32 $0x7  }
0x3f: {  	s24 =	simm.s32 $0x8C80;
	[smem:$0x7F2] =	sst s8;
	s8 =	sadd.s32 s6, s18  }
0x40: {  	v2 =	vimm.s32 $0xFFFFFFFF;
	s25 =	simm.s32 $0x9900;
	[smem:$0x7F6] =	sst s8;
	s8 =	sadd.s32 s6, s23  }
0x41: {  	v3 =	vlaneseq.u32;
	v4 =	vimm.s32 $0x0;
	v0 =	vmov s1;
	s18 =	simm.s32 $0x3;
	s23 =	simm.s32 $0x8;
	[smem:$0x7FA] =	sst s8  }
.LBB2_74:
0x42: {  	s1 =	sld [smem:$0x7DD];
	_ =	sdelay $0x2  }
0x43: {  	s1 =	sand.u32 $0x1, s1  }
0x44: {  	p1 =	seq.s32 s1, $0x0  }
0x45: {  	s2 =	simm.s32 @!p1 $0x5  }
0x46: {  	_ =	swait.ge @!p1 [sflag:s2], $0x4000  }
0x47: {  	p2 =	sne.s32 s1, $0x0;
	[sflag:s2] =	ssyncset.done @!p1 $0x0  }
0x48: {  	s1 =	simm.s32 @!p2 $0x6;
	[sflag:s2] =	ssyncadd.s32 @!p1 $0xFFFFC000  }
0x49: {  	_ =	swait.ge @!p2 [sflag:s1], $0x4000  }
0x4a: {  	[sflag:s1] =	ssyncset.done @!p2 $0x0  }
0x4b: {  	s2 =	sld [smem:$0x7DE];
	[sflag:s1] =	ssyncadd.s32 @!p2 $0xFFFFC000  }
.LBB2_75:
0x4c: {  	s1 =	sld [smem:$0x7FD];
	_ =	sdelay $0x1  }
0x4d: {  	s2 =	sadd.s32 $0x1, s2  }
0x4e: {  	p1 =	sne.s32 s2, s1  }
.Ltmp1:
0x4f: {  	_ = 	snop;
	(pc) =	sbr.rel @!p1 .LBB2_76-.Ltmp1, $2  }
0x50: {  	_ =	sdelay $0x2  }
0x51: {  	_ =	strace $0x9000004B  }
.LBB2_1:
0x52: {  	[smem:$0x7DE] =	sst s2  }
0x53: {  	_ =	strace $0x80000048  }
0x54: {  	s1 =	rddreg [dreg:$0x1]  }
0x55: {  	[tilespmem:s7], [sflag:$0x9] =	stream.linear.gather [hbm4b:s1+s7], $0x4000, $0x200038;
	[tilespmem:$0x1C200] =	vst v63  }
0x56: {  	s26 =	rddreg [dreg:$0x2]  }
0x57: {  	[tilespmem:s9], [sflag:$0xA] =	stream.linear.gather [hbm4b:s26+s7], $0x4000, $0x200038;
	[tilespmem:$0x1C200] =	vst v63  }
0x58: {  	s2 =	simm.s32 @p0 $0xB580;
	s3 =	rddreg [dreg:$0x9];
	s1 =	simm.s32 @p0 $0x0  }
0x59: {  	[tilespmem:s2], [sflag:$0xB] =	stream.linear.gather @p0 [hbm4b:s3+s1], $0xC30, $0x200038;
	[tilespmem:$0x1C200] =	vst v63  }
0x5a: {  	s1 =	simm.s32 @!p0 $0x0;
	s2 =	simm.s32 @!p0 $0xB580;
	s3 =	rddreg [dreg:$0x8]  }
0x5b: {  	[tilespmem:s2], [sflag:$0xB] =	stream.linear.gather @!p0 [hbm4b:s3+s1], $0xC38, $0x200038;
	[tilespmem:$0x1C200] =	vst v63  }
0x5c: {  	_ =	strace $0x90000048  }
0x5d: {  	s1 =	simm.s32 $0x40;
	s2 =	simm.s32 $0x0;
	_ =	strace $0x80000049  }
.LBB2_2:
0x5e: {  	p1 =	sne.s32 s1, $0x30C0;
	[tilespmem:s2+$0x8000] =	vst v2;
	s2 =	smov.u32 s1;
	s1 =	sadd.s32 $0x40, s1  }
.Ltmp2:
0x5f: {  	(pc) =	sbr.rel @p1 .LBB2_2-.Ltmp2, $2  }
0x60: {  	_ =	sdelay $0x2  }
0x61: {  	s2 =	sshra.s32 s2, $0x2  }
0x62: {  	[tilespmem:s2+$0x8000] =	vst v2  }
0x63: {  	_ =	strace $0x90000049  }
0x64: {  	_ =	strace $0x8000004A  }
0x65: {  	s1 =	rddreg [dreg:$0xa]  }
0x66: {  	[tilespmem:s30], [sflag:$0x1] =	stream.linear.gather [hbm4b:s1+s7], $0x4000, $0x200038;
	[tilespmem:$0x1C200] =	vst v63  }
0x67: {  	s26 =	simm.s32 $0x9;
	s15 =	rddreg [dreg:$0xb]  }
0x68: {  	[tilespmem:s11], [sflag:$0x2] =	stream.linear.gather [hbm4b:s15+s7], $0x4000, $0x200038;
	[tilespmem:$0x1C200] =	vst v63  }
0x69: {  	_ =	swait.ge [sflag:s26], $0x4000  }
0x6a: {  	[sflag:s26] =	ssyncset.done $0x0  }
0x6b: {  	s1 =	simm.s32 $0x10;
	[sflag:s26] =	ssyncadd.s32 $0xFFFFC000  }
0x6c: {  	v5 =	vld [tilespmem:s1+$0xFFFFFFF0]  }
0x6d: {  	s2 =	simm.s32 $0x30;
	s3 =	simm.s32 $0x10;
	v6 =	vld [tilespmem:s1+$0x0]  }
.LBB2_4:
0x6e: {  	p1 =	sne.s32 s2, $0x530;
	_ =	sdelay $0x2  }
0x6f: {  	v7 =	vsub.s32 v5, v0  }
0x70: {  	vm0 =	vgt.s32 v7, $0xFFFFFFFF;
	vm1 =	vlt.s32 v7, v1;
	v8 =	vsub.s32 v6, v0  }
0x71: {  	vm0 =	vmand vm0, vm1;
	vm1 =	vgt.s32 v8, $0xFFFFFFFF;
	vm2 =	vlt.s32 v8, v1  }
0x72: {  	vm1 =	vmand vm1, vm2;
	(xrf1) =	vunique.msk.u32 vm0, v5  }
0x73: {  	(xrf1) =	vunique.msk.u32 vm1, v6;
	_ =	sdelay $0xc  }
0x74: {  	_, v5, vm2 =	vpop (xrf1)  }
0x75: {  	vm0 =	vmand vm0, vm2;
	_, v5, vm2 =	vpop (xrf1)  }
0x76: {  	vm1 =	vmand vm1, vm2;
	_ =	sdelay $0x2  }
0x77: {  	s5 =	sadd.s32 $0xFFFFFFF0, s1  }
.Ltmp3:
0x78: {  	v5 =	vor.u32 s5, v3;
	(pc) =	sbr.rel @p1 .LBB2_4-.Ltmp3, $4  }
0x79: {  	v6 =	vor.u32 s1, v3;
	s1 =	smov.u32 s2;
	[tilespmem:v7+s13+$0x0] =	vst.idx.msk vm0, v5  }
0x7a: {  	s3 =	sadd.s32 $0x20, s3;
	[tilespmem:v8+s13+$0x0] =	vst.idx.msk vm1, v6  }
0x7b: {  	v5 =	vld [tilespmem:s3+$0xFFFFFFF0]  }
0x7c: {  	s2 =	sadd.s32 $0x20, s2;
	v6 =	vld [tilespmem:s3+$0x0]  }
0x7d: {  	_ =	sdelay $0x2  }
0x7e: {  	v7 =	vsub.s32 v5, v0  }
0x7f: {  	vm0 =	vgt.s32 v7, $0xFFFFFFFF;
	vm1 =	vlt.s32 v7, v1;
	v8 =	vsub.s32 v6, v0  }
0x80: {  	vm0 =	vmand vm0, vm1;
	vm13 =	vgt.s32 v8, $0xFFFFFFFF;
	vm2 =	vlt.s32 v8, v1  }
0x81: {  	vm1 =	vmand vm13, vm2;
	(xrf1) =	vunique.msk.u32 vm0, v5  }
0x82: {  	(xrf1) =	vunique.msk.u32 vm1, v6;
	_ =	sdelay $0xc  }
0x83: {  	_, v5, vm14 =	vpop (xrf1)  }
0x84: {  	vm0 =	vmand vm0, vm14;
	_, v5, vm15 =	vpop (xrf1)  }
0x85: {  	vm1 =	vmand vm1, vm15;
	_ =	sdelay $0x2  }
0x86: {  	s2 =	sadd.s32 $0xFFFFFFF0, s1  }
0x87: {  	v5 =	vor.u32 s2, v3  }
0x88: {  	v6 =	vor.u32 s1, v3;
	[tilespmem:v7+s13+$0x0] =	vst.idx.msk vm0, v5  }
0x89: {  	[tilespmem:v8+s13+$0x0] =	vst.idx.msk vm1, v6  }
0x8a: {  	_ =	swait.ge [sflag:s14], $0x4000  }
0x8b: {  	[sflag:s14] =	ssyncset.done $0x0  }
0x8c: {  	s15 =	rddreg [dreg:$0xc];
	[sflag:s14] =	ssyncadd.s32 $0xFFFFC000  }
0x8d: {  	[hbm4b:s15+s7] =	stream.linear.scatter [tilespmem:s30], [sflag:$0x5], $0x4000, $0x200038;
	[tilespmem:$0x1C200] =	vst v63  }
0x8e: {  	s1 =	simm.s32 $0x550;
	s26 =	rddreg [dreg:$0xd]  }
0x8f: {  	[tilespmem:s31], [sflag:$0x3] =	stream.linear.gather [hbm4b:s26+s7], $0x4000, $0x200038;
	[tilespmem:$0x1C200] =	vst v63  }
0x90: {  	v5 =	vld [tilespmem:s1+$0xFFFFFFF0]  }
0x91: {  	s3 =	simm.s32 $0x550;
	s2 =	simm.s32 $0x570;
	v6 =	vld [tilespmem:s1+$0x0]  }
.LBB2_6:
0x92: {  	p1 =	sne.s32 s2, $0xA90;
	_ =	sdelay $0x2  }
0x93: {  	v7 =	vsub.s32 v5, v0  }
0x94: {  	vm0 =	vgt.s32 v7, $0xFFFFFFFF;
	vm1 =	vlt.s32 v7, v1;
	v8 =	vsub.s32 v6, v0  }
0x95: {  	vm0 =	vmand vm0, vm1;
	vm1 =	vgt.s32 v8, $0xFFFFFFFF;
	vm2 =	vlt.s32 v8, v1  }
0x96: {  	vm1 =	vmand vm1, vm2;
	(xrf1) =	vunique.msk.u32 vm0, v5  }
0x97: {  	(xrf1) =	vunique.msk.u32 vm1, v6;
	_ =	sdelay $0xc  }
0x98: {  	_, v5, vm2 =	vpop (xrf1)  }
0x99: {  	vm0 =	vmand vm0, vm2;
	_, v5, vm2 =	vpop (xrf1)  }
0x9a: {  	vm1 =	vmand vm1, vm2;
	_ =	sdelay $0x2  }
0x9b: {  	s5 =	sadd.s32 $0xFFFFFFF0, s1  }
.Ltmp4:
0x9c: {  	v5 =	vor.u32 s5, v3;
	(pc) =	sbr.rel @p1 .LBB2_6-.Ltmp4, $4  }
0x9d: {  	v6 =	vor.u32 s1, v3;
	s1 =	smov.u32 s2;
	[tilespmem:v7+s13+$0x0] =	vst.idx.msk vm0, v5  }
0x9e: {  	s3 =	sadd.s32 $0x20, s3;
	[tilespmem:v8+s13+$0x0] =	vst.idx.msk vm1, v6  }
0x9f: {  	v5 =	vld [tilespmem:s3+$0xFFFFFFF0]  }
0xa0: {  	s2 =	sadd.s32 $0x20, s2;
	v6 =	vld [tilespmem:s3+$0x0]  }
0xa1: {  	_ =	sdelay $0x2  }
0xa2: {  	v7 =	vsub.s32 v5, v0  }
0xa3: {  	vm0 =	vgt.s32 v7, $0xFFFFFFFF;
	vm1 =	vlt.s32 v7, v1;
	v8 =	vsub.s32 v6, v0  }
0xa4: {  	vm0 =	vmand vm0, vm1;
	vm13 =	vgt.s32 v8, $0xFFFFFFFF;
	vm2 =	vlt.s32 v8, v1  }
0xa5: {  	vm1 =	vmand vm13, vm2;
	(xrf1) =	vunique.msk.u32 vm0, v5  }
0xa6: {  	(xrf1) =	vunique.msk.u32 vm1, v6;
	_ =	sdelay $0xc  }
0xa7: {  	_, v5, vm14 =	vpop (xrf1)  }
0xa8: {  	vm0 =	vmand vm0, vm14;
	_, v5, vm15 =	vpop (xrf1)  }
0xa9: {  	vm1 =	vmand vm1, vm15;
	_ =	sdelay $0x2  }
0xaa: {  	s2 =	sadd.s32 $0xFFFFFFF0, s1  }
0xab: {  	v5 =	vor.u32 s2, v3  }
0xac: {  	v6 =	vor.u32 s1, v3;
	[tilespmem:v7+s13+$0x0] =	vst.idx.msk vm0, v5  }
0xad: {  	[tilespmem:v8+s13+$0x0] =	vst.idx.msk vm1, v6  }
0xae: {  	_ =	swait.ge [sflag:s16], $0x4000  }
0xaf: {  	[sflag:s16] =	ssyncset.done $0x0  }
0xb0: {  	s15 =	rddreg [dreg:$0xe];
	[sflag:s16] =	ssyncadd.s32 $0xFFFFC000  }
0xb1: {  	[hbm4b:s15+s7] =	stream.linear.scatter [tilespmem:s11], [sflag:$0x6], $0x4000, $0x200038;
	[tilespmem:$0x1C200] =	vst v63  }
0xb2: {  	s2 =	simm.s32 $0xAB0;
	s26 =	rddreg [dreg:$0xf]  }
0xb3: {  	[tilespmem:s17], [sflag:$0x4] =	stream.linear.gather [hbm4b:s26+s7], $0x4000, $0x200038;
	[tilespmem:$0x1C200] =	vst v63  }
0xb4: {  	v5 =	vld [tilespmem:s2+$0xFFFFFFF0]  }
0xb5: {  	s3 =	simm.s32 $0xAC0;
	s1 =	simm.s32 $0xAA0;
	v6 =	vld [tilespmem:s2+$0x0]  }
.LBB2_8:
0xb6: {  	p1 =	sne.s32 s3, $0xFE0;
	_ =	sdelay $0x2  }
0xb7: {  	v7 =	vsub.s32 v5, v0  }
0xb8: {  	vm0 =	vgt.s32 v7, $0xFFFFFFFF;
	vm1 =	vlt.s32 v7, v1;
	v8 =	vsub.s32 v6, v0  }
0xb9: {  	vm0 =	vmand vm0, vm1;
	vm1 =	vgt.s32 v8, $0xFFFFFFFF;
	vm2 =	vlt.s32 v8, v1  }
0xba: {  	vm1 =	vmand vm1, vm2;
	(xrf1) =	vunique.msk.u32 vm0, v5  }
0xbb: {  	(xrf1) =	vunique.msk.u32 vm1, v6;
	_ =	sdelay $0xc  }
0xbc: {  	_, v5, vm2 =	vpop (xrf1)  }
0xbd: {  	vm0 =	vmand vm0, vm2;
	_, v5, vm2 =	vpop (xrf1)  }
0xbe: {  	vm1 =	vmand vm1, vm2;
	_ =	sdelay $0x3  }
.Ltmp5:
0xbf: {  	s5 =	sadd.s32 $0x10, s1;
	v5 =	vor.u32 s1, v3;
	s1 =	smov.u32 s3;
	(pc) =	sbr.rel @p1 .LBB2_8-.Ltmp5, $4  }
0xc0: {  	v6 =	vor.u32 s5, v3;
	[tilespmem:v7+s13+$0x0] =	vst.idx.msk vm0, v5  }
0xc1: {  	s2 =	sadd.s32 $0x20, s2;
	[tilespmem:v8+s13+$0x0] =	vst.idx.msk vm1, v6  }
0xc2: {  	v5 =	vld [tilespmem:s2+$0xFFFFFFF0]  }
0xc3: {  	s3 =	sadd.s32 $0x20, s3;
	v6 =	vld [tilespmem:s2+$0x0]  }
0xc4: {  	_ =	sdelay $0x2  }
0xc5: {  	v7 =	vsub.s32 v5, v0  }
0xc6: {  	vm0 =	vgt.s32 v7, $0xFFFFFFFF;
	vm1 =	vlt.s32 v7, v1;
	v8 =	vsub.s32 v6, v0  }
0xc7: {  	vm0 =	vmand vm0, vm1;
	vm13 =	vgt.s32 v8, $0xFFFFFFFF;
	vm2 =	vlt.s32 v8, v1  }
0xc8: {  	vm1 =	vmand vm13, vm2;
	(xrf1) =	vunique.msk.u32 vm0, v5  }
0xc9: {  	(xrf1) =	vunique.msk.u32 vm1, v6;
	_ =	sdelay $0xc  }
0xca: {  	_, v5, vm14 =	vpop (xrf1)  }
0xcb: {  	vm0 =	vmand vm0, vm14;
	_, v5, vm15 =	vpop (xrf1)  }
0xcc: {  	vm1 =	vmand vm1, vm15;
	_ =	sdelay $0x3  }
0xcd: {  	s12 =	sadd.s32 $0x10, s1;
	v5 =	vor.u32 s1, v3  }
0xce: {  	v6 =	vor.u32 s12, v3;
	[tilespmem:v7+s13+$0x0] =	vst.idx.msk vm0, v5  }
0xcf: {  	[tilespmem:v8+s13+$0x0] =	vst.idx.msk vm1, v6  }
0xd0: {  	_ =	swait.ge [sflag:s18], $0x4000  }
0xd1: {  	[sflag:s18] =	ssyncset.done $0x0  }
0xd2: {  	s15 =	rddreg [dreg:$0x10];
	[sflag:s18] =	ssyncadd.s32 $0xFFFFC000  }
0xd3: {  	[hbm4b:s15+s7] =	stream.linear.scatter [tilespmem:s31], [sflag:$0x7], $0x4000, $0x200038;
	[tilespmem:$0x1C200] =	vst v63  }
0xd4: {  	_ =	swait.ge [sflag:s19], $0x4000  }
0xd5: {  	[sflag:s19] =	ssyncset.done $0x0  }
0xd6: {  	s2 =	simm.s32 $0x1010;
	s26 =	rddreg [dreg:$0x13];
	[sflag:s19] =	ssyncadd.s32 $0xFFFFC000  }
0xd7: {  	[tilespmem:s30], [sflag:$0x1] =	stream.linear.gather [hbm4b:s26+s7], $0x4000, $0x200038;
	[tilespmem:$0x1C200] =	vst v63  }
0xd8: {  	v5 =	vld [tilespmem:s2+$0xFFFFFFF0]  }
0xd9: {  	s3 =	simm.s32 $0x1020;
	s1 =	simm.s32 $0x1000;
	v6 =	vld [tilespmem:s2+$0x0]  }
.LBB2_10:
0xda: {  	p1 =	sne.s32 s3, $0x1520;
	_ =	sdelay $0x2  }
0xdb: {  	v7 =	vsub.s32 v5, v0  }
0xdc: {  	vm0 =	vgt.s32 v7, $0xFFFFFFFF;
	vm1 =	vlt.s32 v7, v1;
	v8 =	vsub.s32 v6, v0  }
0xdd: {  	vm0 =	vmand vm0, vm1;
	vm1 =	vgt.s32 v8, $0xFFFFFFFF;
	vm2 =	vlt.s32 v8, v1  }
0xde: {  	vm1 =	vmand vm1, vm2;
	(xrf1) =	vunique.msk.u32 vm0, v5  }
0xdf: {  	(xrf1) =	vunique.msk.u32 vm1, v6;
	_ =	sdelay $0xc  }
0xe0: {  	_, v5, vm2 =	vpop (xrf1)  }
0xe1: {  	vm0 =	vmand vm0, vm2;
	_, v5, vm2 =	vpop (xrf1)  }
0xe2: {  	vm1 =	vmand vm1, vm2;
	_ =	sdelay $0x3  }
.Ltmp6:
0xe3: {  	s5 =	sadd.s32 $0x10, s1;
	v5 =	vor.u32 s1, v3;
	s1 =	smov.u32 s3;
	(pc) =	sbr.rel @p1 .LBB2_10-.Ltmp6, $4  }
0xe4: {  	v6 =	vor.u32 s5, v3;
	[tilespmem:v7+s13+$0x0] =	vst.idx.msk vm0, v5  }
0xe5: {  	s2 =	sadd.s32 $0x20, s2;
	[tilespmem:v8+s13+$0x0] =	vst.idx.msk vm1, v6  }
0xe6: {  	v5 =	vld [tilespmem:s2+$0xFFFFFFF0]  }
0xe7: {  	s3 =	sadd.s32 $0x20, s3;
	v6 =	vld [tilespmem:s2+$0x0]  }
0xe8: {  	_ =	sdelay $0x2  }
0xe9: {  	v7 =	vsub.s32 v5, v0  }
0xea: {  	vm0 =	vgt.s32 v7, $0xFFFFFFFF;
	vm1 =	vlt.s32 v7, v1;
	v8 =	vsub.s32 v6, v0  }
0xeb: {  	vm0 =	vmand vm0, vm1;
	vm13 =	vgt.s32 v8, $0xFFFFFFFF;
	vm2 =	vlt.s32 v8, v1  }
0xec: {  	vm1 =	vmand vm13, vm2;
	(xrf1) =	vunique.msk.u32 vm0, v5  }
0xed: {  	(xrf1) =	vunique.msk.u32 vm1, v6;
	_ =	sdelay $0xc  }
0xee: {  	_, v5, vm14 =	vpop (xrf1)  }
0xef: {  	vm0 =	vmand vm0, vm14;
	_, v5, vm15 =	vpop (xrf1)  }
0xf0: {  	vm1 =	vmand vm1, vm15;
	_ =	sdelay $0x3  }
0xf1: {  	s12 =	sadd.s32 $0x10, s1;
	v5 =	vor.u32 s1, v3  }
0xf2: {  	v6 =	vor.u32 s12, v3;
	[tilespmem:v7+s13+$0x0] =	vst.idx.msk vm0, v5  }
0xf3: {  	[tilespmem:v8+s13+$0x0] =	vst.idx.msk vm1, v6  }
0xf4: {  	_ =	swait.ge [sflag:s20], $0x4000  }
0xf5: {  	[sflag:s20] =	ssyncset.done $0x0  }
0xf6: {  	s15 =	rddreg [dreg:$0x14];
	[sflag:s20] =	ssyncadd.s32 $0xFFFFC000  }
0xf7: {  	[hbm4b:s15+s7] =	stream.linear.scatter [tilespmem:s17], [sflag:$0x8], $0x4000, $0x200038;
	[tilespmem:$0x1C200] =	vst v63  }
0xf8: {  	_ =	swait.ge [sflag:s21], $0x4000  }
0xf9: {  	[sflag:s21] =	ssyncset.done $0x0  }
0xfa: {  	s2 =	simm.s32 $0x1550;
	s26 =	rddreg [dreg:$0x16];
	[sflag:s21] =	ssyncadd.s32 $0xFFFFC000  }
0xfb: {  	[tilespmem:s11], [sflag:$0x2] =	stream.linear.gather [hbm4b:s26+s7], $0x4000, $0x200038;
	[tilespmem:$0x1C200] =	vst v63  }
0xfc: {  	v5 =	vld [tilespmem:s2+$0xFFFFFFF0]  }
0xfd: {  	s3 =	simm.s32 $0x1560;
	s1 =	simm.s32 $0x1540;
	v6 =	vld [tilespmem:s2+$0x0]  }
.LBB2_12:
0xfe: {  	p1 =	sne.s32 s3, $0x1A80;
	_ =	sdelay $0x2  }
0xff: {  	v7 =	vsub.s32 v5, v0  }
0x100: {  	vm0 =	vgt.s32 v7, $0xFFFFFFFF;
	vm1 =	vlt.s32 v7, v1;
	v8 =	vsub.s32 v6, v0  }
0x101: {  	vm0 =	vmand vm0, vm1;
	vm1 =	vgt.s32 v8, $0xFFFFFFFF;
	vm2 =	vlt.s32 v8, v1  }
0x102: {  	vm1 =	vmand vm1, vm2;
	(xrf1) =	vunique.msk.u32 vm0, v5  }
0x103: {  	(xrf1) =	vunique.msk.u32 vm1, v6;
	_ =	sdelay $0xc  }
0x104: {  	_, v5, vm2 =	vpop (xrf1)  }
0x105: {  	vm0 =	vmand vm0, vm2;
	_, v5, vm2 =	vpop (xrf1)  }
0x106: {  	vm1 =	vmand vm1, vm2;
	_ =	sdelay $0x3  }
.Ltmp7:
0x107: {  	s5 =	sadd.s32 $0x10, s1;
	v5 =	vor.u32 s1, v3;
	s1 =	smov.u32 s3;
	(pc) =	sbr.rel @p1 .LBB2_12-.Ltmp7, $4  }
0x108: {  	v6 =	vor.u32 s5, v3;
	[tilespmem:v7+s13+$0x0] =	vst.idx.msk vm0, v5  }
0x109: {  	s2 =	sadd.s32 $0x20, s2;
	[tilespmem:v8+s13+$0x0] =	vst.idx.msk vm1, v6  }
0x10a: {  	v5 =	vld [tilespmem:s2+$0xFFFFFFF0]  }
0x10b: {  	s3 =	sadd.s32 $0x20, s3;
	v6 =	vld [tilespmem:s2+$0x0]  }
0x10c: {  	_ =	sdelay $0x2  }
0x10d: {  	v7 =	vsub.s32 v5, v0  }
0x10e: {  	vm0 =	vgt.s32 v7, $0xFFFFFFFF;
	vm1 =	vlt.s32 v7, v1;
	v8 =	vsub.s32 v6, v0  }
0x10f: {  	vm0 =	vmand vm0, vm1;
	vm13 =	vgt.s32 v8, $0xFFFFFFFF;
	vm2 =	vlt.s32 v8, v1  }
0x110: {  	vm1 =	vmand vm13, vm2;
	(xrf1) =	vunique.msk.u32 vm0, v5  }
0x111: {  	(xrf1) =	vunique.msk.u32 vm1, v6;
	_ =	sdelay $0xc  }
0x112: {  	_, v5, vm14 =	vpop (xrf1)  }
0x113: {  	vm0 =	vmand vm0, vm14;
	_, v5, vm15 =	vpop (xrf1)  }
0x114: {  	vm1 =	vmand vm1, vm15;
	_ =	sdelay $0x3  }
0x115: {  	s12 =	sadd.s32 $0x10, s1;
	v5 =	vor.u32 s1, v3  }
0x116: {  	v6 =	vor.u32 s12, v3;
	[tilespmem:v7+s13+$0x0] =	vst.idx.msk vm0, v5  }
0x117: {  	[tilespmem:v8+s13+$0x0] =	vst.idx.msk vm1, v6  }
0x118: {  	_ =	swait.ge [sflag:s14], $0x4000  }
0x119: {  	[sflag:s14] =	ssyncset.done $0x0  }
0x11a: {  	s15 =	rddreg [dreg:$0x15];
	[sflag:s14] =	ssyncadd.s32 $0xFFFFC000  }
0x11b: {  	[hbm4b:s15+s7] =	stream.linear.scatter [tilespmem:s30], [sflag:$0x5], $0x4000, $0x200038;
	[tilespmem:$0x1C200] =	vst v63  }
0x11c: {  	_ =	swait.ge [sflag:s22], $0x4000  }
0x11d: {  	[sflag:s22] =	ssyncset.done $0x0  }
0x11e: {  	s2 =	simm.s32 $0x1AB0;
	s26 =	rddreg [dreg:$0x18];
	[sflag:s22] =	ssyncadd.s32 $0xFFFFC000  }
0x11f: {  	[tilespmem:s31], [sflag:$0x3] =	stream.linear.gather [hbm4b:s26+s7], $0x4000, $0x200038;
	[tilespmem:$0x1C200] =	vst v63  }
0x120: {  	v5 =	vld [tilespmem:s2+$0xFFFFFFF0]  }
0x121: {  	s3 =	simm.s32 $0x1AC0;
	s1 =	simm.s32 $0x1AA0;
	v6 =	vld [tilespmem:s2+$0x0]  }
.LBB2_14:
0x122: {  	p1 =	sne.s32 s3, $0x1FE0;
	_ =	sdelay $0x2  }
0x123: {  	v7 =	vsub.s32 v5, v0  }
0x124: {  	vm0 =	vgt.s32 v7, $0xFFFFFFFF;
	vm1 =	vlt.s32 v7, v1;
	v8 =	vsub.s32 v6, v0  }
0x125: {  	vm0 =	vmand vm0, vm1;
	vm1 =	vgt.s32 v8, $0xFFFFFFFF;
	vm2 =	vlt.s32 v8, v1  }
0x126: {  	vm1 =	vmand vm1, vm2;
	(xrf1) =	vunique.msk.u32 vm0, v5  }
0x127: {  	(xrf1) =	vunique.msk.u32 vm1, v6;
	_ =	sdelay $0xc  }
0x128: {  	_, v5, vm2 =	vpop (xrf1)  }
0x129: {  	vm0 =	vmand vm0, vm2;
	_, v5, vm2 =	vpop (xrf1)  }
0x12a: {  	vm1 =	vmand vm1, vm2;
	_ =	sdelay $0x3  }
.Ltmp8:
0x12b: {  	s5 =	sadd.s32 $0x10, s1;
	v5 =	vor.u32 s1, v3;
	s1 =	smov.u32 s3;
	(pc) =	sbr.rel @p1 .LBB2_14-.Ltmp8, $4  }
0x12c: {  	v6 =	vor.u32 s5, v3;
	[tilespmem:v7+s13+$0x0] =	vst.idx.msk vm0, v5  }
0x12d: {  	s2 =	sadd.s32 $0x20, s2;
	[tilespmem:v8+s13+$0x0] =	vst.idx.msk vm1, v6  }
0x12e: {  	v5 =	vld [tilespmem:s2+$0xFFFFFFF0]  }
0x12f: {  	s3 =	sadd.s32 $0x20, s3;
	v6 =	vld [tilespmem:s2+$0x0]  }
0x130: {  	_ =	sdelay $0x2  }
0x131: {  	v7 =	vsub.s32 v5, v0  }
0x132: {  	vm0 =	vgt.s32 v7, $0xFFFFFFFF;
	vm1 =	vlt.s32 v7, v1;
	v8 =	vsub.s32 v6, v0  }
0x133: {  	vm0 =	vmand vm0, vm1;
	vm13 =	vgt.s32 v8, $0xFFFFFFFF;
	vm2 =	vlt.s32 v8, v1  }
0x134: {  	vm1 =	vmand vm13, vm2;
	(xrf1) =	vunique.msk.u32 vm0, v5  }
0x135: {  	(xrf1) =	vunique.msk.u32 vm1, v6;
	_ =	sdelay $0xc  }
0x136: {  	_, v5, vm14 =	vpop (xrf1)  }
0x137: {  	vm0 =	vmand vm0, vm14;
	_, v5, vm15 =	vpop (xrf1)  }
0x138: {  	vm1 =	vmand vm1, vm15;
	_ =	sdelay $0x3  }
0x139: {  	s12 =	sadd.s32 $0x10, s1;
	v5 =	vor.u32 s1, v3  }
0x13a: {  	v6 =	vor.u32 s12, v3;
	[tilespmem:v7+s13+$0x0] =	vst.idx.msk vm0, v5  }
0x13b: {  	[tilespmem:v8+s13+$0x0] =	vst.idx.msk vm1, v6  }
0x13c: {  	_ =	swait.ge [sflag:s16], $0x4000  }
0x13d: {  	[sflag:s16] =	ssyncset.done $0x0  }
0x13e: {  	s15 =	rddreg [dreg:$0x17];
	[sflag:s16] =	ssyncadd.s32 $0xFFFFC000  }
0x13f: {  	[hbm4b:s15+s7] =	stream.linear.scatter [tilespmem:s11], [sflag:$0x6], $0x4000, $0x200038;
	[tilespmem:$0x1C200] =	vst v63  }
0x140: {  	_ =	swait.ge [sflag:s23], $0x4000  }
0x141: {  	[sflag:s23] =	ssyncset.done $0x0  }
0x142: {  	s2 =	simm.s32 $0x2010;
	s26 =	rddreg [dreg:$0x1a];
	[sflag:s23] =	ssyncadd.s32 $0xFFFFC000  }
0x143: {  	[tilespmem:s17], [sflag:$0x4] =	stream.linear.gather [hbm4b:s26+s7], $0x4000, $0x200038;
	[tilespmem:$0x1C200] =	vst v63  }
0x144: {  	v5 =	vld [tilespmem:s2+$0xFFFFFFF0]  }
0x145: {  	s3 =	simm.s32 $0x2020;
	s1 =	simm.s32 $0x2000;
	v6 =	vld [tilespmem:s2+$0x0]  }
.LBB2_16:
0x146: {  	p1 =	sne.s32 s3, $0x2520;
	_ =	sdelay $0x2  }
0x147: {  	v7 =	vsub.s32 v5, v0  }
0x148: {  	vm0 =	vgt.s32 v7, $0xFFFFFFFF;
	vm1 =	vlt.s32 v7, v1;
	v8 =	vsub.s32 v6, v0  }
0x149: {  	vm0 =	vmand vm0, vm1;
	vm1 =	vgt.s32 v8, $0xFFFFFFFF;
	vm2 =	vlt.s32 v8, v1  }
0x14a: {  	vm1 =	vmand vm1, vm2;
	(xrf1) =	vunique.msk.u32 vm0, v5  }
0x14b: {  	(xrf1) =	vunique.msk.u32 vm1, v6;
	_ =	sdelay $0xc  }
0x14c: {  	_, v5, vm2 =	vpop (xrf1)  }
0x14d: {  	vm0 =	vmand vm0, vm2;
	_, v5, vm2 =	vpop (xrf1)  }
0x14e: {  	vm1 =	vmand vm1, vm2;
	_ =	sdelay $0x3  }
.Ltmp9:
0x14f: {  	s5 =	sadd.s32 $0x10, s1;
	v5 =	vor.u32 s1, v3;
	s1 =	smov.u32 s3;
	(pc) =	sbr.rel @p1 .LBB2_16-.Ltmp9, $4  }
0x150: {  	v6 =	vor.u32 s5, v3;
	[tilespmem:v7+s13+$0x0] =	vst.idx.msk vm0, v5  }
0x151: {  	s2 =	sadd.s32 $0x20, s2;
	[tilespmem:v8+s13+$0x0] =	vst.idx.msk vm1, v6  }
0x152: {  	v5 =	vld [tilespmem:s2+$0xFFFFFFF0]  }
0x153: {  	s3 =	sadd.s32 $0x20, s3;
	v6 =	vld [tilespmem:s2+$0x0]  }
0x154: {  	_ =	sdelay $0x2  }
0x155: {  	v7 =	vsub.s32 v5, v0  }
0x156: {  	vm0 =	vgt.s32 v7, $0xFFFFFFFF;
	vm1 =	vlt.s32 v7, v1;
	v8 =	vsub.s32 v6, v0  }
0x157: {  	vm0 =	vmand vm0, vm1;
	vm13 =	vgt.s32 v8, $0xFFFFFFFF;
	vm2 =	vlt.s32 v8, v1  }
0x158: {  	vm1 =	vmand vm13, vm2;
	(xrf1) =	vunique.msk.u32 vm0, v5  }
0x159: {  	(xrf1) =	vunique.msk.u32 vm1, v6;
	_ =	sdelay $0xc  }
0x15a: {  	_, v5, vm14 =	vpop (xrf1)  }
0x15b: {  	vm0 =	vmand vm0, vm14;
	_, v5, vm15 =	vpop (xrf1)  }
0x15c: {  	vm1 =	vmand vm1, vm15;
	_ =	sdelay $0x3  }
0x15d: {  	s12 =	sadd.s32 $0x10, s1;
	v5 =	vor.u32 s1, v3  }
0x15e: {  	v6 =	vor.u32 s12, v3;
	[tilespmem:v7+s13+$0x0] =	vst.idx.msk vm0, v5  }
0x15f: {  	[tilespmem:v8+s13+$0x0] =	vst.idx.msk vm1, v6  }
0x160: {  	_ =	swait.ge [sflag:s18], $0x4000  }
0x161: {  	[sflag:s18] =	ssyncset.done $0x0  }
0x162: {  	s15 =	rddreg [dreg:$0x19];
	[sflag:s18] =	ssyncadd.s32 $0xFFFFC000  }
0x163: {  	[hbm4b:s15+s7] =	stream.linear.scatter [tilespmem:s31], [sflag:$0x7], $0x4000, $0x200038;
	[tilespmem:$0x1C200] =	vst v63  }
0x164: {  	_ =	swait.ge [sflag:s19], $0x4000  }
0x165: {  	[sflag:s19] =	ssyncset.done $0x0  }
0x166: {  	s2 =	simm.s32 $0x2550;
	s26 =	rddreg [dreg:$0x1c];
	[sflag:s19] =	ssyncadd.s32 $0xFFFFC000  }
0x167: {  	[tilespmem:s30], [sflag:$0x1] =	stream.linear.gather [hbm4b:s26+s7], $0x4000, $0x200038;
	[tilespmem:$0x1C200] =	vst v63  }
0x168: {  	v5 =	vld [tilespmem:s2+$0xFFFFFFF0]  }
0x169: {  	s3 =	simm.s32 $0x2560;
	s1 =	simm.s32 $0x2540;
	v6 =	vld [tilespmem:s2+$0x0]  }
.LBB2_18:
0x16a: {  	p1 =	sne.s32 s3, $0x2A80;
	_ =	sdelay $0x2  }
0x16b: {  	v7 =	vsub.s32 v5, v0  }
0x16c: {  	vm0 =	vgt.s32 v7, $0xFFFFFFFF;
	vm1 =	vlt.s32 v7, v1;
	v8 =	vsub.s32 v6, v0  }
0x16d: {  	vm0 =	vmand vm0, vm1;
	vm1 =	vgt.s32 v8, $0xFFFFFFFF;
	vm2 =	vlt.s32 v8, v1  }
0x16e: {  	vm1 =	vmand vm1, vm2;
	(xrf1) =	vunique.msk.u32 vm0, v5  }
0x16f: {  	(xrf1) =	vunique.msk.u32 vm1, v6;
	_ =	sdelay $0xc  }
0x170: {  	_, v5, vm2 =	vpop (xrf1)  }
0x171: {  	vm0 =	vmand vm0, vm2;
	_, v5, vm2 =	vpop (xrf1)  }
0x172: {  	vm1 =	vmand vm1, vm2;
	_ =	sdelay $0x3  }
.Ltmp10:
0x173: {  	s5 =	sadd.s32 $0x10, s1;
	v5 =	vor.u32 s1, v3;
	s1 =	smov.u32 s3;
	(pc) =	sbr.rel @p1 .LBB2_18-.Ltmp10, $4  }
0x174: {  	v6 =	vor.u32 s5, v3;
	[tilespmem:v7+s13+$0x0] =	vst.idx.msk vm0, v5  }
0x175: {  	s2 =	sadd.s32 $0x20, s2;
	[tilespmem:v8+s13+$0x0] =	vst.idx.msk vm1, v6  }
0x176: {  	v5 =	vld [tilespmem:s2+$0xFFFFFFF0]  }
0x177: {  	s3 =	sadd.s32 $0x20, s3;
	v6 =	vld [tilespmem:s2+$0x0]  }
0x178: {  	_ =	sdelay $0x2  }
0x179: {  	v7 =	vsub.s32 v5, v0  }
0x17a: {  	vm0 =	vgt.s32 v7, $0xFFFFFFFF;
	vm1 =	vlt.s32 v7, v1;
	v8 =	vsub.s32 v6, v0  }
0x17b: {  	vm0 =	vmand vm0, vm1;
	vm13 =	vgt.s32 v8, $0xFFFFFFFF;
	vm2 =	vlt.s32 v8, v1  }
0x17c: {  	vm1 =	vmand vm13, vm2;
	(xrf1) =	vunique.msk.u32 vm0, v5  }
0x17d: {  	(xrf1) =	vunique.msk.u32 vm1, v6;
	_ =	sdelay $0xc  }
0x17e: {  	_, v5, vm14 =	vpop (xrf1)  }
0x17f: {  	vm0 =	vmand vm0, vm14;
	_, v5, vm15 =	vpop (xrf1)  }
0x180: {  	vm1 =	vmand vm1, vm15;
	_ =	sdelay $0x3  }
0x181: {  	s12 =	sadd.s32 $0x10, s1;
	v5 =	vor.u32 s1, v3  }
0x182: {  	v6 =	vor.u32 s12, v3;
	[tilespmem:v7+s13+$0x0] =	vst.idx.msk vm0, v5  }
0x183: {  	[tilespmem:v8+s13+$0x0] =	vst.idx.msk vm1, v6  }
0x184: {  	_ =	swait.ge [sflag:s20], $0x4000  }
0x185: {  	[sflag:s20] =	ssyncset.done $0x0  }
0x186: {  	s15 =	rddreg [dreg:$0x1b];
	[sflag:s20] =	ssyncadd.s32 $0xFFFFC000  }
0x187: {  	[hbm4b:s15+s7] =	stream.linear.scatter [tilespmem:s17], [sflag:$0x8], $0x4000, $0x200038;
	[tilespmem:$0x1C200] =	vst v63  }
0x188: {  	_ =	swait.ge [sflag:s21], $0x4000  }
0x189: {  	[sflag:s21] =	ssyncset.done $0x0  }
0x18a: {  	s2 =	simm.s32 $0x2AB0;
	s26 =	rddreg [dreg:$0x1e];
	[sflag:s21] =	ssyncadd.s32 $0xFFFFC000  }
0x18b: {  	[tilespmem:s11], [sflag:$0x2] =	stream.linear.gather [hbm4b:s26+s7], $0x4000, $0x200038;
	[tilespmem:$0x1C200] =	vst v63  }
0x18c: {  	v5 =	vld [tilespmem:s2+$0xFFFFFFF0]  }
0x18d: {  	s3 =	simm.s32 $0x2AC0;
	s1 =	simm.s32 $0x2AA0;
	v6 =	vld [tilespmem:s2+$0x0]  }
.LBB2_20:
0x18e: {  	p1 =	sne.s32 s3, $0x2FE0;
	_ =	sdelay $0x2  }
0x18f: {  	v7 =	vsub.s32 v5, v0  }
0x190: {  	vm0 =	vgt.s32 v7, $0xFFFFFFFF;
	vm1 =	vlt.s32 v7, v1;
	v8 =	vsub.s32 v6, v0  }
0x191: {  	vm0 =	vmand vm0, vm1;
	vm1 =	vgt.s32 v8, $0xFFFFFFFF;
	vm2 =	vlt.s32 v8, v1  }
0x192: {  	vm1 =	vmand vm1, vm2;
	(xrf1) =	vunique.msk.u32 vm0, v5  }
0x193: {  	(xrf1) =	vunique.msk.u32 vm1, v6;
	_ =	sdelay $0xc  }
0x194: {  	_, v5, vm2 =	vpop (xrf1)  }
0x195: {  	vm0 =	vmand vm0, vm2;
	_, v5, vm2 =	vpop (xrf1)  }
0x196: {  	vm1 =	vmand vm1, vm2;
	_ =	sdelay $0x3  }
.Ltmp11:
0x197: {  	s5 =	sadd.s32 $0x10, s1;
	v5 =	vor.u32 s1, v3;
	s1 =	smov.u32 s3;
	(pc) =	sbr.rel @p1 .LBB2_20-.Ltmp11, $4  }
0x198: {  	v6 =	vor.u32 s5, v3;
	[tilespmem:v7+s13+$0x0] =	vst.idx.msk vm0, v5  }
0x199: {  	s2 =	sadd.s32 $0x20, s2;
	[tilespmem:v8+s13+$0x0] =	vst.idx.msk vm1, v6  }
0x19a: {  	v5 =	vld [tilespmem:s2+$0xFFFFFFF0]  }
0x19b: {  	s3 =	sadd.s32 $0x20, s3;
	v6 =	vld [tilespmem:s2+$0x0]  }
0x19c: {  	_ =	sdelay $0x2  }
0x19d: {  	v7 =	vsub.s32 v5, v0  }
0x19e: {  	vm0 =	vgt.s32 v7, $0xFFFFFFFF;
	vm1 =	vlt.s32 v7, v1;
	v8 =	vsub.s32 v6, v0  }
0x19f: {  	vm0 =	vmand vm0, vm1;
	vm13 =	vgt.s32 v8, $0xFFFFFFFF;
	vm2 =	vlt.s32 v8, v1  }
0x1a0: {  	vm1 =	vmand vm13, vm2;
	(xrf1) =	vunique.msk.u32 vm0, v5  }
0x1a1: {  	(xrf1) =	vunique.msk.u32 vm1, v6;
	_ =	sdelay $0xc  }
0x1a2: {  	_, v5, vm14 =	vpop (xrf1)  }
0x1a3: {  	vm0 =	vmand vm0, vm14;
	_, v5, vm15 =	vpop (xrf1)  }
0x1a4: {  	vm1 =	vmand vm1, vm15;
	_ =	sdelay $0x3  }
0x1a5: {  	s12 =	sadd.s32 $0x10, s1;
	v5 =	vor.u32 s1, v3  }
0x1a6: {  	v6 =	vor.u32 s12, v3;
	[tilespmem:v7+s13+$0x0] =	vst.idx.msk vm0, v5  }
0x1a7: {  	[tilespmem:v8+s13+$0x0] =	vst.idx.msk vm1, v6  }
0x1a8: {  	_ =	swait.ge [sflag:s14], $0x4000  }
0x1a9: {  	[sflag:s14] =	ssyncset.done $0x0  }
0x1aa: {  	s15 =	rddreg [dreg:$0x1d];
	[sflag:s14] =	ssyncadd.s32 $0xFFFFC000  }
0x1ab: {  	[hbm4b:s15+s7] =	stream.linear.scatter [tilespmem:s30], [sflag:$0x5], $0x4000, $0x200038;
	[tilespmem:$0x1C200] =	vst v63  }
0x1ac: {  	_ =	swait.ge [sflag:s22], $0x4000  }
0x1ad: {  	s26 =	sld [smem:$0x7DF]  }
0x1ae: {  	[sflag:s22] =	ssyncset.done $0x0  }
0x1af: {  	s2 =	simm.s32 $0x3010;
	[sflag:s22] =	ssyncadd.s32 $0xFFFFC000  }
0x1b0: {  	[tilespmem:s31], [sflag:$0x3] =	stream.linear.gather [hbm4b:s26+s7], $0x4000, $0x200038;
	[tilespmem:$0x1C200] =	vst v63  }
0x1b1: {  	v5 =	vld [tilespmem:s2+$0xFFFFFFF0]  }
0x1b2: {  	s3 =	simm.s32 $0x3020;
	s1 =	simm.s32 $0x3000;
	v6 =	vld [tilespmem:s2+$0x0]  }
.LBB2_22:
0x1b3: {  	p1 =	sne.s32 s3, $0x3520;
	_ =	sdelay $0x2  }
0x1b4: {  	v7 =	vsub.s32 v5, v0  }
0x1b5: {  	vm0 =	vgt.s32 v7, $0xFFFFFFFF;
	vm1 =	vlt.s32 v7, v1;
	v8 =	vsub.s32 v6, v0  }
0x1b6: {  	vm0 =	vmand vm0, vm1;
	vm1 =	vgt.s32 v8, $0xFFFFFFFF;
	vm2 =	vlt.s32 v8, v1  }
0x1b7: {  	vm1 =	vmand vm1, vm2;
	(xrf1) =	vunique.msk.u32 vm0, v5  }
0x1b8: {  	(xrf1) =	vunique.msk.u32 vm1, v6;
	_ =	sdelay $0xc  }
0x1b9: {  	_, v5, vm2 =	vpop (xrf1)  }
0x1ba: {  	vm0 =	vmand vm0, vm2;
	_, v5, vm2 =	vpop (xrf1)  }
0x1bb: {  	vm1 =	vmand vm1, vm2;
	_ =	sdelay $0x3  }
.Ltmp12:
0x1bc: {  	s5 =	sadd.s32 $0x10, s1;
	v5 =	vor.u32 s1, v3;
	s1 =	smov.u32 s3;
	(pc) =	sbr.rel @p1 .LBB2_22-.Ltmp12, $4  }
0x1bd: {  	v6 =	vor.u32 s5, v3;
	[tilespmem:v7+s13+$0x0] =	vst.idx.msk vm0, v5  }
0x1be: {  	s2 =	sadd.s32 $0x20, s2;
	[tilespmem:v8+s13+$0x0] =	vst.idx.msk vm1, v6  }
0x1bf: {  	v5 =	vld [tilespmem:s2+$0xFFFFFFF0]  }
0x1c0: {  	s3 =	sadd.s32 $0x20, s3;
	v6 =	vld [tilespmem:s2+$0x0]  }
0x1c1: {  	_ =	sdelay $0x2  }
0x1c2: {  	v7 =	vsub.s32 v5, v0  }
0x1c3: {  	vm0 =	vgt.s32 v7, $0xFFFFFFFF;
	vm1 =	vlt.s32 v7, v1;
	v8 =	vsub.s32 v6, v0  }
0x1c4: {  	vm0 =	vmand vm0, vm1;
	vm13 =	vgt.s32 v8, $0xFFFFFFFF;
	vm2 =	vlt.s32 v8, v1  }
0x1c5: {  	vm1 =	vmand vm13, vm2;
	(xrf1) =	vunique.msk.u32 vm0, v5  }
0x1c6: {  	(xrf1) =	vunique.msk.u32 vm1, v6;
	_ =	sdelay $0xc  }
0x1c7: {  	_, v5, vm14 =	vpop (xrf1)  }
0x1c8: {  	vm0 =	vmand vm0, vm14;
	_, v5, vm15 =	vpop (xrf1)  }
0x1c9: {  	vm1 =	vmand vm1, vm15;
	_ =	sdelay $0x3  }
0x1ca: {  	s12 =	sadd.s32 $0x10, s1;
	v5 =	vor.u32 s1, v3  }
0x1cb: {  	v6 =	vor.u32 s12, v3;
	[tilespmem:v7+s13+$0x0] =	vst.idx.msk vm0, v5  }
0x1cc: {  	[tilespmem:v8+s13+$0x0] =	vst.idx.msk vm1, v6  }
0x1cd: {  	_ =	swait.ge [sflag:s16], $0x4000  }
0x1ce: {  	[sflag:s16] =	ssyncset.done $0x0  }
0x1cf: {  	s15 =	rddreg [dreg:$0x1f];
	[sflag:s16] =	ssyncadd.s32 $0xFFFFC000  }
0x1d0: {  	[hbm4b:s15+s7] =	stream.linear.scatter [tilespmem:s11], [sflag:$0x6], $0x4000, $0x200038;
	[tilespmem:$0x1C200] =	vst v63  }
0x1d1: {  	_ =	swait.ge [sflag:s23], $0x4000  }
0x1d2: {  	s26 =	sld [smem:$0x7E1]  }
0x1d3: {  	[sflag:s23] =	ssyncset.done $0x0  }
0x1d4: {  	s2 =	simm.s32 $0x3550;
	[sflag:s23] =	ssyncadd.s32 $0xFFFFC000  }
0x1d5: {  	[tilespmem:s17], [sflag:$0x4] =	stream.linear.gather [hbm4b:s26+s7], $0x4000, $0x200038;
	[tilespmem:$0x1C200] =	vst v63  }
0x1d6: {  	v5 =	vld [tilespmem:s2+$0xFFFFFFF0]  }
0x1d7: {  	s3 =	simm.s32 $0x3560;
	s1 =	simm.s32 $0x3540;
	v6 =	vld [tilespmem:s2+$0x0]  }
.LBB2_24:
0x1d8: {  	p1 =	sne.s32 s3, $0x3A80;
	_ =	sdelay $0x2  }
0x1d9: {  	v7 =	vsub.s32 v5, v0  }
0x1da: {  	vm0 =	vgt.s32 v7, $0xFFFFFFFF;
	vm1 =	vlt.s32 v7, v1;
	v8 =	vsub.s32 v6, v0  }
0x1db: {  	vm0 =	vmand vm0, vm1;
	vm1 =	vgt.s32 v8, $0xFFFFFFFF;
	vm2 =	vlt.s32 v8, v1  }
0x1dc: {  	vm1 =	vmand vm1, vm2;
	(xrf1) =	vunique.msk.u32 vm0, v5  }
0x1dd: {  	(xrf1) =	vunique.msk.u32 vm1, v6;
	_ =	sdelay $0xc  }
0x1de: {  	_, v5, vm2 =	vpop (xrf1)  }
0x1df: {  	vm0 =	vmand vm0, vm2;
	_, v5, vm2 =	vpop (xrf1)  }
0x1e0: {  	vm1 =	vmand vm1, vm2;
	_ =	sdelay $0x3  }
.Ltmp13:
0x1e1: {  	s5 =	sadd.s32 $0x10, s1;
	v5 =	vor.u32 s1, v3;
	s1 =	smov.u32 s3;
	(pc) =	sbr.rel @p1 .LBB2_24-.Ltmp13, $4  }
0x1e2: {  	v6 =	vor.u32 s5, v3;
	[tilespmem:v7+s13+$0x0] =	vst.idx.msk vm0, v5  }
0x1e3: {  	s2 =	sadd.s32 $0x20, s2;
	[tilespmem:v8+s13+$0x0] =	vst.idx.msk vm1, v6  }
0x1e4: {  	v5 =	vld [tilespmem:s2+$0xFFFFFFF0]  }
0x1e5: {  	s3 =	sadd.s32 $0x20, s3;
	v6 =	vld [tilespmem:s2+$0x0]  }
0x1e6: {  	_ =	sdelay $0x2  }
0x1e7: {  	v7 =	vsub.s32 v5, v0  }
0x1e8: {  	vm0 =	vgt.s32 v7, $0xFFFFFFFF;
	vm1 =	vlt.s32 v7, v1;
	v8 =	vsub.s32 v6, v0  }
0x1e9: {  	vm0 =	vmand vm0, vm1;
	vm13 =	vgt.s32 v8, $0xFFFFFFFF;
	vm2 =	vlt.s32 v8, v1  }
0x1ea: {  	vm1 =	vmand vm13, vm2;
	(xrf1) =	vunique.msk.u32 vm0, v5  }
0x1eb: {  	(xrf1) =	vunique.msk.u32 vm1, v6;
	_ =	sdelay $0xc  }
0x1ec: {  	_, v5, vm14 =	vpop (xrf1)  }
0x1ed: {  	vm0 =	vmand vm0, vm14;
	_, v5, vm15 =	vpop (xrf1)  }
0x1ee: {  	vm1 =	vmand vm1, vm15;
	_ =	sdelay $0x3  }
0x1ef: {  	s12 =	sadd.s32 $0x10, s1;
	v5 =	vor.u32 s1, v3  }
0x1f0: {  	v6 =	vor.u32 s12, v3;
	[tilespmem:v7+s13+$0x0] =	vst.idx.msk vm0, v5  }
0x1f1: {  	[tilespmem:v8+s13+$0x0] =	vst.idx.msk vm1, v6  }
0x1f2: {  	_ =	swait.ge [sflag:s18], $0x4000  }
0x1f3: {  	s15 =	sld [smem:$0x7E0]  }
0x1f4: {  	[sflag:s18] =	ssyncset.done $0x0  }
0x1f5: {  	[sflag:s18] =	ssyncadd.s32 $0xFFFFC000  }
0x1f6: {  	[hbm4b:s15+s7] =	stream.linear.scatter [tilespmem:s31], [sflag:$0x7], $0x4000, $0x200038;
	[tilespmem:$0x1C200] =	vst v63  }
0x1f7: {  	_ =	swait.ge [sflag:s19], $0x4000  }
0x1f8: {  	s26 =	sld [smem:$0x7E3]  }
0x1f9: {  	[sflag:s19] =	ssyncset.done $0x0  }
0x1fa: {  	s2 =	simm.s32 $0x3AB0;
	[sflag:s19] =	ssyncadd.s32 $0xFFFFC000  }
0x1fb: {  	[tilespmem:s30], [sflag:$0x1] =	stream.linear.gather [hbm4b:s26+s7], $0x4000, $0x200038;
	[tilespmem:$0x1C200] =	vst v63  }
0x1fc: {  	v5 =	vld [tilespmem:s2+$0xFFFFFFF0]  }
0x1fd: {  	s3 =	simm.s32 $0x3AC0;
	s1 =	simm.s32 $0x3AA0;
	v6 =	vld [tilespmem:s2+$0x0]  }
.LBB2_26:
0x1fe: {  	p1 =	sne.s32 s3, $0x3FE0;
	_ =	sdelay $0x2  }
0x1ff: {  	v7 =	vsub.s32 v5, v0  }
0x200: {  	vm0 =	vgt.s32 v7, $0xFFFFFFFF;
	vm1 =	vlt.s32 v7, v1;
	v8 =	vsub.s32 v6, v0  }
0x201: {  	vm0 =	vmand vm0, vm1;
	vm1 =	vgt.s32 v8, $0xFFFFFFFF;
	vm2 =	vlt.s32 v8, v1  }
0x202: {  	vm1 =	vmand vm1, vm2;
	(xrf1) =	vunique.msk.u32 vm0, v5  }
0x203: {  	(xrf1) =	vunique.msk.u32 vm1, v6;
	_ =	sdelay $0xc  }
0x204: {  	_, v5, vm2 =	vpop (xrf1)  }
0x205: {  	vm0 =	vmand vm0, vm2;
	_, v5, vm2 =	vpop (xrf1)  }
0x206: {  	vm1 =	vmand vm1, vm2;
	_ =	sdelay $0x3  }
.Ltmp14:
0x207: {  	s5 =	sadd.s32 $0x10, s1;
	v5 =	vor.u32 s1, v3;
	s1 =	smov.u32 s3;
	(pc) =	sbr.rel @p1 .LBB2_26-.Ltmp14, $4  }
0x208: {  	v6 =	vor.u32 s5, v3;
	[tilespmem:v7+s13+$0x0] =	vst.idx.msk vm0, v5  }
0x209: {  	s2 =	sadd.s32 $0x20, s2;
	[tilespmem:v8+s13+$0x0] =	vst.idx.msk vm1, v6  }
0x20a: {  	v5 =	vld [tilespmem:s2+$0xFFFFFFF0]  }
0x20b: {  	s3 =	sadd.s32 $0x20, s3;
	v6 =	vld [tilespmem:s2+$0x0]  }
0x20c: {  	_ =	sdelay $0x2  }
0x20d: {  	v7 =	vsub.s32 v5, v0  }
0x20e: {  	vm0 =	vgt.s32 v7, $0xFFFFFFFF;
	vm1 =	vlt.s32 v7, v1;
	v8 =	vsub.s32 v6, v0  }
0x20f: {  	vm0 =	vmand vm0, vm1;
	vm12 =	vgt.s32 v8, $0xFFFFFFFF;
	vm2 =	vlt.s32 v8, v1  }
0x210: {  	vm1 =	vmand vm12, vm2;
	(xrf1) =	vunique.msk.u32 vm0, v5  }
0x211: {  	(xrf1) =	vunique.msk.u32 vm1, v6;
	_ =	sdelay $0xc  }
0x212: {  	_, v5, vm13 =	vpop (xrf1)  }
0x213: {  	vm0 =	vmand vm0, vm13;
	_, v5, vm14 =	vpop (xrf1)  }
0x214: {  	vm1 =	vmand vm1, vm14;
	_ =	sdelay $0x3  }
0x215: {  	s12 =	sadd.s32 $0x10, s1;
	v5 =	vor.u32 s1, v3  }
0x216: {  	v6 =	vor.u32 s12, v3;
	[tilespmem:v7+s13+$0x0] =	vst.idx.msk vm0, v5  }
0x217: {  	[tilespmem:v8+s13+$0x0] =	vst.idx.msk vm1, v6  }
0x218: {  	_ =	swait.ge [sflag:s20], $0x4000  }
0x219: {  	s2 =	sld [smem:$0x7E2]  }
0x21a: {  	[sflag:s20] =	ssyncset.done $0x0  }
0x21b: {  	s1 =	simm.s32 $0x0;
	[sflag:s20] =	ssyncadd.s32 $0xFFFFC000  }
0x21c: {  	[hbm4b:s2+s1] =	stream.linear.scatter [tilespmem:s17], [sflag:$0x8], $0x4000, $0x200038;
	[tilespmem:$0x1C200] =	vst v63  }
0x21d: {  	_ =	swait.ge [sflag:s21], $0x4000  }
0x21e: {  	s15 =	sld [smem:$0x7E5]  }
0x21f: {  	[sflag:s21] =	ssyncset.done $0x0  }
0x220: {  	s26 =	simm.s32 $0x8000;
	[sflag:s21] =	ssyncadd.s32 $0xFFFFC000  }
0x221: {  	[tilespmem:s11], [sflag:$0x2] =	stream.linear.gather [hbm4b:s15+s1], $0x4000, $0x200038;
	[tilespmem:$0x1C200] =	vst v63  }
0x222: {  	v5 =	vld [tilespmem:s26+$0x0];
	_ =	sdelay $0x4  }
0x223: {  	vm15 =	vgt.s32 v5, $0xFFFFFFFF  }
0x224: {  	v6 =	vsel vm15, $0x1, v4  }
0x225: {  	(xrf0) =	vadd.scan.msk.s32 $0xffff, v6;
	_ =	sdelay $0x5  }
0x226: {  	v6, _, _ =	vpop (xrf0)  }
0x227: {  	(v2sf) =	vpush v6, $0xF  }
0x228: {  	[tilespmem:s1+$0x8C80] =	vst.msk vm15, v5;
	v5 =	vor.u32 s1, v3  }
0x229: {  	s3 =	simm.s32 $0x8010;
	[tilespmem:s1+$0x9900] =	vst.msk vm15, v5  }
0x22a: {  	s5 =	simm.s32 $0x20;
	s2 =	simm.s32 $0x10;
	v5 =	vld [tilespmem:s3+$0x0]  }
.LBB2_28:
0x22b: {  	p1 =	sne.s32 s5, $0x1F0;
	_ =	sdelay $0x3  }
0x22c: {  	vm0 =	vgt.s32 v5, $0xFFFFFFFF  }
0x22d: {  	v6 =	vsel vm0, $0x1, v4  }
0x22e: {  	(xrf0) =	vadd.scan.msk.s32 $0xffff, v6;
	_ =	sdelay $0x4  }
0x22f: {  	s8 =	spop (v2sf)  }
.Ltmp15:
0x230: {  	v6, _, _ =	vpop (xrf0);
	s1 =	sadd.s32 s1, s8;
	(pc) =	sbr.rel @p1 .LBB2_28-.Ltmp15, $4  }
0x231: {  	[tilespmem:s1+$0x8C80] =	vst.msk vm0, v5;
	v5 =	vor.u32 s2, v3;
	(v2sf) =	vpush v6, $0xF;
	s2 =	smov.u32 s5  }
0x232: {  	[tilespmem:s1+$0x9900] =	vst.msk vm0, v5  }
0x233: {  	s3 =	sadd.s32 $0x10, s3  }
0x234: {  	s5 =	sadd.s32 $0x10, s5;
	v5 =	vld [tilespmem:s3+$0x0]  }
0x235: {  	_ =	sdelay $0x3  }
0x236: {  	vm0 =	vgt.s32 v5, $0xFFFFFFFF  }
0x237: {  	v6 =	vsel vm0, $0x1, v4  }
0x238: {  	(xrf0) =	vadd.scan.msk.s32 $0xffff, v6;
	_ =	sdelay $0x5  }
0x239: {  	v6, _, _ =	vpop (xrf0)  }
0x23a: {  	(v2sf) =	vpush v6, $0xF;
	_ =	sdelay $0xb  }
0x23b: {  	s3 =	spop (v2sf)  }
0x23c: {  	s1 =	sadd.s32 s1, s3  }
0x23d: {  	[tilespmem:s1+$0x8C80] =	vst.msk vm0, v5;
	v5 =	vor.u32 s2, v3  }
0x23e: {  	[tilespmem:s1+$0x9900] =	vst.msk vm0, v5;
	s8 =	spop (v2sf)  }
0x23f: {  	_ =	swait.ge [sflag:s14], $0x4000  }
0x240: {  	s10 =	sld [smem:$0x7E4]  }
0x241: {  	[sflag:s14] =	ssyncset.done $0x0  }
0x242: {  	[sflag:s14] =	ssyncadd.s32 $0xFFFFC000  }
0x243: {  	[hbm4b:s10+s7] =	stream.linear.scatter [tilespmem:s30], [sflag:$0x5], $0x4000, $0x200038;
	[tilespmem:$0x1C200] =	vst v63  }
0x244: {  	_ =	swait.ge [sflag:s22], $0x4000  }
0x245: {  	s12 =	sld [smem:$0x7E7]  }
0x246: {  	[sflag:s22] =	ssyncset.done $0x0  }
0x247: {  	s15 =	simm.s32 $0x8200;
	[sflag:s22] =	ssyncadd.s32 $0xFFFFC000  }
0x248: {  	[tilespmem:s31], [sflag:$0x3] =	stream.linear.gather [hbm4b:s12+s7], $0x4000, $0x200038;
	[tilespmem:$0x1C200] =	vst v63  }
0x249: {  	v5 =	vld [tilespmem:s15+$0x0];
	_ =	sdelay $0x4  }
0x24a: {  	vm15 =	vgt.s32 v5, $0xFFFFFFFF  }
0x24b: {  	v6 =	vsel vm15, $0x1, v4  }
0x24c: {  	(xrf0) =	vadd.scan.msk.s32 $0xffff, v6;
	_ =	sdelay $0x5  }
0x24d: {  	v6, _, _ =	vpop (xrf0)  }
0x24e: {  	s26 =	simm.s32 $0x200;
	s1 =	sadd.s32 s1, s8;
	(v2sf) =	vpush v6, $0xF  }
0x24f: {  	[tilespmem:s1+$0x8C80] =	vst.msk vm15, v5;
	v5 =	vor.u32 s26, v3  }
0x250: {  	s3 =	simm.s32 $0x8210;
	[tilespmem:s1+$0x9900] =	vst.msk vm15, v5  }
0x251: {  	s5 =	simm.s32 $0x220;
	s2 =	simm.s32 $0x210;
	v5 =	vld [tilespmem:s3+$0x0]  }
.LBB2_30:
0x252: {  	p1 =	sne.s32 s5, $0x400;
	_ =	sdelay $0x3  }
0x253: {  	vm0 =	vgt.s32 v5, $0xFFFFFFFF  }
0x254: {  	v6 =	vsel vm0, $0x1, v4  }
0x255: {  	(xrf0) =	vadd.scan.msk.s32 $0xffff, v6;
	_ =	sdelay $0x4  }
0x256: {  	s8 =	spop (v2sf)  }
.Ltmp16:
0x257: {  	v6, _, _ =	vpop (xrf0);
	s1 =	sadd.s32 s1, s8;
	(pc) =	sbr.rel @p1 .LBB2_30-.Ltmp16, $4  }
0x258: {  	[tilespmem:s1+$0x8C80] =	vst.msk vm0, v5;
	v5 =	vor.u32 s2, v3;
	(v2sf) =	vpush v6, $0xF;
	s2 =	smov.u32 s5  }
0x259: {  	[tilespmem:s1+$0x9900] =	vst.msk vm0, v5  }
0x25a: {  	s3 =	sadd.s32 $0x10, s3  }
0x25b: {  	s5 =	sadd.s32 $0x10, s5;
	v5 =	vld [tilespmem:s3+$0x0]  }
0x25c: {  	_ =	sdelay $0x3  }
0x25d: {  	vm0 =	vgt.s32 v5, $0xFFFFFFFF  }
0x25e: {  	v6 =	vsel vm0, $0x1, v4  }
0x25f: {  	(xrf0) =	vadd.scan.msk.s32 $0xffff, v6;
	_ =	sdelay $0x5  }
0x260: {  	v6, _, _ =	vpop (xrf0)  }
0x261: {  	(v2sf) =	vpush v6, $0xF;
	_ =	sdelay $0xb  }
0x262: {  	s3 =	spop (v2sf)  }
0x263: {  	s1 =	sadd.s32 s1, s3  }
0x264: {  	[tilespmem:s1+$0x8C80] =	vst.msk vm0, v5;
	v5 =	vor.u32 s2, v3  }
0x265: {  	[tilespmem:s1+$0x9900] =	vst.msk vm0, v5;
	s8 =	spop (v2sf)  }
0x266: {  	_ =	swait.ge [sflag:s16], $0x4000  }
0x267: {  	s10 =	sld [smem:$0x7E6]  }
0x268: {  	[sflag:s16] =	ssyncset.done $0x0  }
0x269: {  	[sflag:s16] =	ssyncadd.s32 $0xFFFFC000  }
0x26a: {  	[hbm4b:s10+s7] =	stream.linear.scatter [tilespmem:s11], [sflag:$0x6], $0x4000, $0x200038;
	[tilespmem:$0x1C200] =	vst v63  }
0x26b: {  	_ =	swait.ge [sflag:s23], $0x4000  }
0x26c: {  	s12 =	sld [smem:$0x7E9]  }
0x26d: {  	[sflag:s23] =	ssyncset.done $0x0  }
0x26e: {  	s15 =	simm.s32 $0x8410;
	[sflag:s23] =	ssyncadd.s32 $0xFFFFC000  }
0x26f: {  	[tilespmem:s17], [sflag:$0x4] =	stream.linear.gather [hbm4b:s12+s7], $0x4000, $0x200038;
	[tilespmem:$0x1C200] =	vst v63  }
0x270: {  	v5 =	vld [tilespmem:s15+$0x0];
	_ =	sdelay $0x4  }
0x271: {  	vm15 =	vgt.s32 v5, $0xFFFFFFFF  }
0x272: {  	v6 =	vsel vm15, $0x1, v4  }
0x273: {  	(xrf0) =	vadd.scan.msk.s32 $0xffff, v6;
	_ =	sdelay $0x5  }
0x274: {  	v6, _, _ =	vpop (xrf0)  }
0x275: {  	s26 =	simm.s32 $0x410;
	s1 =	sadd.s32 s1, s8;
	(v2sf) =	vpush v6, $0xF  }
0x276: {  	[tilespmem:s1+$0x8C80] =	vst.msk vm15, v5;
	v5 =	vor.u32 s26, v3  }
0x277: {  	s3 =	simm.s32 $0x8420;
	[tilespmem:s1+$0x9900] =	vst.msk vm15, v5  }
0x278: {  	s5 =	simm.s32 $0x430;
	s2 =	simm.s32 $0x420;
	v5 =	vld [tilespmem:s3+$0x0]  }
.LBB2_32:
0x279: {  	p1 =	sne.s32 s5, $0x610;
	_ =	sdelay $0x3  }
0x27a: {  	vm0 =	vgt.s32 v5, $0xFFFFFFFF  }
0x27b: {  	v6 =	vsel vm0, $0x1, v4  }
0x27c: {  	(xrf0) =	vadd.scan.msk.s32 $0xffff, v6;
	_ =	sdelay $0x4  }
0x27d: {  	s8 =	spop (v2sf)  }
.Ltmp17:
0x27e: {  	v6, _, _ =	vpop (xrf0);
	s1 =	sadd.s32 s1, s8;
	(pc) =	sbr.rel @p1 .LBB2_32-.Ltmp17, $4  }
0x27f: {  	[tilespmem:s1+$0x8C80] =	vst.msk vm0, v5;
	v5 =	vor.u32 s2, v3;
	(v2sf) =	vpush v6, $0xF;
	s2 =	smov.u32 s5  }
0x280: {  	[tilespmem:s1+$0x9900] =	vst.msk vm0, v5  }
0x281: {  	s3 =	sadd.s32 $0x10, s3  }
0x282: {  	s5 =	sadd.s32 $0x10, s5;
	v5 =	vld [tilespmem:s3+$0x0]  }
0x283: {  	_ =	sdelay $0x3  }
0x284: {  	vm0 =	vgt.s32 v5, $0xFFFFFFFF  }
0x285: {  	v6 =	vsel vm0, $0x1, v4  }
0x286: {  	(xrf0) =	vadd.scan.msk.s32 $0xffff, v6;
	_ =	sdelay $0x5  }
0x287: {  	v6, _, _ =	vpop (xrf0)  }
0x288: {  	(v2sf) =	vpush v6, $0xF;
	_ =	sdelay $0xb  }
0x289: {  	s3 =	spop (v2sf)  }
0x28a: {  	s1 =	sadd.s32 s1, s3  }
0x28b: {  	[tilespmem:s1+$0x8C80] =	vst.msk vm0, v5;
	v5 =	vor.u32 s2, v3  }
0x28c: {  	[tilespmem:s1+$0x9900] =	vst.msk vm0, v5;
	s8 =	spop (v2sf)  }
0x28d: {  	_ =	swait.ge [sflag:s18], $0x4000  }
0x28e: {  	s10 =	sld [smem:$0x7E8]  }
0x28f: {  	[sflag:s18] =	ssyncset.done $0x0  }
0x290: {  	[sflag:s18] =	ssyncadd.s32 $0xFFFFC000  }
0x291: {  	[hbm4b:s10+s7] =	stream.linear.scatter [tilespmem:s31], [sflag:$0x7], $0x4000, $0x200038;
	[tilespmem:$0x1C200] =	vst v63  }
0x292: {  	_ =	swait.ge [sflag:s19], $0x4000  }
0x293: {  	s12 =	sld [smem:$0x7EB]  }
0x294: {  	[sflag:s19] =	ssyncset.done $0x0  }
0x295: {  	s15 =	simm.s32 $0x8620;
	[sflag:s19] =	ssyncadd.s32 $0xFFFFC000  }
0x296: {  	[tilespmem:s30], [sflag:$0x1] =	stream.linear.gather [hbm4b:s12+s7], $0x4000, $0x200038;
	[tilespmem:$0x1C200] =	vst v63  }
0x297: {  	v5 =	vld [tilespmem:s15+$0x0];
	_ =	sdelay $0x4  }
0x298: {  	vm15 =	vgt.s32 v5, $0xFFFFFFFF  }
0x299: {  	v6 =	vsel vm15, $0x1, v4  }
0x29a: {  	(xrf0) =	vadd.scan.msk.s32 $0xffff, v6;
	_ =	sdelay $0x5  }
0x29b: {  	v6, _, _ =	vpop (xrf0)  }
0x29c: {  	s26 =	simm.s32 $0x620;
	s1 =	sadd.s32 s1, s8;
	(v2sf) =	vpush v6, $0xF  }
0x29d: {  	[tilespmem:s1+$0x8C80] =	vst.msk vm15, v5;
	v5 =	vor.u32 s26, v3  }
0x29e: {  	s3 =	simm.s32 $0x8630;
	[tilespmem:s1+$0x9900] =	vst.msk vm15, v5  }
0x29f: {  	s5 =	simm.s32 $0x640;
	s2 =	simm.s32 $0x630;
	v5 =	vld [tilespmem:s3+$0x0]  }
.LBB2_34:
0x2a0: {  	p1 =	sne.s32 s5, $0x810;
	_ =	sdelay $0x3  }
0x2a1: {  	vm0 =	vgt.s32 v5, $0xFFFFFFFF  }
0x2a2: {  	v6 =	vsel vm0, $0x1, v4  }
0x2a3: {  	(xrf0) =	vadd.scan.msk.s32 $0xffff, v6;
	_ =	sdelay $0x4  }
0x2a4: {  	s8 =	spop (v2sf)  }
.Ltmp18:
0x2a5: {  	v6, _, _ =	vpop (xrf0);
	s1 =	sadd.s32 s1, s8;
	(pc) =	sbr.rel @p1 .LBB2_34-.Ltmp18, $4  }
0x2a6: {  	[tilespmem:s1+$0x8C80] =	vst.msk vm0, v5;
	v5 =	vor.u32 s2, v3;
	(v2sf) =	vpush v6, $0xF;
	s2 =	smov.u32 s5  }
0x2a7: {  	[tilespmem:s1+$0x9900] =	vst.msk vm0, v5  }
0x2a8: {  	s3 =	sadd.s32 $0x10, s3  }
0x2a9: {  	s5 =	sadd.s32 $0x10, s5;
	v5 =	vld [tilespmem:s3+$0x0]  }
0x2aa: {  	_ =	sdelay $0x3  }
0x2ab: {  	vm0 =	vgt.s32 v5, $0xFFFFFFFF  }
0x2ac: {  	v6 =	vsel vm0, $0x1, v4  }
0x2ad: {  	(xrf0) =	vadd.scan.msk.s32 $0xffff, v6;
	_ =	sdelay $0x5  }
0x2ae: {  	v6, _, _ =	vpop (xrf0)  }
0x2af: {  	(v2sf) =	vpush v6, $0xF;
	_ =	sdelay $0xb  }
0x2b0: {  	s3 =	spop (v2sf)  }
0x2b1: {  	s1 =	sadd.s32 s1, s3  }
0x2b2: {  	[tilespmem:s1+$0x8C80] =	vst.msk vm0, v5;
	v5 =	vor.u32 s2, v3  }
0x2b3: {  	[tilespmem:s1+$0x9900] =	vst.msk vm0, v5;
	s8 =	spop (v2sf)  }
0x2b4: {  	_ =	swait.ge [sflag:s20], $0x4000  }
0x2b5: {  	s10 =	sld [smem:$0x7EA]  }
0x2b6: {  	[sflag:s20] =	ssyncset.done $0x0  }
0x2b7: {  	[sflag:s20] =	ssyncadd.s32 $0xFFFFC000  }
0x2b8: {  	[hbm4b:s10+s7] =	stream.linear.scatter [tilespmem:s17], [sflag:$0x8], $0x4000, $0x200038;
	[tilespmem:$0x1C200] =	vst v63  }
0x2b9: {  	_ =	swait.ge [sflag:s21], $0x4000  }
0x2ba: {  	s12 =	sld [smem:$0x7ED]  }
0x2bb: {  	[sflag:s21] =	ssyncset.done $0x0  }
0x2bc: {  	s15 =	simm.s32 $0x8820;
	[sflag:s21] =	ssyncadd.s32 $0xFFFFC000  }
0x2bd: {  	[tilespmem:s11], [sflag:$0x2] =	stream.linear.gather [hbm4b:s12+s7], $0x4000, $0x200038;
	[tilespmem:$0x1C200] =	vst v63  }
0x2be: {  	v5 =	vld [tilespmem:s15+$0x0];
	_ =	sdelay $0x4  }
0x2bf: {  	vm15 =	vgt.s32 v5, $0xFFFFFFFF  }
0x2c0: {  	v6 =	vsel vm15, $0x1, v4  }
0x2c1: {  	(xrf0) =	vadd.scan.msk.s32 $0xffff, v6;
	_ =	sdelay $0x5  }
0x2c2: {  	v6, _, _ =	vpop (xrf0)  }
0x2c3: {  	s26 =	simm.s32 $0x820;
	s1 =	sadd.s32 s1, s8;
	(v2sf) =	vpush v6, $0xF  }
0x2c4: {  	[tilespmem:s1+$0x8C80] =	vst.msk vm15, v5;
	v5 =	vor.u32 s26, v3  }
0x2c5: {  	s3 =	simm.s32 $0x8830;
	[tilespmem:s1+$0x9900] =	vst.msk vm15, v5  }
0x2c6: {  	s5 =	simm.s32 $0x840;
	s2 =	simm.s32 $0x830;
	v5 =	vld [tilespmem:s3+$0x0]  }
.LBB2_36:
0x2c7: {  	p1 =	sne.s32 s5, $0xA20;
	_ =	sdelay $0x3  }
0x2c8: {  	vm0 =	vgt.s32 v5, $0xFFFFFFFF  }
0x2c9: {  	v6 =	vsel vm0, $0x1, v4  }
0x2ca: {  	(xrf0) =	vadd.scan.msk.s32 $0xffff, v6;
	_ =	sdelay $0x4  }
0x2cb: {  	s8 =	spop (v2sf)  }
.Ltmp19:
0x2cc: {  	v6, _, _ =	vpop (xrf0);
	s1 =	sadd.s32 s1, s8;
	(pc) =	sbr.rel @p1 .LBB2_36-.Ltmp19, $4  }
0x2cd: {  	[tilespmem:s1+$0x8C80] =	vst.msk vm0, v5;
	v5 =	vor.u32 s2, v3;
	(v2sf) =	vpush v6, $0xF;
	s2 =	smov.u32 s5  }
0x2ce: {  	[tilespmem:s1+$0x9900] =	vst.msk vm0, v5  }
0x2cf: {  	s3 =	sadd.s32 $0x10, s3  }
0x2d0: {  	s5 =	sadd.s32 $0x10, s5;
	v5 =	vld [tilespmem:s3+$0x0]  }
0x2d1: {  	_ =	sdelay $0x3  }
0x2d2: {  	vm0 =	vgt.s32 v5, $0xFFFFFFFF  }
0x2d3: {  	v6 =	vsel vm0, $0x1, v4  }
0x2d4: {  	(xrf0) =	vadd.scan.msk.s32 $0xffff, v6;
	_ =	sdelay $0x5  }
0x2d5: {  	v6, _, _ =	vpop (xrf0)  }
0x2d6: {  	(v2sf) =	vpush v6, $0xF;
	_ =	sdelay $0xb  }
0x2d7: {  	s3 =	spop (v2sf)  }
0x2d8: {  	s1 =	sadd.s32 s1, s3  }
0x2d9: {  	[tilespmem:s1+$0x8C80] =	vst.msk vm0, v5;
	v5 =	vor.u32 s2, v3  }
0x2da: {  	[tilespmem:s1+$0x9900] =	vst.msk vm0, v5;
	s8 =	spop (v2sf)  }
0x2db: {  	_ =	swait.ge [sflag:s14], $0x4000  }
0x2dc: {  	s10 =	sld [smem:$0x7EC]  }
0x2dd: {  	[sflag:s14] =	ssyncset.done $0x0  }
0x2de: {  	[sflag:s14] =	ssyncadd.s32 $0xFFFFC000  }
0x2df: {  	[hbm4b:s10+s7] =	stream.linear.scatter [tilespmem:s30], [sflag:$0x5], $0x4000, $0x200038;
	[tilespmem:$0x1C200] =	vst v63  }
0x2e0: {  	_ =	swait.ge [sflag:s22], $0x4000  }
0x2e1: {  	s12 =	sld [smem:$0x7EF]  }
0x2e2: {  	[sflag:s22] =	ssyncset.done $0x0  }
0x2e3: {  	s15 =	simm.s32 $0x8A30;
	[sflag:s22] =	ssyncadd.s32 $0xFFFFC000  }
0x2e4: {  	[tilespmem:s31], [sflag:$0x3] =	stream.linear.gather [hbm4b:s12+s7], $0x4000, $0x200038;
	[tilespmem:$0x1C200] =	vst v63  }
0x2e5: {  	v5 =	vld [tilespmem:s15+$0x0];
	_ =	sdelay $0x4  }
0x2e6: {  	vm15 =	vgt.s32 v5, $0xFFFFFFFF  }
0x2e7: {  	v6 =	vsel vm15, $0x1, v4  }
0x2e8: {  	(xrf0) =	vadd.scan.msk.s32 $0xffff, v6;
	_ =	sdelay $0x5  }
0x2e9: {  	v6, _, _ =	vpop (xrf0)  }
0x2ea: {  	s26 =	simm.s32 $0xA30;
	s1 =	sadd.s32 s1, s8;
	(v2sf) =	vpush v6, $0xF  }
0x2eb: {  	[tilespmem:s1+$0x8C80] =	vst.msk vm15, v5;
	v5 =	vor.u32 s26, v3  }
0x2ec: {  	s3 =	simm.s32 $0x8A40;
	[tilespmem:s1+$0x9900] =	vst.msk vm15, v5  }
0x2ed: {  	s5 =	simm.s32 $0xA50;
	s2 =	simm.s32 $0xA40;
	v5 =	vld [tilespmem:s3+$0x0]  }
.LBB2_38:
0x2ee: {  	p1 =	sne.s32 s5, $0xC30;
	_ =	sdelay $0x3  }
0x2ef: {  	vm0 =	vgt.s32 v5, $0xFFFFFFFF  }
0x2f0: {  	v6 =	vsel vm0, $0x1, v4  }
0x2f1: {  	(xrf0) =	vadd.scan.msk.s32 $0xffff, v6;
	_ =	sdelay $0x4  }
0x2f2: {  	s8 =	spop (v2sf)  }
.Ltmp20:
0x2f3: {  	v6, _, _ =	vpop (xrf0);
	s1 =	sadd.s32 s1, s8;
	(pc) =	sbr.rel @p1 .LBB2_38-.Ltmp20, $4  }
0x2f4: {  	[tilespmem:s1+$0x8C80] =	vst.msk vm0, v5;
	v5 =	vor.u32 s2, v3;
	(v2sf) =	vpush v6, $0xF;
	s2 =	smov.u32 s5  }
0x2f5: {  	[tilespmem:s1+$0x9900] =	vst.msk vm0, v5  }
0x2f6: {  	s3 =	sadd.s32 $0x10, s3  }
0x2f7: {  	s5 =	sadd.s32 $0x10, s5;
	v5 =	vld [tilespmem:s3+$0x0]  }
0x2f8: {  	_ =	sdelay $0x3  }
0x2f9: {  	vm0 =	vgt.s32 v5, $0xFFFFFFFF  }
0x2fa: {  	v6 =	vsel vm0, $0x1, v4  }
0x2fb: {  	(xrf0) =	vadd.scan.msk.s32 $0xffff, v6;
	_ =	sdelay $0x5  }
0x2fc: {  	v6, _, _ =	vpop (xrf0)  }
0x2fd: {  	(v2sf) =	vpush v6, $0xF;
	_ =	sdelay $0xc  }
0x2fe: {  	s3 =	spop (v2sf)  }
0x2ff: {  	s3 =	sadd.s32 s1, s3  }
0x300: {  	[tilespmem:s3+$0x8C80] =	vst.msk vm0, v5;
	v5 =	vor.u32 s2, v3;
	s8 =	spop (v2sf)  }
0x301: {  	[tilespmem:s3+$0x9900] =	vst.msk vm0, v5;
	s1 =	sadd.s32 s3, s8  }
0x302: {  	_ =	swait.ge [sflag:s16], $0x4000;
	s10 =	sadd.s32 $0x7F, s1  }
0x303: {  	[sflag:s16] =	ssyncset.done $0x0;
	s15 =	sld [smem:$0x7EE];
	s5 =	sand.u32 $0x7F, s10  }
0x304: {  	s12 =	sshra.s32 s10, $0x1F;
	p1 =	slt.s32 s10, $0x1;
	p2 =	sne.s32 s5, $0x0  }
0x305: {  	[sflag:s16] =	ssyncadd.s32 $0xFFFFC000;
	s3 =	sshrl.u32 s12, $0x19;
	p1 =	por !p1, !p2  }
0x306: {  	[hbm4b:s15+s7] =	stream.linear.scatter [tilespmem:s11], [sflag:$0x6], $0x4000, $0x200038;
	[tilespmem:$0x1C200] =	vst v63  }
0x307: {  	s2 =	sadd.s32 s3, s10;
	s3 =	simm.s32 $0x1;
	p1 =	por !p1, !p1  }
0x308: {  	s2 =	sshra.s32 s2, $0x7;
	s3 =	simm.s32 @!p1 $0x0  }
0x309: {  	s3 =	ssub.s32 s2, s3  }
0x30a: {  	_ =	swait.ge [sflag:s23], $0x4000;
	p1 =	slt.s32 s1, $0x1;
	s5 =	sshll.u32 s3, $0x7  }
0x30b: {  	s2 =	sshrl.u32 @!p1 s1, $0x4;
	[smem:$0x7DD] =	sst s3;
	s3 =	sshra.s32 @!p1 s5, $0x4  }
0x30c: {  	p2 =	sle.s32 @!p1 s3, s2  }
0x30d: {  	p2 =	por p1, p2  }
.Ltmp21:
0x30e: {  	_ = 	snop;
	(pc) =	sbr.rel @p2 .LBB2_43-.Ltmp21, $4  }
0x30f: {  	s26 =	sld [smem:$0x7F1]  }
0x310: {  	[sflag:s23] =	ssyncset.done $0x0  }
0x311: {  	[sflag:s23] =	ssyncadd.s32 $0xFFFFC000  }
0x312: {  	[tilespmem:s17], [sflag:$0x4] =	stream.linear.gather [hbm4b:s26+s7], $0x4000, $0x200038;
	[tilespmem:$0x1C200] =	vst v63  }
0x313: {  	s8 =	sshll.u32 s2, $0x4;
	s26 =	ssub.s32 s3, s2  }
0x314: {  	v5 =	vmov s1;
	v6 =	vor.u32 s8, v3;
	p2 =	sne.s32 s26, $0x1  }
.Ltmp22:
0x315: {  	vm0 =	vge.s32 v6, v5;
	(pc) =	sbr.rel @!p2 .LBB2_42-.Ltmp22, $3  }
0x316: {  	v7 =	vld.msk @!p1 [tilespmem:$0x8C80 ss:$0x0], $0xffff;
	vm1 =	vmmov vm0  }
0x317: {  	v8 =	vld.msk @!p1 [tilespmem:$0x9900 ss:$0x0], $0xffff;
	_ =	sdelay $0x1  }
0x318: {  	s1 =	sadd.s32 $0xFFFFFFFF, s26;
	s2 =	sadd.s32 $0x10, s8  }
.LBB2_41:
0x319: {  	v9 =	vor.u32 s2, v3;
	p1 =	sne.s32 s1, $0x1  }
.Ltmp23:
0x31a: {  	s1 =	sadd.s32 $0xFFFFFFFF, s1;
	[tilespmem:v6+s24+$0x0] =	vst.idx.msk vm0, v7;
	vm0 =	vge.s32 v9, v5;
	(pc) =	sbr.rel @p1 .LBB2_41-.Ltmp23, $2  }
0x31b: {  	[tilespmem:v6+s25+$0x0] =	vst.idx.msk vm1, v8;
	v6 =	vmov v9;
	vm1 =	vmmov vm0;
	_ =	sdelay $0x2  }
0x31c: {  	s2 =	sadd.s32 $0x10, s2  }
.LBB2_42:
0x31d: {  	_ =	sdelay $0x4  }
0x31e: {  	[tilespmem:v6+s24+$0x0] =	vst.idx.msk vm0, v7  }
0x31f: {  	[tilespmem:v6+s25+$0x0] =	vst.idx.msk vm1, v8  }
.LBB2_43:
0x320: {  	_ =	swait.ge [sflag:s18], $0x4000  }
0x321: {  	s1 =	sld [smem:$0x7F0]  }
0x322: {  	[sflag:s18] =	ssyncset.done $0x0  }
0x323: {  	s8 =	sshra.s32 s5, $0x1F;
	[sflag:s18] =	ssyncadd.s32 $0xFFFFC000  }
0x324: {  	[hbm4b:s1+s7] =	stream.linear.scatter [tilespmem:s31], [sflag:$0x7], $0x4000, $0x200038;
	[tilespmem:$0x1C200] =	vst v63  }
0x325: {  	s2 =	smul.u32 $0x55555556, s8;
	s1 =	sshra.s32 s5, $0x4  }
0x326: {  	_ =	swait.ge [sflag:s19], $0x4000;
	s3 =	smulhi.u32 $0x55555556, s1  }
0x327: {  	s10 =	sld [smem:$0x7F3]  }
0x328: {  	[sflag:s19] =	ssyncset.done $0x0;
	s3 =	sadd.s32 s2, s3  }
0x329: {  	[sflag:s19] =	ssyncadd.s32 $0xFFFFC000;
	s26 =	sshrl.u32 s3, $0x1F  }
0x32a: {  	[tilespmem:s30], [sflag:$0x1] =	stream.linear.gather [hbm4b:s10+s7], $0x4000, $0x200038;
	[tilespmem:$0x1C200] =	vst v63  }
0x32b: {  	p1 =	sgt.s32 s1, $0x0;
	s3 =	sadd.s32 s26, s3;
	s10 =	simm.s32 $0x1  }
0x32c: {  	s26 =	simm.s32 $0xA;
	s12 =	smul.u32 $0xFFFFFFFD, s3;
	s10 =	simm.s32 @!p1 $0x0  }
0x32d: {  	s15 =	ssub.s32 $0x0, s1;
	_ =	swait.ge [sflag:s26], $0x4000;
	s10 =	sadd.s32 s10, s8  }
0x32e: {  	[sflag:s26] =	ssyncset.done $0x0;
	p6 =	sne.s32 s12, s15;
	p2 =	sne.s32 s10, $0x1  }
0x32f: {  	[sflag:s26] =	ssyncadd.s32 $0xFFFFC000;
	s12 =	simm.s32 @p0 $0xB;
	p1 =	por !p6, !p2  }
0x330: {  	s10 =	simm.s32 $0x1;
	_ =	swait.ge @p0 [sflag:s12], $0xC30;
	p1 =	por !p1, !p1  }
0x331: {  	[sflag:s12] =	ssyncset.done @p0 $0x0;
	s10 =	simm.s32 @!p1 $0x0  }
0x332: {  	[sflag:s12] =	ssyncadd.s32 @p0 $0xFFFFF3D0;
	s12 =	ssub.s32 s3, s10  }
0x333: {  	p1 =	slt.s32 s12, $0x1  }
.Ltmp24:
0x334: {  	_ = 	snop;
	(pc) =	sbr.rel @p1 .LBB2_50-.Ltmp24, $4  }
0x335: {  	s15 =	simm.s32 @!p0 $0xB  }
0x336: {  	_ =	swait.ge @!p0 [sflag:s15], $0xC38  }
0x337: {  	[sflag:s15] =	ssyncset.done @!p0 $0x0  }
0x338: {  	[sflag:s15] =	ssyncadd.s32 @!p0 $0xFFFFF3C8  }
0x339: {  	p2 =	sne.s32 s12, $0x1  }
.Ltmp25:
0x33a: {  	_ = 	snop;
	(pc) =	sbr.rel @!p2 .LBB2_45-.Ltmp25, $3  }
0x33b: {  	_ =	sdelay $0x1  }
0x33c: {  	s10 =	simm.s32 $0x8C80  }
0x33d: {  	s3 =	simm.s32 $0x9900;
	p1 =	por $0x0, $0x0;
	v5 =	vld [tilespmem:s10+$0x0];
	s10 =	sadd.s32 $0xFFFFFFFF, s12  }
0x33e: {  	_ =	sdelay $0x4  }
0x33f: {  	v6 =	vld [tilespmem:s3+$0x0];
	_ =	sdelay $0x2  }
0x340: {  	v5 =	vld.idx.msk [tilespmem:v5+s9+$0x0], $0xffff  }
0x341: {  	p2 =	sne.s32 s10, $0x1  }
.Ltmp26:
0x342: {  	_ = 	snop;
	(pc) =	sbr.rel @!p2 .LBB2_47-.Ltmp26, $3  }
0x343: {  	_ =	sdelay $0x1  }
0x344: {  	s26 =	simm.s32 $0x8C90;
	[tilespmem:v6+s28+$0x0] =	vst.idx.msk $0xffff, v5  }
0x345: {  	s10 =	sadd.s32 $0xFFFFFFFF, s10;
	p1 =	por $0x1, $0x1;
	s15 =	simm.s32 $0x9900;
	v5 =	vld [tilespmem:s26+$0x0]  }
.LBB2_48:
0x346: {  	p2 =	sne.s32 s10, $0x1;
	_ =	sdelay $0x3  }
0x347: {  	s15 =	sadd.s32 $0x10, s15  }
0x348: {  	v6 =	vld [tilespmem:s15+$0x0];
	_ =	sdelay $0x1  }
0x349: {  	v5 =	vld.idx.msk [tilespmem:v5+s9+$0x0], $0xffff;
	_ =	sdelay $0x2  }
.Ltmp27:
0x34a: {  	(pc) =	sbr.rel @p2 .LBB2_48-.Ltmp27, $3  }
0x34b: {  	_ =	sdelay $0x1  }
0x34c: {  	s26 =	sadd.s32 $0x10, s26;
	[tilespmem:v6+s28+$0x0] =	vst.idx.msk $0xffff, v5  }
0x34d: {  	s10 =	sadd.s32 $0xFFFFFFFF, s10;
	v5 =	vld [tilespmem:s26+$0x0]  }
.LBB2_49:
0x34e: {  	_ =	sdelay $0x2  }
0x34f: {  	s10 =	sadd.s32 @p1 $0x10, s15  }
0x350: {  	s3 =	smov.u32 @p1 s10  }
0x351: {  	v6 =	vld [tilespmem:s3+$0x0];
	_ =	sdelay $0x2  }
0x352: {  	v5 =	vld.idx.msk [tilespmem:v5+s9+$0x0], $0xffff;
	_ =	sdelay $0x4  }
0x353: {  	[tilespmem:v6+s28+$0x0] =	vst.idx.msk $0xffff, v5  }
.LBB2_50:
0x354: {  	_ =	swait.ge [sflag:s20], $0x4000  }
0x355: {  	s3 =	sld [smem:$0x7F2]  }
0x356: {  	[sflag:s20] =	ssyncset.done $0x0  }
0x357: {  	[sflag:s20] =	ssyncadd.s32 $0xFFFFC000  }
0x358: {  	[hbm4b:s3+s7] =	stream.linear.scatter [tilespmem:s17], [sflag:$0x8], $0x4000, $0x200038;
	[tilespmem:$0x1C200] =	vst v63  }
0x359: {  	s3 =	sshra.s32 s5, $0x3  }
0x35a: {  	s10 =	smulhi.u32 $0x55555556, s3;
	_ =	sdelay $0x1  }
0x35b: {  	s2 =	sadd.s32 s2, s10  }
0x35c: {  	s10 =	sshrl.u32 s2, $0x1F  }
0x35d: {  	p1 =	sgt.s32 s3, $0x0;
	s2 =	sadd.s32 s10, s2;
	s10 =	simm.s32 $0x1  }
0x35e: {  	s10 =	simm.s32 @!p1 $0x0;
	s26 =	smul.u32 $0xFFFFFFFD, s2  }
0x35f: {  	s3 =	ssub.s32 $0x0, s3;
	s8 =	sadd.s32 s10, s8  }
0x360: {  	p6 =	sne.s32 s8, $0x1;
	p2 =	sne.s32 s26, s3  }
0x361: {  	p1 =	por !p2, !p6  }
0x362: {  	s3 =	simm.s32 $0x1;
	p1 =	por !p1, !p1  }
0x363: {  	s3 =	simm.s32 @!p1 $0x0  }
0x364: {  	s2 =	ssub.s32 s2, s3  }
0x365: {  	p1 =	sge.s32 s12, s2  }
.Ltmp28:
0x366: {  	_ =	swait.ge [sflag:s21], $0x4000;
	(pc) =	sbr.rel @p1 .LBB2_53-.Ltmp28, $4  }
0x367: {  	s15 =	sld [smem:$0x7F5]  }
0x368: {  	[sflag:s21] =	ssyncset.done $0x0  }
0x369: {  	[sflag:s21] =	ssyncadd.s32 $0xFFFFC000  }
0x36a: {  	[tilespmem:s11], [sflag:$0x2] =	stream.linear.gather [hbm4b:s15+s7], $0x4000, $0x200038;
	[tilespmem:$0x1C200] =	vst v63  }
0x36b: {  	s3 =	sshll.u32 s12, $0x6  }
0x36c: {  	s3 =	sshra.s32 s3, $0x2  }
0x36d: {  	s10 =	sadd.s32 $0x8C80, s3  }
0x36e: {  	v5 =	vld [tilespmem:s10+$0x0];
	_ =	sdelay $0x3  }
0x36f: {  	s3 =	sadd.s32 $0x9900, s3  }
0x370: {  	v6 =	vld [tilespmem:s3+$0x0];
	_ =	sdelay $0x1  }
0x371: {  	s8 =	sadd.s32 $0x1, s12  }
0x372: {  	p1 =	slt.s32 s8, s2;
	v5 =	vld.idx.msk [tilespmem:v5+s9+$0x0], $0xffff  }
.Ltmp29:
0x373: {  	_ = 	snop;
	(pc) =	sbr.rel @!p1 .LBB2_53-.Ltmp29, $2  }
0x374: {  	_ =	sdelay $0x2  }
0x375: {  	s10 =	sadd.s32 $0x10, s10;
	[tilespmem:v6+s28+$0x0] =	vst.idx.msk $0xffff, v5  }
.LBB2_52:
0x376: {  	v5 =	vld [tilespmem:s10+$0x0];
	s8 =	sadd.s32 $0x1, s8  }
0x377: {  	p1 =	slt.s32 s8, s2;
	_ =	sdelay $0x3  }
0x378: {  	s3 =	sadd.s32 $0x10, s3  }
0x379: {  	v6 =	vld [tilespmem:s3+$0x0];
	_ =	sdelay $0x1  }
0x37a: {  	v5 =	vld.idx.msk [tilespmem:v5+s9+$0x0], $0xffff;
	_ =	sdelay $0x1  }
.Ltmp30:
0x37b: {  	(pc) =	sbr.rel @p1 .LBB2_52-.Ltmp30, $2  }
0x37c: {  	_ =	sdelay $0x2  }
0x37d: {  	s10 =	sadd.s32 $0x10, s10;
	[tilespmem:v6+s28+$0x0] =	vst.idx.msk $0xffff, v5  }
.LBB2_53:
0x37e: {  	_ =	swait.ge [sflag:s14], $0x4000  }
0x37f: {  	s3 =	sld [smem:$0x7F4]  }
0x380: {  	[sflag:s14] =	ssyncset.done $0x0  }
0x381: {  	p1 =	sge.s32 s2, s1;
	[sflag:s14] =	ssyncadd.s32 $0xFFFFC000  }
0x382: {  	[hbm4b:s3+s7] =	stream.linear.scatter [tilespmem:s30], [sflag:$0x5], $0x4000, $0x200038;
	[tilespmem:$0x1C200] =	vst v63  }
.Ltmp31:
0x383: {  	_ =	swait.ge [sflag:s22], $0x4000;
	(pc) =	sbr.rel @p1 .LBB2_56-.Ltmp31, $4  }
0x384: {  	s26 =	sld [smem:$0x7F7]  }
0x385: {  	[sflag:s22] =	ssyncset.done $0x0  }
0x386: {  	[sflag:s22] =	ssyncadd.s32 $0xFFFFC000  }
0x387: {  	[tilespmem:s31], [sflag:$0x3] =	stream.linear.gather [hbm4b:s26+s7], $0x4000, $0x200038;
	[tilespmem:$0x1C200] =	vst v63  }
0x388: {  	s3 =	sshll.u32 s2, $0x6  }
0x389: {  	s3 =	sshra.s32 s3, $0x2  }
0x38a: {  	s8 =	sadd.s32 $0x8C80, s3  }
0x38b: {  	v5 =	vld [tilespmem:s8+$0x0];
	_ =	sdelay $0x3  }
0x38c: {  	s3 =	sadd.s32 $0x9900, s3  }
0x38d: {  	v6 =	vld [tilespmem:s3+$0x0];
	_ =	sdelay $0x1  }
0x38e: {  	s2 =	sadd.s32 $0x1, s2  }
0x38f: {  	p1 =	slt.s32 s2, s1;
	v5 =	vld.idx.msk [tilespmem:v5+s9+$0x0], $0xffff  }
.Ltmp32:
0x390: {  	_ = 	snop;
	(pc) =	sbr.rel @!p1 .LBB2_56-.Ltmp32, $2  }
0x391: {  	_ =	sdelay $0x2  }
0x392: {  	s8 =	sadd.s32 $0x10, s8;
	[tilespmem:v6+s28+$0x0] =	vst.idx.msk $0xffff, v5  }
.LBB2_55:
0x393: {  	v5 =	vld [tilespmem:s8+$0x0];
	s2 =	sadd.s32 $0x1, s2  }
0x394: {  	p1 =	slt.s32 s2, s1;
	_ =	sdelay $0x3  }
0x395: {  	s3 =	sadd.s32 $0x10, s3  }
0x396: {  	v6 =	vld [tilespmem:s3+$0x0];
	_ =	sdelay $0x1  }
0x397: {  	v5 =	vld.idx.msk [tilespmem:v5+s9+$0x0], $0xffff;
	_ =	sdelay $0x1  }
.Ltmp33:
0x398: {  	(pc) =	sbr.rel @p1 .LBB2_55-.Ltmp33, $2  }
0x399: {  	_ =	sdelay $0x2  }
0x39a: {  	s8 =	sadd.s32 $0x10, s8;
	[tilespmem:v6+s28+$0x0] =	vst.idx.msk $0xffff, v5  }
.LBB2_56:
0x39b: {  	_ =	swait.ge [sflag:s16], $0x4000  }
0x39c: {  	s2 =	sld [smem:$0x7F6]  }
0x39d: {  	[sflag:s16] =	ssyncset.done $0x0  }
0x39e: {  	[sflag:s16] =	ssyncadd.s32 $0xFFFFC000  }
0x39f: {  	[hbm4b:s2+s7] =	stream.linear.scatter [tilespmem:s11], [sflag:$0x6], $0x4000, $0x200038;
	[tilespmem:$0x1C200] =	vst v63  }
0x3a0: {  	_ =	swait.ge [sflag:s23], $0x4000  }
0x3a1: {  	s26 =	sld [smem:$0x7F9]  }
0x3a2: {  	[sflag:s23] =	ssyncset.done $0x0  }
0x3a3: {  	s12 =	simm.s32 @p0 $0x0;
	[sflag:s23] =	ssyncadd.s32 $0xFFFFC000  }
0x3a4: {  	[tilespmem:s17], [sflag:$0x4] =	stream.linear.gather [hbm4b:s26+s7], $0x4000, $0x200038;
	[tilespmem:$0x1C200] =	vst v63  }
0x3a5: {  	s2 =	simm.s32 @p0 $0xB580;
	s3 =	rddreg [dreg:$0x12];
	s26 =	simm.s32 @p0 $0xC  }
0x3a6: {  	[hbm4b:s3+s12] =	stream.linear.scatter @p0 [tilespmem:s2], [sflag:$0xC], $0xC30, $0x200038;
	[tilespmem:$0x1C200] =	vst v63  }
0x3a7: {  	_ =	swait.ge @p0 [sflag:s26], $0xC30  }
0x3a8: {  	s2 =	simm.s32 @!p0 $0x0;
	[sflag:s26] =	ssyncset.done @p0 $0x0  }
0x3a9: {  	s3 =	simm.s32 @!p0 $0xB580;
	s8 =	rddreg [dreg:$0x11];
	[sflag:s26] =	ssyncadd.s32 @p0 $0xFFFFF3D0  }
0x3aa: {  	[hbm4b:s8+s2] =	stream.linear.scatter @!p0 [tilespmem:s3], [sflag:$0xC], $0xC38, $0x200038;
	[tilespmem:$0x1C200] =	vst v63  }
0x3ab: {  	s8 =	simm.s32 @!p0 $0xC  }
0x3ac: {  	_ =	swait.ge @!p0 [sflag:s8], $0xC38  }
0x3ad: {  	[sflag:s8] =	ssyncset.done @!p0 $0x0  }
0x3ae: {  	[sflag:s8] =	ssyncadd.s32 @!p0 $0xFFFFF3C8  }
0x3af: {  	_ =	swait.ge [sflag:s18], $0x4000  }
0x3b0: {  	s10 =	sld [smem:$0x7F8]  }
0x3b1: {  	p1 =	slt.s32 s1, $0x1;
	[sflag:s18] =	ssyncset.done $0x0  }
.Ltmp34:
0x3b2: {  	s3 =	simm.s32 $0x0;
	[sflag:s18] =	ssyncadd.s32 $0xFFFFC000;
	(pc) =	sbr.rel @p1 .LBB2_64-.Ltmp34, $4  }
0x3b3: {  	[hbm4b:s10+s3] =	stream.linear.scatter [tilespmem:s31], [sflag:$0x7], $0x4000, $0x200038;
	[tilespmem:$0x1C200] =	vst v63  }
0x3b4: {  	_ =	swait.ge [sflag:s19], $0x4000  }
0x3b5: {  	[sflag:s19] =	ssyncset.done $0x0  }
0x3b6: {  	[sflag:s19] =	ssyncadd.s32 $0xFFFFC000  }
0x3b7: {  	p2 =	sne.s32 s1, $0x1  }
.Ltmp35:
0x3b8: {  	_ = 	snop;
	(pc) =	sbr.rel @!p2 .LBB2_58-.Ltmp35, $2  }
0x3b9: {  	_ =	sdelay $0x2  }
0x3ba: {  	s10 =	sshra.s32 s3, $0x2;
	s15 =	sadd.s32 $0xFFFFFFFF, s1;
	p1 =	por $0x0, $0x0  }
0x3bb: {  	v5 =	vld [tilespmem:s10+$0x9900]  }
0x3bc: {  	p2 =	sne.s32 s15, $0x1  }
.Ltmp36:
0x3bd: {  	_ = 	snop;
	(pc) =	sbr.rel @!p2 .LBB2_60-.Ltmp36, $4  }
0x3be: {  	s1 =	sand.u32 $0xFFFFFE00, s3  }
0x3bf: {  	s31 =	sand.u32 $0x70, s3;
	s30 =	sshra.s32 s1, $0x2  }
0x3c0: {  	p1 =	por $0x1, $0x1;
	s1 =	sadd.s32 $0x40, s3;
	s31 =	sor.u32 s31, s30;
	v5 =	vadd.s32 v0, v5  }
0x3c1: {  	s10 =	sshra.s32 s1, $0x2;
	s30 =	sadd.s32 $0xFFFFFFFF, s15;
	s15 =	simm.s32 $0x0;
	[tilespmem:s31+$0xA580] =	vst v5  }
.LBB2_61:
0x3c2: {  	p2 =	sne.s32 s30, $0x1;
	v5 =	vld [tilespmem:s10+$0x9900];
	_ =	sdelay $0x1  }
.Ltmp37:
0x3c3: {  	(pc) =	sbr.rel @p2 .LBB2_61-.Ltmp37, $4  }
0x3c4: {  	s10 =	sand.u32 $0xFFFFFE00, s1;
	s15 =	sadd.s32 $0x10, s15  }
0x3c5: {  	s31 =	sand.u32 $0x70, s15;
	s10 =	sshra.s32 s10, $0x2  }
0x3c6: {  	s1 =	sadd.s32 $0x40, s1;
	s31 =	sor.u32 s31, s10;
	v5 =	vadd.s32 v0, v5  }
0x3c7: {  	s30 =	sadd.s32 $0xFFFFFFFF, s30;
	s10 =	sshra.s32 s1, $0x2;
	[tilespmem:s31+$0xA580] =	vst v5  }
0x3c8: {  	s30 =	simm.s32 $0xC200;
	s31 =	simm.s32 $0x14200  }
.LBB2_63:
0x3c9: {  	v5 =	vld [tilespmem:s10+$0x9900];
	_ =	sdelay $0x1  }
0x3ca: {  	s10 =	sadd.s32 @p1 $0x10, s15  }
0x3cb: {  	s1 =	sand.u32 $0xFFFFFE00, s1;
	s3 =	smov.u32 @p1 s10  }
0x3cc: {  	s1 =	sshra.s32 s1, $0x2;
	s3 =	sand.u32 $0x70, s3  }
0x3cd: {  	s1 =	sor.u32 s3, s1;
	v5 =	vadd.s32 v0, v5  }
0x3ce: {  	[tilespmem:s1+$0xA580] =	vst v5  }
.LBB2_64:
0x3cf: {  	_ =	swait.ge [sflag:s20], $0x4000  }
0x3d0: {  	s1 =	sld [smem:$0x7FA]  }
0x3d1: {  	[sflag:s20] =	ssyncset.done $0x0  }
0x3d2: {  	[sflag:s20] =	ssyncadd.s32 $0xFFFFC000  }
0x3d3: {  	[hbm4b:s1+s7] =	stream.linear.scatter [tilespmem:s17], [sflag:$0x8], $0x4000, $0x200038;
	[tilespmem:$0x1C200] =	vst v63  }
0x3d4: {  	_ =	swait.ge [sflag:s21], $0x4000  }
0x3d5: {  	[sflag:s21] =	ssyncset.done $0x0  }
0x3d6: {  	[sflag:s21] =	ssyncadd.s32 $0xFFFFC000  }
0x3d7: {  	_ =	swait.ge [sflag:s22], $0x4000  }
0x3d8: {  	[sflag:s22] =	ssyncset.done $0x0  }
0x3d9: {  	[sflag:s22] =	ssyncadd.s32 $0xFFFFC000  }
0x3da: {  	_ =	swait.ge [sflag:s23], $0x4000  }
0x3db: {  	s3 =	sld [smem:$0x7FB]  }
0x3dc: {  	[sflag:s23] =	ssyncset.done $0x0  }
0x3dd: {  	s1 =	simm.s32 @p0 $0xC200;
	[sflag:s23] =	ssyncadd.s32 $0xFFFFC000  }
0x3de: {  	[tilespmem:s1], [sflag:$0xC] =	stream.linear.gather @p0 [hbm4b:s3+s12], $0x1800, $0x200038;
	[tilespmem:$0x1C200] =	vst v63  }
0x3df: {  	_ =	swait.ge @p0 [sflag:s26], $0x1800  }
0x3e0: {  	s10 =	sld [smem:$0x7FC]  }
0x3e1: {  	[sflag:s26] =	ssyncset.done @p0 $0x0  }
0x3e2: {  	[sflag:s26] =	ssyncadd.s32 @p0 $0xFFFFE800  }
0x3e3: {  	[hbm4b:s10+s12] =	stream.linear.scatter @p0 [tilespmem:s1], [sflag:$0xC], $0x1800, $0x200038;
	[tilespmem:$0x1C200] =	vst v63  }
0x3e4: {  	_ =	swait.ge @p0 [sflag:s26], $0x1800  }
0x3e5: {  	[sflag:s26] =	ssyncset.done @p0 $0x0  }
0x3e6: {  	s1 =	simm.s32 @!p0 $0xC200;
	[sflag:s26] =	ssyncadd.s32 @p0 $0xFFFFE800  }
0x3e7: {  	[tilespmem:s1], [sflag:$0xC] =	stream.linear.gather @!p0 [hbm4b:s3+s2], $0x1C00, $0x200038;
	[tilespmem:$0x1C200] =	vst v63  }
0x3e8: {  	_ =	swait.ge @!p0 [sflag:s8], $0x1C00  }
0x3e9: {  	[sflag:s8] =	ssyncset.done @!p0 $0x0  }
0x3ea: {  	s5 =	sshra.s32 s5, $0x7;
	[sflag:s8] =	ssyncadd.s32 @!p0 $0xFFFFE400  }
0x3eb: {  	[hbm4b:s10+s2] =	stream.linear.scatter @!p0 [tilespmem:s1], [sflag:$0xC], $0x1C00, $0x200038;
	[tilespmem:$0x1C200] =	vst v63  }
0x3ec: {  	p1 =	slt.s32 s5, $0x1;
	_ =	swait.ge @!p0 [sflag:s8], $0x1C00  }
.Ltmp38:
0x3ed: {  	[sflag:s8] =	ssyncset.done @!p0 $0x0;
	(pc) =	sbr.rel @p1 .LBB2_75-.Ltmp38, $4  }
0x3ee: {  	[sflag:s8] =	ssyncadd.s32 @!p0 $0xFFFFE400  }
0x3ef: {  	_ =	strace $0x9000004A  }
0x3f0: {  	_ =	strace $0x8000004B  }
0x3f1: {  	s2 =	sld [smem:$0x7DE]  }
.Ltmp39:
0x3f2: {  	(pc) =	sbr.rel .LBB2_66-.Ltmp39, $4  }
0x3f3: {  	[tilespmem:s30], [sflag:$0x1] =	stream.indirect.gather [hbm4b:s0+s29], $0x80, s24, s29, $0x2000b8;
	[tilespmem:$0x1C200] =	vst v63  }
0x3f4: {  	s1 =	simm.s32 $0xA580  }
0x3f5: {  	[tilespmem:s11], [sflag:$0x2] =	stream.indirect.gather [hbm4b:s4+s29], $0x80, s1, s29, $0x2000b8;
	[tilespmem:$0x1C200] =	vst v63  }
0x3f6: {  	s1 =	simm.s32 $0x0  }
.LBB2_73:
0x3f7: {  	p1 =	sne.s32 s8, s5  }
.Ltmp40:
0x3f8: {  	_ = 	snop;
	(pc) =	sbr.rel @!p1 .LBB2_74-.Ltmp40, $2  }
0x3f9: {  	_ =	sdelay $0x2  }
0x3fa: {  	s1 =	smov.u32 s8  }
.LBB2_66:
0x3fb: {  	s12 =	sand.u32 $0x1, s1  }
0x3fc: {  	p1 =	seq.s32 s12, $0x1  }
.Ltmp41:
0x3fd: {  	_ = 	snop;
	(pc) =	sbr.rel @p1 .LBB2_70-.Ltmp41, $1  }
0x3fe: {  	_ =	sdelay $0x3  }
0x3ff: {  	_ =	swait.ge [sflag:s14], $0x4000  }
0x400: {  	[sflag:s14] =	ssyncset.done $0x0  }
0x401: {  	[sflag:s14] =	ssyncadd.s32 $0xFFFFC000  }
0x402: {  	_ =	swait.ge [sflag:s16], $0x4000  }
0x403: {  	p1 =	seq.s32 s1, $0x0;
	[sflag:s16] =	ssyncset.done $0x0  }
0x404: {  	s8 =	sor.u32 $0x1, s1;
	s2 =	simm.s32 @!p1 $0x6;
	[sflag:s16] =	ssyncadd.s32 $0xFFFFC000  }
0x405: {  	p2 =	sge.s32 s8, s5;
	_ =	swait.ge @!p1 [sflag:s2], $0x4000  }
0x406: {  	s3 =	sshll.u32 @!p2 s8, $0x9;
	[sflag:s2] =	ssyncset.done @!p1 $0x0  }
0x407: {  	[sflag:s2] =	ssyncadd.s32 @!p1 $0xFFFFC000;
	s2 =	sshra.s32 @!p2 s3, $0x2  }
0x408: {  	s10 =	simm.s32 @!p2 $0x80;
	s15 =	simm.s32 @!p2 $0x14200;
	s3 =	sadd.s32 @!p2 $0x8C80, s2  }
0x409: {  	[tilespmem:s15], [sflag:$0x3] =	stream.indirect.gather @!p2 [hbm4b:s0+s10], $0x80, s3, s10, $0x2000b8;
	[tilespmem:$0x1C200] =	vst v63  }
0x40a: {  	s26 =	simm.s32 $0x10240;
	s2 =	sadd.s32 @!p2 $0xA580, s2;
	s3 =	simm.s32 @!p2 $0x18200  }
0x40b: {  	[tilespmem:s3], [sflag:$0x4] =	stream.indirect.gather @!p2 [hbm4b:s4+s10], $0x80, s2, s10, $0x2000b8;
	[tilespmem:$0x1C200] =	vst v63  }
0x40c: {  	s2 =	simm.s32 $0xC240;
	v5 =	vld [tilespmem:s26+$0x30]  }
0x40d: {  	v6 =	vld [tilespmem:s2+$0x30]  }
0x40e: {  	v8 =	vld [tilespmem:s2+$0xFFFFFFC0]  }
0x40f: {  	v7 =	vld [tilespmem:s26+$0xFFFFFFD0]  }
0x410: {  	v9 =	vld [tilespmem:s2+$0xFFFFFFD0]  }
0x411: {  	v10 =	vld [tilespmem:s26+$0xFFFFFFE0]  }
0x412: {  	v11 =	vld [tilespmem:s2+$0xFFFFFFE0]  }
0x413: {  	v12 =	vld [tilespmem:s26+$0xFFFFFFF0]  }
0x414: {  	v13 =	vld [tilespmem:s2+$0xFFFFFFF0]  }
0x415: {  	v14 =	vld [tilespmem:s26+$0x0];
	v5 =	vmul.f32 $8.999999760e-01, v5;
	v6 =	vmul.f32 $1.000000010e-01, v6  }
0x416: {  	v16 =	vld [tilespmem:s2+$0x0];
	v15 =	vmul.f32 $8.999999760e-01, v7;
	v9 =	vmul.f32 $1.000000010e-01, v9  }
0x417: {  	v10 =	vmul.f32 $8.999999760e-01, v10;
	v11 =	vmul.f32 $1.000000010e-01, v11;
	v7 =	vld [tilespmem:s26+$0x10];
	v5 =	vadd.f32 v6, v5  }
0x418: {  	v15 =	vadd.f32 v9, v15;
	v6 =	vld [tilespmem:s2+$0x10]  }
0x419: {  	v12 =	vmul.f32 $8.999999760e-01, v12;
	v13 =	vmul.f32 $1.000000010e-01, v13;
	v17 =	vadd.f32 v11, v10;
	v9 =	vld [tilespmem:s26+$0x20];
	[tilespmem:s26+$0x30] =	vst v5  }
0x41a: {  	v11 =	vmul.f32 $8.999999760e-01, v14;
	v10 =	vld [tilespmem:s2+$0x20];
	[tilespmem:s26+$0xFFFFFFD0] =	vst v15  }
0x41b: {  	s15 =	simm.s32 $0x102C0;
	s3 =	simm.s32 $0x0;
	v12 =	vadd.f32 v13, v12;
	v13 =	vmul.f32 $1.000000010e-01, v16;
	v5 =	vmul.f32 $1.000000010e-01, v8;
	v8 =	vld [tilespmem:s26+$0xFFFFFFC0];
	[tilespmem:s26+$0xFFFFFFE0] =	vst v17  }
.LBB2_68:
0x41c: {  	v14 =	vld [tilespmem:s15+$0x30];
	v7 =	vmul.f32 $8.999999760e-01, v7;
	s2 =	sadd.s32 $0x80, s2  }
0x41d: {  	s3 =	sadd.s32 $0x8, s3;
	v15 =	vld [tilespmem:s2+$0x30];
	[tilespmem:s26+$0xFFFFFFF0] =	vst v12;
	v11 =	vadd.f32 v13, v11;
	v6 =	vmul.f32 $1.000000010e-01, v6  }
0x41e: {  	p1 =	slt.u32 s3, $0x3F8;
	v12 =	vld [tilespmem:s2+$0xFFFFFFC0];
	v9 =	vmul.f32 $8.999999760e-01, v9  }
0x41f: {  	v13 =	vld [tilespmem:s15+$0xFFFFFFD0];
	[tilespmem:s26+$0x0] =	vst v11;
	v6 =	vadd.f32 v6, v7;
	v7 =	vmul.f32 $1.000000010e-01, v10  }
0x420: {  	v10 =	vld [tilespmem:s2+$0xFFFFFFD0];
	v8 =	vmul.f32 $8.999999760e-01, v8  }
0x421: {  	v11 =	vld [tilespmem:s15+$0xFFFFFFE0];
	[tilespmem:s26+$0x10] =	vst v6;
	v6 =	vadd.f32 v7, v9  }
0x422: {  	v9 =	vmul.f32 $8.999999760e-01, v14;
	v7 =	vld [tilespmem:s2+$0xFFFFFFE0];
	v14 =	vmul.f32 $1.000000010e-01, v15;
	v8 =	vadd.f32 v5, v8  }
0x423: {  	v5 =	vmul.f32 $1.000000010e-01, v12;
	v12 =	vld [tilespmem:s15+$0xFFFFFFF0];
	[tilespmem:s26+$0x20] =	vst v6  }
0x424: {  	v6 =	vmul.f32 $8.999999760e-01, v13;
	v13 =	vld [tilespmem:s2+$0xFFFFFFF0];
	v9 =	vadd.f32 v14, v9;
	[tilespmem:s26+$0xFFFFFFC0] =	vst v8;
	s26 =	smov.u32 s15  }
0x425: {  	v8 =	vmul.f32 $1.000000010e-01, v10;
	v10 =	vld [tilespmem:s15+$0x0]  }
0x426: {  	v11 =	vmul.f32 $8.999999760e-01, v11;
	v14 =	vld [tilespmem:s2+$0x0];
	[tilespmem:s15+$0x30] =	vst v9  }
.Ltmp42:
0x427: {  	v8 =	vadd.f32 v8, v6;
	v9 =	vmul.f32 $1.000000010e-01, v7;
	v7 =	vld [tilespmem:s15+$0x10];
	(pc) =	sbr.rel @p1 .LBB2_68-.Ltmp42, $4  }
0x428: {  	v12 =	vmul.f32 $8.999999760e-01, v12;
	v6 =	vld [tilespmem:s2+$0x10]  }
0x429: {  	[tilespmem:s15+$0xFFFFFFD0] =	vst v8;
	v15 =	vadd.f32 v9, v11;
	v13 =	vmul.f32 $1.000000010e-01, v13;
	v9 =	vld [tilespmem:s15+$0x20]  }
0x42a: {  	v11 =	vmul.f32 $8.999999760e-01, v10;
	v10 =	vld [tilespmem:s2+$0x20]  }
0x42b: {  	s15 =	sadd.s32 $0x80, s15;
	v8 =	vld [tilespmem:s26+$0xFFFFFFC0];
	[tilespmem:s26+$0xFFFFFFE0] =	vst v15;
	v12 =	vadd.f32 v13, v12;
	v13 =	vmul.f32 $1.000000010e-01, v14  }
0x42c: {  	_ =	sdelay $0x1  }
0x42d: {  	v7 =	vmul.f32 $8.999999760e-01, v7;
	v6 =	vmul.f32 $1.000000010e-01, v6  }
0x42e: {  	v11 =	vadd.f32 v13, v11;
	v9 =	vmul.f32 $8.999999760e-01, v9;
	v10 =	vmul.f32 $1.000000010e-01, v10  }
0x42f: {  	p1 =	seq.s32 s12, $0x0;
	[tilespmem:s26+$0xFFFFFFF0] =	vst v12;
	v6 =	vadd.f32 v6, v7;
	v7 =	vmul.f32 $8.999999760e-01, v8  }
.Ltmp43:
0x430: {  	[tilespmem:s26+$0x0] =	vst v11;
	v63 =	vadd.f32 v10, v9;
	(pc) =	sbr.rel @p1 .LBB2_73-.Ltmp43, $4  }
0x431: {  	s2 =	sshll.u32 s1, $0x9;
	[tilespmem:s26+$0x10] =	vst v6;
	v5 =	vadd.f32 v5, v7  }
0x432: {  	s2 =	sshra.s32 s2, $0x2;
	[tilespmem:s26+$0x20] =	vst v63  }
0x433: {  	s2 =	sadd.s32 $0xA580, s2;
	[tilespmem:s26+$0xFFFFFFC0] =	vst v5  }
0x434: {  	[hbm4b:s6+s29] =	stream.indirect.scatter [tilespmem:s11], [sflag:$0x5], $0x80, s2, s29, $0x2000b8;
	[tilespmem:$0x1C200] =	vst v63  }
.LBB2_70:
0x435: {  	_ =	swait.ge [sflag:s18], $0x4000  }
0x436: {  	[sflag:s18] =	ssyncset.done $0x0  }
0x437: {  	[sflag:s18] =	ssyncadd.s32 $0xFFFFC000  }
0x438: {  	_ =	swait.ge [sflag:s20], $0x4000  }
0x439: {  	s8 =	sadd.s32 $0x1, s1;
	[sflag:s20] =	ssyncset.done $0x0  }
0x43a: {  	p1 =	sge.s32 s8, s5;
	[sflag:s20] =	ssyncadd.s32 $0xFFFFC000  }
0x43b: {  	s2 =	sshll.u32 @!p1 s8, $0x9;
	_ =	swait.ge [sflag:s19], $0x4000  }
0x43c: {  	s10 =	simm.s32 @!p1 $0x80;
	s2 =	sshra.s32 @!p1 s2, $0x2;
	[sflag:s19] =	ssyncset.done $0x0  }
0x43d: {  	s12 =	simm.s32 @!p1 $0xC200;
	s3 =	sadd.s32 @!p1 $0x8C80, s2;
	[sflag:s19] =	ssyncadd.s32 $0xFFFFC000  }
0x43e: {  	[tilespmem:s12], [sflag:$0x1] =	stream.indirect.gather @!p1 [hbm4b:s0+s10], $0x80, s3, s10, $0x2000b8;
	[tilespmem:$0x1C200] =	vst v63  }
0x43f: {  	s2 =	sadd.s32 @!p1 $0xA580, s2;
	s3 =	simm.s32 @!p1 $0x10200;
	s12 =	simm.s32 $0x18240  }
0x440: {  	[tilespmem:s3], [sflag:$0x2] =	stream.indirect.gather @!p1 [hbm4b:s4+s10], $0x80, s2, s10, $0x2000b8;
	[tilespmem:$0x1C200] =	vst v63  }
0x441: {  	s2 =	simm.s32 $0x14240;
	v5 =	vld [tilespmem:s12+$0x30]  }
0x442: {  	v6 =	vld [tilespmem:s2+$0x30]  }
0x443: {  	v8 =	vld [tilespmem:s2+$0xFFFFFFC0]  }
0x444: {  	v7 =	vld [tilespmem:s12+$0xFFFFFFD0]  }
0x445: {  	v9 =	vld [tilespmem:s2+$0xFFFFFFD0]  }
0x446: {  	v10 =	vld [tilespmem:s12+$0xFFFFFFE0]  }
0x447: {  	v11 =	vld [tilespmem:s2+$0xFFFFFFE0]  }
0x448: {  	v12 =	vld [tilespmem:s12+$0xFFFFFFF0]  }
0x449: {  	v13 =	vld [tilespmem:s2+$0xFFFFFFF0]  }
0x44a: {  	v14 =	vld [tilespmem:s12+$0x0];
	v5 =	vmul.f32 $8.999999760e-01, v5;
	v6 =	vmul.f32 $1.000000010e-01, v6  }
0x44b: {  	v16 =	vld [tilespmem:s2+$0x0];
	v15 =	vmul.f32 $8.999999760e-01, v7;
	v9 =	vmul.f32 $1.000000010e-01, v9  }
0x44c: {  	v10 =	vmul.f32 $8.999999760e-01, v10;
	v11 =	vmul.f32 $1.000000010e-01, v11;
	v7 =	vld [tilespmem:s12+$0x10];
	v5 =	vadd.f32 v6, v5  }
0x44d: {  	v15 =	vadd.f32 v9, v15;
	v6 =	vld [tilespmem:s2+$0x10]  }
0x44e: {  	v12 =	vmul.f32 $8.999999760e-01, v12;
	v13 =	vmul.f32 $1.000000010e-01, v13;
	v17 =	vadd.f32 v11, v10;
	v9 =	vld [tilespmem:s12+$0x20];
	[tilespmem:s12+$0x30] =	vst v5  }
0x44f: {  	v11 =	vmul.f32 $8.999999760e-01, v14;
	v10 =	vld [tilespmem:s2+$0x20];
	[tilespmem:s12+$0xFFFFFFD0] =	vst v15  }
0x450: {  	s15 =	simm.s32 $0x182C0;
	s3 =	simm.s32 $0x0;
	v12 =	vadd.f32 v13, v12;
	v13 =	vmul.f32 $1.000000010e-01, v16;
	v5 =	vmul.f32 $1.000000010e-01, v8;
	v8 =	vld [tilespmem:s12+$0xFFFFFFC0];
	[tilespmem:s12+$0xFFFFFFE0] =	vst v17  }
.LBB2_71:
0x451: {  	v14 =	vld [tilespmem:s15+$0x30];
	v7 =	vmul.f32 $8.999999760e-01, v7;
	s2 =	sadd.s32 $0x80, s2  }
0x452: {  	s3 =	sadd.s32 $0x8, s3;
	v15 =	vld [tilespmem:s2+$0x30];
	[tilespmem:s12+$0xFFFFFFF0] =	vst v12;
	v11 =	vadd.f32 v13, v11;
	v6 =	vmul.f32 $1.000000010e-01, v6  }
0x453: {  	p1 =	slt.u32 s3, $0x3F8;
	v12 =	vld [tilespmem:s2+$0xFFFFFFC0];
	v9 =	vmul.f32 $8.999999760e-01, v9  }
0x454: {  	v13 =	vld [tilespmem:s15+$0xFFFFFFD0];
	[tilespmem:s12+$0x0] =	vst v11;
	v6 =	vadd.f32 v6, v7;
	v7 =	vmul.f32 $1.000000010e-01, v10  }
0x455: {  	v10 =	vld [tilespmem:s2+$0xFFFFFFD0];
	v8 =	vmul.f32 $8.999999760e-01, v8  }
0x456: {  	v11 =	vld [tilespmem:s15+$0xFFFFFFE0];
	[tilespmem:s12+$0x10] =	vst v6;
	v6 =	vadd.f32 v7, v9  }
0x457: {  	v9 =	vmul.f32 $8.999999760e-01, v14;
	v7 =	vld [tilespmem:s2+$0xFFFFFFE0];
	v14 =	vmul.f32 $1.000000010e-01, v15;
	v8 =	vadd.f32 v5, v8  }
0x458: {  	v5 =	vmul.f32 $1.000000010e-01, v12;
	v12 =	vld [tilespmem:s15+$0xFFFFFFF0];
	[tilespmem:s12+$0x20] =	vst v6  }
0x459: {  	v6 =	vmul.f32 $8.999999760e-01, v13;
	v13 =	vld [tilespmem:s2+$0xFFFFFFF0];
	v9 =	vadd.f32 v14, v9;
	[tilespmem:s12+$0xFFFFFFC0] =	vst v8;
	s12 =	smov.u32 s15  }
0x45a: {  	v8 =	vmul.f32 $1.000000010e-01, v10;
	v10 =	vld [tilespmem:s15+$0x0]  }
0x45b: {  	v11 =	vmul.f32 $8.999999760e-01, v11;
	v14 =	vld [tilespmem:s2+$0x0];
	[tilespmem:s15+$0x30] =	vst v9  }
.Ltmp44:
0x45c: {  	v8 =	vadd.f32 v8, v6;
	v9 =	vmul.f32 $1.000000010e-01, v7;
	v7 =	vld [tilespmem:s15+$0x10];
	(pc) =	sbr.rel @p1 .LBB2_71-.Ltmp44, $4  }
0x45d: {  	v12 =	vmul.f32 $8.999999760e-01, v12;
	v6 =	vld [tilespmem:s2+$0x10]  }
0x45e: {  	[tilespmem:s15+$0xFFFFFFD0] =	vst v8;
	v15 =	vadd.f32 v9, v11;
	v13 =	vmul.f32 $1.000000010e-01, v13;
	v9 =	vld [tilespmem:s15+$0x20]  }
0x45f: {  	v11 =	vmul.f32 $8.999999760e-01, v10;
	v10 =	vld [tilespmem:s2+$0x20]  }
0x460: {  	s15 =	sadd.s32 $0x80, s15;
	v8 =	vld [tilespmem:s12+$0xFFFFFFC0];
	[tilespmem:s12+$0xFFFFFFE0] =	vst v15;
	v12 =	vadd.f32 v13, v12;
	v13 =	vmul.f32 $1.000000010e-01, v14  }
0x461: {  	_ =	sdelay $0x1  }
0x462: {  	v7 =	vmul.f32 $8.999999760e-01, v7;
	v6 =	vmul.f32 $1.000000010e-01, v6  }
0x463: {  	v11 =	vadd.f32 v13, v11;
	v9 =	vmul.f32 $8.999999760e-01, v9;
	v10 =	vmul.f32 $1.000000010e-01, v10  }
0x464: {  	[tilespmem:s12+$0xFFFFFFF0] =	vst v12;
	v6 =	vadd.f32 v6, v7;
	v7 =	vmul.f32 $8.999999760e-01, v8  }
.Ltmp45:
0x465: {  	[tilespmem:s12+$0x0] =	vst v11;
	v63 =	vadd.f32 v10, v9;
	(pc) =	sbr.rel .LBB2_73-.Ltmp45, $4  }
0x466: {  	s1 =	sshll.u32 s1, $0x9;
	[tilespmem:s12+$0x10] =	vst v6;
	v5 =	vadd.f32 v5, v7  }
0x467: {  	s1 =	sshra.s32 s1, $0x2;
	[tilespmem:s12+$0x20] =	vst v63  }
0x468: {  	s1 =	sadd.s32 $0xA580, s1;
	[tilespmem:s12+$0xFFFFFFC0] =	vst v5  }
0x469: {  	[hbm4b:s6+s29] =	stream.indirect.scatter [tilespmem:s17], [sflag:$0x6], $0x80, s1, s29, $0x2000b8;
	[tilespmem:$0x1C200] =	vst v63  }
.LBB2_45:
.Ltmp46:
0x46a: {  	(pc) =	sbr.rel .LBB2_49-.Ltmp46, $2  }
0x46b: {  	_ =	sdelay $0x2  }
0x46c: {  	s15 =	simm.s32 $0x9900  }
.LBB2_58:
.Ltmp47:
0x46d: {  	(pc) =	sbr.rel .LBB2_63-.Ltmp47, $2  }
0x46e: {  	_ =	sdelay $0x2  }
0x46f: {  	s1 =	simm.s32 $0x0;
	s15 =	simm.s32 $0x0  }
.LBB2_47:
.Ltmp48:
0x470: {  	(pc) =	sbr.rel .LBB2_49-.Ltmp48, $2  }
0x471: {  	_ =	sdelay $0x2  }
0x472: {  	s15 =	simm.s32 $0x9900  }
.LBB2_60:
.Ltmp49:
0x473: {  	(pc) =	sbr.rel .LBB2_63-.Ltmp49, $2  }
0x474: {  	_ =	sdelay $0x2  }
0x475: {  	s15 =	simm.s32 $0x0;
	s30 =	simm.s32 $0xC200;
	s31 =	simm.s32 $0x14200  }
.LBB2_76:
0x476: {  	_ =	sfence.sel $0x180000  }
0x477: {  	[bflag:$0x0] =	sbarrier.arrive $0xFFFF  }
0x478: {  	_ =	strace $0x90000047  }
0x479: {  	s0 =	stileid.u32;
	[bflag:$0x2] =	sbarrier.arrive $0xFFFF  }
0x47a: {  	p0 =	sne.s32 s0, $0x0;
	s0 =	rddreg [dreg:$0x7]  }
0x47b: {  	s0 =	sadd.s32 @!p0 $0x100000, s0  }
0x47c: {  	[sflag:s0] =	ssyncadd.tile.s32 @!p0 $0x1;
	_ =	shalt  }
.Lfunc_end2:
_tile_overlayer_lowered:
.L_overlay_start_2:
0x47d: {  	(tag) =	ssettag $0x2  }
0x47e: {  	s0 =	rddreg [dreg:$0x0];
	s2 =	stileid.u32  }
0x47f: {  	s1 =	rddreg [dreg:$0x1];
	p0 =	sne.s32 s2, $0x0  }
0x480: {  	s3 =	rddreg [dreg:$0x2];
	[bflag:$0x3] =	sbarrier.arrive $0xFFFF;
	s2 =	simm.s32 @!p0 $0x1C0C  }
0x481: {  	[timem:s3], [sflag:s2] =	dma.local @!p0 [hbm:s0], s1  }
0x482: {  	s0 =	simm.s32 @!p0 $0xC  }
0x483: {  	_ =	swait.ge @!p0 [sflag:s0], s1  }
0x484: {  	s1 =	ssub.s32 @!p0 $0x0, s1;
	[sflag:s0] =	ssyncset.done @!p0 $0x0  }
0x485: {  	[sflag:s0] =	ssyncadd.s32 @!p0 s1  }
0x486: {  	[bflag:$0x3] =	sbarrier.arrive $0xFFFF  }
0x487: {  	_ =	shalt  }

</sc_bundles>
